<compile_context>
chip_gen: v7x
topology: tpu7x:2x2x1
jax: 0.10.2.dev20260603
libtpu: 0.0.44.dev20260713+nightly
codegen_flags: <defaults>
</compile_context>

<pallas_src>
import functools

import jax
import jax.numpy as jnp
from jax import lax
from jax.experimental import pallas as pl
from jax.experimental.pallas import tpu as pltpu
from jax.experimental.pallas import tpu_sc as plsc

N_EXP = 8
D = 1024
DFF = 4096
N_TOK = 2048
TB = 256
FB = 2048
NB = 24
P = NB * TB
LB_COEF = 0.01
NC = 2
NS = 16
NW = NC * NS
TPW = N_TOK // NW



def _router_body(x_ref, wg_ref, easgn_ref, wasgn_ref, counts_ref, aux_ref):
    x = x_ref[...]
    wg = wg_ref[...]
    logits = lax.dot_general(
        wg, x, (((1,), (1,)), ((), ())),
        preferred_element_type=jnp.float32)
    m = jnp.max(logits, axis=0, keepdims=True)
    ex = jnp.exp(logits - m)
    probs = ex / jnp.sum(ex, axis=0, keepdims=True)

    eidx = lax.broadcasted_iota(jnp.int32, (N_EXP, N_TOK), 0)
    m1 = jnp.max(probs, axis=0, keepdims=True)
    am1 = jnp.min(jnp.where(probs == m1, eidx, N_EXP), axis=0, keepdims=True)
    p2 = jnp.where(eidx == am1, -1.0, probs)
    m2 = jnp.max(p2, axis=0, keepdims=True)
    am2 = jnp.min(jnp.where(p2 == m2, eidx, N_EXP), axis=0, keepdims=True)

    denom = m1 + m2
    easgn_ref[...] = jnp.concatenate([am1, am2], axis=0)
    wasgn_ref[...] = jnp.concatenate([m1 / denom, m2 / denom], axis=0)

    oh1 = (eidx == am1).astype(jnp.float32)
    oh2 = (eidx == am2).astype(jnp.float32)
    sel = (lax.broadcasted_iota(jnp.int32, (NW, N_TOK), 0)
           == lax.broadcasted_iota(jnp.int32, (NW, N_TOK), 1) // TPW
           ).astype(jnp.float32)
    cnts = lax.dot_general(
        sel, oh1 + oh2, (((1,), (1,)), ((), ())),
        preferred_element_type=jnp.float32)
    counts_ref[...] = jnp.concatenate(
        [cnts, jnp.zeros((NW, 16 - N_EXP), jnp.float32)], axis=1
    ).astype(jnp.int32)

    f_i = jnp.sum(oh1, axis=1, keepdims=True)
    p_i = jnp.sum(probs, axis=1, keepdims=True)
    aux = (LB_COEF / (N_TOK * N_TOK)) * jnp.sum(f_i * p_i, axis=0,
                                                keepdims=True)
    aux_ref[...] = aux



def _dispatch_body(x_hbm, easgn_hbm, counts_hbm, xd_hbm, pos_hbm, bexp_hbm,
                   allcnt_v, e2d_v, dst_v, xrows_v, bexp_v, sem):
    wid = lax.axis_index("s") * NC + lax.axis_index("c")
    base = wid * TPW
    lanes = lax.iota(jnp.int32, 16)
    zeros = jnp.zeros((16,), jnp.int32)
    widv = jnp.full((16,), wid, jnp.int32)

    pltpu.sync_copy(counts_hbm, allcnt_v)
    pltpu.sync_copy(easgn_hbm.at[0, pl.ds(base, TPW)], e2d_v.at[0])
    pltpu.sync_copy(easgn_hbm.at[1, pl.ds(base, TPW)], e2d_v.at[1])

    totals = zeros
    prefix = zeros
    for t in range(NW):
        v = allcnt_v[t, pl.ds(0, 16)]
        totals = totals + v
        tv = jnp.full((16,), t, jnp.int32)
        prefix = prefix + jnp.where(tv < widv, v, zeros)

    pc = lax.shift_left(lax.shift_right_logical(totals + (TB - 1), 8), 8)
    pad_off = plsc.cumsum(pc) - pc
    mybase = pad_off + prefix

    running = [jnp.sum(jnp.where(lanes == e, mybase, zeros))
               for e in range(N_EXP)]
    for k in range(2):
        for j in range(TPW // 16):
            ev = e2d_v[k, pl.ds(j * 16, 16)]
            dstv = zeros
            for e in range(N_EXP):
                msk = ev == e
                mi = msk.astype(jnp.int32)
                cs = plsc.cumsum(mi)
                dstv = jnp.where(msk, running[e] + cs - 1, dstv)
                running[e] = running[e] + jnp.sum(mi)
            dst_v[k, pl.ds(j * 16, 16)] = dstv

    pltpu.sync_copy(dst_v.at[0], pos_hbm.at[0, pl.ds(base, TPW)])
    pltpu.sync_copy(dst_v.at[1], pos_hbm.at[1, pl.ds(base, TPW)])

    pltpu.sync_copy(x_hbm.at[pl.ds(base, TPW)], xrows_v)
    pltpu.async_copy(xrows_v, xd_hbm.at[dst_v.at[0]], sem).wait()
    pltpu.async_copy(xrows_v, xd_hbm.at[dst_v.at[1]], sem).wait()

    @pl.when(wid == 0)
    def _bexp():
        bstart = lax.shift_right_logical(pad_off, 8)
        nb = lax.shift_right_logical(pc, 8)
        nblk = jnp.sum(nb)
        elast = jnp.max(jnp.where(totals > 0, lanes, zeros))
        bs = [jnp.sum(jnp.where(lanes == e, bstart, zeros))
              for e in range(N_EXP)]
        nbs = [jnp.sum(jnp.where(lanes == e, nb, zeros))
               for e in range(N_EXP)]
        for v in range(2):
            bi = lanes + v * 16
            be = jnp.full((16,), 0, jnp.int32) + elast
            for e in range(N_EXP):
                msk = jnp.logical_and(bi >= bs[e], bi < bs[e] + nbs[e])
                be = jnp.where(msk, e, be)
            be = jnp.where(bi == NB, nblk, be)
            bexp_v[pl.ds(v * 16, 16)] = be
        pltpu.sync_copy(bexp_v, bexp_hbm)



def _grouped_body(s_ref, xd_ref, w1_ref, b1_ref, w2_ref, b2_ref, yd_ref):
    b = pl.program_id(0)
    e = s_ref[b]
    nblk = s_ref[NB]

    @pl.when(b < nblk)
    def _compute():
        x = xd_ref[...]
        w1 = w1_ref[0]
        h = lax.dot_general(
            x, w1, (((1,), (1,)), ((), ())),
            preferred_element_type=jnp.float32) + b1_ref[pl.ds(e, 1), :]
        g = 0.5 * h * (1.0 + lax.erf(h * 0.7071067811865476))
        w2 = w2_ref[0]
        part = lax.dot_general(
            g, w2, (((1,), (1,)), ((), ())),
            preferred_element_type=jnp.float32)
        yd_ref[...] = part + b2_ref[pl.ds(e, 1), :]



def _combine_body(yd_hbm, pos_hbm, wasgn_hbm, out_hbm,
                  p1_v, p2_v, w1_v, w2_v, rows1_v, rows2_v, ob_v, sem):
    wid = lax.axis_index("s") * NC + lax.axis_index("c")
    base = wid * TPW
    half = TPW // 2

    pltpu.sync_copy(wasgn_hbm.at[0, pl.ds(base, TPW)], w1_v)
    pltpu.sync_copy(wasgn_hbm.at[1, pl.ds(base, TPW)], w2_v)

    for h in range(2):
        pltpu.sync_copy(pos_hbm.at[0, pl.ds(base + h * half, half)],
                        p1_v.at[h])
        pltpu.sync_copy(pos_hbm.at[1, pl.ds(base + h * half, half)],
                        p2_v.at[h])
        pltpu.async_copy(yd_hbm.at[p1_v.at[h]], rows1_v, sem).wait()
        pltpu.async_copy(yd_hbm.at[p2_v.at[h]], rows2_v, sem).wait()

        def _row(r, carry):
            idx = jnp.full((16,), h * half + r, jnp.int32)
            w1s = plsc.load_gather(w1_v, [idx])
            w2s = plsc.load_gather(w2_v, [idx])

            def _col(c, carry2):
                a = rows1_v[r, pl.ds(c * 16, 16)]
                bb = rows2_v[r, pl.ds(c * 16, 16)]
                ob_v[r, pl.ds(c * 16, 16)] = w1s * a + w2s * bb
                return carry2

            lax.fori_loop(0, D // 16, _col, 0)
            return carry

        lax.fori_loop(0, half, _row, 0)
        pltpu.sync_copy(ob_v, out_hbm.at[pl.ds(base + h * half, half)])



_SC_MESH = plsc.VectorSubcoreMesh(core_axis_name="c", subcore_axis_name="s",
                                  num_cores=NC, num_subcores=NS)

_dispatch = pl.kernel(
    _dispatch_body,
    out_type=(
        jax.ShapeDtypeStruct((P, D), jnp.float32),
        jax.ShapeDtypeStruct((2, N_TOK), jnp.int32),
        jax.ShapeDtypeStruct((NB + 8, ), jnp.int32),
    ),
    mesh=_SC_MESH,
    compiler_params=pltpu.CompilerParams(needs_layout_passes=False),
    scratch_types=[
        pltpu.VMEM((NW, 16), jnp.int32),
        pltpu.VMEM((2, TPW), jnp.int32),
        pltpu.VMEM((2, TPW), jnp.int32),
        pltpu.VMEM((TPW, D), jnp.float32),
        pltpu.VMEM((NB + 8,), jnp.int32),
        pltpu.SemaphoreType.DMA,
    ],
)

_combine = pl.kernel(
    _combine_body,
    out_type=jax.ShapeDtypeStruct((N_TOK, D), jnp.float32),
    mesh=_SC_MESH,
    compiler_params=pltpu.CompilerParams(needs_layout_passes=False),
    scratch_types=[
        pltpu.VMEM((2, TPW // 2), jnp.int32),
        pltpu.VMEM((2, TPW // 2), jnp.int32),
        pltpu.VMEM((TPW,), jnp.float32),
        pltpu.VMEM((TPW,), jnp.float32),
        pltpu.VMEM((TPW // 2, D), jnp.float32),
        pltpu.VMEM((TPW // 2, D), jnp.float32),
        pltpu.VMEM((TPW // 2, D), jnp.float32),
        pltpu.SemaphoreType.DMA,
    ],
)


@jax.jit
def kernel(x, W_gate, W1, b1, W2, b2):
    x_flat = x.reshape(N_TOK, D)

    easgn, wasgn, counts, aux = pl.pallas_call(
        _router_body,
        out_shape=(
            jax.ShapeDtypeStruct((2, N_TOK), jnp.int32),
            jax.ShapeDtypeStruct((2, N_TOK), jnp.float32),
            jax.ShapeDtypeStruct((NW, 16), jnp.int32),
            jax.ShapeDtypeStruct((1, 1), jnp.float32),
        ),
    )(x_flat, W_gate)

    xd, pos, bexp = _dispatch(x_flat, easgn, counts)

    yd = pl.pallas_call(
        _grouped_body,
        grid_spec=pltpu.PrefetchScalarGridSpec(
            num_scalar_prefetch=1,
            grid=(NB,),
            in_specs=[
                pl.BlockSpec((TB, D), lambda b, s: (b, 0)),
                pl.BlockSpec((1, DFF, D), lambda b, s: (s[b], 0, 0)),
                pl.BlockSpec((N_EXP, DFF), lambda b, s: (0, 0)),
                pl.BlockSpec((1, D, DFF), lambda b, s: (s[b], 0, 0),
                             pipeline_mode=pl.Buffered(buffer_count=1)),
                pl.BlockSpec((N_EXP, D), lambda b, s: (0, 0)),
            ],
            out_specs=pl.BlockSpec((TB, D), lambda b, s: (b, 0)),
        ),
        out_shape=jax.ShapeDtypeStruct((P, D), jnp.float32),
        compiler_params=pltpu.CompilerParams(
            dimension_semantics=("arbitrary",),
            vmem_limit_bytes=63 * 1024 * 1024,
        ),
    )(bexp, xd, W1, b1, W2, b2)

    out = _combine(yd, pos, wasgn)
    return out.reshape(1, N_TOK, D), aux.reshape(())

# --- scband reference (transcript-rebuilt; emitter-appended) ---
"""Pipeline reference for scband-mo-ebalanced-layer-66718021976460 (READ-ONLY COPY).

The authoritative reference and input builder live on the scoring server;
editing this copy changes nothing except your own understanding.
"""

import jax, jax.numpy as jnp
import numpy as np

N_EXPERTS = 8
TOP_K = 2
D_MODEL = 1024
D_FF = 4096
LB_COEF = 0.01
B = 1
S = 2048


def setup_inputs(seed: int = 0) -> dict:
    key = jax.random.key(seed)
    ks = jax.random.split(key, 6)
    x = jax.random.normal(ks[0], (B, S, D_MODEL), dtype=jnp.float32)
    W_gate = jax.random.normal(ks[1], (N_EXPERTS, D_MODEL), dtype=jnp.float32) * 0.01
    W1 = jax.random.normal(ks[2], (N_EXPERTS, D_FF, D_MODEL), dtype=jnp.float32) * (1.0 / np.sqrt(D_MODEL))
    b1 = jnp.zeros((N_EXPERTS, D_FF), dtype=jnp.float32)
    W2 = jax.random.normal(ks[3], (N_EXPERTS, D_MODEL, D_FF), dtype=jnp.float32) * (1.0 / np.sqrt(D_FF))
    b2 = jnp.zeros((N_EXPERTS, D_MODEL), dtype=jnp.float32)
    return {"x": x, "W_gate": W_gate, "W1": W1, "b1": b1, "W2": W2, "b2": b2}


def reference(x, W_gate, W1, b1, W2, b2):
    Bb, Ss, D = x.shape
    x_flat = x.reshape(-1, D)
    N = x_flat.shape[0]
    # Router
    logits = x_flat @ W_gate.T                                  # (N, E)
    router_probs = jax.nn.softmax(logits, axis=-1)
    top_k_weights, top_k_indices = jax.lax.top_k(router_probs, TOP_K)
    routing_weights = top_k_weights / jnp.sum(top_k_weights, axis=-1, keepdims=True)
    top1 = top_k_indices[:, 0]
    one_hot = jax.nn.one_hot(top1, N_EXPERTS, dtype=x_flat.dtype)
    f_i = jnp.mean(one_hot, axis=0)
    p_i = jnp.mean(router_probs, axis=0)
    aux_loss = LB_COEF * jnp.sum(jax.lax.stop_gradient(f_i) * p_i)
    # Combine weights per (token, expert): scatter-add of renormalized top-k weights
    rows = jnp.arange(N)[:, None]
    combine = jnp.zeros((N, N_EXPERTS), dtype=x_flat.dtype).at[rows, top_k_indices].add(routing_weights)
    # Dense expert compute (mathematically identical: unselected experts get weight 0)
    h = jnp.einsum('nd,efd->nef', x_flat, W1) + b1[None, :, :]   # (N, E, d_ff)
    h = jax.nn.gelu(h, approximate=False)                        # torch F.gelu default = exact erf
    expert_out = jnp.einsum('nef,edf->ned', h, W2) + b2[None, :, :]  # (N, E, D)
    out_flat = jnp.einsum('ne,ned->nd', combine, expert_out)
    output = out_flat.reshape(Bb, Ss, D)
    return (output, aux_loss)

if __name__ == "__main__":
    import jax
    _d = setup_inputs()
    print(jax.jit(kernel)(*tuple(_d.values())))

</pallas_src>

<mosaic_0001>
#map = affine_map<(d0, d1) -> (0, 0)>
module attributes {stable_mosaic.version = 14 : i64} {
  func.func @_combine_body(%arg0: i32, %arg1: i32, %arg2: memref<6144x1024xf32, #tpu.memory_space<hbm>>, %arg3: memref<2x2048xi32, #tpu.memory_space<hbm>>, %arg4: memref<2x2048xf32, #tpu.memory_space<hbm>>, %arg5: memref<2048x1024xf32, #tpu.memory_space<hbm>>, %arg6: memref<2x32xi32, #tpu.memory_space<vmem>>, %arg7: memref<2x32xi32, #tpu.memory_space<vmem>>, %arg8: memref<64xf32, #tpu.memory_space<vmem>>, %arg9: memref<64xf32, #tpu.memory_space<vmem>>, %arg10: memref<32x1024xf32, #tpu.memory_space<vmem>>, %arg11: memref<32x1024xf32, #tpu.memory_space<vmem>>, %arg12: memref<32x1024xf32, #tpu.memory_space<vmem>>, %arg13: memref<!tpu.dma_semaphore, #tpu.memory_space<semaphore_mem>>) attributes {dimension_semantics = [#tpu.dimension_semantics<core_parallel>, #tpu.dimension_semantics<subcore_parallel>], iteration_bounds = array<i64: 2, 16>, scalar_prefetch = 0 : i64, scratch_operands = 8 : i64, tpu.core_type = #tpu.core_type<sc_vector_subcore>, window_params = [{transform_indices = #map}, {transform_indices = #map}, {transform_indices = #map}, {transform_indices = #map}]} {
    %mul3A = arith.constant 2 : i32
    %mul3A_0 = arith.muli %arg1, %mul3A : i32
    %add3A = arith.addi %mul3A_0, %arg0 : i32
    %mul3A_1 = arith.constant 64 : i32
    %mul3A_2 = arith.muli %add3A, %mul3A_1 : i32
    %run_scoped3A = arith.constant 0 : i32
    "tpu.region"() ({
      %run_scoped3A_89 = tpu.sem_alloc : memref<!tpu.dma_semaphore, #tpu.memory_space<semaphore_mem>>
      %dma_start3A_90 = tpu.memref_slice %arg4[%run_scoped3A, %mul3A_2] : memref<2x2048xf32, #tpu.memory_space<hbm>> -> memref<1x64xf32, #tpu.memory_space<hbm>>
      %dma_start3A_91 = tpu.memref_squeeze %dma_start3A_90 : memref<1x64xf32, #tpu.memory_space<hbm>> -> memref<64xf32, #tpu.memory_space<hbm>>
      %dma_start3A_92 = tpu.memref_slice %arg4[%run_scoped3A, %mul3A_2] : memref<2x2048xf32, #tpu.memory_space<hbm>> -> memref<1x64xf32, #tpu.memory_space<hbm>>
      %dma_start3A_93 = tpu.memref_squeeze %dma_start3A_92 : memref<1x64xf32, #tpu.memory_space<hbm>> -> memref<64xf32, #tpu.memory_space<hbm>>
      tpu.enqueue_dma source(%dma_start3A_93 : memref<64xf32, #tpu.memory_space<hbm>>) target(%arg8 : memref<64xf32, #tpu.memory_space<vmem>>) target_semaphore(%run_scoped3A_89 : memref<!tpu.dma_semaphore, #tpu.memory_space<semaphore_mem>>)
      %dma_wait3A_94 = tpu.memref_slice %arg4[%run_scoped3A, %mul3A_2] : memref<2x2048xf32, #tpu.memory_space<hbm>> -> memref<1x64xf32, #tpu.memory_space<hbm>>
      %dma_wait3A_95 = tpu.memref_squeeze %dma_wait3A_94 : memref<1x64xf32, #tpu.memory_space<hbm>> -> memref<64xf32, #tpu.memory_space<hbm>>
      %dma_wait3A_96 = tpu.memref_slice %arg4[%run_scoped3A, %mul3A_2] : memref<2x2048xf32, #tpu.memory_space<hbm>> -> memref<1x64xf32, #tpu.memory_space<hbm>>
      %dma_wait3A_97 = tpu.memref_squeeze %dma_wait3A_96 : memref<1x64xf32, #tpu.memory_space<hbm>> -> memref<64xf32, #tpu.memory_space<hbm>>
      tpu.wait_dma2 semaphore(%run_scoped3A_89 : memref<!tpu.dma_semaphore, #tpu.memory_space<semaphore_mem>>) src(%dma_wait3A_97 : memref<64xf32, #tpu.memory_space<hbm>>) dst(%arg8 : memref<64xf32, #tpu.memory_space<vmem>>)
      tpu.yield
    }) : () -> ()
    %run_scoped3A_3 = arith.constant 1 : i32
    "tpu.region"() ({
      %run_scoped3A_89 = tpu.sem_alloc : memref<!tpu.dma_semaphore, #tpu.memory_space<semaphore_mem>>
      %dma_start3A_90 = tpu.memref_slice %arg4[%run_scoped3A_3, %mul3A_2] : memref<2x2048xf32, #tpu.memory_space<hbm>> -> memref<1x64xf32, #tpu.memory_space<hbm>>
      %dma_start3A_91 = tpu.memref_squeeze %dma_start3A_90 : memref<1x64xf32, #tpu.memory_space<hbm>> -> memref<64xf32, #tpu.memory_space<hbm>>
      %dma_start3A_92 = tpu.memref_slice %arg4[%run_scoped3A_3, %mul3A_2] : memref<2x2048xf32, #tpu.memory_space<hbm>> -> memref<1x64xf32, #tpu.memory_space<hbm>>
      %dma_start3A_93 = tpu.memref_squeeze %dma_start3A_92 : memref<1x64xf32, #tpu.memory_space<hbm>> -> memref<64xf32, #tpu.memory_space<hbm>>
      tpu.enqueue_dma source(%dma_start3A_93 : memref<64xf32, #tpu.memory_space<hbm>>) target(%arg9 : memref<64xf32, #tpu.memory_space<vmem>>) target_semaphore(%run_scoped3A_89 : memref<!tpu.dma_semaphore, #tpu.memory_space<semaphore_mem>>)
      %dma_wait3A_94 = tpu.memref_slice %arg4[%run_scoped3A_3, %mul3A_2] : memref<2x2048xf32, #tpu.memory_space<hbm>> -> memref<1x64xf32, #tpu.memory_space<hbm>>
      %dma_wait3A_95 = tpu.memref_squeeze %dma_wait3A_94 : memref<1x64xf32, #tpu.memory_space<hbm>> -> memref<64xf32, #tpu.memory_space<hbm>>
      %dma_wait3A_96 = tpu.memref_slice %arg4[%run_scoped3A_3, %mul3A_2] : memref<2x2048xf32, #tpu.memory_space<hbm>> -> memref<1x64xf32, #tpu.memory_space<hbm>>
      %dma_wait3A_97 = tpu.memref_squeeze %dma_wait3A_96 : memref<1x64xf32, #tpu.memory_space<hbm>> -> memref<64xf32, #tpu.memory_space<hbm>>
      tpu.wait_dma2 semaphore(%run_scoped3A_89 : memref<!tpu.dma_semaphore, #tpu.memory_space<semaphore_mem>>) src(%dma_wait3A_97 : memref<64xf32, #tpu.memory_space<hbm>>) dst(%arg9 : memref<64xf32, #tpu.memory_space<vmem>>)
      tpu.yield
    }) : () -> ()
    %add3A_4 = arith.constant 0 : i32
    %add3A_5 = arith.addi %mul3A_2, %add3A_4 : i32
    %run_scoped3A_6 = arith.constant 0 : i32
    %run_scoped3A_7 = arith.constant 0 : i32
    "tpu.region"() ({
      %run_scoped3A_89 = tpu.sem_alloc : memref<!tpu.dma_semaphore, #tpu.memory_space<semaphore_mem>>
      %dma_start3A_90 = arith.constant 0 : i32
      %dma_start3A_91 = tpu.memref_slice %arg6[%run_scoped3A_7, %dma_start3A_90] : memref<2x32xi32, #tpu.memory_space<vmem>> -> memref<1x32xi32, #tpu.memory_space<vmem>>
      %dma_start3A_92 = tpu.memref_squeeze %dma_start3A_91 : memref<1x32xi32, #tpu.memory_space<vmem>> -> memref<32xi32, #tpu.memory_space<vmem>>
      %dma_start3A_93 = tpu.memref_slice %arg3[%run_scoped3A_6, %add3A_5] : memref<2x2048xi32, #tpu.memory_space<hbm>> -> memref<1x32xi32, #tpu.memory_space<hbm>>
      %dma_start3A_94 = tpu.memref_squeeze %dma_start3A_93 : memref<1x32xi32, #tpu.memory_space<hbm>> -> memref<32xi32, #tpu.memory_space<hbm>>
      %dma_start3A_95 = arith.constant 0 : i32
      %dma_start3A_96 = tpu.memref_slice %arg6[%run_scoped3A_7, %dma_start3A_95] : memref<2x32xi32, #tpu.memory_space<vmem>> -> memref<1x32xi32, #tpu.memory_space<vmem>>
      %dma_start3A_97 = tpu.memref_squeeze %dma_start3A_96 : memref<1x32xi32, #tpu.memory_space<vmem>> -> memref<32xi32, #tpu.memory_space<vmem>>
      %dma_start3A_98 = tpu.memref_slice %arg3[%run_scoped3A_6, %add3A_5] : memref<2x2048xi32, #tpu.memory_space<hbm>> -> memref<1x32xi32, #tpu.memory_space<hbm>>
      %dma_start3A_99 = tpu.memref_squeeze %dma_start3A_98 : memref<1x32xi32, #tpu.memory_space<hbm>> -> memref<32xi32, #tpu.memory_space<hbm>>
      tpu.enqueue_dma source(%dma_start3A_99 : memref<32xi32, #tpu.memory_space<hbm>>) target(%dma_start3A_97 : memref<32xi32, #tpu.memory_space<vmem>>) target_semaphore(%run_scoped3A_89 : memref<!tpu.dma_semaphore, #tpu.memory_space<semaphore_mem>>)
      %dma_wait3A_100 = arith.constant 0 : i32
      %dma_wait3A_101 = tpu.memref_slice %arg6[%run_scoped3A_7, %dma_wait3A_100] : memref<2x32xi32, #tpu.memory_space<vmem>> -> memref<1x32xi32, #tpu.memory_space<vmem>>
      %dma_wait3A_102 = tpu.memref_squeeze %dma_wait3A_101 : memref<1x32xi32, #tpu.memory_space<vmem>> -> memref<32xi32, #tpu.memory_space<vmem>>
      %dma_wait3A_103 = tpu.memref_slice %arg3[%run_scoped3A_6, %add3A_5] : memref<2x2048xi32, #tpu.memory_space<hbm>> -> memref<1x32xi32, #tpu.memory_space<hbm>>
      %dma_wait3A_104 = tpu.memref_squeeze %dma_wait3A_103 : memref<1x32xi32, #tpu.memory_space<hbm>> -> memref<32xi32, #tpu.memory_space<hbm>>
      %dma_wait3A_105 = arith.constant 0 : i32
      %dma_wait3A_106 = tpu.memref_slice %arg6[%run_scoped3A_7, %dma_wait3A_105] : memref<2x32xi32, #tpu.memory_space<vmem>> -> memref<1x32xi32, #tpu.memory_space<vmem>>
      %dma_wait3A_107 = tpu.memref_squeeze %dma_wait3A_106 : memref<1x32xi32, #tpu.memory_space<vmem>> -> memref<32xi32, #tpu.memory_space<vmem>>
      %dma_wait3A_108 = tpu.memref_slice %arg3[%run_scoped3A_6, %add3A_5] : memref<2x2048xi32, #tpu.memory_space<hbm>> -> memref<1x32xi32, #tpu.memory_space<hbm>>
      %dma_wait3A_109 = tpu.memref_squeeze %dma_wait3A_108 : memref<1x32xi32, #tpu.memory_space<hbm>> -> memref<32xi32, #tpu.memory_space<hbm>>
      tpu.wait_dma2 semaphore(%run_scoped3A_89 : memref<!tpu.dma_semaphore, #tpu.memory_space<semaphore_mem>>) src(%dma_wait3A_109 : memref<32xi32, #tpu.memory_space<hbm>>) dst(%dma_wait3A_107 : memref<32xi32, #tpu.memory_space<vmem>>)
      tpu.yield
    }) : () -> ()
    %add3A_8 = arith.constant 0 : i32
    %add3A_9 = arith.addi %mul3A_2, %add3A_8 : i32
    %run_scoped3A_10 = arith.constant 1 : i32
    %run_scoped3A_11 = arith.constant 0 : i32
    "tpu.region"() ({
      %run_scoped3A_89 = tpu.sem_alloc : memref<!tpu.dma_semaphore, #tpu.memory_space<semaphore_mem>>
      %dma_start3A_90 = arith.constant 0 : i32
      %dma_start3A_91 = tpu.memref_slice %arg7[%run_scoped3A_11, %dma_start3A_90] : memref<2x32xi32, #tpu.memory_space<vmem>> -> memref<1x32xi32, #tpu.memory_space<vmem>>
      %dma_start3A_92 = tpu.memref_squeeze %dma_start3A_91 : memref<1x32xi32, #tpu.memory_space<vmem>> -> memref<32xi32, #tpu.memory_space<vmem>>
      %dma_start3A_93 = tpu.memref_slice %arg3[%run_scoped3A_10, %add3A_9] : memref<2x2048xi32, #tpu.memory_space<hbm>> -> memref<1x32xi32, #tpu.memory_space<hbm>>
      %dma_start3A_94 = tpu.memref_squeeze %dma_start3A_93 : memref<1x32xi32, #tpu.memory_space<hbm>> -> memref<32xi32, #tpu.memory_space<hbm>>
      %dma_start3A_95 = arith.constant 0 : i32
      %dma_start3A_96 = tpu.memref_slice %arg7[%run_scoped3A_11, %dma_start3A_95] : memref<2x32xi32, #tpu.memory_space<vmem>> -> memref<1x32xi32, #tpu.memory_space<vmem>>
      %dma_start3A_97 = tpu.memref_squeeze %dma_start3A_96 : memref<1x32xi32, #tpu.memory_space<vmem>> -> memref<32xi32, #tpu.memory_space<vmem>>
      %dma_start3A_98 = tpu.memref_slice %arg3[%run_scoped3A_10, %add3A_9] : memref<2x2048xi32, #tpu.memory_space<hbm>> -> memref<1x32xi32, #tpu.memory_space<hbm>>
      %dma_start3A_99 = tpu.memref_squeeze %dma_start3A_98 : memref<1x32xi32, #tpu.memory_space<hbm>> -> memref<32xi32, #tpu.memory_space<hbm>>
      tpu.enqueue_dma source(%dma_start3A_99 : memref<32xi32, #tpu.memory_space<hbm>>) target(%dma_start3A_97 : memref<32xi32, #tpu.memory_space<vmem>>) target_semaphore(%run_scoped3A_89 : memref<!tpu.dma_semaphore, #tpu.memory_space<semaphore_mem>>)
      %dma_wait3A_100 = arith.constant 0 : i32
      %dma_wait3A_101 = tpu.memref_slice %arg7[%run_scoped3A_11, %dma_wait3A_100] : memref<2x32xi32, #tpu.memory_space<vmem>> -> memref<1x32xi32, #tpu.memory_space<vmem>>
      %dma_wait3A_102 = tpu.memref_squeeze %dma_wait3A_101 : memref<1x32xi32, #tpu.memory_space<vmem>> -> memref<32xi32, #tpu.memory_space<vmem>>
      %dma_wait3A_103 = tpu.memref_slice %arg3[%run_scoped3A_10, %add3A_9] : memref<2x2048xi32, #tpu.memory_space<hbm>> -> memref<1x32xi32, #tpu.memory_space<hbm>>
      %dma_wait3A_104 = tpu.memref_squeeze %dma_wait3A_103 : memref<1x32xi32, #tpu.memory_space<hbm>> -> memref<32xi32, #tpu.memory_space<hbm>>
      %dma_wait3A_105 = arith.constant 0 : i32
      %dma_wait3A_106 = tpu.memref_slice %arg7[%run_scoped3A_11, %dma_wait3A_105] : memref<2x32xi32, #tpu.memory_space<vmem>> -> memref<1x32xi32, #tpu.memory_space<vmem>>
      %dma_wait3A_107 = tpu.memref_squeeze %dma_wait3A_106 : memref<1x32xi32, #tpu.memory_space<vmem>> -> memref<32xi32, #tpu.memory_space<vmem>>
      %dma_wait3A_108 = tpu.memref_slice %arg3[%run_scoped3A_10, %add3A_9] : memref<2x2048xi32, #tpu.memory_space<hbm>> -> memref<1x32xi32, #tpu.memory_space<hbm>>
      %dma_wait3A_109 = tpu.memref_squeeze %dma_wait3A_108 : memref<1x32xi32, #tpu.memory_space<hbm>> -> memref<32xi32, #tpu.memory_space<hbm>>
      tpu.wait_dma2 semaphore(%run_scoped3A_89 : memref<!tpu.dma_semaphore, #tpu.memory_space<semaphore_mem>>) src(%dma_wait3A_109 : memref<32xi32, #tpu.memory_space<hbm>>) dst(%dma_wait3A_107 : memref<32xi32, #tpu.memory_space<vmem>>)
      tpu.yield
    }) : () -> ()
    %dma_start3A = arith.constant 0 : i32
    %dma_start3A_12 = arith.constant 0 : i32
    %dma_start3A_13 = tpu.memref_slice %arg6[%dma_start3A, %dma_start3A_12] : memref<2x32xi32, #tpu.memory_space<vmem>> -> memref<1x32xi32, #tpu.memory_space<vmem>>
    %dma_start3A_14 = tpu.memref_squeeze %dma_start3A_13 : memref<1x32xi32, #tpu.memory_space<vmem>> -> memref<32xi32, #tpu.memory_space<vmem>>
    %dma_start3A_15 = arith.constant 0 : i32
    %dma_start3A_16 = arith.constant 0 : i32
    %dma_start3A_17 = tpu.memref_slice %arg2[%dma_start3A_15, %dma_start3A_16] : memref<6144x1024xf32, #tpu.memory_space<hbm>> -> memref<6144x1024xf32, #tpu.memory_space<hbm>>
    tpu.enqueue_indirect_dma source(%dma_start3A_17 : memref<6144x1024xf32, #tpu.memory_space<hbm>>) target(%arg10 : memref<32x1024xf32, #tpu.memory_space<vmem>>) offsets(%dma_start3A_14 : memref<32xi32, #tpu.memory_space<vmem>>) semaphore(%arg13 : memref<!tpu.dma_semaphore, #tpu.memory_space<semaphore_mem>>)
    %dma_wait3A = arith.constant 0 : i32
    %dma_wait3A_18 = arith.constant 0 : i32
    %dma_wait3A_19 = tpu.memref_slice %arg6[%dma_wait3A, %dma_wait3A_18] : memref<2x32xi32, #tpu.memory_space<vmem>> -> memref<1x32xi32, #tpu.memory_space<vmem>>
    %dma_wait3A_20 = tpu.memref_squeeze %dma_wait3A_19 : memref<1x32xi32, #tpu.memory_space<vmem>> -> memref<32xi32, #tpu.memory_space<vmem>>
    %dma_wait3A_21 = arith.constant 0 : i32
    %dma_wait3A_22 = arith.constant 0 : i32
    %dma_wait3A_23 = tpu.memref_slice %arg2[%dma_wait3A_21, %dma_wait3A_22] : memref<6144x1024xf32, #tpu.memory_space<hbm>> -> memref<6144x1024xf32, #tpu.memory_space<hbm>>
    tpu.wait_indirect_dma semaphore(%arg13 : memref<!tpu.dma_semaphore, #tpu.memory_space<semaphore_mem>>) src(%dma_wait3A_23 : memref<6144x1024xf32, #tpu.memory_space<hbm>>) dst(%arg10 : memref<32x1024xf32, #tpu.memory_space<vmem>>)
    %dma_start3A_24 = arith.constant 0 : i32
    %dma_start3A_25 = arith.constant 0 : i32
    %dma_start3A_26 = tpu.memref_slice %arg7[%dma_start3A_24, %dma_start3A_25] : memref<2x32xi32, #tpu.memory_space<vmem>> -> memref<1x32xi32, #tpu.memory_space<vmem>>
    %dma_start3A_27 = tpu.memref_squeeze %dma_start3A_26 : memref<1x32xi32, #tpu.memory_space<vmem>> -> memref<32xi32, #tpu.memory_space<vmem>>
    %dma_start3A_28 = arith.constant 0 : i32
    %dma_start3A_29 = arith.constant 0 : i32
    %dma_start3A_30 = tpu.memref_slice %arg2[%dma_start3A_28, %dma_start3A_29] : memref<6144x1024xf32, #tpu.memory_space<hbm>> -> memref<6144x1024xf32, #tpu.memory_space<hbm>>
    tpu.enqueue_indirect_dma source(%dma_start3A_30 : memref<6144x1024xf32, #tpu.memory_space<hbm>>) target(%arg11 : memref<32x1024xf32, #tpu.memory_space<vmem>>) offsets(%dma_start3A_27 : memref<32xi32, #tpu.memory_space<vmem>>) semaphore(%arg13 : memref<!tpu.dma_semaphore, #tpu.memory_space<semaphore_mem>>)
    %dma_wait3A_31 = arith.constant 0 : i32
    %dma_wait3A_32 = arith.constant 0 : i32
    %dma_wait3A_33 = tpu.memref_slice %arg7[%dma_wait3A_31, %dma_wait3A_32] : memref<2x32xi32, #tpu.memory_space<vmem>> -> memref<1x32xi32, #tpu.memory_space<vmem>>
    %dma_wait3A_34 = tpu.memref_squeeze %dma_wait3A_33 : memref<1x32xi32, #tpu.memory_space<vmem>> -> memref<32xi32, #tpu.memory_space<vmem>>
    %dma_wait3A_35 = arith.constant 0 : i32
    %dma_wait3A_36 = arith.constant 0 : i32
    %dma_wait3A_37 = tpu.memref_slice %arg2[%dma_wait3A_35, %dma_wait3A_36] : memref<6144x1024xf32, #tpu.memory_space<hbm>> -> memref<6144x1024xf32, #tpu.memory_space<hbm>>
    tpu.wait_indirect_dma semaphore(%arg13 : memref<!tpu.dma_semaphore, #tpu.memory_space<semaphore_mem>>) src(%dma_wait3A_37 : memref<6144x1024xf32, #tpu.memory_space<hbm>>) dst(%arg11 : memref<32x1024xf32, #tpu.memory_space<vmem>>)
    %scan3A = arith.constant 0 : i32
    %scan3A_38 = arith.constant 0 : i32
    %scan3A_39 = arith.constant 32 : i32
    %scan3A_40 = arith.addi %scan3A_38, %scan3A_39 : i32
    %scan3A_41 = arith.constant 1 : i32
    scf.for %scan3A_89 = %scan3A_38 to %scan3A_40 step %scan3A_41  : i32 {
      %add3A_90 = arith.constant 0 : i32
      %add3A_91 = arith.addi %add3A_90, %scan3A_89 : i32
      %broadcast_in_dim3A = vector.broadcast %add3A_91 : i32 to vector<16xi32>
      %gather3A = tpu.vector_load_idx %arg8[%broadcast_in_dim3A] : memref<64xf32, #tpu.memory_space<vmem>>[vector<16xi32>], vector<16xf32>,
      %gather3A_92 = tpu.vector_load_idx %arg9[%broadcast_in_dim3A] : memref<64xf32, #tpu.memory_space<vmem>>[vector<16xi32>], vector<16xf32>,
      %scan3A_93 = arith.constant 0 : i32
      %scan3A_94 = arith.constant 0 : i32
      %scan3A_95 = arith.constant 64 : i32
      %scan3A_96 = arith.addi %scan3A_94, %scan3A_95 : i32
      %scan3A_97 = arith.constant 1 : i32
      scf.for %scan3A_99 = %scan3A_94 to %scan3A_96 step %scan3A_97  : i32 {
        %mul3A_100 = arith.constant 16 : i32
        %mul3A_101 = arith.muli %scan3A_99, %mul3A_100 : i32
        %get3A = arith.index_cast %scan3A_89 : i32 to index
        %get3A_102 = arith.index_cast %mul3A_101 : i32 to index
        %get3A_103 = tpu.vector_load %arg10[%get3A, %get3A_102] {strides = array<i32>} : memref<32x1024xf32, #tpu.memory_space<vmem>>, vector<16xf32>,
        %mul3A_104 = arith.constant 16 : i32
        %mul3A_105 = arith.muli %scan3A_99, %mul3A_104 : i32
        %get3A_106 = arith.index_cast %scan3A_89 : i32 to index
        %get3A_107 = arith.index_cast %mul3A_105 : i32 to index
        %get3A_108 = tpu.vector_load %arg11[%get3A_106, %get3A_107] {strides = array<i32>} : memref<32x1024xf32, #tpu.memory_space<vmem>>, vector<16xf32>,
        %mul3A_109 = arith.mulf %gather3A, %get3A_103 : vector<16xf32>
        %mul3A_110 = arith.mulf %gather3A_92, %get3A_108 : vector<16xf32>
        %add3A_111 = arith.addf %mul3A_109, %mul3A_110 : vector<16xf32>
        %mul3A_112 = arith.constant 16 : i32
        %mul3A_113 = arith.muli %scan3A_99, %mul3A_112 : i32
        %swap3A = arith.index_cast %scan3A_89 : i32 to index
        %swap3A_114 = arith.index_cast %mul3A_113 : i32 to index
        %swap3A_115 = tpu.vector_load %arg12[%swap3A, %swap3A_114] {strides = array<i32>} : memref<32x1024xf32, #tpu.memory_space<vmem>>, vector<16xf32>,
        tpu.vector_store %arg12[%swap3A, %swap3A_114], %add3A_111 {strides = array<i32>} : memref<32x1024xf32, #tpu.memory_space<vmem>>, vector<16xf32>,
      }
      %scan3A_98 = arith.constant 64 : i32
    }
    %scan3A_42 = arith.constant 32 : i32
    %add3A_43 = arith.constant 0 : i32
    %add3A_44 = arith.addi %mul3A_2, %add3A_43 : i32
    "tpu.region"() ({
      %run_scoped3A_89 = tpu.sem_alloc : memref<!tpu.dma_semaphore, #tpu.memory_space<semaphore_mem>>
      %dma_start3A_90 = arith.constant 0 : i32
      %dma_start3A_91 = tpu.memref_slice %arg5[%add3A_44, %dma_start3A_90] : memref<2048x1024xf32, #tpu.memory_space<hbm>> -> memref<32x1024xf32, #tpu.memory_space<hbm>>
      %dma_start3A_92 = arith.constant 0 : i32
      %dma_start3A_93 = tpu.memref_slice %arg5[%add3A_44, %dma_start3A_92] : memref<2048x1024xf32, #tpu.memory_space<hbm>> -> memref<32x1024xf32, #tpu.memory_space<hbm>>
      tpu.enqueue_dma source(%arg12 : memref<32x1024xf32, #tpu.memory_space<vmem>>) target(%dma_start3A_93 : memref<32x1024xf32, #tpu.memory_space<hbm>>) target_semaphore(%run_scoped3A_89 : memref<!tpu.dma_semaphore, #tpu.memory_space<semaphore_mem>>)
      %dma_wait3A_94 = arith.constant 0 : i32
      %dma_wait3A_95 = tpu.memref_slice %arg5[%add3A_44, %dma_wait3A_94] : memref<2048x1024xf32, #tpu.memory_space<hbm>> -> memref<32x1024xf32, #tpu.memory_space<hbm>>
      %dma_wait3A_96 = arith.constant 0 : i32
      %dma_wait3A_97 = tpu.memref_slice %arg5[%add3A_44, %dma_wait3A_96] : memref<2048x1024xf32, #tpu.memory_space<hbm>> -> memref<32x1024xf32, #tpu.memory_space<hbm>>
      tpu.wait_dma2 semaphore(%run_scoped3A_89 : memref<!tpu.dma_semaphore, #tpu.memory_space<semaphore_mem>>) src(%arg12 : memref<32x1024xf32, #tpu.memory_space<vmem>>) dst(%dma_wait3A_97 : memref<32x1024xf32, #tpu.memory_space<hbm>>)
      tpu.yield
    }) : () -> ()
    %add3A_45 = arith.constant 32 : i32
    %add3A_46 = arith.addi %mul3A_2, %add3A_45 : i32
    %run_scoped3A_47 = arith.constant 0 : i32
    %run_scoped3A_48 = arith.constant 1 : i32
    "tpu.region"() ({
      %run_scoped3A_89 = tpu.sem_alloc : memref<!tpu.dma_semaphore, #tpu.memory_space<semaphore_mem>>
      %dma_start3A_90 = arith.constant 0 : i32
      %dma_start3A_91 = tpu.memref_slice %arg6[%run_scoped3A_48, %dma_start3A_90] : memref<2x32xi32, #tpu.memory_space<vmem>> -> memref<1x32xi32, #tpu.memory_space<vmem>>
      %dma_start3A_92 = tpu.memref_squeeze %dma_start3A_91 : memref<1x32xi32, #tpu.memory_space<vmem>> -> memref<32xi32, #tpu.memory_space<vmem>>
      %dma_start3A_93 = tpu.memref_slice %arg3[%run_scoped3A_47, %add3A_46] : memref<2x2048xi32, #tpu.memory_space<hbm>> -> memref<1x32xi32, #tpu.memory_space<hbm>>
      %dma_start3A_94 = tpu.memref_squeeze %dma_start3A_93 : memref<1x32xi32, #tpu.memory_space<hbm>> -> memref<32xi32, #tpu.memory_space<hbm>>
      %dma_start3A_95 = arith.constant 0 : i32
      %dma_start3A_96 = tpu.memref_slice %arg6[%run_scoped3A_48, %dma_start3A_95] : memref<2x32xi32, #tpu.memory_space<vmem>> -> memref<1x32xi32, #tpu.memory_space<vmem>>
      %dma_start3A_97 = tpu.memref_squeeze %dma_start3A_96 : memref<1x32xi32, #tpu.memory_space<vmem>> -> memref<32xi32, #tpu.memory_space<vmem>>
      %dma_start3A_98 = tpu.memref_slice %arg3[%run_scoped3A_47, %add3A_46] : memref<2x2048xi32, #tpu.memory_space<hbm>> -> memref<1x32xi32, #tpu.memory_space<hbm>>
      %dma_start3A_99 = tpu.memref_squeeze %dma_start3A_98 : memref<1x32xi32, #tpu.memory_space<hbm>> -> memref<32xi32, #tpu.memory_space<hbm>>
      tpu.enqueue_dma source(%dma_start3A_99 : memref<32xi32, #tpu.memory_space<hbm>>) target(%dma_start3A_97 : memref<32xi32, #tpu.memory_space<vmem>>) target_semaphore(%run_scoped3A_89 : memref<!tpu.dma_semaphore, #tpu.memory_space<semaphore_mem>>)
      %dma_wait3A_100 = arith.constant 0 : i32
      %dma_wait3A_101 = tpu.memref_slice %arg6[%run_scoped3A_48, %dma_wait3A_100] : memref<2x32xi32, #tpu.memory_space<vmem>> -> memref<1x32xi32, #tpu.memory_space<vmem>>
      %dma_wait3A_102 = tpu.memref_squeeze %dma_wait3A_101 : memref<1x32xi32, #tpu.memory_space<vmem>> -> memref<32xi32, #tpu.memory_space<vmem>>
      %dma_wait3A_103 = tpu.memref_slice %arg3[%run_scoped3A_47, %add3A_46] : memref<2x2048xi32, #tpu.memory_space<hbm>> -> memref<1x32xi32, #tpu.memory_space<hbm>>
      %dma_wait3A_104 = tpu.memref_squeeze %dma_wait3A_103 : memref<1x32xi32, #tpu.memory_space<hbm>> -> memref<32xi32, #tpu.memory_space<hbm>>
      %dma_wait3A_105 = arith.constant 0 : i32
      %dma_wait3A_106 = tpu.memref_slice %arg6[%run_scoped3A_48, %dma_wait3A_105] : memref<2x32xi32, #tpu.memory_space<vmem>> -> memref<1x32xi32, #tpu.memory_space<vmem>>
      %dma_wait3A_107 = tpu.memref_squeeze %dma_wait3A_106 : memref<1x32xi32, #tpu.memory_space<vmem>> -> memref<32xi32, #tpu.memory_space<vmem>>
      %dma_wait3A_108 = tpu.memref_slice %arg3[%run_scoped3A_47, %add3A_46] : memref<2x2048xi32, #tpu.memory_space<hbm>> -> memref<1x32xi32, #tpu.memory_space<hbm>>
      %dma_wait3A_109 = tpu.memref_squeeze %dma_wait3A_108 : memref<1x32xi32, #tpu.memory_space<hbm>> -> memref<32xi32, #tpu.memory_space<hbm>>
      tpu.wait_dma2 semaphore(%run_scoped3A_89 : memref<!tpu.dma_semaphore, #tpu.memory_space<semaphore_mem>>) src(%dma_wait3A_109 : memref<32xi32, #tpu.memory_space<hbm>>) dst(%dma_wait3A_107 : memref<32xi32, #tpu.memory_space<vmem>>)
      tpu.yield
    }) : () -> ()
    %add3A_49 = arith.constant 32 : i32
    %add3A_50 = arith.addi %mul3A_2, %add3A_49 : i32
    %run_scoped3A_51 = arith.constant 1 : i32
    %run_scoped3A_52 = arith.constant 1 : i32
    "tpu.region"() ({
      %run_scoped3A_89 = tpu.sem_alloc : memref<!tpu.dma_semaphore, #tpu.memory_space<semaphore_mem>>
      %dma_start3A_90 = arith.constant 0 : i32
      %dma_start3A_91 = tpu.memref_slice %arg7[%run_scoped3A_52, %dma_start3A_90] : memref<2x32xi32, #tpu.memory_space<vmem>> -> memref<1x32xi32, #tpu.memory_space<vmem>>
      %dma_start3A_92 = tpu.memref_squeeze %dma_start3A_91 : memref<1x32xi32, #tpu.memory_space<vmem>> -> memref<32xi32, #tpu.memory_space<vmem>>
      %dma_start3A_93 = tpu.memref_slice %arg3[%run_scoped3A_51, %add3A_50] : memref<2x2048xi32, #tpu.memory_space<hbm>> -> memref<1x32xi32, #tpu.memory_space<hbm>>
      %dma_start3A_94 = tpu.memref_squeeze %dma_start3A_93 : memref<1x32xi32, #tpu.memory_space<hbm>> -> memref<32xi32, #tpu.memory_space<hbm>>
      %dma_start3A_95 = arith.constant 0 : i32
      %dma_start3A_96 = tpu.memref_slice %arg7[%run_scoped3A_52, %dma_start3A_95] : memref<2x32xi32, #tpu.memory_space<vmem>> -> memref<1x32xi32, #tpu.memory_space<vmem>>
      %dma_start3A_97 = tpu.memref_squeeze %dma_start3A_96 : memref<1x32xi32, #tpu.memory_space<vmem>> -> memref<32xi32, #tpu.memory_space<vmem>>
      %dma_start3A_98 = tpu.memref_slice %arg3[%run_scoped3A_51, %add3A_50] : memref<2x2048xi32, #tpu.memory_space<hbm>> -> memref<1x32xi32, #tpu.memory_space<hbm>>
      %dma_start3A_99 = tpu.memref_squeeze %dma_start3A_98 : memref<1x32xi32, #tpu.memory_space<hbm>> -> memref<32xi32, #tpu.memory_space<hbm>>
      tpu.enqueue_dma source(%dma_start3A_99 : memref<32xi32, #tpu.memory_space<hbm>>) target(%dma_start3A_97 : memref<32xi32, #tpu.memory_space<vmem>>) target_semaphore(%run_scoped3A_89 : memref<!tpu.dma_semaphore, #tpu.memory_space<semaphore_mem>>)
      %dma_wait3A_100 = arith.constant 0 : i32
      %dma_wait3A_101 = tpu.memref_slice %arg7[%run_scoped3A_52, %dma_wait3A_100] : memref<2x32xi32, #tpu.memory_space<vmem>> -> memref<1x32xi32, #tpu.memory_space<vmem>>
      %dma_wait3A_102 = tpu.memref_squeeze %dma_wait3A_101 : memref<1x32xi32, #tpu.memory_space<vmem>> -> memref<32xi32, #tpu.memory_space<vmem>>
      %dma_wait3A_103 = tpu.memref_slice %arg3[%run_scoped3A_51, %add3A_50] : memref<2x2048xi32, #tpu.memory_space<hbm>> -> memref<1x32xi32, #tpu.memory_space<hbm>>
      %dma_wait3A_104 = tpu.memref_squeeze %dma_wait3A_103 : memref<1x32xi32, #tpu.memory_space<hbm>> -> memref<32xi32, #tpu.memory_space<hbm>>
      %dma_wait3A_105 = arith.constant 0 : i32
      %dma_wait3A_106 = tpu.memref_slice %arg7[%run_scoped3A_52, %dma_wait3A_105] : memref<2x32xi32, #tpu.memory_space<vmem>> -> memref<1x32xi32, #tpu.memory_space<vmem>>
      %dma_wait3A_107 = tpu.memref_squeeze %dma_wait3A_106 : memref<1x32xi32, #tpu.memory_space<vmem>> -> memref<32xi32, #tpu.memory_space<vmem>>
      %dma_wait3A_108 = tpu.memref_slice %arg3[%run_scoped3A_51, %add3A_50] : memref<2x2048xi32, #tpu.memory_space<hbm>> -> memref<1x32xi32, #tpu.memory_space<hbm>>
      %dma_wait3A_109 = tpu.memref_squeeze %dma_wait3A_108 : memref<1x32xi32, #tpu.memory_space<hbm>> -> memref<32xi32, #tpu.memory_space<hbm>>
      tpu.wait_dma2 semaphore(%run_scoped3A_89 : memref<!tpu.dma_semaphore, #tpu.memory_space<semaphore_mem>>) src(%dma_wait3A_109 : memref<32xi32, #tpu.memory_space<hbm>>) dst(%dma_wait3A_107 : memref<32xi32, #tpu.memory_space<vmem>>)
      tpu.yield
    }) : () -> ()
    %dma_start3A_53 = arith.constant 1 : i32
    %dma_start3A_54 = arith.constant 0 : i32
    %dma_start3A_55 = tpu.memref_slice %arg6[%dma_start3A_53, %dma_start3A_54] : memref<2x32xi32, #tpu.memory_space<vmem>> -> memref<1x32xi32, #tpu.memory_space<vmem>>
    %dma_start3A_56 = tpu.memref_squeeze %dma_start3A_55 : memref<1x32xi32, #tpu.memory_space<vmem>> -> memref<32xi32, #tpu.memory_space<vmem>>
    %dma_start3A_57 = arith.constant 0 : i32
    %dma_start3A_58 = arith.constant 0 : i32
    %dma_start3A_59 = tpu.memref_slice %arg2[%dma_start3A_57, %dma_start3A_58] : memref<6144x1024xf32, #tpu.memory_space<hbm>> -> memref<6144x1024xf32, #tpu.memory_space<hbm>>
    tpu.enqueue_indirect_dma source(%dma_start3A_59 : memref<6144x1024xf32, #tpu.memory_space<hbm>>) target(%arg10 : memref<32x1024xf32, #tpu.memory_space<vmem>>) offsets(%dma_start3A_56 : memref<32xi32, #tpu.memory_space<vmem>>) semaphore(%arg13 : memref<!tpu.dma_semaphore, #tpu.memory_space<semaphore_mem>>)
    %dma_wait3A_60 = arith.constant 1 : i32
    %dma_wait3A_61 = arith.constant 0 : i32
    %dma_wait3A_62 = tpu.memref_slice %arg6[%dma_wait3A_60, %dma_wait3A_61] : memref<2x32xi32, #tpu.memory_space<vmem>> -> memref<1x32xi32, #tpu.memory_space<vmem>>
    %dma_wait3A_63 = tpu.memref_squeeze %dma_wait3A_62 : memref<1x32xi32, #tpu.memory_space<vmem>> -> memref<32xi32, #tpu.memory_space<vmem>>
    %dma_wait3A_64 = arith.constant 0 : i32
    %dma_wait3A_65 = arith.constant 0 : i32
    %dma_wait3A_66 = tpu.memref_slice %arg2[%dma_wait3A_64, %dma_wait3A_65] : memref<6144x1024xf32, #tpu.memory_space<hbm>> -> memref<6144x1024xf32, #tpu.memory_space<hbm>>
    tpu.wait_indirect_dma semaphore(%arg13 : memref<!tpu.dma_semaphore, #tpu.memory_space<semaphore_mem>>) src(%dma_wait3A_66 : memref<6144x1024xf32, #tpu.memory_space<hbm>>) dst(%arg10 : memref<32x1024xf32, #tpu.memory_space<vmem>>)
    %dma_start3A_67 = arith.constant 1 : i32
    %dma_start3A_68 = arith.constant 0 : i32
    %dma_start3A_69 = tpu.memref_slice %arg7[%dma_start3A_67, %dma_start3A_68] : memref<2x32xi32, #tpu.memory_space<vmem>> -> memref<1x32xi32, #tpu.memory_space<vmem>>
    %dma_start3A_70 = tpu.memref_squeeze %dma_start3A_69 : memref<1x32xi32, #tpu.memory_space<vmem>> -> memref<32xi32, #tpu.memory_space<vmem>>
    %dma_start3A_71 = arith.constant 0 : i32
    %dma_start3A_72 = arith.constant 0 : i32
    %dma_start3A_73 = tpu.memref_slice %arg2[%dma_start3A_71, %dma_start3A_72] : memref<6144x1024xf32, #tpu.memory_space<hbm>> -> memref<6144x1024xf32, #tpu.memory_space<hbm>>
    tpu.enqueue_indirect_dma source(%dma_start3A_73 : memref<6144x1024xf32, #tpu.memory_space<hbm>>) target(%arg11 : memref<32x1024xf32, #tpu.memory_space<vmem>>) offsets(%dma_start3A_70 : memref<32xi32, #tpu.memory_space<vmem>>) semaphore(%arg13 : memref<!tpu.dma_semaphore, #tpu.memory_space<semaphore_mem>>)
    %dma_wait3A_74 = arith.constant 1 : i32
    %dma_wait3A_75 = arith.constant 0 : i32
    %dma_wait3A_76 = tpu.memref_slice %arg7[%dma_wait3A_74, %dma_wait3A_75] : memref<2x32xi32, #tpu.memory_space<vmem>> -> memref<1x32xi32, #tpu.memory_space<vmem>>
    %dma_wait3A_77 = tpu.memref_squeeze %dma_wait3A_76 : memref<1x32xi32, #tpu.memory_space<vmem>> -> memref<32xi32, #tpu.memory_space<vmem>>
    %dma_wait3A_78 = arith.constant 0 : i32
    %dma_wait3A_79 = arith.constant 0 : i32
    %dma_wait3A_80 = tpu.memref_slice %arg2[%dma_wait3A_78, %dma_wait3A_79] : memref<6144x1024xf32, #tpu.memory_space<hbm>> -> memref<6144x1024xf32, #tpu.memory_space<hbm>>
    tpu.wait_indirect_dma semaphore(%arg13 : memref<!tpu.dma_semaphore, #tpu.memory_space<semaphore_mem>>) src(%dma_wait3A_80 : memref<6144x1024xf32, #tpu.memory_space<hbm>>) dst(%arg11 : memref<32x1024xf32, #tpu.memory_space<vmem>>)
    %scan3A_81 = arith.constant 0 : i32
    %scan3A_82 = arith.constant 0 : i32
    %scan3A_83 = arith.constant 32 : i32
    %scan3A_84 = arith.addi %scan3A_82, %scan3A_83 : i32
    %scan3A_85 = arith.constant 1 : i32
    scf.for %scan3A_89 = %scan3A_82 to %scan3A_84 step %scan3A_85  : i32 {
      %add3A_90 = arith.constant 32 : i32
      %add3A_91 = arith.addi %add3A_90, %scan3A_89 : i32
      %broadcast_in_dim3A = vector.broadcast %add3A_91 : i32 to vector<16xi32>
      %gather3A = tpu.vector_load_idx %arg8[%broadcast_in_dim3A] : memref<64xf32, #tpu.memory_space<vmem>>[vector<16xi32>], vector<16xf32>,
      %gather3A_92 = tpu.vector_load_idx %arg9[%broadcast_in_dim3A] : memref<64xf32, #tpu.memory_space<vmem>>[vector<16xi32>], vector<16xf32>,
      %scan3A_93 = arith.constant 0 : i32
      %scan3A_94 = arith.constant 0 : i32
      %scan3A_95 = arith.constant 64 : i32
      %scan3A_96 = arith.addi %scan3A_94, %scan3A_95 : i32
      %scan3A_97 = arith.constant 1 : i32
      scf.for %scan3A_99 = %scan3A_94 to %scan3A_96 step %scan3A_97  : i32 {
        %mul3A_100 = arith.constant 16 : i32
        %mul3A_101 = arith.muli %scan3A_99, %mul3A_100 : i32
        %get3A = arith.index_cast %scan3A_89 : i32 to index
        %get3A_102 = arith.index_cast %mul3A_101 : i32 to index
        %get3A_103 = tpu.vector_load %arg10[%get3A, %get3A_102] {strides = array<i32>} : memref<32x1024xf32, #tpu.memory_space<vmem>>, vector<16xf32>,
        %mul3A_104 = arith.constant 16 : i32
        %mul3A_105 = arith.muli %scan3A_99, %mul3A_104 : i32
        %get3A_106 = arith.index_cast %scan3A_89 : i32 to index
        %get3A_107 = arith.index_cast %mul3A_105 : i32 to index
        %get3A_108 = tpu.vector_load %arg11[%get3A_106, %get3A_107] {strides = array<i32>} : memref<32x1024xf32, #tpu.memory_space<vmem>>, vector<16xf32>,
        %mul3A_109 = arith.mulf %gather3A, %get3A_103 : vector<16xf32>
        %mul3A_110 = arith.mulf %gather3A_92, %get3A_108 : vector<16xf32>
        %add3A_111 = arith.addf %mul3A_109, %mul3A_110 : vector<16xf32>
        %mul3A_112 = arith.constant 16 : i32
        %mul3A_113 = arith.muli %scan3A_99, %mul3A_112 : i32
        %swap3A = arith.index_cast %scan3A_89 : i32 to index
        %swap3A_114 = arith.index_cast %mul3A_113 : i32 to index
        %swap3A_115 = tpu.vector_load %arg12[%swap3A, %swap3A_114] {strides = array<i32>} : memref<32x1024xf32, #tpu.memory_space<vmem>>, vector<16xf32>,
        tpu.vector_store %arg12[%swap3A, %swap3A_114], %add3A_111 {strides = array<i32>} : memref<32x1024xf32, #tpu.memory_space<vmem>>, vector<16xf32>,
      }
      %scan3A_98 = arith.constant 64 : i32
    }
    %scan3A_86 = arith.constant 32 : i32
    %add3A_87 = arith.constant 32 : i32
    %add3A_88 = arith.addi %mul3A_2, %add3A_87 : i32
    "tpu.region"() ({
      %run_scoped3A_89 = tpu.sem_alloc : memref<!tpu.dma_semaphore, #tpu.memory_space<semaphore_mem>>
      %dma_start3A_90 = arith.constant 0 : i32
      %dma_start3A_91 = tpu.memref_slice %arg5[%add3A_88, %dma_start3A_90] : memref<2048x1024xf32, #tpu.memory_space<hbm>> -> memref<32x1024xf32, #tpu.memory_space<hbm>>
      %dma_start3A_92 = arith.constant 0 : i32
      %dma_start3A_93 = tpu.memref_slice %arg5[%add3A_88, %dma_start3A_92] : memref<2048x1024xf32, #tpu.memory_space<hbm>> -> memref<32x1024xf32, #tpu.memory_space<hbm>>
      tpu.enqueue_dma source(%arg12 : memref<32x1024xf32, #tpu.memory_space<vmem>>) target(%dma_start3A_93 : memref<32x1024xf32, #tpu.memory_space<hbm>>) target_semaphore(%run_scoped3A_89 : memref<!tpu.dma_semaphore, #tpu.memory_space<semaphore_mem>>)
      %dma_wait3A_94 = arith.constant 0 : i32
      %dma_wait3A_95 = tpu.memref_slice %arg5[%add3A_88, %dma_wait3A_94] : memref<2048x1024xf32, #tpu.memory_space<hbm>> -> memref<32x1024xf32, #tpu.memory_space<hbm>>
      %dma_wait3A_96 = arith.constant 0 : i32
      %dma_wait3A_97 = tpu.memref_slice %arg5[%add3A_88, %dma_wait3A_96] : memref<2048x1024xf32, #tpu.memory_space<hbm>> -> memref<32x1024xf32, #tpu.memory_space<hbm>>
      tpu.wait_dma2 semaphore(%run_scoped3A_89 : memref<!tpu.dma_semaphore, #tpu.memory_space<semaphore_mem>>) src(%arg12 : memref<32x1024xf32, #tpu.memory_space<vmem>>) dst(%dma_wait3A_97 : memref<32x1024xf32, #tpu.memory_space<hbm>>)
      tpu.yield
    }) : () -> ()
    return
  }
}

#map = affine_map<(d0, d1) -> (0, 0)>
#map1 = affine_map<(d0, d1) -> (0)>
module attributes {stable_mosaic.version = 14 : i64} {
  func.func @_dispatch_body(%arg0: i32, %arg1: i32, %arg2: memref<2048x1024xf32, #tpu.memory_space<hbm>>, %arg3: memref<2x2048xi32, #tpu.memory_space<hbm>>, %arg4: memref<32x16xi32, #tpu.memory_space<hbm>>, %arg5: memref<6144x1024xf32, #tpu.memory_space<hbm>>, %arg6: memref<2x2048xi32, #tpu.memory_space<hbm>>, %arg7: memref<32xi32, #tpu.memory_space<hbm>>, %arg8: memref<32x16xi32, #tpu.memory_space<vmem>>, %arg9: memref<2x64xi32, #tpu.memory_space<vmem>>, %arg10: memref<2x64xi32, #tpu.memory_space<vmem>>, %arg11: memref<64x1024xf32, #tpu.memory_space<vmem>>, %arg12: memref<32xi32, #tpu.memory_space<vmem>>, %arg13: memref<!tpu.dma_semaphore, #tpu.memory_space<semaphore_mem>>) attributes {dimension_semantics = [#tpu.dimension_semantics<core_parallel>, #tpu.dimension_semantics<subcore_parallel>], iteration_bounds = array<i64: 2, 16>, scalar_prefetch = 0 : i64, scratch_operands = 6 : i64, tpu.core_type = #tpu.core_type<sc_vector_subcore>, window_params = [{transform_indices = #map}, {transform_indices = #map}, {transform_indices = #map}, {transform_indices = #map}, {transform_indices = #map}, {transform_indices = #map1}]} {
    %mul3A = arith.constant 2 : i32
    %mul3A_0 = arith.muli %arg1, %mul3A : i32
    %add3A = arith.addi %mul3A_0, %arg0 : i32
    %mul3A_1 = arith.constant 64 : i32
    %mul3A_2 = arith.muli %add3A, %mul3A_1 : i32
    %iota3A = tpu.iota {dimensions = array<i32: 0>} : vector<16xi32>
    %broadcast_in_dim3A = arith.constant 0 : i32
    %broadcast_in_dim3A_3 = vector.broadcast %broadcast_in_dim3A : i32 to vector<16xi32>
    %broadcast_in_dim3A_4 = vector.broadcast %add3A : i32 to vector<16xi32>
    "tpu.region"() ({
      %run_scoped3A_1645 = tpu.sem_alloc : memref<!tpu.dma_semaphore, #tpu.memory_space<semaphore_mem>>
      tpu.enqueue_dma source(%arg4 : memref<32x16xi32, #tpu.memory_space<hbm>>) target(%arg8 : memref<32x16xi32, #tpu.memory_space<vmem>>) target_semaphore(%run_scoped3A_1645 : memref<!tpu.dma_semaphore, #tpu.memory_space<semaphore_mem>>)
      tpu.wait_dma2 semaphore(%run_scoped3A_1645 : memref<!tpu.dma_semaphore, #tpu.memory_space<semaphore_mem>>) src(%arg4 : memref<32x16xi32, #tpu.memory_space<hbm>>) dst(%arg8 : memref<32x16xi32, #tpu.memory_space<vmem>>)
      tpu.yield
    }) : () -> ()
    %run_scoped3A = arith.constant 0 : i32
    %run_scoped3A_5 = arith.constant 0 : i32
    "tpu.region"() ({
      %run_scoped3A_1645 = tpu.sem_alloc : memref<!tpu.dma_semaphore, #tpu.memory_space<semaphore_mem>>
      %dma_start3A_1646 = arith.constant 0 : i32
      %dma_start3A_1647 = tpu.memref_slice %arg9[%run_scoped3A_5, %dma_start3A_1646] : memref<2x64xi32, #tpu.memory_space<vmem>> -> memref<1x64xi32, #tpu.memory_space<vmem>>
      %dma_start3A_1648 = tpu.memref_squeeze %dma_start3A_1647 : memref<1x64xi32, #tpu.memory_space<vmem>> -> memref<64xi32, #tpu.memory_space<vmem>>
      %dma_start3A_1649 = tpu.memref_slice %arg3[%run_scoped3A, %mul3A_2] : memref<2x2048xi32, #tpu.memory_space<hbm>> -> memref<1x64xi32, #tpu.memory_space<hbm>>
      %dma_start3A_1650 = tpu.memref_squeeze %dma_start3A_1649 : memref<1x64xi32, #tpu.memory_space<hbm>> -> memref<64xi32, #tpu.memory_space<hbm>>
      %dma_start3A_1651 = arith.constant 0 : i32
      %dma_start3A_1652 = tpu.memref_slice %arg9[%run_scoped3A_5, %dma_start3A_1651] : memref<2x64xi32, #tpu.memory_space<vmem>> -> memref<1x64xi32, #tpu.memory_space<vmem>>
      %dma_start3A_1653 = tpu.memref_squeeze %dma_start3A_1652 : memref<1x64xi32, #tpu.memory_space<vmem>> -> memref<64xi32, #tpu.memory_space<vmem>>
      %dma_start3A_1654 = tpu.memref_slice %arg3[%run_scoped3A, %mul3A_2] : memref<2x2048xi32, #tpu.memory_space<hbm>> -> memref<1x64xi32, #tpu.memory_space<hbm>>
      %dma_start3A_1655 = tpu.memref_squeeze %dma_start3A_1654 : memref<1x64xi32, #tpu.memory_space<hbm>> -> memref<64xi32, #tpu.memory_space<hbm>>
      tpu.enqueue_dma source(%dma_start3A_1655 : memref<64xi32, #tpu.memory_space<hbm>>) target(%dma_start3A_1653 : memref<64xi32, #tpu.memory_space<vmem>>) target_semaphore(%run_scoped3A_1645 : memref<!tpu.dma_semaphore, #tpu.memory_space<semaphore_mem>>)
      %dma_wait3A_1656 = arith.constant 0 : i32
      %dma_wait3A_1657 = tpu.memref_slice %arg9[%run_scoped3A_5, %dma_wait3A_1656] : memref<2x64xi32, #tpu.memory_space<vmem>> -> memref<1x64xi32, #tpu.memory_space<vmem>>
      %dma_wait3A_1658 = tpu.memref_squeeze %dma_wait3A_1657 : memref<1x64xi32, #tpu.memory_space<vmem>> -> memref<64xi32, #tpu.memory_space<vmem>>
      %dma_wait3A_1659 = tpu.memref_slice %arg3[%run_scoped3A, %mul3A_2] : memref<2x2048xi32, #tpu.memory_space<hbm>> -> memref<1x64xi32, #tpu.memory_space<hbm>>
      %dma_wait3A_1660 = tpu.memref_squeeze %dma_wait3A_1659 : memref<1x64xi32, #tpu.memory_space<hbm>> -> memref<64xi32, #tpu.memory_space<hbm>>
      %dma_wait3A_1661 = arith.constant 0 : i32
      %dma_wait3A_1662 = tpu.memref_slice %arg9[%run_scoped3A_5, %dma_wait3A_1661] : memref<2x64xi32, #tpu.memory_space<vmem>> -> memref<1x64xi32, #tpu.memory_space<vmem>>
      %dma_wait3A_1663 = tpu.memref_squeeze %dma_wait3A_1662 : memref<1x64xi32, #tpu.memory_space<vmem>> -> memref<64xi32, #tpu.memory_space<vmem>>
      %dma_wait3A_1664 = tpu.memref_slice %arg3[%run_scoped3A, %mul3A_2] : memref<2x2048xi32, #tpu.memory_space<hbm>> -> memref<1x64xi32, #tpu.memory_space<hbm>>
      %dma_wait3A_1665 = tpu.memref_squeeze %dma_wait3A_1664 : memref<1x64xi32, #tpu.memory_space<hbm>> -> memref<64xi32, #tpu.memory_space<hbm>>
      tpu.wait_dma2 semaphore(%run_scoped3A_1645 : memref<!tpu.dma_semaphore, #tpu.memory_space<semaphore_mem>>) src(%dma_wait3A_1665 : memref<64xi32, #tpu.memory_space<hbm>>) dst(%dma_wait3A_1663 : memref<64xi32, #tpu.memory_space<vmem>>)
      tpu.yield
    }) : () -> ()
    %run_scoped3A_6 = arith.constant 1 : i32
    %run_scoped3A_7 = arith.constant 1 : i32
    "tpu.region"() ({
      %run_scoped3A_1645 = tpu.sem_alloc : memref<!tpu.dma_semaphore, #tpu.memory_space<semaphore_mem>>
      %dma_start3A_1646 = arith.constant 0 : i32
      %dma_start3A_1647 = tpu.memref_slice %arg9[%run_scoped3A_7, %dma_start3A_1646] : memref<2x64xi32, #tpu.memory_space<vmem>> -> memref<1x64xi32, #tpu.memory_space<vmem>>
      %dma_start3A_1648 = tpu.memref_squeeze %dma_start3A_1647 : memref<1x64xi32, #tpu.memory_space<vmem>> -> memref<64xi32, #tpu.memory_space<vmem>>
      %dma_start3A_1649 = tpu.memref_slice %arg3[%run_scoped3A_6, %mul3A_2] : memref<2x2048xi32, #tpu.memory_space<hbm>> -> memref<1x64xi32, #tpu.memory_space<hbm>>
      %dma_start3A_1650 = tpu.memref_squeeze %dma_start3A_1649 : memref<1x64xi32, #tpu.memory_space<hbm>> -> memref<64xi32, #tpu.memory_space<hbm>>
      %dma_start3A_1651 = arith.constant 0 : i32
      %dma_start3A_1652 = tpu.memref_slice %arg9[%run_scoped3A_7, %dma_start3A_1651] : memref<2x64xi32, #tpu.memory_space<vmem>> -> memref<1x64xi32, #tpu.memory_space<vmem>>
      %dma_start3A_1653 = tpu.memref_squeeze %dma_start3A_1652 : memref<1x64xi32, #tpu.memory_space<vmem>> -> memref<64xi32, #tpu.memory_space<vmem>>
      %dma_start3A_1654 = tpu.memref_slice %arg3[%run_scoped3A_6, %mul3A_2] : memref<2x2048xi32, #tpu.memory_space<hbm>> -> memref<1x64xi32, #tpu.memory_space<hbm>>
      %dma_start3A_1655 = tpu.memref_squeeze %dma_start3A_1654 : memref<1x64xi32, #tpu.memory_space<hbm>> -> memref<64xi32, #tpu.memory_space<hbm>>
      tpu.enqueue_dma source(%dma_start3A_1655 : memref<64xi32, #tpu.memory_space<hbm>>) target(%dma_start3A_1653 : memref<64xi32, #tpu.memory_space<vmem>>) target_semaphore(%run_scoped3A_1645 : memref<!tpu.dma_semaphore, #tpu.memory_space<semaphore_mem>>)
      %dma_wait3A_1656 = arith.constant 0 : i32
      %dma_wait3A_1657 = tpu.memref_slice %arg9[%run_scoped3A_7, %dma_wait3A_1656] : memref<2x64xi32, #tpu.memory_space<vmem>> -> memref<1x64xi32, #tpu.memory_space<vmem>>
      %dma_wait3A_1658 = tpu.memref_squeeze %dma_wait3A_1657 : memref<1x64xi32, #tpu.memory_space<vmem>> -> memref<64xi32, #tpu.memory_space<vmem>>
      %dma_wait3A_1659 = tpu.memref_slice %arg3[%run_scoped3A_6, %mul3A_2] : memref<2x2048xi32, #tpu.memory_space<hbm>> -> memref<1x64xi32, #tpu.memory_space<hbm>>
      %dma_wait3A_1660 = tpu.memref_squeeze %dma_wait3A_1659 : memref<1x64xi32, #tpu.memory_space<hbm>> -> memref<64xi32, #tpu.memory_space<hbm>>
      %dma_wait3A_1661 = arith.constant 0 : i32
      %dma_wait3A_1662 = tpu.memref_slice %arg9[%run_scoped3A_7, %dma_wait3A_1661] : memref<2x64xi32, #tpu.memory_space<vmem>> -> memref<1x64xi32, #tpu.memory_space<vmem>>
      %dma_wait3A_1663 = tpu.memref_squeeze %dma_wait3A_1662 : memref<1x64xi32, #tpu.memory_space<vmem>> -> memref<64xi32, #tpu.memory_space<vmem>>
      %dma_wait3A_1664 = tpu.memref_slice %arg3[%run_scoped3A_6, %mul3A_2] : memref<2x2048xi32, #tpu.memory_space<hbm>> -> memref<1x64xi32, #tpu.memory_space<hbm>>
      %dma_wait3A_1665 = tpu.memref_squeeze %dma_wait3A_1664 : memref<1x64xi32, #tpu.memory_space<hbm>> -> memref<64xi32, #tpu.memory_space<hbm>>
      tpu.wait_dma2 semaphore(%run_scoped3A_1645 : memref<!tpu.dma_semaphore, #tpu.memory_space<semaphore_mem>>) src(%dma_wait3A_1665 : memref<64xi32, #tpu.memory_space<hbm>>) dst(%dma_wait3A_1663 : memref<64xi32, #tpu.memory_space<vmem>>)
      tpu.yield
    }) : () -> ()
    %get3A = arith.constant 0 : i32
    %get3A_8 = arith.index_cast %get3A : i32 to index
    %get3A_9 = arith.constant 0 : index
    %get3A_10 = tpu.vector_load %arg8[%get3A_8, %get3A_9] {strides = array<i32>} : memref<32x16xi32, #tpu.memory_space<vmem>>, vector<16xi32>,
    %add3A_11 = arith.addi %broadcast_in_dim3A_3, %get3A_10 : vector<16xi32>
    %broadcast_in_dim3A_12 = arith.constant 0 : i32
    %broadcast_in_dim3A_13 = vector.broadcast %broadcast_in_dim3A_12 : i32 to vector<16xi32>
    %lt3A = arith.cmpi slt, %broadcast_in_dim3A_13, %broadcast_in_dim3A_4 : vector<16xi32>
    %select_n3A = arith.select %lt3A, %get3A_10, %broadcast_in_dim3A_3 : vector<16xi1>, vector<16xi32>
    %add3A_14 = arith.addi %broadcast_in_dim3A_3, %select_n3A : vector<16xi32>
    %get3A_15 = arith.constant 1 : i32
    %get3A_16 = arith.index_cast %get3A_15 : i32 to index
    %get3A_17 = arith.constant 0 : index
    %get3A_18 = tpu.vector_load %arg8[%get3A_16, %get3A_17] {strides = array<i32>} : memref<32x16xi32, #tpu.memory_space<vmem>>, vector<16xi32>,
    %add3A_19 = arith.addi %add3A_11, %get3A_18 : vector<16xi32>
    %broadcast_in_dim3A_20 = arith.constant 1 : i32
    %broadcast_in_dim3A_21 = vector.broadcast %broadcast_in_dim3A_20 : i32 to vector<16xi32>
    %lt3A_22 = arith.cmpi slt, %broadcast_in_dim3A_21, %broadcast_in_dim3A_4 : vector<16xi32>
    %select_n3A_23 = arith.select %lt3A_22, %get3A_18, %broadcast_in_dim3A_3 : vector<16xi1>, vector<16xi32>
    %add3A_24 = arith.addi %add3A_14, %select_n3A_23 : vector<16xi32>
    %get3A_25 = arith.constant 2 : i32
    %get3A_26 = arith.index_cast %get3A_25 : i32 to index
    %get3A_27 = arith.constant 0 : index
    %get3A_28 = tpu.vector_load %arg8[%get3A_26, %get3A_27] {strides = array<i32>} : memref<32x16xi32, #tpu.memory_space<vmem>>, vector<16xi32>,
    %add3A_29 = arith.addi %add3A_19, %get3A_28 : vector<16xi32>
    %broadcast_in_dim3A_30 = arith.constant 2 : i32
    %broadcast_in_dim3A_31 = vector.broadcast %broadcast_in_dim3A_30 : i32 to vector<16xi32>
    %lt3A_32 = arith.cmpi slt, %broadcast_in_dim3A_31, %broadcast_in_dim3A_4 : vector<16xi32>
    %select_n3A_33 = arith.select %lt3A_32, %get3A_28, %broadcast_in_dim3A_3 : vector<16xi1>, vector<16xi32>
    %add3A_34 = arith.addi %add3A_24, %select_n3A_33 : vector<16xi32>
    %get3A_35 = arith.constant 3 : i32
    %get3A_36 = arith.index_cast %get3A_35 : i32 to index
    %get3A_37 = arith.constant 0 : index
    %get3A_38 = tpu.vector_load %arg8[%get3A_36, %get3A_37] {strides = array<i32>} : memref<32x16xi32, #tpu.memory_space<vmem>>, vector<16xi32>,
    %add3A_39 = arith.addi %add3A_29, %get3A_38 : vector<16xi32>
    %broadcast_in_dim3A_40 = arith.constant 3 : i32
    %broadcast_in_dim3A_41 = vector.broadcast %broadcast_in_dim3A_40 : i32 to vector<16xi32>
    %lt3A_42 = arith.cmpi slt, %broadcast_in_dim3A_41, %broadcast_in_dim3A_4 : vector<16xi32>
    %select_n3A_43 = arith.select %lt3A_42, %get3A_38, %broadcast_in_dim3A_3 : vector<16xi1>, vector<16xi32>
    %add3A_44 = arith.addi %add3A_34, %select_n3A_43 : vector<16xi32>
    %get3A_45 = arith.constant 4 : i32
    %get3A_46 = arith.index_cast %get3A_45 : i32 to index
    %get3A_47 = arith.constant 0 : index
    %get3A_48 = tpu.vector_load %arg8[%get3A_46, %get3A_47] {strides = array<i32>} : memref<32x16xi32, #tpu.memory_space<vmem>>, vector<16xi32>,
    %add3A_49 = arith.addi %add3A_39, %get3A_48 : vector<16xi32>
    %broadcast_in_dim3A_50 = arith.constant 4 : i32
    %broadcast_in_dim3A_51 = vector.broadcast %broadcast_in_dim3A_50 : i32 to vector<16xi32>
    %lt3A_52 = arith.cmpi slt, %broadcast_in_dim3A_51, %broadcast_in_dim3A_4 : vector<16xi32>
    %select_n3A_53 = arith.select %lt3A_52, %get3A_48, %broadcast_in_dim3A_3 : vector<16xi1>, vector<16xi32>
    %add3A_54 = arith.addi %add3A_44, %select_n3A_53 : vector<16xi32>
    %get3A_55 = arith.constant 5 : i32
    %get3A_56 = arith.index_cast %get3A_55 : i32 to index
    %get3A_57 = arith.constant 0 : index
    %get3A_58 = tpu.vector_load %arg8[%get3A_56, %get3A_57] {strides = array<i32>} : memref<32x16xi32, #tpu.memory_space<vmem>>, vector<16xi32>,
    %add3A_59 = arith.addi %add3A_49, %get3A_58 : vector<16xi32>
    %broadcast_in_dim3A_60 = arith.constant 5 : i32
    %broadcast_in_dim3A_61 = vector.broadcast %broadcast_in_dim3A_60 : i32 to vector<16xi32>
    %lt3A_62 = arith.cmpi slt, %broadcast_in_dim3A_61, %broadcast_in_dim3A_4 : vector<16xi32>
    %select_n3A_63 = arith.select %lt3A_62, %get3A_58, %broadcast_in_dim3A_3 : vector<16xi1>, vector<16xi32>
    %add3A_64 = arith.addi %add3A_54, %select_n3A_63 : vector<16xi32>
    %get3A_65 = arith.constant 6 : i32
    %get3A_66 = arith.index_cast %get3A_65 : i32 to index
    %get3A_67 = arith.constant 0 : index
    %get3A_68 = tpu.vector_load %arg8[%get3A_66, %get3A_67] {strides = array<i32>} : memref<32x16xi32, #tpu.memory_space<vmem>>, vector<16xi32>,
    %add3A_69 = arith.addi %add3A_59, %get3A_68 : vector<16xi32>
    %broadcast_in_dim3A_70 = arith.constant 6 : i32
    %broadcast_in_dim3A_71 = vector.broadcast %broadcast_in_dim3A_70 : i32 to vector<16xi32>
    %lt3A_72 = arith.cmpi slt, %broadcast_in_dim3A_71, %broadcast_in_dim3A_4 : vector<16xi32>
    %select_n3A_73 = arith.select %lt3A_72, %get3A_68, %broadcast_in_dim3A_3 : vector<16xi1>, vector<16xi32>
    %add3A_74 = arith.addi %add3A_64, %select_n3A_73 : vector<16xi32>
    %get3A_75 = arith.constant 7 : i32
    %get3A_76 = arith.index_cast %get3A_75 : i32 to index
    %get3A_77 = arith.constant 0 : index
    %get3A_78 = tpu.vector_load %arg8[%get3A_76, %get3A_77] {strides = array<i32>} : memref<32x16xi32, #tpu.memory_space<vmem>>, vector<16xi32>,
    %add3A_79 = arith.addi %add3A_69, %get3A_78 : vector<16xi32>
    %broadcast_in_dim3A_80 = arith.constant 7 : i32
    %broadcast_in_dim3A_81 = vector.broadcast %broadcast_in_dim3A_80 : i32 to vector<16xi32>
    %lt3A_82 = arith.cmpi slt, %broadcast_in_dim3A_81, %broadcast_in_dim3A_4 : vector<16xi32>
    %select_n3A_83 = arith.select %lt3A_82, %get3A_78, %broadcast_in_dim3A_3 : vector<16xi1>, vector<16xi32>
    %add3A_84 = arith.addi %add3A_74, %select_n3A_83 : vector<16xi32>
    %get3A_85 = arith.constant 8 : i32
    %get3A_86 = arith.index_cast %get3A_85 : i32 to index
    %get3A_87 = arith.constant 0 : index
    %get3A_88 = tpu.vector_load %arg8[%get3A_86, %get3A_87] {strides = array<i32>} : memref<32x16xi32, #tpu.memory_space<vmem>>, vector<16xi32>,
    %add3A_89 = arith.addi %add3A_79, %get3A_88 : vector<16xi32>
    %broadcast_in_dim3A_90 = arith.constant 8 : i32
    %broadcast_in_dim3A_91 = vector.broadcast %broadcast_in_dim3A_90 : i32 to vector<16xi32>
    %lt3A_92 = arith.cmpi slt, %broadcast_in_dim3A_91, %broadcast_in_dim3A_4 : vector<16xi32>
    %select_n3A_93 = arith.select %lt3A_92, %get3A_88, %broadcast_in_dim3A_3 : vector<16xi1>, vector<16xi32>
    %add3A_94 = arith.addi %add3A_84, %select_n3A_93 : vector<16xi32>
    %get3A_95 = arith.constant 9 : i32
    %get3A_96 = arith.index_cast %get3A_95 : i32 to index
    %get3A_97 = arith.constant 0 : index
    %get3A_98 = tpu.vector_load %arg8[%get3A_96, %get3A_97] {strides = array<i32>} : memref<32x16xi32, #tpu.memory_space<vmem>>, vector<16xi32>,
    %add3A_99 = arith.addi %add3A_89, %get3A_98 : vector<16xi32>
    %broadcast_in_dim3A_100 = arith.constant 9 : i32
    %broadcast_in_dim3A_101 = vector.broadcast %broadcast_in_dim3A_100 : i32 to vector<16xi32>
    %lt3A_102 = arith.cmpi slt, %broadcast_in_dim3A_101, %broadcast_in_dim3A_4 : vector<16xi32>
    %select_n3A_103 = arith.select %lt3A_102, %get3A_98, %broadcast_in_dim3A_3 : vector<16xi1>, vector<16xi32>
    %add3A_104 = arith.addi %add3A_94, %select_n3A_103 : vector<16xi32>
    %get3A_105 = arith.constant 10 : i32
    %get3A_106 = arith.index_cast %get3A_105 : i32 to index
    %get3A_107 = arith.constant 0 : index
    %get3A_108 = tpu.vector_load %arg8[%get3A_106, %get3A_107] {strides = array<i32>} : memref<32x16xi32, #tpu.memory_space<vmem>>, vector<16xi32>,
    %add3A_109 = arith.addi %add3A_99, %get3A_108 : vector<16xi32>
    %broadcast_in_dim3A_110 = arith.constant 10 : i32
    %broadcast_in_dim3A_111 = vector.broadcast %broadcast_in_dim3A_110 : i32 to vector<16xi32>
    %lt3A_112 = arith.cmpi slt, %broadcast_in_dim3A_111, %broadcast_in_dim3A_4 : vector<16xi32>
    %select_n3A_113 = arith.select %lt3A_112, %get3A_108, %broadcast_in_dim3A_3 : vector<16xi1>, vector<16xi32>
    %add3A_114 = arith.addi %add3A_104, %select_n3A_113 : vector<16xi32>
    %get3A_115 = arith.constant 11 : i32
    %get3A_116 = arith.index_cast %get3A_115 : i32 to index
    %get3A_117 = arith.constant 0 : index
    %get3A_118 = tpu.vector_load %arg8[%get3A_116, %get3A_117] {strides = array<i32>} : memref<32x16xi32, #tpu.memory_space<vmem>>, vector<16xi32>,
    %add3A_119 = arith.addi %add3A_109, %get3A_118 : vector<16xi32>
    %broadcast_in_dim3A_120 = arith.constant 11 : i32
    %broadcast_in_dim3A_121 = vector.broadcast %broadcast_in_dim3A_120 : i32 to vector<16xi32>
    %lt3A_122 = arith.cmpi slt, %broadcast_in_dim3A_121, %broadcast_in_dim3A_4 : vector<16xi32>
    %select_n3A_123 = arith.select %lt3A_122, %get3A_118, %broadcast_in_dim3A_3 : vector<16xi1>, vector<16xi32>
    %add3A_124 = arith.addi %add3A_114, %select_n3A_123 : vector<16xi32>
    %get3A_125 = arith.constant 12 : i32
    %get3A_126 = arith.index_cast %get3A_125 : i32 to index
    %get3A_127 = arith.constant 0 : index
    %get3A_128 = tpu.vector_load %arg8[%get3A_126, %get3A_127] {strides = array<i32>} : memref<32x16xi32, #tpu.memory_space<vmem>>, vector<16xi32>,
    %add3A_129 = arith.addi %add3A_119, %get3A_128 : vector<16xi32>
    %broadcast_in_dim3A_130 = arith.constant 12 : i32
    %broadcast_in_dim3A_131 = vector.broadcast %broadcast_in_dim3A_130 : i32 to vector<16xi32>
    %lt3A_132 = arith.cmpi slt, %broadcast_in_dim3A_131, %broadcast_in_dim3A_4 : vector<16xi32>
    %select_n3A_133 = arith.select %lt3A_132, %get3A_128, %broadcast_in_dim3A_3 : vector<16xi1>, vector<16xi32>
    %add3A_134 = arith.addi %add3A_124, %select_n3A_133 : vector<16xi32>
    %get3A_135 = arith.constant 13 : i32
    %get3A_136 = arith.index_cast %get3A_135 : i32 to index
    %get3A_137 = arith.constant 0 : index
    %get3A_138 = tpu.vector_load %arg8[%get3A_136, %get3A_137] {strides = array<i32>} : memref<32x16xi32, #tpu.memory_space<vmem>>, vector<16xi32>,
    %add3A_139 = arith.addi %add3A_129, %get3A_138 : vector<16xi32>
    %broadcast_in_dim3A_140 = arith.constant 13 : i32
    %broadcast_in_dim3A_141 = vector.broadcast %broadcast_in_dim3A_140 : i32 to vector<16xi32>
    %lt3A_142 = arith.cmpi slt, %broadcast_in_dim3A_141, %broadcast_in_dim3A_4 : vector<16xi32>
    %select_n3A_143 = arith.select %lt3A_142, %get3A_138, %broadcast_in_dim3A_3 : vector<16xi1>, vector<16xi32>
    %add3A_144 = arith.addi %add3A_134, %select_n3A_143 : vector<16xi32>
    %get3A_145 = arith.constant 14 : i32
    %get3A_146 = arith.index_cast %get3A_145 : i32 to index
    %get3A_147 = arith.constant 0 : index
    %get3A_148 = tpu.vector_load %arg8[%get3A_146, %get3A_147] {strides = array<i32>} : memref<32x16xi32, #tpu.memory_space<vmem>>, vector<16xi32>,
    %add3A_149 = arith.addi %add3A_139, %get3A_148 : vector<16xi32>
    %broadcast_in_dim3A_150 = arith.constant 14 : i32
    %broadcast_in_dim3A_151 = vector.broadcast %broadcast_in_dim3A_150 : i32 to vector<16xi32>
    %lt3A_152 = arith.cmpi slt, %broadcast_in_dim3A_151, %broadcast_in_dim3A_4 : vector<16xi32>
    %select_n3A_153 = arith.select %lt3A_152, %get3A_148, %broadcast_in_dim3A_3 : vector<16xi1>, vector<16xi32>
    %add3A_154 = arith.addi %add3A_144, %select_n3A_153 : vector<16xi32>
    %get3A_155 = arith.constant 15 : i32
    %get3A_156 = arith.index_cast %get3A_155 : i32 to index
    %get3A_157 = arith.constant 0 : index
    %get3A_158 = tpu.vector_load %arg8[%get3A_156, %get3A_157] {strides = array<i32>} : memref<32x16xi32, #tpu.memory_space<vmem>>, vector<16xi32>,
    %add3A_159 = arith.addi %add3A_149, %get3A_158 : vector<16xi32>
    %broadcast_in_dim3A_160 = arith.constant 15 : i32
    %broadcast_in_dim3A_161 = vector.broadcast %broadcast_in_dim3A_160 : i32 to vector<16xi32>
    %lt3A_162 = arith.cmpi slt, %broadcast_in_dim3A_161, %broadcast_in_dim3A_4 : vector<16xi32>
    %select_n3A_163 = arith.select %lt3A_162, %get3A_158, %broadcast_in_dim3A_3 : vector<16xi1>, vector<16xi32>
    %add3A_164 = arith.addi %add3A_154, %select_n3A_163 : vector<16xi32>
    %get3A_165 = arith.constant 16 : i32
    %get3A_166 = arith.index_cast %get3A_165 : i32 to index
    %get3A_167 = arith.constant 0 : index
    %get3A_168 = tpu.vector_load %arg8[%get3A_166, %get3A_167] {strides = array<i32>} : memref<32x16xi32, #tpu.memory_space<vmem>>, vector<16xi32>,
    %add3A_169 = arith.addi %add3A_159, %get3A_168 : vector<16xi32>
    %broadcast_in_dim3A_170 = arith.constant 16 : i32
    %broadcast_in_dim3A_171 = vector.broadcast %broadcast_in_dim3A_170 : i32 to vector<16xi32>
    %lt3A_172 = arith.cmpi slt, %broadcast_in_dim3A_171, %broadcast_in_dim3A_4 : vector<16xi32>
    %select_n3A_173 = arith.select %lt3A_172, %get3A_168, %broadcast_in_dim3A_3 : vector<16xi1>, vector<16xi32>
    %add3A_174 = arith.addi %add3A_164, %select_n3A_173 : vector<16xi32>
    %get3A_175 = arith.constant 17 : i32
    %get3A_176 = arith.index_cast %get3A_175 : i32 to index
    %get3A_177 = arith.constant 0 : index
    %get3A_178 = tpu.vector_load %arg8[%get3A_176, %get3A_177] {strides = array<i32>} : memref<32x16xi32, #tpu.memory_space<vmem>>, vector<16xi32>,
    %add3A_179 = arith.addi %add3A_169, %get3A_178 : vector<16xi32>
    %broadcast_in_dim3A_180 = arith.constant 17 : i32
    %broadcast_in_dim3A_181 = vector.broadcast %broadcast_in_dim3A_180 : i32 to vector<16xi32>
    %lt3A_182 = arith.cmpi slt, %broadcast_in_dim3A_181, %broadcast_in_dim3A_4 : vector<16xi32>
    %select_n3A_183 = arith.select %lt3A_182, %get3A_178, %broadcast_in_dim3A_3 : vector<16xi1>, vector<16xi32>
    %add3A_184 = arith.addi %add3A_174, %select_n3A_183 : vector<16xi32>
    %get3A_185 = arith.constant 18 : i32
    %get3A_186 = arith.index_cast %get3A_185 : i32 to index
    %get3A_187 = arith.constant 0 : index
    %get3A_188 = tpu.vector_load %arg8[%get3A_186, %get3A_187] {strides = array<i32>} : memref<32x16xi32, #tpu.memory_space<vmem>>, vector<16xi32>,
    %add3A_189 = arith.addi %add3A_179, %get3A_188 : vector<16xi32>
    %broadcast_in_dim3A_190 = arith.constant 18 : i32
    %broadcast_in_dim3A_191 = vector.broadcast %broadcast_in_dim3A_190 : i32 to vector<16xi32>
    %lt3A_192 = arith.cmpi slt, %broadcast_in_dim3A_191, %broadcast_in_dim3A_4 : vector<16xi32>
    %select_n3A_193 = arith.select %lt3A_192, %get3A_188, %broadcast_in_dim3A_3 : vector<16xi1>, vector<16xi32>
    %add3A_194 = arith.addi %add3A_184, %select_n3A_193 : vector<16xi32>
    %get3A_195 = arith.constant 19 : i32
    %get3A_196 = arith.index_cast %get3A_195 : i32 to index
    %get3A_197 = arith.constant 0 : index
    %get3A_198 = tpu.vector_load %arg8[%get3A_196, %get3A_197] {strides = array<i32>} : memref<32x16xi32, #tpu.memory_space<vmem>>, vector<16xi32>,
    %add3A_199 = arith.addi %add3A_189, %get3A_198 : vector<16xi32>
    %broadcast_in_dim3A_200 = arith.constant 19 : i32
    %broadcast_in_dim3A_201 = vector.broadcast %broadcast_in_dim3A_200 : i32 to vector<16xi32>
    %lt3A_202 = arith.cmpi slt, %broadcast_in_dim3A_201, %broadcast_in_dim3A_4 : vector<16xi32>
    %select_n3A_203 = arith.select %lt3A_202, %get3A_198, %broadcast_in_dim3A_3 : vector<16xi1>, vector<16xi32>
    %add3A_204 = arith.addi %add3A_194, %select_n3A_203 : vector<16xi32>
    %get3A_205 = arith.constant 20 : i32
    %get3A_206 = arith.index_cast %get3A_205 : i32 to index
    %get3A_207 = arith.constant 0 : index
    %get3A_208 = tpu.vector_load %arg8[%get3A_206, %get3A_207] {strides = array<i32>} : memref<32x16xi32, #tpu.memory_space<vmem>>, vector<16xi32>,
    %add3A_209 = arith.addi %add3A_199, %get3A_208 : vector<16xi32>
    %broadcast_in_dim3A_210 = arith.constant 20 : i32
    %broadcast_in_dim3A_211 = vector.broadcast %broadcast_in_dim3A_210 : i32 to vector<16xi32>
    %lt3A_212 = arith.cmpi slt, %broadcast_in_dim3A_211, %broadcast_in_dim3A_4 : vector<16xi32>
    %select_n3A_213 = arith.select %lt3A_212, %get3A_208, %broadcast_in_dim3A_3 : vector<16xi1>, vector<16xi32>
    %add3A_214 = arith.addi %add3A_204, %select_n3A_213 : vector<16xi32>
    %get3A_215 = arith.constant 21 : i32
    %get3A_216 = arith.index_cast %get3A_215 : i32 to index
    %get3A_217 = arith.constant 0 : index
    %get3A_218 = tpu.vector_load %arg8[%get3A_216, %get3A_217] {strides = array<i32>} : memref<32x16xi32, #tpu.memory_space<vmem>>, vector<16xi32>,
    %add3A_219 = arith.addi %add3A_209, %get3A_218 : vector<16xi32>
    %broadcast_in_dim3A_220 = arith.constant 21 : i32
    %broadcast_in_dim3A_221 = vector.broadcast %broadcast_in_dim3A_220 : i32 to vector<16xi32>
    %lt3A_222 = arith.cmpi slt, %broadcast_in_dim3A_221, %broadcast_in_dim3A_4 : vector<16xi32>
    %select_n3A_223 = arith.select %lt3A_222, %get3A_218, %broadcast_in_dim3A_3 : vector<16xi1>, vector<16xi32>
    %add3A_224 = arith.addi %add3A_214, %select_n3A_223 : vector<16xi32>
    %get3A_225 = arith.constant 22 : i32
    %get3A_226 = arith.index_cast %get3A_225 : i32 to index
    %get3A_227 = arith.constant 0 : index
    %get3A_228 = tpu.vector_load %arg8[%get3A_226, %get3A_227] {strides = array<i32>} : memref<32x16xi32, #tpu.memory_space<vmem>>, vector<16xi32>,
    %add3A_229 = arith.addi %add3A_219, %get3A_228 : vector<16xi32>
    %broadcast_in_dim3A_230 = arith.constant 22 : i32
    %broadcast_in_dim3A_231 = vector.broadcast %broadcast_in_dim3A_230 : i32 to vector<16xi32>
    %lt3A_232 = arith.cmpi slt, %broadcast_in_dim3A_231, %broadcast_in_dim3A_4 : vector<16xi32>
    %select_n3A_233 = arith.select %lt3A_232, %get3A_228, %broadcast_in_dim3A_3 : vector<16xi1>, vector<16xi32>
    %add3A_234 = arith.addi %add3A_224, %select_n3A_233 : vector<16xi32>
    %get3A_235 = arith.constant 23 : i32
    %get3A_236 = arith.index_cast %get3A_235 : i32 to index
    %get3A_237 = arith.constant 0 : index
    %get3A_238 = tpu.vector_load %arg8[%get3A_236, %get3A_237] {strides = array<i32>} : memref<32x16xi32, #tpu.memory_space<vmem>>, vector<16xi32>,
    %add3A_239 = arith.addi %add3A_229, %get3A_238 : vector<16xi32>
    %broadcast_in_dim3A_240 = arith.constant 23 : i32
    %broadcast_in_dim3A_241 = vector.broadcast %broadcast_in_dim3A_240 : i32 to vector<16xi32>
    %lt3A_242 = arith.cmpi slt, %broadcast_in_dim3A_241, %broadcast_in_dim3A_4 : vector<16xi32>
    %select_n3A_243 = arith.select %lt3A_242, %get3A_238, %broadcast_in_dim3A_3 : vector<16xi1>, vector<16xi32>
    %add3A_244 = arith.addi %add3A_234, %select_n3A_243 : vector<16xi32>
    %get3A_245 = arith.constant 24 : i32
    %get3A_246 = arith.index_cast %get3A_245 : i32 to index
    %get3A_247 = arith.constant 0 : index
    %get3A_248 = tpu.vector_load %arg8[%get3A_246, %get3A_247] {strides = array<i32>} : memref<32x16xi32, #tpu.memory_space<vmem>>, vector<16xi32>,
    %add3A_249 = arith.addi %add3A_239, %get3A_248 : vector<16xi32>
    %broadcast_in_dim3A_250 = arith.constant 24 : i32
    %broadcast_in_dim3A_251 = vector.broadcast %broadcast_in_dim3A_250 : i32 to vector<16xi32>
    %lt3A_252 = arith.cmpi slt, %broadcast_in_dim3A_251, %broadcast_in_dim3A_4 : vector<16xi32>
    %select_n3A_253 = arith.select %lt3A_252, %get3A_248, %broadcast_in_dim3A_3 : vector<16xi1>, vector<16xi32>
    %add3A_254 = arith.addi %add3A_244, %select_n3A_253 : vector<16xi32>
    %get3A_255 = arith.constant 25 : i32
    %get3A_256 = arith.index_cast %get3A_255 : i32 to index
    %get3A_257 = arith.constant 0 : index
    %get3A_258 = tpu.vector_load %arg8[%get3A_256, %get3A_257] {strides = array<i32>} : memref<32x16xi32, #tpu.memory_space<vmem>>, vector<16xi32>,
    %add3A_259 = arith.addi %add3A_249, %get3A_258 : vector<16xi32>
    %broadcast_in_dim3A_260 = arith.constant 25 : i32
    %broadcast_in_dim3A_261 = vector.broadcast %broadcast_in_dim3A_260 : i32 to vector<16xi32>
    %lt3A_262 = arith.cmpi slt, %broadcast_in_dim3A_261, %broadcast_in_dim3A_4 : vector<16xi32>
    %select_n3A_263 = arith.select %lt3A_262, %get3A_258, %broadcast_in_dim3A_3 : vector<16xi1>, vector<16xi32>
    %add3A_264 = arith.addi %add3A_254, %select_n3A_263 : vector<16xi32>
    %get3A_265 = arith.constant 26 : i32
    %get3A_266 = arith.index_cast %get3A_265 : i32 to index
    %get3A_267 = arith.constant 0 : index
    %get3A_268 = tpu.vector_load %arg8[%get3A_266, %get3A_267] {strides = array<i32>} : memref<32x16xi32, #tpu.memory_space<vmem>>, vector<16xi32>,
    %add3A_269 = arith.addi %add3A_259, %get3A_268 : vector<16xi32>
    %broadcast_in_dim3A_270 = arith.constant 26 : i32
    %broadcast_in_dim3A_271 = vector.broadcast %broadcast_in_dim3A_270 : i32 to vector<16xi32>
    %lt3A_272 = arith.cmpi slt, %broadcast_in_dim3A_271, %broadcast_in_dim3A_4 : vector<16xi32>
    %select_n3A_273 = arith.select %lt3A_272, %get3A_268, %broadcast_in_dim3A_3 : vector<16xi1>, vector<16xi32>
    %add3A_274 = arith.addi %add3A_264, %select_n3A_273 : vector<16xi32>
    %get3A_275 = arith.constant 27 : i32
    %get3A_276 = arith.index_cast %get3A_275 : i32 to index
    %get3A_277 = arith.constant 0 : index
    %get3A_278 = tpu.vector_load %arg8[%get3A_276, %get3A_277] {strides = array<i32>} : memref<32x16xi32, #tpu.memory_space<vmem>>, vector<16xi32>,
    %add3A_279 = arith.addi %add3A_269, %get3A_278 : vector<16xi32>
    %broadcast_in_dim3A_280 = arith.constant 27 : i32
    %broadcast_in_dim3A_281 = vector.broadcast %broadcast_in_dim3A_280 : i32 to vector<16xi32>
    %lt3A_282 = arith.cmpi slt, %broadcast_in_dim3A_281, %broadcast_in_dim3A_4 : vector<16xi32>
    %select_n3A_283 = arith.select %lt3A_282, %get3A_278, %broadcast_in_dim3A_3 : vector<16xi1>, vector<16xi32>
    %add3A_284 = arith.addi %add3A_274, %select_n3A_283 : vector<16xi32>
    %get3A_285 = arith.constant 28 : i32
    %get3A_286 = arith.index_cast %get3A_285 : i32 to index
    %get3A_287 = arith.constant 0 : index
    %get3A_288 = tpu.vector_load %arg8[%get3A_286, %get3A_287] {strides = array<i32>} : memref<32x16xi32, #tpu.memory_space<vmem>>, vector<16xi32>,
    %add3A_289 = arith.addi %add3A_279, %get3A_288 : vector<16xi32>
    %broadcast_in_dim3A_290 = arith.constant 28 : i32
    %broadcast_in_dim3A_291 = vector.broadcast %broadcast_in_dim3A_290 : i32 to vector<16xi32>
    %lt3A_292 = arith.cmpi slt, %broadcast_in_dim3A_291, %broadcast_in_dim3A_4 : vector<16xi32>
    %select_n3A_293 = arith.select %lt3A_292, %get3A_288, %broadcast_in_dim3A_3 : vector<16xi1>, vector<16xi32>
    %add3A_294 = arith.addi %add3A_284, %select_n3A_293 : vector<16xi32>
    %get3A_295 = arith.constant 29 : i32
    %get3A_296 = arith.index_cast %get3A_295 : i32 to index
    %get3A_297 = arith.constant 0 : index
    %get3A_298 = tpu.vector_load %arg8[%get3A_296, %get3A_297] {strides = array<i32>} : memref<32x16xi32, #tpu.memory_space<vmem>>, vector<16xi32>,
    %add3A_299 = arith.addi %add3A_289, %get3A_298 : vector<16xi32>
    %broadcast_in_dim3A_300 = arith.constant 29 : i32
    %broadcast_in_dim3A_301 = vector.broadcast %broadcast_in_dim3A_300 : i32 to vector<16xi32>
    %lt3A_302 = arith.cmpi slt, %broadcast_in_dim3A_301, %broadcast_in_dim3A_4 : vector<16xi32>
    %select_n3A_303 = arith.select %lt3A_302, %get3A_298, %broadcast_in_dim3A_3 : vector<16xi1>, vector<16xi32>
    %add3A_304 = arith.addi %add3A_294, %select_n3A_303 : vector<16xi32>
    %get3A_305 = arith.constant 30 : i32
    %get3A_306 = arith.index_cast %get3A_305 : i32 to index
    %get3A_307 = arith.constant 0 : index
    %get3A_308 = tpu.vector_load %arg8[%get3A_306, %get3A_307] {strides = array<i32>} : memref<32x16xi32, #tpu.memory_space<vmem>>, vector<16xi32>,
    %add3A_309 = arith.addi %add3A_299, %get3A_308 : vector<16xi32>
    %broadcast_in_dim3A_310 = arith.constant 30 : i32
    %broadcast_in_dim3A_311 = vector.broadcast %broadcast_in_dim3A_310 : i32 to vector<16xi32>
    %lt3A_312 = arith.cmpi slt, %broadcast_in_dim3A_311, %broadcast_in_dim3A_4 : vector<16xi32>
    %select_n3A_313 = arith.select %lt3A_312, %get3A_308, %broadcast_in_dim3A_3 : vector<16xi1>, vector<16xi32>
    %add3A_314 = arith.addi %add3A_304, %select_n3A_313 : vector<16xi32>
    %get3A_315 = arith.constant 31 : i32
    %get3A_316 = arith.index_cast %get3A_315 : i32 to index
    %get3A_317 = arith.constant 0 : index
    %get3A_318 = tpu.vector_load %arg8[%get3A_316, %get3A_317] {strides = array<i32>} : memref<32x16xi32, #tpu.memory_space<vmem>>, vector<16xi32>,
    %add3A_319 = arith.addi %add3A_309, %get3A_318 : vector<16xi32>
    %broadcast_in_dim3A_320 = arith.constant 31 : i32
    %broadcast_in_dim3A_321 = vector.broadcast %broadcast_in_dim3A_320 : i32 to vector<16xi32>
    %lt3A_322 = arith.cmpi slt, %broadcast_in_dim3A_321, %broadcast_in_dim3A_4 : vector<16xi32>
    %select_n3A_323 = arith.select %lt3A_322, %get3A_318, %broadcast_in_dim3A_3 : vector<16xi1>, vector<16xi32>
    %add3A_324 = arith.addi %add3A_314, %select_n3A_323 : vector<16xi32>
    %add3A_325 = arith.constant 255 : i32
    %add3A_326 = vector.broadcast %add3A_325 : i32 to vector<16xi32>
    %add3A_327 = arith.addi %add3A_319, %add3A_326 : vector<16xi32>
    %shift_right_logical3A = arith.constant 8 : i32
    %shift_right_logical3A_328 = vector.broadcast %shift_right_logical3A : i32 to vector<16xi32>
    %shift_right_logical3A_329 = arith.shrui %add3A_327, %shift_right_logical3A_328 : vector<16xi32>
    %shift_left3A = arith.constant 8 : i32
    %shift_left3A_330 = vector.broadcast %shift_left3A : i32 to vector<16xi32>
    %shift_left3A_331 = arith.shli %shift_right_logical3A_329, %shift_left3A_330 : vector<16xi32>
    %broadcast_in_dim3A_332 = arith.constant true
    %broadcast_in_dim3A_333 = vector.broadcast %broadcast_in_dim3A_332 : i1 to vector<16xi1>
    %masked_cumsum3A = tpu.scan <sum>, %shift_left3A_331 masked %broadcast_in_dim3A_333 : vector<16xi32>, vector<16xi1> -> vector<16xi32>
    %sub3A = arith.subi %masked_cumsum3A, %shift_left3A_331 : vector<16xi32>
    %add3A_334 = arith.addi %sub3A, %add3A_324 : vector<16xi32>
    %eq3A = arith.constant 0 : i32
    %eq3A_335 = vector.broadcast %eq3A : i32 to vector<16xi32>
    %eq3A_336 = arith.cmpi eq, %iota3A, %eq3A_335 : vector<16xi32>
    %select_n3A_337 = arith.select %eq3A_336, %add3A_334, %broadcast_in_dim3A_3 : vector<16xi1>, vector<16xi32>
    %reduce_sum3A = arith.constant true
    %reduce_sum3A_338 = vector.broadcast %reduce_sum3A : i1 to vector<16xi1>
    %reduce_sum3A_339 = tpu.scan <sum>, %select_n3A_337 masked %reduce_sum3A_338 : vector<16xi32>, vector<16xi1> -> vector<16xi32>
    %reduce_sum3A_340 = vector.extract %reduce_sum3A_339[15] : i32 from vector<16xi32>
    %eq3A_341 = arith.constant 1 : i32
    %eq3A_342 = vector.broadcast %eq3A_341 : i32 to vector<16xi32>
    %eq3A_343 = arith.cmpi eq, %iota3A, %eq3A_342 : vector<16xi32>
    %select_n3A_344 = arith.select %eq3A_343, %add3A_334, %broadcast_in_dim3A_3 : vector<16xi1>, vector<16xi32>
    %reduce_sum3A_345 = arith.constant true
    %reduce_sum3A_346 = vector.broadcast %reduce_sum3A_345 : i1 to vector<16xi1>
    %reduce_sum3A_347 = tpu.scan <sum>, %select_n3A_344 masked %reduce_sum3A_346 : vector<16xi32>, vector<16xi1> -> vector<16xi32>
    %reduce_sum3A_348 = vector.extract %reduce_sum3A_347[15] : i32 from vector<16xi32>
    %eq3A_349 = arith.constant 2 : i32
    %eq3A_350 = vector.broadcast %eq3A_349 : i32 to vector<16xi32>
    %eq3A_351 = arith.cmpi eq, %iota3A, %eq3A_350 : vector<16xi32>
    %select_n3A_352 = arith.select %eq3A_351, %add3A_334, %broadcast_in_dim3A_3 : vector<16xi1>, vector<16xi32>
    %reduce_sum3A_353 = arith.constant true
    %reduce_sum3A_354 = vector.broadcast %reduce_sum3A_353 : i1 to vector<16xi1>
    %reduce_sum3A_355 = tpu.scan <sum>, %select_n3A_352 masked %reduce_sum3A_354 : vector<16xi32>, vector<16xi1> -> vector<16xi32>
    %reduce_sum3A_356 = vector.extract %reduce_sum3A_355[15] : i32 from vector<16xi32>
    %eq3A_357 = arith.constant 3 : i32
    %eq3A_358 = vector.broadcast %eq3A_357 : i32 to vector<16xi32>
    %eq3A_359 = arith.cmpi eq, %iota3A, %eq3A_358 : vector<16xi32>
    %select_n3A_360 = arith.select %eq3A_359, %add3A_334, %broadcast_in_dim3A_3 : vector<16xi1>, vector<16xi32>
    %reduce_sum3A_361 = arith.constant true
    %reduce_sum3A_362 = vector.broadcast %reduce_sum3A_361 : i1 to vector<16xi1>
    %reduce_sum3A_363 = tpu.scan <sum>, %select_n3A_360 masked %reduce_sum3A_362 : vector<16xi32>, vector<16xi1> -> vector<16xi32>
    %reduce_sum3A_364 = vector.extract %reduce_sum3A_363[15] : i32 from vector<16xi32>
    %eq3A_365 = arith.constant 4 : i32
    %eq3A_366 = vector.broadcast %eq3A_365 : i32 to vector<16xi32>
    %eq3A_367 = arith.cmpi eq, %iota3A, %eq3A_366 : vector<16xi32>
    %select_n3A_368 = arith.select %eq3A_367, %add3A_334, %broadcast_in_dim3A_3 : vector<16xi1>, vector<16xi32>
    %reduce_sum3A_369 = arith.constant true
    %reduce_sum3A_370 = vector.broadcast %reduce_sum3A_369 : i1 to vector<16xi1>
    %reduce_sum3A_371 = tpu.scan <sum>, %select_n3A_368 masked %reduce_sum3A_370 : vector<16xi32>, vector<16xi1> -> vector<16xi32>
    %reduce_sum3A_372 = vector.extract %reduce_sum3A_371[15] : i32 from vector<16xi32>
    %eq3A_373 = arith.constant 5 : i32
    %eq3A_374 = vector.broadcast %eq3A_373 : i32 to vector<16xi32>
    %eq3A_375 = arith.cmpi eq, %iota3A, %eq3A_374 : vector<16xi32>
    %select_n3A_376 = arith.select %eq3A_375, %add3A_334, %broadcast_in_dim3A_3 : vector<16xi1>, vector<16xi32>
    %reduce_sum3A_377 = arith.constant true
    %reduce_sum3A_378 = vector.broadcast %reduce_sum3A_377 : i1 to vector<16xi1>
    %reduce_sum3A_379 = tpu.scan <sum>, %select_n3A_376 masked %reduce_sum3A_378 : vector<16xi32>, vector<16xi1> -> vector<16xi32>
    %reduce_sum3A_380 = vector.extract %reduce_sum3A_379[15] : i32 from vector<16xi32>
    %eq3A_381 = arith.constant 6 : i32
    %eq3A_382 = vector.broadcast %eq3A_381 : i32 to vector<16xi32>
    %eq3A_383 = arith.cmpi eq, %iota3A, %eq3A_382 : vector<16xi32>
    %select_n3A_384 = arith.select %eq3A_383, %add3A_334, %broadcast_in_dim3A_3 : vector<16xi1>, vector<16xi32>
    %reduce_sum3A_385 = arith.constant true
    %reduce_sum3A_386 = vector.broadcast %reduce_sum3A_385 : i1 to vector<16xi1>
    %reduce_sum3A_387 = tpu.scan <sum>, %select_n3A_384 masked %reduce_sum3A_386 : vector<16xi32>, vector<16xi1> -> vector<16xi32>
    %reduce_sum3A_388 = vector.extract %reduce_sum3A_387[15] : i32 from vector<16xi32>
    %eq3A_389 = arith.constant 7 : i32
    %eq3A_390 = vector.broadcast %eq3A_389 : i32 to vector<16xi32>
    %eq3A_391 = arith.cmpi eq, %iota3A, %eq3A_390 : vector<16xi32>
    %select_n3A_392 = arith.select %eq3A_391, %add3A_334, %broadcast_in_dim3A_3 : vector<16xi1>, vector<16xi32>
    %reduce_sum3A_393 = arith.constant true
    %reduce_sum3A_394 = vector.broadcast %reduce_sum3A_393 : i1 to vector<16xi1>
    %reduce_sum3A_395 = tpu.scan <sum>, %select_n3A_392 masked %reduce_sum3A_394 : vector<16xi32>, vector<16xi1> -> vector<16xi32>
    %reduce_sum3A_396 = vector.extract %reduce_sum3A_395[15] : i32 from vector<16xi32>
    %get3A_397 = arith.constant 0 : i32
    %get3A_398 = arith.index_cast %get3A_397 : i32 to index
    %get3A_399 = arith.constant 0 : index
    %get3A_400 = tpu.vector_load %arg9[%get3A_398, %get3A_399] {strides = array<i32>} : memref<2x64xi32, #tpu.memory_space<vmem>>, vector<16xi32>,
    %eq3A_401 = arith.constant 0 : i32
    %eq3A_402 = vector.broadcast %eq3A_401 : i32 to vector<16xi32>
    %eq3A_403 = arith.cmpi eq, %get3A_400, %eq3A_402 : vector<16xi32>
    %convert_element_type3A = arith.extui %eq3A_403 : vector<16xi1> to vector<16xi32>
    %broadcast_in_dim3A_404 = arith.constant true
    %broadcast_in_dim3A_405 = vector.broadcast %broadcast_in_dim3A_404 : i1 to vector<16xi1>
    %masked_cumsum3A_406 = tpu.scan <sum>, %convert_element_type3A masked %broadcast_in_dim3A_405 : vector<16xi32>, vector<16xi1> -> vector<16xi32>
    %add3A_407 = vector.broadcast %reduce_sum3A_340 : i32 to vector<16xi32>
    %add3A_408 = arith.addi %add3A_407, %masked_cumsum3A_406 : vector<16xi32>
    %sub3A_409 = arith.constant 1 : i32
    %sub3A_410 = vector.broadcast %sub3A_409 : i32 to vector<16xi32>
    %sub3A_411 = arith.subi %add3A_408, %sub3A_410 : vector<16xi32>
    %select_n3A_412 = arith.select %eq3A_403, %sub3A_411, %broadcast_in_dim3A_3 : vector<16xi1>, vector<16xi32>
    %reduce_sum3A_413 = arith.constant true
    %reduce_sum3A_414 = vector.broadcast %reduce_sum3A_413 : i1 to vector<16xi1>
    %reduce_sum3A_415 = tpu.scan <sum>, %convert_element_type3A masked %reduce_sum3A_414 : vector<16xi32>, vector<16xi1> -> vector<16xi32>
    %reduce_sum3A_416 = vector.extract %reduce_sum3A_415[15] : i32 from vector<16xi32>
    %add3A_417 = arith.addi %reduce_sum3A_340, %reduce_sum3A_416 : i32
    %eq3A_418 = arith.constant 1 : i32
    %eq3A_419 = vector.broadcast %eq3A_418 : i32 to vector<16xi32>
    %eq3A_420 = arith.cmpi eq, %get3A_400, %eq3A_419 : vector<16xi32>
    %convert_element_type3A_421 = arith.extui %eq3A_420 : vector<16xi1> to vector<16xi32>
    %broadcast_in_dim3A_422 = arith.constant true
    %broadcast_in_dim3A_423 = vector.broadcast %broadcast_in_dim3A_422 : i1 to vector<16xi1>
    %masked_cumsum3A_424 = tpu.scan <sum>, %convert_element_type3A_421 masked %broadcast_in_dim3A_423 : vector<16xi32>, vector<16xi1> -> vector<16xi32>
    %add3A_425 = vector.broadcast %reduce_sum3A_348 : i32 to vector<16xi32>
    %add3A_426 = arith.addi %add3A_425, %masked_cumsum3A_424 : vector<16xi32>
    %sub3A_427 = arith.constant 1 : i32
    %sub3A_428 = vector.broadcast %sub3A_427 : i32 to vector<16xi32>
    %sub3A_429 = arith.subi %add3A_426, %sub3A_428 : vector<16xi32>
    %select_n3A_430 = arith.select %eq3A_420, %sub3A_429, %select_n3A_412 : vector<16xi1>, vector<16xi32>
    %reduce_sum3A_431 = arith.constant true
    %reduce_sum3A_432 = vector.broadcast %reduce_sum3A_431 : i1 to vector<16xi1>
    %reduce_sum3A_433 = tpu.scan <sum>, %convert_element_type3A_421 masked %reduce_sum3A_432 : vector<16xi32>, vector<16xi1> -> vector<16xi32>
    %reduce_sum3A_434 = vector.extract %reduce_sum3A_433[15] : i32 from vector<16xi32>
    %add3A_435 = arith.addi %reduce_sum3A_348, %reduce_sum3A_434 : i32
    %eq3A_436 = arith.constant 2 : i32
    %eq3A_437 = vector.broadcast %eq3A_436 : i32 to vector<16xi32>
    %eq3A_438 = arith.cmpi eq, %get3A_400, %eq3A_437 : vector<16xi32>
    %convert_element_type3A_439 = arith.extui %eq3A_438 : vector<16xi1> to vector<16xi32>
    %broadcast_in_dim3A_440 = arith.constant true
    %broadcast_in_dim3A_441 = vector.broadcast %broadcast_in_dim3A_440 : i1 to vector<16xi1>
    %masked_cumsum3A_442 = tpu.scan <sum>, %convert_element_type3A_439 masked %broadcast_in_dim3A_441 : vector<16xi32>, vector<16xi1> -> vector<16xi32>
    %add3A_443 = vector.broadcast %reduce_sum3A_356 : i32 to vector<16xi32>
    %add3A_444 = arith.addi %add3A_443, %masked_cumsum3A_442 : vector<16xi32>
    %sub3A_445 = arith.constant 1 : i32
    %sub3A_446 = vector.broadcast %sub3A_445 : i32 to vector<16xi32>
    %sub3A_447 = arith.subi %add3A_444, %sub3A_446 : vector<16xi32>
    %select_n3A_448 = arith.select %eq3A_438, %sub3A_447, %select_n3A_430 : vector<16xi1>, vector<16xi32>
    %reduce_sum3A_449 = arith.constant true
    %reduce_sum3A_450 = vector.broadcast %reduce_sum3A_449 : i1 to vector<16xi1>
    %reduce_sum3A_451 = tpu.scan <sum>, %convert_element_type3A_439 masked %reduce_sum3A_450 : vector<16xi32>, vector<16xi1> -> vector<16xi32>
    %reduce_sum3A_452 = vector.extract %reduce_sum3A_451[15] : i32 from vector<16xi32>
    %add3A_453 = arith.addi %reduce_sum3A_356, %reduce_sum3A_452 : i32
    %eq3A_454 = arith.constant 3 : i32
    %eq3A_455 = vector.broadcast %eq3A_454 : i32 to vector<16xi32>
    %eq3A_456 = arith.cmpi eq, %get3A_400, %eq3A_455 : vector<16xi32>
    %convert_element_type3A_457 = arith.extui %eq3A_456 : vector<16xi1> to vector<16xi32>
    %broadcast_in_dim3A_458 = arith.constant true
    %broadcast_in_dim3A_459 = vector.broadcast %broadcast_in_dim3A_458 : i1 to vector<16xi1>
    %masked_cumsum3A_460 = tpu.scan <sum>, %convert_element_type3A_457 masked %broadcast_in_dim3A_459 : vector<16xi32>, vector<16xi1> -> vector<16xi32>
    %add3A_461 = vector.broadcast %reduce_sum3A_364 : i32 to vector<16xi32>
    %add3A_462 = arith.addi %add3A_461, %masked_cumsum3A_460 : vector<16xi32>
    %sub3A_463 = arith.constant 1 : i32
    %sub3A_464 = vector.broadcast %sub3A_463 : i32 to vector<16xi32>
    %sub3A_465 = arith.subi %add3A_462, %sub3A_464 : vector<16xi32>
    %select_n3A_466 = arith.select %eq3A_456, %sub3A_465, %select_n3A_448 : vector<16xi1>, vector<16xi32>
    %reduce_sum3A_467 = arith.constant true
    %reduce_sum3A_468 = vector.broadcast %reduce_sum3A_467 : i1 to vector<16xi1>
    %reduce_sum3A_469 = tpu.scan <sum>, %convert_element_type3A_457 masked %reduce_sum3A_468 : vector<16xi32>, vector<16xi1> -> vector<16xi32>
    %reduce_sum3A_470 = vector.extract %reduce_sum3A_469[15] : i32 from vector<16xi32>
    %add3A_471 = arith.addi %reduce_sum3A_364, %reduce_sum3A_470 : i32
    %eq3A_472 = arith.constant 4 : i32
    %eq3A_473 = vector.broadcast %eq3A_472 : i32 to vector<16xi32>
    %eq3A_474 = arith.cmpi eq, %get3A_400, %eq3A_473 : vector<16xi32>
    %convert_element_type3A_475 = arith.extui %eq3A_474 : vector<16xi1> to vector<16xi32>
    %broadcast_in_dim3A_476 = arith.constant true
    %broadcast_in_dim3A_477 = vector.broadcast %broadcast_in_dim3A_476 : i1 to vector<16xi1>
    %masked_cumsum3A_478 = tpu.scan <sum>, %convert_element_type3A_475 masked %broadcast_in_dim3A_477 : vector<16xi32>, vector<16xi1> -> vector<16xi32>
    %add3A_479 = vector.broadcast %reduce_sum3A_372 : i32 to vector<16xi32>
    %add3A_480 = arith.addi %add3A_479, %masked_cumsum3A_478 : vector<16xi32>
    %sub3A_481 = arith.constant 1 : i32
    %sub3A_482 = vector.broadcast %sub3A_481 : i32 to vector<16xi32>
    %sub3A_483 = arith.subi %add3A_480, %sub3A_482 : vector<16xi32>
    %select_n3A_484 = arith.select %eq3A_474, %sub3A_483, %select_n3A_466 : vector<16xi1>, vector<16xi32>
    %reduce_sum3A_485 = arith.constant true
    %reduce_sum3A_486 = vector.broadcast %reduce_sum3A_485 : i1 to vector<16xi1>
    %reduce_sum3A_487 = tpu.scan <sum>, %convert_element_type3A_475 masked %reduce_sum3A_486 : vector<16xi32>, vector<16xi1> -> vector<16xi32>
    %reduce_sum3A_488 = vector.extract %reduce_sum3A_487[15] : i32 from vector<16xi32>
    %add3A_489 = arith.addi %reduce_sum3A_372, %reduce_sum3A_488 : i32
    %eq3A_490 = arith.constant 5 : i32
    %eq3A_491 = vector.broadcast %eq3A_490 : i32 to vector<16xi32>
    %eq3A_492 = arith.cmpi eq, %get3A_400, %eq3A_491 : vector<16xi32>
    %convert_element_type3A_493 = arith.extui %eq3A_492 : vector<16xi1> to vector<16xi32>
    %broadcast_in_dim3A_494 = arith.constant true
    %broadcast_in_dim3A_495 = vector.broadcast %broadcast_in_dim3A_494 : i1 to vector<16xi1>
    %masked_cumsum3A_496 = tpu.scan <sum>, %convert_element_type3A_493 masked %broadcast_in_dim3A_495 : vector<16xi32>, vector<16xi1> -> vector<16xi32>
    %add3A_497 = vector.broadcast %reduce_sum3A_380 : i32 to vector<16xi32>
    %add3A_498 = arith.addi %add3A_497, %masked_cumsum3A_496 : vector<16xi32>
    %sub3A_499 = arith.constant 1 : i32
    %sub3A_500 = vector.broadcast %sub3A_499 : i32 to vector<16xi32>
    %sub3A_501 = arith.subi %add3A_498, %sub3A_500 : vector<16xi32>
    %select_n3A_502 = arith.select %eq3A_492, %sub3A_501, %select_n3A_484 : vector<16xi1>, vector<16xi32>
    %reduce_sum3A_503 = arith.constant true
    %reduce_sum3A_504 = vector.broadcast %reduce_sum3A_503 : i1 to vector<16xi1>
    %reduce_sum3A_505 = tpu.scan <sum>, %convert_element_type3A_493 masked %reduce_sum3A_504 : vector<16xi32>, vector<16xi1> -> vector<16xi32>
    %reduce_sum3A_506 = vector.extract %reduce_sum3A_505[15] : i32 from vector<16xi32>
    %add3A_507 = arith.addi %reduce_sum3A_380, %reduce_sum3A_506 : i32
    %eq3A_508 = arith.constant 6 : i32
    %eq3A_509 = vector.broadcast %eq3A_508 : i32 to vector<16xi32>
    %eq3A_510 = arith.cmpi eq, %get3A_400, %eq3A_509 : vector<16xi32>
    %convert_element_type3A_511 = arith.extui %eq3A_510 : vector<16xi1> to vector<16xi32>
    %broadcast_in_dim3A_512 = arith.constant true
    %broadcast_in_dim3A_513 = vector.broadcast %broadcast_in_dim3A_512 : i1 to vector<16xi1>
    %masked_cumsum3A_514 = tpu.scan <sum>, %convert_element_type3A_511 masked %broadcast_in_dim3A_513 : vector<16xi32>, vector<16xi1> -> vector<16xi32>
    %add3A_515 = vector.broadcast %reduce_sum3A_388 : i32 to vector<16xi32>
    %add3A_516 = arith.addi %add3A_515, %masked_cumsum3A_514 : vector<16xi32>
    %sub3A_517 = arith.constant 1 : i32
    %sub3A_518 = vector.broadcast %sub3A_517 : i32 to vector<16xi32>
    %sub3A_519 = arith.subi %add3A_516, %sub3A_518 : vector<16xi32>
    %select_n3A_520 = arith.select %eq3A_510, %sub3A_519, %select_n3A_502 : vector<16xi1>, vector<16xi32>
    %reduce_sum3A_521 = arith.constant true
    %reduce_sum3A_522 = vector.broadcast %reduce_sum3A_521 : i1 to vector<16xi1>
    %reduce_sum3A_523 = tpu.scan <sum>, %convert_element_type3A_511 masked %reduce_sum3A_522 : vector<16xi32>, vector<16xi1> -> vector<16xi32>
    %reduce_sum3A_524 = vector.extract %reduce_sum3A_523[15] : i32 from vector<16xi32>
    %add3A_525 = arith.addi %reduce_sum3A_388, %reduce_sum3A_524 : i32
    %eq3A_526 = arith.constant 7 : i32
    %eq3A_527 = vector.broadcast %eq3A_526 : i32 to vector<16xi32>
    %eq3A_528 = arith.cmpi eq, %get3A_400, %eq3A_527 : vector<16xi32>
    %convert_element_type3A_529 = arith.extui %eq3A_528 : vector<16xi1> to vector<16xi32>
    %broadcast_in_dim3A_530 = arith.constant true
    %broadcast_in_dim3A_531 = vector.broadcast %broadcast_in_dim3A_530 : i1 to vector<16xi1>
    %masked_cumsum3A_532 = tpu.scan <sum>, %convert_element_type3A_529 masked %broadcast_in_dim3A_531 : vector<16xi32>, vector<16xi1> -> vector<16xi32>
    %add3A_533 = vector.broadcast %reduce_sum3A_396 : i32 to vector<16xi32>
    %add3A_534 = arith.addi %add3A_533, %masked_cumsum3A_532 : vector<16xi32>
    %sub3A_535 = arith.constant 1 : i32
    %sub3A_536 = vector.broadcast %sub3A_535 : i32 to vector<16xi32>
    %sub3A_537 = arith.subi %add3A_534, %sub3A_536 : vector<16xi32>
    %select_n3A_538 = arith.select %eq3A_528, %sub3A_537, %select_n3A_520 : vector<16xi1>, vector<16xi32>
    %reduce_sum3A_539 = arith.constant true
    %reduce_sum3A_540 = vector.broadcast %reduce_sum3A_539 : i1 to vector<16xi1>
    %reduce_sum3A_541 = tpu.scan <sum>, %convert_element_type3A_529 masked %reduce_sum3A_540 : vector<16xi32>, vector<16xi1> -> vector<16xi32>
    %reduce_sum3A_542 = vector.extract %reduce_sum3A_541[15] : i32 from vector<16xi32>
    %add3A_543 = arith.addi %reduce_sum3A_396, %reduce_sum3A_542 : i32
    %swap3A = arith.constant 0 : i32
    %swap3A_544 = arith.index_cast %swap3A : i32 to index
    %swap3A_545 = arith.constant 0 : index
    %swap3A_546 = tpu.vector_load %arg10[%swap3A_544, %swap3A_545] {strides = array<i32>} : memref<2x64xi32, #tpu.memory_space<vmem>>, vector<16xi32>,
    tpu.vector_store %arg10[%swap3A_544, %swap3A_545], %select_n3A_538 {strides = array<i32>} : memref<2x64xi32, #tpu.memory_space<vmem>>, vector<16xi32>,
    %get3A_547 = arith.constant 0 : i32
    %get3A_548 = arith.index_cast %get3A_547 : i32 to index
    %get3A_549 = arith.constant 16 : index
    %get3A_550 = tpu.vector_load %arg9[%get3A_548, %get3A_549] {strides = array<i32>} : memref<2x64xi32, #tpu.memory_space<vmem>>, vector<16xi32>,
    %eq3A_551 = arith.constant 0 : i32
    %eq3A_552 = vector.broadcast %eq3A_551 : i32 to vector<16xi32>
    %eq3A_553 = arith.cmpi eq, %get3A_550, %eq3A_552 : vector<16xi32>
    %convert_element_type3A_554 = arith.extui %eq3A_553 : vector<16xi1> to vector<16xi32>
    %broadcast_in_dim3A_555 = arith.constant true
    %broadcast_in_dim3A_556 = vector.broadcast %broadcast_in_dim3A_555 : i1 to vector<16xi1>
    %masked_cumsum3A_557 = tpu.scan <sum>, %convert_element_type3A_554 masked %broadcast_in_dim3A_556 : vector<16xi32>, vector<16xi1> -> vector<16xi32>
    %add3A_558 = vector.broadcast %add3A_417 : i32 to vector<16xi32>
    %add3A_559 = arith.addi %add3A_558, %masked_cumsum3A_557 : vector<16xi32>
    %sub3A_560 = arith.constant 1 : i32
    %sub3A_561 = vector.broadcast %sub3A_560 : i32 to vector<16xi32>
    %sub3A_562 = arith.subi %add3A_559, %sub3A_561 : vector<16xi32>
    %select_n3A_563 = arith.select %eq3A_553, %sub3A_562, %broadcast_in_dim3A_3 : vector<16xi1>, vector<16xi32>
    %reduce_sum3A_564 = arith.constant true
    %reduce_sum3A_565 = vector.broadcast %reduce_sum3A_564 : i1 to vector<16xi1>
    %reduce_sum3A_566 = tpu.scan <sum>, %convert_element_type3A_554 masked %reduce_sum3A_565 : vector<16xi32>, vector<16xi1> -> vector<16xi32>
    %reduce_sum3A_567 = vector.extract %reduce_sum3A_566[15] : i32 from vector<16xi32>
    %add3A_568 = arith.addi %add3A_417, %reduce_sum3A_567 : i32
    %eq3A_569 = arith.constant 1 : i32
    %eq3A_570 = vector.broadcast %eq3A_569 : i32 to vector<16xi32>
    %eq3A_571 = arith.cmpi eq, %get3A_550, %eq3A_570 : vector<16xi32>
    %convert_element_type3A_572 = arith.extui %eq3A_571 : vector<16xi1> to vector<16xi32>
    %broadcast_in_dim3A_573 = arith.constant true
    %broadcast_in_dim3A_574 = vector.broadcast %broadcast_in_dim3A_573 : i1 to vector<16xi1>
    %masked_cumsum3A_575 = tpu.scan <sum>, %convert_element_type3A_572 masked %broadcast_in_dim3A_574 : vector<16xi32>, vector<16xi1> -> vector<16xi32>
    %add3A_576 = vector.broadcast %add3A_435 : i32 to vector<16xi32>
    %add3A_577 = arith.addi %add3A_576, %masked_cumsum3A_575 : vector<16xi32>
    %sub3A_578 = arith.constant 1 : i32
    %sub3A_579 = vector.broadcast %sub3A_578 : i32 to vector<16xi32>
    %sub3A_580 = arith.subi %add3A_577, %sub3A_579 : vector<16xi32>
    %select_n3A_581 = arith.select %eq3A_571, %sub3A_580, %select_n3A_563 : vector<16xi1>, vector<16xi32>
    %reduce_sum3A_582 = arith.constant true
    %reduce_sum3A_583 = vector.broadcast %reduce_sum3A_582 : i1 to vector<16xi1>
    %reduce_sum3A_584 = tpu.scan <sum>, %convert_element_type3A_572 masked %reduce_sum3A_583 : vector<16xi32>, vector<16xi1> -> vector<16xi32>
    %reduce_sum3A_585 = vector.extract %reduce_sum3A_584[15] : i32 from vector<16xi32>
    %add3A_586 = arith.addi %add3A_435, %reduce_sum3A_585 : i32
    %eq3A_587 = arith.constant 2 : i32
    %eq3A_588 = vector.broadcast %eq3A_587 : i32 to vector<16xi32>
    %eq3A_589 = arith.cmpi eq, %get3A_550, %eq3A_588 : vector<16xi32>
    %convert_element_type3A_590 = arith.extui %eq3A_589 : vector<16xi1> to vector<16xi32>
    %broadcast_in_dim3A_591 = arith.constant true
    %broadcast_in_dim3A_592 = vector.broadcast %broadcast_in_dim3A_591 : i1 to vector<16xi1>
    %masked_cumsum3A_593 = tpu.scan <sum>, %convert_element_type3A_590 masked %broadcast_in_dim3A_592 : vector<16xi32>, vector<16xi1> -> vector<16xi32>
    %add3A_594 = vector.broadcast %add3A_453 : i32 to vector<16xi32>
    %add3A_595 = arith.addi %add3A_594, %masked_cumsum3A_593 : vector<16xi32>
    %sub3A_596 = arith.constant 1 : i32
    %sub3A_597 = vector.broadcast %sub3A_596 : i32 to vector<16xi32>
    %sub3A_598 = arith.subi %add3A_595, %sub3A_597 : vector<16xi32>
    %select_n3A_599 = arith.select %eq3A_589, %sub3A_598, %select_n3A_581 : vector<16xi1>, vector<16xi32>
    %reduce_sum3A_600 = arith.constant true
    %reduce_sum3A_601 = vector.broadcast %reduce_sum3A_600 : i1 to vector<16xi1>
    %reduce_sum3A_602 = tpu.scan <sum>, %convert_element_type3A_590 masked %reduce_sum3A_601 : vector<16xi32>, vector<16xi1> -> vector<16xi32>
    %reduce_sum3A_603 = vector.extract %reduce_sum3A_602[15] : i32 from vector<16xi32>
    %add3A_604 = arith.addi %add3A_453, %reduce_sum3A_603 : i32
    %eq3A_605 = arith.constant 3 : i32
    %eq3A_606 = vector.broadcast %eq3A_605 : i32 to vector<16xi32>
    %eq3A_607 = arith.cmpi eq, %get3A_550, %eq3A_606 : vector<16xi32>
    %convert_element_type3A_608 = arith.extui %eq3A_607 : vector<16xi1> to vector<16xi32>
    %broadcast_in_dim3A_609 = arith.constant true
    %broadcast_in_dim3A_610 = vector.broadcast %broadcast_in_dim3A_609 : i1 to vector<16xi1>
    %masked_cumsum3A_611 = tpu.scan <sum>, %convert_element_type3A_608 masked %broadcast_in_dim3A_610 : vector<16xi32>, vector<16xi1> -> vector<16xi32>
    %add3A_612 = vector.broadcast %add3A_471 : i32 to vector<16xi32>
    %add3A_613 = arith.addi %add3A_612, %masked_cumsum3A_611 : vector<16xi32>
    %sub3A_614 = arith.constant 1 : i32
    %sub3A_615 = vector.broadcast %sub3A_614 : i32 to vector<16xi32>
    %sub3A_616 = arith.subi %add3A_613, %sub3A_615 : vector<16xi32>
    %select_n3A_617 = arith.select %eq3A_607, %sub3A_616, %select_n3A_599 : vector<16xi1>, vector<16xi32>
    %reduce_sum3A_618 = arith.constant true
    %reduce_sum3A_619 = vector.broadcast %reduce_sum3A_618 : i1 to vector<16xi1>
    %reduce_sum3A_620 = tpu.scan <sum>, %convert_element_type3A_608 masked %reduce_sum3A_619 : vector<16xi32>, vector<16xi1> -> vector<16xi32>
    %reduce_sum3A_621 = vector.extract %reduce_sum3A_620[15] : i32 from vector<16xi32>
    %add3A_622 = arith.addi %add3A_471, %reduce_sum3A_621 : i32
    %eq3A_623 = arith.constant 4 : i32
    %eq3A_624 = vector.broadcast %eq3A_623 : i32 to vector<16xi32>
    %eq3A_625 = arith.cmpi eq, %get3A_550, %eq3A_624 : vector<16xi32>
    %convert_element_type3A_626 = arith.extui %eq3A_625 : vector<16xi1> to vector<16xi32>
    %broadcast_in_dim3A_627 = arith.constant true
    %broadcast_in_dim3A_628 = vector.broadcast %broadcast_in_dim3A_627 : i1 to vector<16xi1>
    %masked_cumsum3A_629 = tpu.scan <sum>, %convert_element_type3A_626 masked %broadcast_in_dim3A_628 : vector<16xi32>, vector<16xi1> -> vector<16xi32>
    %add3A_630 = vector.broadcast %add3A_489 : i32 to vector<16xi32>
    %add3A_631 = arith.addi %add3A_630, %masked_cumsum3A_629 : vector<16xi32>
    %sub3A_632 = arith.constant 1 : i32
    %sub3A_633 = vector.broadcast %sub3A_632 : i32 to vector<16xi32>
    %sub3A_634 = arith.subi %add3A_631, %sub3A_633 : vector<16xi32>
    %select_n3A_635 = arith.select %eq3A_625, %sub3A_634, %select_n3A_617 : vector<16xi1>, vector<16xi32>
    %reduce_sum3A_636 = arith.constant true
    %reduce_sum3A_637 = vector.broadcast %reduce_sum3A_636 : i1 to vector<16xi1>
    %reduce_sum3A_638 = tpu.scan <sum>, %convert_element_type3A_626 masked %reduce_sum3A_637 : vector<16xi32>, vector<16xi1> -> vector<16xi32>
    %reduce_sum3A_639 = vector.extract %reduce_sum3A_638[15] : i32 from vector<16xi32>
    %add3A_640 = arith.addi %add3A_489, %reduce_sum3A_639 : i32
    %eq3A_641 = arith.constant 5 : i32
    %eq3A_642 = vector.broadcast %eq3A_641 : i32 to vector<16xi32>
    %eq3A_643 = arith.cmpi eq, %get3A_550, %eq3A_642 : vector<16xi32>
    %convert_element_type3A_644 = arith.extui %eq3A_643 : vector<16xi1> to vector<16xi32>
    %broadcast_in_dim3A_645 = arith.constant true
    %broadcast_in_dim3A_646 = vector.broadcast %broadcast_in_dim3A_645 : i1 to vector<16xi1>
    %masked_cumsum3A_647 = tpu.scan <sum>, %convert_element_type3A_644 masked %broadcast_in_dim3A_646 : vector<16xi32>, vector<16xi1> -> vector<16xi32>
    %add3A_648 = vector.broadcast %add3A_507 : i32 to vector<16xi32>
    %add3A_649 = arith.addi %add3A_648, %masked_cumsum3A_647 : vector<16xi32>
    %sub3A_650 = arith.constant 1 : i32
    %sub3A_651 = vector.broadcast %sub3A_650 : i32 to vector<16xi32>
    %sub3A_652 = arith.subi %add3A_649, %sub3A_651 : vector<16xi32>
    %select_n3A_653 = arith.select %eq3A_643, %sub3A_652, %select_n3A_635 : vector<16xi1>, vector<16xi32>
    %reduce_sum3A_654 = arith.constant true
    %reduce_sum3A_655 = vector.broadcast %reduce_sum3A_654 : i1 to vector<16xi1>
    %reduce_sum3A_656 = tpu.scan <sum>, %convert_element_type3A_644 masked %reduce_sum3A_655 : vector<16xi32>, vector<16xi1> -> vector<16xi32>
    %reduce_sum3A_657 = vector.extract %reduce_sum3A_656[15] : i32 from vector<16xi32>
    %add3A_658 = arith.addi %add3A_507, %reduce_sum3A_657 : i32
    %eq3A_659 = arith.constant 6 : i32
    %eq3A_660 = vector.broadcast %eq3A_659 : i32 to vector<16xi32>
    %eq3A_661 = arith.cmpi eq, %get3A_550, %eq3A_660 : vector<16xi32>
    %convert_element_type3A_662 = arith.extui %eq3A_661 : vector<16xi1> to vector<16xi32>
    %broadcast_in_dim3A_663 = arith.constant true
    %broadcast_in_dim3A_664 = vector.broadcast %broadcast_in_dim3A_663 : i1 to vector<16xi1>
    %masked_cumsum3A_665 = tpu.scan <sum>, %convert_element_type3A_662 masked %broadcast_in_dim3A_664 : vector<16xi32>, vector<16xi1> -> vector<16xi32>
    %add3A_666 = vector.broadcast %add3A_525 : i32 to vector<16xi32>
    %add3A_667 = arith.addi %add3A_666, %masked_cumsum3A_665 : vector<16xi32>
    %sub3A_668 = arith.constant 1 : i32
    %sub3A_669 = vector.broadcast %sub3A_668 : i32 to vector<16xi32>
    %sub3A_670 = arith.subi %add3A_667, %sub3A_669 : vector<16xi32>
    %select_n3A_671 = arith.select %eq3A_661, %sub3A_670, %select_n3A_653 : vector<16xi1>, vector<16xi32>
    %reduce_sum3A_672 = arith.constant true
    %reduce_sum3A_673 = vector.broadcast %reduce_sum3A_672 : i1 to vector<16xi1>
    %reduce_sum3A_674 = tpu.scan <sum>, %convert_element_type3A_662 masked %reduce_sum3A_673 : vector<16xi32>, vector<16xi1> -> vector<16xi32>
    %reduce_sum3A_675 = vector.extract %reduce_sum3A_674[15] : i32 from vector<16xi32>
    %add3A_676 = arith.addi %add3A_525, %reduce_sum3A_675 : i32
    %eq3A_677 = arith.constant 7 : i32
    %eq3A_678 = vector.broadcast %eq3A_677 : i32 to vector<16xi32>
    %eq3A_679 = arith.cmpi eq, %get3A_550, %eq3A_678 : vector<16xi32>
    %convert_element_type3A_680 = arith.extui %eq3A_679 : vector<16xi1> to vector<16xi32>
    %broadcast_in_dim3A_681 = arith.constant true
    %broadcast_in_dim3A_682 = vector.broadcast %broadcast_in_dim3A_681 : i1 to vector<16xi1>
    %masked_cumsum3A_683 = tpu.scan <sum>, %convert_element_type3A_680 masked %broadcast_in_dim3A_682 : vector<16xi32>, vector<16xi1> -> vector<16xi32>
    %add3A_684 = vector.broadcast %add3A_543 : i32 to vector<16xi32>
    %add3A_685 = arith.addi %add3A_684, %masked_cumsum3A_683 : vector<16xi32>
    %sub3A_686 = arith.constant 1 : i32
    %sub3A_687 = vector.broadcast %sub3A_686 : i32 to vector<16xi32>
    %sub3A_688 = arith.subi %add3A_685, %sub3A_687 : vector<16xi32>
    %select_n3A_689 = arith.select %eq3A_679, %sub3A_688, %select_n3A_671 : vector<16xi1>, vector<16xi32>
    %reduce_sum3A_690 = arith.constant true
    %reduce_sum3A_691 = vector.broadcast %reduce_sum3A_690 : i1 to vector<16xi1>
    %reduce_sum3A_692 = tpu.scan <sum>, %convert_element_type3A_680 masked %reduce_sum3A_691 : vector<16xi32>, vector<16xi1> -> vector<16xi32>
    %reduce_sum3A_693 = vector.extract %reduce_sum3A_692[15] : i32 from vector<16xi32>
    %add3A_694 = arith.addi %add3A_543, %reduce_sum3A_693 : i32
    %swap3A_695 = arith.constant 0 : i32
    %swap3A_696 = arith.index_cast %swap3A_695 : i32 to index
    %swap3A_697 = arith.constant 16 : index
    %swap3A_698 = tpu.vector_load %arg10[%swap3A_696, %swap3A_697] {strides = array<i32>} : memref<2x64xi32, #tpu.memory_space<vmem>>, vector<16xi32>,
    tpu.vector_store %arg10[%swap3A_696, %swap3A_697], %select_n3A_689 {strides = array<i32>} : memref<2x64xi32, #tpu.memory_space<vmem>>, vector<16xi32>,
    %get3A_699 = arith.constant 0 : i32
    %get3A_700 = arith.index_cast %get3A_699 : i32 to index
    %get3A_701 = arith.constant 32 : index
    %get3A_702 = tpu.vector_load %arg9[%get3A_700, %get3A_701] {strides = array<i32>} : memref<2x64xi32, #tpu.memory_space<vmem>>, vector<16xi32>,
    %eq3A_703 = arith.constant 0 : i32
    %eq3A_704 = vector.broadcast %eq3A_703 : i32 to vector<16xi32>
    %eq3A_705 = arith.cmpi eq, %get3A_702, %eq3A_704 : vector<16xi32>
    %convert_element_type3A_706 = arith.extui %eq3A_705 : vector<16xi1> to vector<16xi32>
    %broadcast_in_dim3A_707 = arith.constant true
    %broadcast_in_dim3A_708 = vector.broadcast %broadcast_in_dim3A_707 : i1 to vector<16xi1>
    %masked_cumsum3A_709 = tpu.scan <sum>, %convert_element_type3A_706 masked %broadcast_in_dim3A_708 : vector<16xi32>, vector<16xi1> -> vector<16xi32>
    %add3A_710 = vector.broadcast %add3A_568 : i32 to vector<16xi32>
    %add3A_711 = arith.addi %add3A_710, %masked_cumsum3A_709 : vector<16xi32>
    %sub3A_712 = arith.constant 1 : i32
    %sub3A_713 = vector.broadcast %sub3A_712 : i32 to vector<16xi32>
    %sub3A_714 = arith.subi %add3A_711, %sub3A_713 : vector<16xi32>
    %select_n3A_715 = arith.select %eq3A_705, %sub3A_714, %broadcast_in_dim3A_3 : vector<16xi1>, vector<16xi32>
    %reduce_sum3A_716 = arith.constant true
    %reduce_sum3A_717 = vector.broadcast %reduce_sum3A_716 : i1 to vector<16xi1>
    %reduce_sum3A_718 = tpu.scan <sum>, %convert_element_type3A_706 masked %reduce_sum3A_717 : vector<16xi32>, vector<16xi1> -> vector<16xi32>
    %reduce_sum3A_719 = vector.extract %reduce_sum3A_718[15] : i32 from vector<16xi32>
    %add3A_720 = arith.addi %add3A_568, %reduce_sum3A_719 : i32
    %eq3A_721 = arith.constant 1 : i32
    %eq3A_722 = vector.broadcast %eq3A_721 : i32 to vector<16xi32>
    %eq3A_723 = arith.cmpi eq, %get3A_702, %eq3A_722 : vector<16xi32>
    %convert_element_type3A_724 = arith.extui %eq3A_723 : vector<16xi1> to vector<16xi32>
    %broadcast_in_dim3A_725 = arith.constant true
    %broadcast_in_dim3A_726 = vector.broadcast %broadcast_in_dim3A_725 : i1 to vector<16xi1>
    %masked_cumsum3A_727 = tpu.scan <sum>, %convert_element_type3A_724 masked %broadcast_in_dim3A_726 : vector<16xi32>, vector<16xi1> -> vector<16xi32>
    %add3A_728 = vector.broadcast %add3A_586 : i32 to vector<16xi32>
    %add3A_729 = arith.addi %add3A_728, %masked_cumsum3A_727 : vector<16xi32>
    %sub3A_730 = arith.constant 1 : i32
    %sub3A_731 = vector.broadcast %sub3A_730 : i32 to vector<16xi32>
    %sub3A_732 = arith.subi %add3A_729, %sub3A_731 : vector<16xi32>
    %select_n3A_733 = arith.select %eq3A_723, %sub3A_732, %select_n3A_715 : vector<16xi1>, vector<16xi32>
    %reduce_sum3A_734 = arith.constant true
    %reduce_sum3A_735 = vector.broadcast %reduce_sum3A_734 : i1 to vector<16xi1>
    %reduce_sum3A_736 = tpu.scan <sum>, %convert_element_type3A_724 masked %reduce_sum3A_735 : vector<16xi32>, vector<16xi1> -> vector<16xi32>
    %reduce_sum3A_737 = vector.extract %reduce_sum3A_736[15] : i32 from vector<16xi32>
    %add3A_738 = arith.addi %add3A_586, %reduce_sum3A_737 : i32
    %eq3A_739 = arith.constant 2 : i32
    %eq3A_740 = vector.broadcast %eq3A_739 : i32 to vector<16xi32>
    %eq3A_741 = arith.cmpi eq, %get3A_702, %eq3A_740 : vector<16xi32>
    %convert_element_type3A_742 = arith.extui %eq3A_741 : vector<16xi1> to vector<16xi32>
    %broadcast_in_dim3A_743 = arith.constant true
    %broadcast_in_dim3A_744 = vector.broadcast %broadcast_in_dim3A_743 : i1 to vector<16xi1>
    %masked_cumsum3A_745 = tpu.scan <sum>, %convert_element_type3A_742 masked %broadcast_in_dim3A_744 : vector<16xi32>, vector<16xi1> -> vector<16xi32>
    %add3A_746 = vector.broadcast %add3A_604 : i32 to vector<16xi32>
    %add3A_747 = arith.addi %add3A_746, %masked_cumsum3A_745 : vector<16xi32>
    %sub3A_748 = arith.constant 1 : i32
    %sub3A_749 = vector.broadcast %sub3A_748 : i32 to vector<16xi32>
    %sub3A_750 = arith.subi %add3A_747, %sub3A_749 : vector<16xi32>
    %select_n3A_751 = arith.select %eq3A_741, %sub3A_750, %select_n3A_733 : vector<16xi1>, vector<16xi32>
    %reduce_sum3A_752 = arith.constant true
    %reduce_sum3A_753 = vector.broadcast %reduce_sum3A_752 : i1 to vector<16xi1>
    %reduce_sum3A_754 = tpu.scan <sum>, %convert_element_type3A_742 masked %reduce_sum3A_753 : vector<16xi32>, vector<16xi1> -> vector<16xi32>
    %reduce_sum3A_755 = vector.extract %reduce_sum3A_754[15] : i32 from vector<16xi32>
    %add3A_756 = arith.addi %add3A_604, %reduce_sum3A_755 : i32
    %eq3A_757 = arith.constant 3 : i32
    %eq3A_758 = vector.broadcast %eq3A_757 : i32 to vector<16xi32>
    %eq3A_759 = arith.cmpi eq, %get3A_702, %eq3A_758 : vector<16xi32>
    %convert_element_type3A_760 = arith.extui %eq3A_759 : vector<16xi1> to vector<16xi32>
    %broadcast_in_dim3A_761 = arith.constant true
    %broadcast_in_dim3A_762 = vector.broadcast %broadcast_in_dim3A_761 : i1 to vector<16xi1>
    %masked_cumsum3A_763 = tpu.scan <sum>, %convert_element_type3A_760 masked %broadcast_in_dim3A_762 : vector<16xi32>, vector<16xi1> -> vector<16xi32>
    %add3A_764 = vector.broadcast %add3A_622 : i32 to vector<16xi32>
    %add3A_765 = arith.addi %add3A_764, %masked_cumsum3A_763 : vector<16xi32>
    %sub3A_766 = arith.constant 1 : i32
    %sub3A_767 = vector.broadcast %sub3A_766 : i32 to vector<16xi32>
    %sub3A_768 = arith.subi %add3A_765, %sub3A_767 : vector<16xi32>
    %select_n3A_769 = arith.select %eq3A_759, %sub3A_768, %select_n3A_751 : vector<16xi1>, vector<16xi32>
    %reduce_sum3A_770 = arith.constant true
    %reduce_sum3A_771 = vector.broadcast %reduce_sum3A_770 : i1 to vector<16xi1>
    %reduce_sum3A_772 = tpu.scan <sum>, %convert_element_type3A_760 masked %reduce_sum3A_771 : vector<16xi32>, vector<16xi1> -> vector<16xi32>
    %reduce_sum3A_773 = vector.extract %reduce_sum3A_772[15] : i32 from vector<16xi32>
    %add3A_774 = arith.addi %add3A_622, %reduce_sum3A_773 : i32
    %eq3A_775 = arith.constant 4 : i32
    %eq3A_776 = vector.broadcast %eq3A_775 : i32 to vector<16xi32>
    %eq3A_777 = arith.cmpi eq, %get3A_702, %eq3A_776 : vector<16xi32>
    %convert_element_type3A_778 = arith.extui %eq3A_777 : vector<16xi1> to vector<16xi32>
    %broadcast_in_dim3A_779 = arith.constant true
    %broadcast_in_dim3A_780 = vector.broadcast %broadcast_in_dim3A_779 : i1 to vector<16xi1>
    %masked_cumsum3A_781 = tpu.scan <sum>, %convert_element_type3A_778 masked %broadcast_in_dim3A_780 : vector<16xi32>, vector<16xi1> -> vector<16xi32>
    %add3A_782 = vector.broadcast %add3A_640 : i32 to vector<16xi32>
    %add3A_783 = arith.addi %add3A_782, %masked_cumsum3A_781 : vector<16xi32>
    %sub3A_784 = arith.constant 1 : i32
    %sub3A_785 = vector.broadcast %sub3A_784 : i32 to vector<16xi32>
    %sub3A_786 = arith.subi %add3A_783, %sub3A_785 : vector<16xi32>
    %select_n3A_787 = arith.select %eq3A_777, %sub3A_786, %select_n3A_769 : vector<16xi1>, vector<16xi32>
    %reduce_sum3A_788 = arith.constant true
    %reduce_sum3A_789 = vector.broadcast %reduce_sum3A_788 : i1 to vector<16xi1>
    %reduce_sum3A_790 = tpu.scan <sum>, %convert_element_type3A_778 masked %reduce_sum3A_789 : vector<16xi32>, vector<16xi1> -> vector<16xi32>
    %reduce_sum3A_791 = vector.extract %reduce_sum3A_790[15] : i32 from vector<16xi32>
    %add3A_792 = arith.addi %add3A_640, %reduce_sum3A_791 : i32
    %eq3A_793 = arith.constant 5 : i32
    %eq3A_794 = vector.broadcast %eq3A_793 : i32 to vector<16xi32>
    %eq3A_795 = arith.cmpi eq, %get3A_702, %eq3A_794 : vector<16xi32>
    %convert_element_type3A_796 = arith.extui %eq3A_795 : vector<16xi1> to vector<16xi32>
    %broadcast_in_dim3A_797 = arith.constant true
    %broadcast_in_dim3A_798 = vector.broadcast %broadcast_in_dim3A_797 : i1 to vector<16xi1>
    %masked_cumsum3A_799 = tpu.scan <sum>, %convert_element_type3A_796 masked %broadcast_in_dim3A_798 : vector<16xi32>, vector<16xi1> -> vector<16xi32>
    %add3A_800 = vector.broadcast %add3A_658 : i32 to vector<16xi32>
    %add3A_801 = arith.addi %add3A_800, %masked_cumsum3A_799 : vector<16xi32>
    %sub3A_802 = arith.constant 1 : i32
    %sub3A_803 = vector.broadcast %sub3A_802 : i32 to vector<16xi32>
    %sub3A_804 = arith.subi %add3A_801, %sub3A_803 : vector<16xi32>
    %select_n3A_805 = arith.select %eq3A_795, %sub3A_804, %select_n3A_787 : vector<16xi1>, vector<16xi32>
    %reduce_sum3A_806 = arith.constant true
    %reduce_sum3A_807 = vector.broadcast %reduce_sum3A_806 : i1 to vector<16xi1>
    %reduce_sum3A_808 = tpu.scan <sum>, %convert_element_type3A_796 masked %reduce_sum3A_807 : vector<16xi32>, vector<16xi1> -> vector<16xi32>
    %reduce_sum3A_809 = vector.extract %reduce_sum3A_808[15] : i32 from vector<16xi32>
    %add3A_810 = arith.addi %add3A_658, %reduce_sum3A_809 : i32
    %eq3A_811 = arith.constant 6 : i32
    %eq3A_812 = vector.broadcast %eq3A_811 : i32 to vector<16xi32>
    %eq3A_813 = arith.cmpi eq, %get3A_702, %eq3A_812 : vector<16xi32>
    %convert_element_type3A_814 = arith.extui %eq3A_813 : vector<16xi1> to vector<16xi32>
    %broadcast_in_dim3A_815 = arith.constant true
    %broadcast_in_dim3A_816 = vector.broadcast %broadcast_in_dim3A_815 : i1 to vector<16xi1>
    %masked_cumsum3A_817 = tpu.scan <sum>, %convert_element_type3A_814 masked %broadcast_in_dim3A_816 : vector<16xi32>, vector<16xi1> -> vector<16xi32>
    %add3A_818 = vector.broadcast %add3A_676 : i32 to vector<16xi32>
    %add3A_819 = arith.addi %add3A_818, %masked_cumsum3A_817 : vector<16xi32>
    %sub3A_820 = arith.constant 1 : i32
    %sub3A_821 = vector.broadcast %sub3A_820 : i32 to vector<16xi32>
    %sub3A_822 = arith.subi %add3A_819, %sub3A_821 : vector<16xi32>
    %select_n3A_823 = arith.select %eq3A_813, %sub3A_822, %select_n3A_805 : vector<16xi1>, vector<16xi32>
    %reduce_sum3A_824 = arith.constant true
    %reduce_sum3A_825 = vector.broadcast %reduce_sum3A_824 : i1 to vector<16xi1>
    %reduce_sum3A_826 = tpu.scan <sum>, %convert_element_type3A_814 masked %reduce_sum3A_825 : vector<16xi32>, vector<16xi1> -> vector<16xi32>
    %reduce_sum3A_827 = vector.extract %reduce_sum3A_826[15] : i32 from vector<16xi32>
    %add3A_828 = arith.addi %add3A_676, %reduce_sum3A_827 : i32
    %eq3A_829 = arith.constant 7 : i32
    %eq3A_830 = vector.broadcast %eq3A_829 : i32 to vector<16xi32>
    %eq3A_831 = arith.cmpi eq, %get3A_702, %eq3A_830 : vector<16xi32>
    %convert_element_type3A_832 = arith.extui %eq3A_831 : vector<16xi1> to vector<16xi32>
    %broadcast_in_dim3A_833 = arith.constant true
    %broadcast_in_dim3A_834 = vector.broadcast %broadcast_in_dim3A_833 : i1 to vector<16xi1>
    %masked_cumsum3A_835 = tpu.scan <sum>, %convert_element_type3A_832 masked %broadcast_in_dim3A_834 : vector<16xi32>, vector<16xi1> -> vector<16xi32>
    %add3A_836 = vector.broadcast %add3A_694 : i32 to vector<16xi32>
    %add3A_837 = arith.addi %add3A_836, %masked_cumsum3A_835 : vector<16xi32>
    %sub3A_838 = arith.constant 1 : i32
    %sub3A_839 = vector.broadcast %sub3A_838 : i32 to vector<16xi32>
    %sub3A_840 = arith.subi %add3A_837, %sub3A_839 : vector<16xi32>
    %select_n3A_841 = arith.select %eq3A_831, %sub3A_840, %select_n3A_823 : vector<16xi1>, vector<16xi32>
    %reduce_sum3A_842 = arith.constant true
    %reduce_sum3A_843 = vector.broadcast %reduce_sum3A_842 : i1 to vector<16xi1>
    %reduce_sum3A_844 = tpu.scan <sum>, %convert_element_type3A_832 masked %reduce_sum3A_843 : vector<16xi32>, vector<16xi1> -> vector<16xi32>
    %reduce_sum3A_845 = vector.extract %reduce_sum3A_844[15] : i32 from vector<16xi32>
    %add3A_846 = arith.addi %add3A_694, %reduce_sum3A_845 : i32
    %swap3A_847 = arith.constant 0 : i32
    %swap3A_848 = arith.index_cast %swap3A_847 : i32 to index
    %swap3A_849 = arith.constant 32 : index
    %swap3A_850 = tpu.vector_load %arg10[%swap3A_848, %swap3A_849] {strides = array<i32>} : memref<2x64xi32, #tpu.memory_space<vmem>>, vector<16xi32>,
    tpu.vector_store %arg10[%swap3A_848, %swap3A_849], %select_n3A_841 {strides = array<i32>} : memref<2x64xi32, #tpu.memory_space<vmem>>, vector<16xi32>,
    %get3A_851 = arith.constant 0 : i32
    %get3A_852 = arith.index_cast %get3A_851 : i32 to index
    %get3A_853 = arith.constant 48 : index
    %get3A_854 = tpu.vector_load %arg9[%get3A_852, %get3A_853] {strides = array<i32>} : memref<2x64xi32, #tpu.memory_space<vmem>>, vector<16xi32>,
    %eq3A_855 = arith.constant 0 : i32
    %eq3A_856 = vector.broadcast %eq3A_855 : i32 to vector<16xi32>
    %eq3A_857 = arith.cmpi eq, %get3A_854, %eq3A_856 : vector<16xi32>
    %convert_element_type3A_858 = arith.extui %eq3A_857 : vector<16xi1> to vector<16xi32>
    %broadcast_in_dim3A_859 = arith.constant true
    %broadcast_in_dim3A_860 = vector.broadcast %broadcast_in_dim3A_859 : i1 to vector<16xi1>
    %masked_cumsum3A_861 = tpu.scan <sum>, %convert_element_type3A_858 masked %broadcast_in_dim3A_860 : vector<16xi32>, vector<16xi1> -> vector<16xi32>
    %add3A_862 = vector.broadcast %add3A_720 : i32 to vector<16xi32>
    %add3A_863 = arith.addi %add3A_862, %masked_cumsum3A_861 : vector<16xi32>
    %sub3A_864 = arith.constant 1 : i32
    %sub3A_865 = vector.broadcast %sub3A_864 : i32 to vector<16xi32>
    %sub3A_866 = arith.subi %add3A_863, %sub3A_865 : vector<16xi32>
    %select_n3A_867 = arith.select %eq3A_857, %sub3A_866, %broadcast_in_dim3A_3 : vector<16xi1>, vector<16xi32>
    %reduce_sum3A_868 = arith.constant true
    %reduce_sum3A_869 = vector.broadcast %reduce_sum3A_868 : i1 to vector<16xi1>
    %reduce_sum3A_870 = tpu.scan <sum>, %convert_element_type3A_858 masked %reduce_sum3A_869 : vector<16xi32>, vector<16xi1> -> vector<16xi32>
    %reduce_sum3A_871 = vector.extract %reduce_sum3A_870[15] : i32 from vector<16xi32>
    %add3A_872 = arith.addi %add3A_720, %reduce_sum3A_871 : i32
    %eq3A_873 = arith.constant 1 : i32
    %eq3A_874 = vector.broadcast %eq3A_873 : i32 to vector<16xi32>
    %eq3A_875 = arith.cmpi eq, %get3A_854, %eq3A_874 : vector<16xi32>
    %convert_element_type3A_876 = arith.extui %eq3A_875 : vector<16xi1> to vector<16xi32>
    %broadcast_in_dim3A_877 = arith.constant true
    %broadcast_in_dim3A_878 = vector.broadcast %broadcast_in_dim3A_877 : i1 to vector<16xi1>
    %masked_cumsum3A_879 = tpu.scan <sum>, %convert_element_type3A_876 masked %broadcast_in_dim3A_878 : vector<16xi32>, vector<16xi1> -> vector<16xi32>
    %add3A_880 = vector.broadcast %add3A_738 : i32 to vector<16xi32>
    %add3A_881 = arith.addi %add3A_880, %masked_cumsum3A_879 : vector<16xi32>
    %sub3A_882 = arith.constant 1 : i32
    %sub3A_883 = vector.broadcast %sub3A_882 : i32 to vector<16xi32>
    %sub3A_884 = arith.subi %add3A_881, %sub3A_883 : vector<16xi32>
    %select_n3A_885 = arith.select %eq3A_875, %sub3A_884, %select_n3A_867 : vector<16xi1>, vector<16xi32>
    %reduce_sum3A_886 = arith.constant true
    %reduce_sum3A_887 = vector.broadcast %reduce_sum3A_886 : i1 to vector<16xi1>
    %reduce_sum3A_888 = tpu.scan <sum>, %convert_element_type3A_876 masked %reduce_sum3A_887 : vector<16xi32>, vector<16xi1> -> vector<16xi32>
    %reduce_sum3A_889 = vector.extract %reduce_sum3A_888[15] : i32 from vector<16xi32>
    %add3A_890 = arith.addi %add3A_738, %reduce_sum3A_889 : i32
    %eq3A_891 = arith.constant 2 : i32
    %eq3A_892 = vector.broadcast %eq3A_891 : i32 to vector<16xi32>
    %eq3A_893 = arith.cmpi eq, %get3A_854, %eq3A_892 : vector<16xi32>
    %convert_element_type3A_894 = arith.extui %eq3A_893 : vector<16xi1> to vector<16xi32>
    %broadcast_in_dim3A_895 = arith.constant true
    %broadcast_in_dim3A_896 = vector.broadcast %broadcast_in_dim3A_895 : i1 to vector<16xi1>
    %masked_cumsum3A_897 = tpu.scan <sum>, %convert_element_type3A_894 masked %broadcast_in_dim3A_896 : vector<16xi32>, vector<16xi1> -> vector<16xi32>
    %add3A_898 = vector.broadcast %add3A_756 : i32 to vector<16xi32>
    %add3A_899 = arith.addi %add3A_898, %masked_cumsum3A_897 : vector<16xi32>
    %sub3A_900 = arith.constant 1 : i32
    %sub3A_901 = vector.broadcast %sub3A_900 : i32 to vector<16xi32>
    %sub3A_902 = arith.subi %add3A_899, %sub3A_901 : vector<16xi32>
    %select_n3A_903 = arith.select %eq3A_893, %sub3A_902, %select_n3A_885 : vector<16xi1>, vector<16xi32>
    %reduce_sum3A_904 = arith.constant true
    %reduce_sum3A_905 = vector.broadcast %reduce_sum3A_904 : i1 to vector<16xi1>
    %reduce_sum3A_906 = tpu.scan <sum>, %convert_element_type3A_894 masked %reduce_sum3A_905 : vector<16xi32>, vector<16xi1> -> vector<16xi32>
    %reduce_sum3A_907 = vector.extract %reduce_sum3A_906[15] : i32 from vector<16xi32>
    %add3A_908 = arith.addi %add3A_756, %reduce_sum3A_907 : i32
    %eq3A_909 = arith.constant 3 : i32
    %eq3A_910 = vector.broadcast %eq3A_909 : i32 to vector<16xi32>
    %eq3A_911 = arith.cmpi eq, %get3A_854, %eq3A_910 : vector<16xi32>
    %convert_element_type3A_912 = arith.extui %eq3A_911 : vector<16xi1> to vector<16xi32>
    %broadcast_in_dim3A_913 = arith.constant true
    %broadcast_in_dim3A_914 = vector.broadcast %broadcast_in_dim3A_913 : i1 to vector<16xi1>
    %masked_cumsum3A_915 = tpu.scan <sum>, %convert_element_type3A_912 masked %broadcast_in_dim3A_914 : vector<16xi32>, vector<16xi1> -> vector<16xi32>
    %add3A_916 = vector.broadcast %add3A_774 : i32 to vector<16xi32>
    %add3A_917 = arith.addi %add3A_916, %masked_cumsum3A_915 : vector<16xi32>
    %sub3A_918 = arith.constant 1 : i32
    %sub3A_919 = vector.broadcast %sub3A_918 : i32 to vector<16xi32>
    %sub3A_920 = arith.subi %add3A_917, %sub3A_919 : vector<16xi32>
    %select_n3A_921 = arith.select %eq3A_911, %sub3A_920, %select_n3A_903 : vector<16xi1>, vector<16xi32>
    %reduce_sum3A_922 = arith.constant true
    %reduce_sum3A_923 = vector.broadcast %reduce_sum3A_922 : i1 to vector<16xi1>
    %reduce_sum3A_924 = tpu.scan <sum>, %convert_element_type3A_912 masked %reduce_sum3A_923 : vector<16xi32>, vector<16xi1> -> vector<16xi32>
    %reduce_sum3A_925 = vector.extract %reduce_sum3A_924[15] : i32 from vector<16xi32>
    %add3A_926 = arith.addi %add3A_774, %reduce_sum3A_925 : i32
    %eq3A_927 = arith.constant 4 : i32
    %eq3A_928 = vector.broadcast %eq3A_927 : i32 to vector<16xi32>
    %eq3A_929 = arith.cmpi eq, %get3A_854, %eq3A_928 : vector<16xi32>
    %convert_element_type3A_930 = arith.extui %eq3A_929 : vector<16xi1> to vector<16xi32>
    %broadcast_in_dim3A_931 = arith.constant true
    %broadcast_in_dim3A_932 = vector.broadcast %broadcast_in_dim3A_931 : i1 to vector<16xi1>
    %masked_cumsum3A_933 = tpu.scan <sum>, %convert_element_type3A_930 masked %broadcast_in_dim3A_932 : vector<16xi32>, vector<16xi1> -> vector<16xi32>
    %add3A_934 = vector.broadcast %add3A_792 : i32 to vector<16xi32>
    %add3A_935 = arith.addi %add3A_934, %masked_cumsum3A_933 : vector<16xi32>
    %sub3A_936 = arith.constant 1 : i32
    %sub3A_937 = vector.broadcast %sub3A_936 : i32 to vector<16xi32>
    %sub3A_938 = arith.subi %add3A_935, %sub3A_937 : vector<16xi32>
    %select_n3A_939 = arith.select %eq3A_929, %sub3A_938, %select_n3A_921 : vector<16xi1>, vector<16xi32>
    %reduce_sum3A_940 = arith.constant true
    %reduce_sum3A_941 = vector.broadcast %reduce_sum3A_940 : i1 to vector<16xi1>
    %reduce_sum3A_942 = tpu.scan <sum>, %convert_element_type3A_930 masked %reduce_sum3A_941 : vector<16xi32>, vector<16xi1> -> vector<16xi32>
    %reduce_sum3A_943 = vector.extract %reduce_sum3A_942[15] : i32 from vector<16xi32>
    %add3A_944 = arith.addi %add3A_792, %reduce_sum3A_943 : i32
    %eq3A_945 = arith.constant 5 : i32
    %eq3A_946 = vector.broadcast %eq3A_945 : i32 to vector<16xi32>
    %eq3A_947 = arith.cmpi eq, %get3A_854, %eq3A_946 : vector<16xi32>
    %convert_element_type3A_948 = arith.extui %eq3A_947 : vector<16xi1> to vector<16xi32>
    %broadcast_in_dim3A_949 = arith.constant true
    %broadcast_in_dim3A_950 = vector.broadcast %broadcast_in_dim3A_949 : i1 to vector<16xi1>
    %masked_cumsum3A_951 = tpu.scan <sum>, %convert_element_type3A_948 masked %broadcast_in_dim3A_950 : vector<16xi32>, vector<16xi1> -> vector<16xi32>
    %add3A_952 = vector.broadcast %add3A_810 : i32 to vector<16xi32>
    %add3A_953 = arith.addi %add3A_952, %masked_cumsum3A_951 : vector<16xi32>
    %sub3A_954 = arith.constant 1 : i32
    %sub3A_955 = vector.broadcast %sub3A_954 : i32 to vector<16xi32>
    %sub3A_956 = arith.subi %add3A_953, %sub3A_955 : vector<16xi32>
    %select_n3A_957 = arith.select %eq3A_947, %sub3A_956, %select_n3A_939 : vector<16xi1>, vector<16xi32>
    %reduce_sum3A_958 = arith.constant true
    %reduce_sum3A_959 = vector.broadcast %reduce_sum3A_958 : i1 to vector<16xi1>
    %reduce_sum3A_960 = tpu.scan <sum>, %convert_element_type3A_948 masked %reduce_sum3A_959 : vector<16xi32>, vector<16xi1> -> vector<16xi32>
    %reduce_sum3A_961 = vector.extract %reduce_sum3A_960[15] : i32 from vector<16xi32>
    %add3A_962 = arith.addi %add3A_810, %reduce_sum3A_961 : i32
    %eq3A_963 = arith.constant 6 : i32
    %eq3A_964 = vector.broadcast %eq3A_963 : i32 to vector<16xi32>
    %eq3A_965 = arith.cmpi eq, %get3A_854, %eq3A_964 : vector<16xi32>
    %convert_element_type3A_966 = arith.extui %eq3A_965 : vector<16xi1> to vector<16xi32>
    %broadcast_in_dim3A_967 = arith.constant true
    %broadcast_in_dim3A_968 = vector.broadcast %broadcast_in_dim3A_967 : i1 to vector<16xi1>
    %masked_cumsum3A_969 = tpu.scan <sum>, %convert_element_type3A_966 masked %broadcast_in_dim3A_968 : vector<16xi32>, vector<16xi1> -> vector<16xi32>
    %add3A_970 = vector.broadcast %add3A_828 : i32 to vector<16xi32>
    %add3A_971 = arith.addi %add3A_970, %masked_cumsum3A_969 : vector<16xi32>
    %sub3A_972 = arith.constant 1 : i32
    %sub3A_973 = vector.broadcast %sub3A_972 : i32 to vector<16xi32>
    %sub3A_974 = arith.subi %add3A_971, %sub3A_973 : vector<16xi32>
    %select_n3A_975 = arith.select %eq3A_965, %sub3A_974, %select_n3A_957 : vector<16xi1>, vector<16xi32>
    %reduce_sum3A_976 = arith.constant true
    %reduce_sum3A_977 = vector.broadcast %reduce_sum3A_976 : i1 to vector<16xi1>
    %reduce_sum3A_978 = tpu.scan <sum>, %convert_element_type3A_966 masked %reduce_sum3A_977 : vector<16xi32>, vector<16xi1> -> vector<16xi32>
    %reduce_sum3A_979 = vector.extract %reduce_sum3A_978[15] : i32 from vector<16xi32>
    %add3A_980 = arith.addi %add3A_828, %reduce_sum3A_979 : i32
    %eq3A_981 = arith.constant 7 : i32
    %eq3A_982 = vector.broadcast %eq3A_981 : i32 to vector<16xi32>
    %eq3A_983 = arith.cmpi eq, %get3A_854, %eq3A_982 : vector<16xi32>
    %convert_element_type3A_984 = arith.extui %eq3A_983 : vector<16xi1> to vector<16xi32>
    %broadcast_in_dim3A_985 = arith.constant true
    %broadcast_in_dim3A_986 = vector.broadcast %broadcast_in_dim3A_985 : i1 to vector<16xi1>
    %masked_cumsum3A_987 = tpu.scan <sum>, %convert_element_type3A_984 masked %broadcast_in_dim3A_986 : vector<16xi32>, vector<16xi1> -> vector<16xi32>
    %add3A_988 = vector.broadcast %add3A_846 : i32 to vector<16xi32>
    %add3A_989 = arith.addi %add3A_988, %masked_cumsum3A_987 : vector<16xi32>
    %sub3A_990 = arith.constant 1 : i32
    %sub3A_991 = vector.broadcast %sub3A_990 : i32 to vector<16xi32>
    %sub3A_992 = arith.subi %add3A_989, %sub3A_991 : vector<16xi32>
    %select_n3A_993 = arith.select %eq3A_983, %sub3A_992, %select_n3A_975 : vector<16xi1>, vector<16xi32>
    %reduce_sum3A_994 = arith.constant true
    %reduce_sum3A_995 = vector.broadcast %reduce_sum3A_994 : i1 to vector<16xi1>
    %reduce_sum3A_996 = tpu.scan <sum>, %convert_element_type3A_984 masked %reduce_sum3A_995 : vector<16xi32>, vector<16xi1> -> vector<16xi32>
    %reduce_sum3A_997 = vector.extract %reduce_sum3A_996[15] : i32 from vector<16xi32>
    %add3A_998 = arith.addi %add3A_846, %reduce_sum3A_997 : i32
    %swap3A_999 = arith.constant 0 : i32
    %swap3A_1000 = arith.index_cast %swap3A_999 : i32 to index
    %swap3A_1001 = arith.constant 48 : index
    %swap3A_1002 = tpu.vector_load %arg10[%swap3A_1000, %swap3A_1001] {strides = array<i32>} : memref<2x64xi32, #tpu.memory_space<vmem>>, vector<16xi32>,
    tpu.vector_store %arg10[%swap3A_1000, %swap3A_1001], %select_n3A_993 {strides = array<i32>} : memref<2x64xi32, #tpu.memory_space<vmem>>, vector<16xi32>,
    %get3A_1003 = arith.constant 1 : i32
    %get3A_1004 = arith.index_cast %get3A_1003 : i32 to index
    %get3A_1005 = arith.constant 0 : index
    %get3A_1006 = tpu.vector_load %arg9[%get3A_1004, %get3A_1005] {strides = array<i32>} : memref<2x64xi32, #tpu.memory_space<vmem>>, vector<16xi32>,
    %eq3A_1007 = arith.constant 0 : i32
    %eq3A_1008 = vector.broadcast %eq3A_1007 : i32 to vector<16xi32>
    %eq3A_1009 = arith.cmpi eq, %get3A_1006, %eq3A_1008 : vector<16xi32>
    %convert_element_type3A_1010 = arith.extui %eq3A_1009 : vector<16xi1> to vector<16xi32>
    %broadcast_in_dim3A_1011 = arith.constant true
    %broadcast_in_dim3A_1012 = vector.broadcast %broadcast_in_dim3A_1011 : i1 to vector<16xi1>
    %masked_cumsum3A_1013 = tpu.scan <sum>, %convert_element_type3A_1010 masked %broadcast_in_dim3A_1012 : vector<16xi32>, vector<16xi1> -> vector<16xi32>
    %add3A_1014 = vector.broadcast %add3A_872 : i32 to vector<16xi32>
    %add3A_1015 = arith.addi %add3A_1014, %masked_cumsum3A_1013 : vector<16xi32>
    %sub3A_1016 = arith.constant 1 : i32
    %sub3A_1017 = vector.broadcast %sub3A_1016 : i32 to vector<16xi32>
    %sub3A_1018 = arith.subi %add3A_1015, %sub3A_1017 : vector<16xi32>
    %select_n3A_1019 = arith.select %eq3A_1009, %sub3A_1018, %broadcast_in_dim3A_3 : vector<16xi1>, vector<16xi32>
    %reduce_sum3A_1020 = arith.constant true
    %reduce_sum3A_1021 = vector.broadcast %reduce_sum3A_1020 : i1 to vector<16xi1>
    %reduce_sum3A_1022 = tpu.scan <sum>, %convert_element_type3A_1010 masked %reduce_sum3A_1021 : vector<16xi32>, vector<16xi1> -> vector<16xi32>
    %reduce_sum3A_1023 = vector.extract %reduce_sum3A_1022[15] : i32 from vector<16xi32>
    %add3A_1024 = arith.addi %add3A_872, %reduce_sum3A_1023 : i32
    %eq3A_1025 = arith.constant 1 : i32
    %eq3A_1026 = vector.broadcast %eq3A_1025 : i32 to vector<16xi32>
    %eq3A_1027 = arith.cmpi eq, %get3A_1006, %eq3A_1026 : vector<16xi32>
    %convert_element_type3A_1028 = arith.extui %eq3A_1027 : vector<16xi1> to vector<16xi32>
    %broadcast_in_dim3A_1029 = arith.constant true
    %broadcast_in_dim3A_1030 = vector.broadcast %broadcast_in_dim3A_1029 : i1 to vector<16xi1>
    %masked_cumsum3A_1031 = tpu.scan <sum>, %convert_element_type3A_1028 masked %broadcast_in_dim3A_1030 : vector<16xi32>, vector<16xi1> -> vector<16xi32>
    %add3A_1032 = vector.broadcast %add3A_890 : i32 to vector<16xi32>
    %add3A_1033 = arith.addi %add3A_1032, %masked_cumsum3A_1031 : vector<16xi32>
    %sub3A_1034 = arith.constant 1 : i32
    %sub3A_1035 = vector.broadcast %sub3A_1034 : i32 to vector<16xi32>
    %sub3A_1036 = arith.subi %add3A_1033, %sub3A_1035 : vector<16xi32>
    %select_n3A_1037 = arith.select %eq3A_1027, %sub3A_1036, %select_n3A_1019 : vector<16xi1>, vector<16xi32>
    %reduce_sum3A_1038 = arith.constant true
    %reduce_sum3A_1039 = vector.broadcast %reduce_sum3A_1038 : i1 to vector<16xi1>
    %reduce_sum3A_1040 = tpu.scan <sum>, %convert_element_type3A_1028 masked %reduce_sum3A_1039 : vector<16xi32>, vector<16xi1> -> vector<16xi32>
    %reduce_sum3A_1041 = vector.extract %reduce_sum3A_1040[15] : i32 from vector<16xi32>
    %add3A_1042 = arith.addi %add3A_890, %reduce_sum3A_1041 : i32
    %eq3A_1043 = arith.constant 2 : i32
    %eq3A_1044 = vector.broadcast %eq3A_1043 : i32 to vector<16xi32>
    %eq3A_1045 = arith.cmpi eq, %get3A_1006, %eq3A_1044 : vector<16xi32>
    %convert_element_type3A_1046 = arith.extui %eq3A_1045 : vector<16xi1> to vector<16xi32>
    %broadcast_in_dim3A_1047 = arith.constant true
    %broadcast_in_dim3A_1048 = vector.broadcast %broadcast_in_dim3A_1047 : i1 to vector<16xi1>
    %masked_cumsum3A_1049 = tpu.scan <sum>, %convert_element_type3A_1046 masked %broadcast_in_dim3A_1048 : vector<16xi32>, vector<16xi1> -> vector<16xi32>
    %add3A_1050 = vector.broadcast %add3A_908 : i32 to vector<16xi32>
    %add3A_1051 = arith.addi %add3A_1050, %masked_cumsum3A_1049 : vector<16xi32>
    %sub3A_1052 = arith.constant 1 : i32
    %sub3A_1053 = vector.broadcast %sub3A_1052 : i32 to vector<16xi32>
    %sub3A_1054 = arith.subi %add3A_1051, %sub3A_1053 : vector<16xi32>
    %select_n3A_1055 = arith.select %eq3A_1045, %sub3A_1054, %select_n3A_1037 : vector<16xi1>, vector<16xi32>
    %reduce_sum3A_1056 = arith.constant true
    %reduce_sum3A_1057 = vector.broadcast %reduce_sum3A_1056 : i1 to vector<16xi1>
    %reduce_sum3A_1058 = tpu.scan <sum>, %convert_element_type3A_1046 masked %reduce_sum3A_1057 : vector<16xi32>, vector<16xi1> -> vector<16xi32>
    %reduce_sum3A_1059 = vector.extract %reduce_sum3A_1058[15] : i32 from vector<16xi32>
    %add3A_1060 = arith.addi %add3A_908, %reduce_sum3A_1059 : i32
    %eq3A_1061 = arith.constant 3 : i32
    %eq3A_1062 = vector.broadcast %eq3A_1061 : i32 to vector<16xi32>
    %eq3A_1063 = arith.cmpi eq, %get3A_1006, %eq3A_1062 : vector<16xi32>
    %convert_element_type3A_1064 = arith.extui %eq3A_1063 : vector<16xi1> to vector<16xi32>
    %broadcast_in_dim3A_1065 = arith.constant true
    %broadcast_in_dim3A_1066 = vector.broadcast %broadcast_in_dim3A_1065 : i1 to vector<16xi1>
    %masked_cumsum3A_1067 = tpu.scan <sum>, %convert_element_type3A_1064 masked %broadcast_in_dim3A_1066 : vector<16xi32>, vector<16xi1> -> vector<16xi32>
    %add3A_1068 = vector.broadcast %add3A_926 : i32 to vector<16xi32>
    %add3A_1069 = arith.addi %add3A_1068, %masked_cumsum3A_1067 : vector<16xi32>
    %sub3A_1070 = arith.constant 1 : i32
    %sub3A_1071 = vector.broadcast %sub3A_1070 : i32 to vector<16xi32>
    %sub3A_1072 = arith.subi %add3A_1069, %sub3A_1071 : vector<16xi32>
    %select_n3A_1073 = arith.select %eq3A_1063, %sub3A_1072, %select_n3A_1055 : vector<16xi1>, vector<16xi32>
    %reduce_sum3A_1074 = arith.constant true
    %reduce_sum3A_1075 = vector.broadcast %reduce_sum3A_1074 : i1 to vector<16xi1>
    %reduce_sum3A_1076 = tpu.scan <sum>, %convert_element_type3A_1064 masked %reduce_sum3A_1075 : vector<16xi32>, vector<16xi1> -> vector<16xi32>
    %reduce_sum3A_1077 = vector.extract %reduce_sum3A_1076[15] : i32 from vector<16xi32>
    %add3A_1078 = arith.addi %add3A_926, %reduce_sum3A_1077 : i32
    %eq3A_1079 = arith.constant 4 : i32
    %eq3A_1080 = vector.broadcast %eq3A_1079 : i32 to vector<16xi32>
    %eq3A_1081 = arith.cmpi eq, %get3A_1006, %eq3A_1080 : vector<16xi32>
    %convert_element_type3A_1082 = arith.extui %eq3A_1081 : vector<16xi1> to vector<16xi32>
    %broadcast_in_dim3A_1083 = arith.constant true
    %broadcast_in_dim3A_1084 = vector.broadcast %broadcast_in_dim3A_1083 : i1 to vector<16xi1>
    %masked_cumsum3A_1085 = tpu.scan <sum>, %convert_element_type3A_1082 masked %broadcast_in_dim3A_1084 : vector<16xi32>, vector<16xi1> -> vector<16xi32>
    %add3A_1086 = vector.broadcast %add3A_944 : i32 to vector<16xi32>
    %add3A_1087 = arith.addi %add3A_1086, %masked_cumsum3A_1085 : vector<16xi32>
    %sub3A_1088 = arith.constant 1 : i32
    %sub3A_1089 = vector.broadcast %sub3A_1088 : i32 to vector<16xi32>
    %sub3A_1090 = arith.subi %add3A_1087, %sub3A_1089 : vector<16xi32>
    %select_n3A_1091 = arith.select %eq3A_1081, %sub3A_1090, %select_n3A_1073 : vector<16xi1>, vector<16xi32>
    %reduce_sum3A_1092 = arith.constant true
    %reduce_sum3A_1093 = vector.broadcast %reduce_sum3A_1092 : i1 to vector<16xi1>
    %reduce_sum3A_1094 = tpu.scan <sum>, %convert_element_type3A_1082 masked %reduce_sum3A_1093 : vector<16xi32>, vector<16xi1> -> vector<16xi32>
    %reduce_sum3A_1095 = vector.extract %reduce_sum3A_1094[15] : i32 from vector<16xi32>
    %add3A_1096 = arith.addi %add3A_944, %reduce_sum3A_1095 : i32
    %eq3A_1097 = arith.constant 5 : i32
    %eq3A_1098 = vector.broadcast %eq3A_1097 : i32 to vector<16xi32>
    %eq3A_1099 = arith.cmpi eq, %get3A_1006, %eq3A_1098 : vector<16xi32>
    %convert_element_type3A_1100 = arith.extui %eq3A_1099 : vector<16xi1> to vector<16xi32>
    %broadcast_in_dim3A_1101 = arith.constant true
    %broadcast_in_dim3A_1102 = vector.broadcast %broadcast_in_dim3A_1101 : i1 to vector<16xi1>
    %masked_cumsum3A_1103 = tpu.scan <sum>, %convert_element_type3A_1100 masked %broadcast_in_dim3A_1102 : vector<16xi32>, vector<16xi1> -> vector<16xi32>
    %add3A_1104 = vector.broadcast %add3A_962 : i32 to vector<16xi32>
    %add3A_1105 = arith.addi %add3A_1104, %masked_cumsum3A_1103 : vector<16xi32>
    %sub3A_1106 = arith.constant 1 : i32
    %sub3A_1107 = vector.broadcast %sub3A_1106 : i32 to vector<16xi32>
    %sub3A_1108 = arith.subi %add3A_1105, %sub3A_1107 : vector<16xi32>
    %select_n3A_1109 = arith.select %eq3A_1099, %sub3A_1108, %select_n3A_1091 : vector<16xi1>, vector<16xi32>
    %reduce_sum3A_1110 = arith.constant true
    %reduce_sum3A_1111 = vector.broadcast %reduce_sum3A_1110 : i1 to vector<16xi1>
    %reduce_sum3A_1112 = tpu.scan <sum>, %convert_element_type3A_1100 masked %reduce_sum3A_1111 : vector<16xi32>, vector<16xi1> -> vector<16xi32>
    %reduce_sum3A_1113 = vector.extract %reduce_sum3A_1112[15] : i32 from vector<16xi32>
    %add3A_1114 = arith.addi %add3A_962, %reduce_sum3A_1113 : i32
    %eq3A_1115 = arith.constant 6 : i32
    %eq3A_1116 = vector.broadcast %eq3A_1115 : i32 to vector<16xi32>
    %eq3A_1117 = arith.cmpi eq, %get3A_1006, %eq3A_1116 : vector<16xi32>
    %convert_element_type3A_1118 = arith.extui %eq3A_1117 : vector<16xi1> to vector<16xi32>
    %broadcast_in_dim3A_1119 = arith.constant true
    %broadcast_in_dim3A_1120 = vector.broadcast %broadcast_in_dim3A_1119 : i1 to vector<16xi1>
    %masked_cumsum3A_1121 = tpu.scan <sum>, %convert_element_type3A_1118 masked %broadcast_in_dim3A_1120 : vector<16xi32>, vector<16xi1> -> vector<16xi32>
    %add3A_1122 = vector.broadcast %add3A_980 : i32 to vector<16xi32>
    %add3A_1123 = arith.addi %add3A_1122, %masked_cumsum3A_1121 : vector<16xi32>
    %sub3A_1124 = arith.constant 1 : i32
    %sub3A_1125 = vector.broadcast %sub3A_1124 : i32 to vector<16xi32>
    %sub3A_1126 = arith.subi %add3A_1123, %sub3A_1125 : vector<16xi32>
    %select_n3A_1127 = arith.select %eq3A_1117, %sub3A_1126, %select_n3A_1109 : vector<16xi1>, vector<16xi32>
    %reduce_sum3A_1128 = arith.constant true
    %reduce_sum3A_1129 = vector.broadcast %reduce_sum3A_1128 : i1 to vector<16xi1>
    %reduce_sum3A_1130 = tpu.scan <sum>, %convert_element_type3A_1118 masked %reduce_sum3A_1129 : vector<16xi32>, vector<16xi1> -> vector<16xi32>
    %reduce_sum3A_1131 = vector.extract %reduce_sum3A_1130[15] : i32 from vector<16xi32>
    %add3A_1132 = arith.addi %add3A_980, %reduce_sum3A_1131 : i32
    %eq3A_1133 = arith.constant 7 : i32
    %eq3A_1134 = vector.broadcast %eq3A_1133 : i32 to vector<16xi32>
    %eq3A_1135 = arith.cmpi eq, %get3A_1006, %eq3A_1134 : vector<16xi32>
    %convert_element_type3A_1136 = arith.extui %eq3A_1135 : vector<16xi1> to vector<16xi32>
    %broadcast_in_dim3A_1137 = arith.constant true
    %broadcast_in_dim3A_1138 = vector.broadcast %broadcast_in_dim3A_1137 : i1 to vector<16xi1>
    %masked_cumsum3A_1139 = tpu.scan <sum>, %convert_element_type3A_1136 masked %broadcast_in_dim3A_1138 : vector<16xi32>, vector<16xi1> -> vector<16xi32>
    %add3A_1140 = vector.broadcast %add3A_998 : i32 to vector<16xi32>
    %add3A_1141 = arith.addi %add3A_1140, %masked_cumsum3A_1139 : vector<16xi32>
    %sub3A_1142 = arith.constant 1 : i32
    %sub3A_1143 = vector.broadcast %sub3A_1142 : i32 to vector<16xi32>
    %sub3A_1144 = arith.subi %add3A_1141, %sub3A_1143 : vector<16xi32>
    %select_n3A_1145 = arith.select %eq3A_1135, %sub3A_1144, %select_n3A_1127 : vector<16xi1>, vector<16xi32>
    %reduce_sum3A_1146 = arith.constant true
    %reduce_sum3A_1147 = vector.broadcast %reduce_sum3A_1146 : i1 to vector<16xi1>
    %reduce_sum3A_1148 = tpu.scan <sum>, %convert_element_type3A_1136 masked %reduce_sum3A_1147 : vector<16xi32>, vector<16xi1> -> vector<16xi32>
    %reduce_sum3A_1149 = vector.extract %reduce_sum3A_1148[15] : i32 from vector<16xi32>
    %add3A_1150 = arith.addi %add3A_998, %reduce_sum3A_1149 : i32
    %swap3A_1151 = arith.constant 1 : i32
    %swap3A_1152 = arith.index_cast %swap3A_1151 : i32 to index
    %swap3A_1153 = arith.constant 0 : index
    %swap3A_1154 = tpu.vector_load %arg10[%swap3A_1152, %swap3A_1153] {strides = array<i32>} : memref<2x64xi32, #tpu.memory_space<vmem>>, vector<16xi32>,
    tpu.vector_store %arg10[%swap3A_1152, %swap3A_1153], %select_n3A_1145 {strides = array<i32>} : memref<2x64xi32, #tpu.memory_space<vmem>>, vector<16xi32>,
    %get3A_1155 = arith.constant 1 : i32
    %get3A_1156 = arith.index_cast %get3A_1155 : i32 to index
    %get3A_1157 = arith.constant 16 : index
    %get3A_1158 = tpu.vector_load %arg9[%get3A_1156, %get3A_1157] {strides = array<i32>} : memref<2x64xi32, #tpu.memory_space<vmem>>, vector<16xi32>,
    %eq3A_1159 = arith.constant 0 : i32
    %eq3A_1160 = vector.broadcast %eq3A_1159 : i32 to vector<16xi32>
    %eq3A_1161 = arith.cmpi eq, %get3A_1158, %eq3A_1160 : vector<16xi32>
    %convert_element_type3A_1162 = arith.extui %eq3A_1161 : vector<16xi1> to vector<16xi32>
    %broadcast_in_dim3A_1163 = arith.constant true
    %broadcast_in_dim3A_1164 = vector.broadcast %broadcast_in_dim3A_1163 : i1 to vector<16xi1>
    %masked_cumsum3A_1165 = tpu.scan <sum>, %convert_element_type3A_1162 masked %broadcast_in_dim3A_1164 : vector<16xi32>, vector<16xi1> -> vector<16xi32>
    %add3A_1166 = vector.broadcast %add3A_1024 : i32 to vector<16xi32>
    %add3A_1167 = arith.addi %add3A_1166, %masked_cumsum3A_1165 : vector<16xi32>
    %sub3A_1168 = arith.constant 1 : i32
    %sub3A_1169 = vector.broadcast %sub3A_1168 : i32 to vector<16xi32>
    %sub3A_1170 = arith.subi %add3A_1167, %sub3A_1169 : vector<16xi32>
    %select_n3A_1171 = arith.select %eq3A_1161, %sub3A_1170, %broadcast_in_dim3A_3 : vector<16xi1>, vector<16xi32>
    %reduce_sum3A_1172 = arith.constant true
    %reduce_sum3A_1173 = vector.broadcast %reduce_sum3A_1172 : i1 to vector<16xi1>
    %reduce_sum3A_1174 = tpu.scan <sum>, %convert_element_type3A_1162 masked %reduce_sum3A_1173 : vector<16xi32>, vector<16xi1> -> vector<16xi32>
    %reduce_sum3A_1175 = vector.extract %reduce_sum3A_1174[15] : i32 from vector<16xi32>
    %add3A_1176 = arith.addi %add3A_1024, %reduce_sum3A_1175 : i32
    %eq3A_1177 = arith.constant 1 : i32
    %eq3A_1178 = vector.broadcast %eq3A_1177 : i32 to vector<16xi32>
    %eq3A_1179 = arith.cmpi eq, %get3A_1158, %eq3A_1178 : vector<16xi32>
    %convert_element_type3A_1180 = arith.extui %eq3A_1179 : vector<16xi1> to vector<16xi32>
    %broadcast_in_dim3A_1181 = arith.constant true
    %broadcast_in_dim3A_1182 = vector.broadcast %broadcast_in_dim3A_1181 : i1 to vector<16xi1>
    %masked_cumsum3A_1183 = tpu.scan <sum>, %convert_element_type3A_1180 masked %broadcast_in_dim3A_1182 : vector<16xi32>, vector<16xi1> -> vector<16xi32>
    %add3A_1184 = vector.broadcast %add3A_1042 : i32 to vector<16xi32>
    %add3A_1185 = arith.addi %add3A_1184, %masked_cumsum3A_1183 : vector<16xi32>
    %sub3A_1186 = arith.constant 1 : i32
    %sub3A_1187 = vector.broadcast %sub3A_1186 : i32 to vector<16xi32>
    %sub3A_1188 = arith.subi %add3A_1185, %sub3A_1187 : vector<16xi32>
    %select_n3A_1189 = arith.select %eq3A_1179, %sub3A_1188, %select_n3A_1171 : vector<16xi1>, vector<16xi32>
    %reduce_sum3A_1190 = arith.constant true
    %reduce_sum3A_1191 = vector.broadcast %reduce_sum3A_1190 : i1 to vector<16xi1>
    %reduce_sum3A_1192 = tpu.scan <sum>, %convert_element_type3A_1180 masked %reduce_sum3A_1191 : vector<16xi32>, vector<16xi1> -> vector<16xi32>
    %reduce_sum3A_1193 = vector.extract %reduce_sum3A_1192[15] : i32 from vector<16xi32>
    %add3A_1194 = arith.addi %add3A_1042, %reduce_sum3A_1193 : i32
    %eq3A_1195 = arith.constant 2 : i32
    %eq3A_1196 = vector.broadcast %eq3A_1195 : i32 to vector<16xi32>
    %eq3A_1197 = arith.cmpi eq, %get3A_1158, %eq3A_1196 : vector<16xi32>
    %convert_element_type3A_1198 = arith.extui %eq3A_1197 : vector<16xi1> to vector<16xi32>
    %broadcast_in_dim3A_1199 = arith.constant true
    %broadcast_in_dim3A_1200 = vector.broadcast %broadcast_in_dim3A_1199 : i1 to vector<16xi1>
    %masked_cumsum3A_1201 = tpu.scan <sum>, %convert_element_type3A_1198 masked %broadcast_in_dim3A_1200 : vector<16xi32>, vector<16xi1> -> vector<16xi32>
    %add3A_1202 = vector.broadcast %add3A_1060 : i32 to vector<16xi32>
    %add3A_1203 = arith.addi %add3A_1202, %masked_cumsum3A_1201 : vector<16xi32>
    %sub3A_1204 = arith.constant 1 : i32
    %sub3A_1205 = vector.broadcast %sub3A_1204 : i32 to vector<16xi32>
    %sub3A_1206 = arith.subi %add3A_1203, %sub3A_1205 : vector<16xi32>
    %select_n3A_1207 = arith.select %eq3A_1197, %sub3A_1206, %select_n3A_1189 : vector<16xi1>, vector<16xi32>
    %reduce_sum3A_1208 = arith.constant true
    %reduce_sum3A_1209 = vector.broadcast %reduce_sum3A_1208 : i1 to vector<16xi1>
    %reduce_sum3A_1210 = tpu.scan <sum>, %convert_element_type3A_1198 masked %reduce_sum3A_1209 : vector<16xi32>, vector<16xi1> -> vector<16xi32>
    %reduce_sum3A_1211 = vector.extract %reduce_sum3A_1210[15] : i32 from vector<16xi32>
    %add3A_1212 = arith.addi %add3A_1060, %reduce_sum3A_1211 : i32
    %eq3A_1213 = arith.constant 3 : i32
    %eq3A_1214 = vector.broadcast %eq3A_1213 : i32 to vector<16xi32>
    %eq3A_1215 = arith.cmpi eq, %get3A_1158, %eq3A_1214 : vector<16xi32>
    %convert_element_type3A_1216 = arith.extui %eq3A_1215 : vector<16xi1> to vector<16xi32>
    %broadcast_in_dim3A_1217 = arith.constant true
    %broadcast_in_dim3A_1218 = vector.broadcast %broadcast_in_dim3A_1217 : i1 to vector<16xi1>
    %masked_cumsum3A_1219 = tpu.scan <sum>, %convert_element_type3A_1216 masked %broadcast_in_dim3A_1218 : vector<16xi32>, vector<16xi1> -> vector<16xi32>
    %add3A_1220 = vector.broadcast %add3A_1078 : i32 to vector<16xi32>
    %add3A_1221 = arith.addi %add3A_1220, %masked_cumsum3A_1219 : vector<16xi32>
    %sub3A_1222 = arith.constant 1 : i32
    %sub3A_1223 = vector.broadcast %sub3A_1222 : i32 to vector<16xi32>
    %sub3A_1224 = arith.subi %add3A_1221, %sub3A_1223 : vector<16xi32>
    %select_n3A_1225 = arith.select %eq3A_1215, %sub3A_1224, %select_n3A_1207 : vector<16xi1>, vector<16xi32>
    %reduce_sum3A_1226 = arith.constant true
    %reduce_sum3A_1227 = vector.broadcast %reduce_sum3A_1226 : i1 to vector<16xi1>
    %reduce_sum3A_1228 = tpu.scan <sum>, %convert_element_type3A_1216 masked %reduce_sum3A_1227 : vector<16xi32>, vector<16xi1> -> vector<16xi32>
    %reduce_sum3A_1229 = vector.extract %reduce_sum3A_1228[15] : i32 from vector<16xi32>
    %add3A_1230 = arith.addi %add3A_1078, %reduce_sum3A_1229 : i32
    %eq3A_1231 = arith.constant 4 : i32
    %eq3A_1232 = vector.broadcast %eq3A_1231 : i32 to vector<16xi32>
    %eq3A_1233 = arith.cmpi eq, %get3A_1158, %eq3A_1232 : vector<16xi32>
    %convert_element_type3A_1234 = arith.extui %eq3A_1233 : vector<16xi1> to vector<16xi32>
    %broadcast_in_dim3A_1235 = arith.constant true
    %broadcast_in_dim3A_1236 = vector.broadcast %broadcast_in_dim3A_1235 : i1 to vector<16xi1>
    %masked_cumsum3A_1237 = tpu.scan <sum>, %convert_element_type3A_1234 masked %broadcast_in_dim3A_1236 : vector<16xi32>, vector<16xi1> -> vector<16xi32>
    %add3A_1238 = vector.broadcast %add3A_1096 : i32 to vector<16xi32>
    %add3A_1239 = arith.addi %add3A_1238, %masked_cumsum3A_1237 : vector<16xi32>
    %sub3A_1240 = arith.constant 1 : i32
    %sub3A_1241 = vector.broadcast %sub3A_1240 : i32 to vector<16xi32>
    %sub3A_1242 = arith.subi %add3A_1239, %sub3A_1241 : vector<16xi32>
    %select_n3A_1243 = arith.select %eq3A_1233, %sub3A_1242, %select_n3A_1225 : vector<16xi1>, vector<16xi32>
    %reduce_sum3A_1244 = arith.constant true
    %reduce_sum3A_1245 = vector.broadcast %reduce_sum3A_1244 : i1 to vector<16xi1>
    %reduce_sum3A_1246 = tpu.scan <sum>, %convert_element_type3A_1234 masked %reduce_sum3A_1245 : vector<16xi32>, vector<16xi1> -> vector<16xi32>
    %reduce_sum3A_1247 = vector.extract %reduce_sum3A_1246[15] : i32 from vector<16xi32>
    %add3A_1248 = arith.addi %add3A_1096, %reduce_sum3A_1247 : i32
    %eq3A_1249 = arith.constant 5 : i32
    %eq3A_1250 = vector.broadcast %eq3A_1249 : i32 to vector<16xi32>
    %eq3A_1251 = arith.cmpi eq, %get3A_1158, %eq3A_1250 : vector<16xi32>
    %convert_element_type3A_1252 = arith.extui %eq3A_1251 : vector<16xi1> to vector<16xi32>
    %broadcast_in_dim3A_1253 = arith.constant true
    %broadcast_in_dim3A_1254 = vector.broadcast %broadcast_in_dim3A_1253 : i1 to vector<16xi1>
    %masked_cumsum3A_1255 = tpu.scan <sum>, %convert_element_type3A_1252 masked %broadcast_in_dim3A_1254 : vector<16xi32>, vector<16xi1> -> vector<16xi32>
    %add3A_1256 = vector.broadcast %add3A_1114 : i32 to vector<16xi32>
    %add3A_1257 = arith.addi %add3A_1256, %masked_cumsum3A_1255 : vector<16xi32>
    %sub3A_1258 = arith.constant 1 : i32
    %sub3A_1259 = vector.broadcast %sub3A_1258 : i32 to vector<16xi32>
    %sub3A_1260 = arith.subi %add3A_1257, %sub3A_1259 : vector<16xi32>
    %select_n3A_1261 = arith.select %eq3A_1251, %sub3A_1260, %select_n3A_1243 : vector<16xi1>, vector<16xi32>
    %reduce_sum3A_1262 = arith.constant true
    %reduce_sum3A_1263 = vector.broadcast %reduce_sum3A_1262 : i1 to vector<16xi1>
    %reduce_sum3A_1264 = tpu.scan <sum>, %convert_element_type3A_1252 masked %reduce_sum3A_1263 : vector<16xi32>, vector<16xi1> -> vector<16xi32>
    %reduce_sum3A_1265 = vector.extract %reduce_sum3A_1264[15] : i32 from vector<16xi32>
    %add3A_1266 = arith.addi %add3A_1114, %reduce_sum3A_1265 : i32
    %eq3A_1267 = arith.constant 6 : i32
    %eq3A_1268 = vector.broadcast %eq3A_1267 : i32 to vector<16xi32>
    %eq3A_1269 = arith.cmpi eq, %get3A_1158, %eq3A_1268 : vector<16xi32>
    %convert_element_type3A_1270 = arith.extui %eq3A_1269 : vector<16xi1> to vector<16xi32>
    %broadcast_in_dim3A_1271 = arith.constant true
    %broadcast_in_dim3A_1272 = vector.broadcast %broadcast_in_dim3A_1271 : i1 to vector<16xi1>
    %masked_cumsum3A_1273 = tpu.scan <sum>, %convert_element_type3A_1270 masked %broadcast_in_dim3A_1272 : vector<16xi32>, vector<16xi1> -> vector<16xi32>
    %add3A_1274 = vector.broadcast %add3A_1132 : i32 to vector<16xi32>
    %add3A_1275 = arith.addi %add3A_1274, %masked_cumsum3A_1273 : vector<16xi32>
    %sub3A_1276 = arith.constant 1 : i32
    %sub3A_1277 = vector.broadcast %sub3A_1276 : i32 to vector<16xi32>
    %sub3A_1278 = arith.subi %add3A_1275, %sub3A_1277 : vector<16xi32>
    %select_n3A_1279 = arith.select %eq3A_1269, %sub3A_1278, %select_n3A_1261 : vector<16xi1>, vector<16xi32>
    %reduce_sum3A_1280 = arith.constant true
    %reduce_sum3A_1281 = vector.broadcast %reduce_sum3A_1280 : i1 to vector<16xi1>
    %reduce_sum3A_1282 = tpu.scan <sum>, %convert_element_type3A_1270 masked %reduce_sum3A_1281 : vector<16xi32>, vector<16xi1> -> vector<16xi32>
    %reduce_sum3A_1283 = vector.extract %reduce_sum3A_1282[15] : i32 from vector<16xi32>
    %add3A_1284 = arith.addi %add3A_1132, %reduce_sum3A_1283 : i32
    %eq3A_1285 = arith.constant 7 : i32
    %eq3A_1286 = vector.broadcast %eq3A_1285 : i32 to vector<16xi32>
    %eq3A_1287 = arith.cmpi eq, %get3A_1158, %eq3A_1286 : vector<16xi32>
    %convert_element_type3A_1288 = arith.extui %eq3A_1287 : vector<16xi1> to vector<16xi32>
    %broadcast_in_dim3A_1289 = arith.constant true
    %broadcast_in_dim3A_1290 = vector.broadcast %broadcast_in_dim3A_1289 : i1 to vector<16xi1>
    %masked_cumsum3A_1291 = tpu.scan <sum>, %convert_element_type3A_1288 masked %broadcast_in_dim3A_1290 : vector<16xi32>, vector<16xi1> -> vector<16xi32>
    %add3A_1292 = vector.broadcast %add3A_1150 : i32 to vector<16xi32>
    %add3A_1293 = arith.addi %add3A_1292, %masked_cumsum3A_1291 : vector<16xi32>
    %sub3A_1294 = arith.constant 1 : i32
    %sub3A_1295 = vector.broadcast %sub3A_1294 : i32 to vector<16xi32>
    %sub3A_1296 = arith.subi %add3A_1293, %sub3A_1295 : vector<16xi32>
    %select_n3A_1297 = arith.select %eq3A_1287, %sub3A_1296, %select_n3A_1279 : vector<16xi1>, vector<16xi32>
    %reduce_sum3A_1298 = arith.constant true
    %reduce_sum3A_1299 = vector.broadcast %reduce_sum3A_1298 : i1 to vector<16xi1>
    %reduce_sum3A_1300 = tpu.scan <sum>, %convert_element_type3A_1288 masked %reduce_sum3A_1299 : vector<16xi32>, vector<16xi1> -> vector<16xi32>
    %reduce_sum3A_1301 = vector.extract %reduce_sum3A_1300[15] : i32 from vector<16xi32>
    %add3A_1302 = arith.addi %add3A_1150, %reduce_sum3A_1301 : i32
    %swap3A_1303 = arith.constant 1 : i32
    %swap3A_1304 = arith.index_cast %swap3A_1303 : i32 to index
    %swap3A_1305 = arith.constant 16 : index
    %swap3A_1306 = tpu.vector_load %arg10[%swap3A_1304, %swap3A_1305] {strides = array<i32>} : memref<2x64xi32, #tpu.memory_space<vmem>>, vector<16xi32>,
    tpu.vector_store %arg10[%swap3A_1304, %swap3A_1305], %select_n3A_1297 {strides = array<i32>} : memref<2x64xi32, #tpu.memory_space<vmem>>, vector<16xi32>,
    %get3A_1307 = arith.constant 1 : i32
    %get3A_1308 = arith.index_cast %get3A_1307 : i32 to index
    %get3A_1309 = arith.constant 32 : index
    %get3A_1310 = tpu.vector_load %arg9[%get3A_1308, %get3A_1309] {strides = array<i32>} : memref<2x64xi32, #tpu.memory_space<vmem>>, vector<16xi32>,
    %eq3A_1311 = arith.constant 0 : i32
    %eq3A_1312 = vector.broadcast %eq3A_1311 : i32 to vector<16xi32>
    %eq3A_1313 = arith.cmpi eq, %get3A_1310, %eq3A_1312 : vector<16xi32>
    %convert_element_type3A_1314 = arith.extui %eq3A_1313 : vector<16xi1> to vector<16xi32>
    %broadcast_in_dim3A_1315 = arith.constant true
    %broadcast_in_dim3A_1316 = vector.broadcast %broadcast_in_dim3A_1315 : i1 to vector<16xi1>
    %masked_cumsum3A_1317 = tpu.scan <sum>, %convert_element_type3A_1314 masked %broadcast_in_dim3A_1316 : vector<16xi32>, vector<16xi1> -> vector<16xi32>
    %add3A_1318 = vector.broadcast %add3A_1176 : i32 to vector<16xi32>
    %add3A_1319 = arith.addi %add3A_1318, %masked_cumsum3A_1317 : vector<16xi32>
    %sub3A_1320 = arith.constant 1 : i32
    %sub3A_1321 = vector.broadcast %sub3A_1320 : i32 to vector<16xi32>
    %sub3A_1322 = arith.subi %add3A_1319, %sub3A_1321 : vector<16xi32>
    %select_n3A_1323 = arith.select %eq3A_1313, %sub3A_1322, %broadcast_in_dim3A_3 : vector<16xi1>, vector<16xi32>
    %reduce_sum3A_1324 = arith.constant true
    %reduce_sum3A_1325 = vector.broadcast %reduce_sum3A_1324 : i1 to vector<16xi1>
    %reduce_sum3A_1326 = tpu.scan <sum>, %convert_element_type3A_1314 masked %reduce_sum3A_1325 : vector<16xi32>, vector<16xi1> -> vector<16xi32>
    %reduce_sum3A_1327 = vector.extract %reduce_sum3A_1326[15] : i32 from vector<16xi32>
    %add3A_1328 = arith.addi %add3A_1176, %reduce_sum3A_1327 : i32
    %eq3A_1329 = arith.constant 1 : i32
    %eq3A_1330 = vector.broadcast %eq3A_1329 : i32 to vector<16xi32>
    %eq3A_1331 = arith.cmpi eq, %get3A_1310, %eq3A_1330 : vector<16xi32>
    %convert_element_type3A_1332 = arith.extui %eq3A_1331 : vector<16xi1> to vector<16xi32>
    %broadcast_in_dim3A_1333 = arith.constant true
    %broadcast_in_dim3A_1334 = vector.broadcast %broadcast_in_dim3A_1333 : i1 to vector<16xi1>
    %masked_cumsum3A_1335 = tpu.scan <sum>, %convert_element_type3A_1332 masked %broadcast_in_dim3A_1334 : vector<16xi32>, vector<16xi1> -> vector<16xi32>
    %add3A_1336 = vector.broadcast %add3A_1194 : i32 to vector<16xi32>
    %add3A_1337 = arith.addi %add3A_1336, %masked_cumsum3A_1335 : vector<16xi32>
    %sub3A_1338 = arith.constant 1 : i32
    %sub3A_1339 = vector.broadcast %sub3A_1338 : i32 to vector<16xi32>
    %sub3A_1340 = arith.subi %add3A_1337, %sub3A_1339 : vector<16xi32>
    %select_n3A_1341 = arith.select %eq3A_1331, %sub3A_1340, %select_n3A_1323 : vector<16xi1>, vector<16xi32>
    %reduce_sum3A_1342 = arith.constant true
    %reduce_sum3A_1343 = vector.broadcast %reduce_sum3A_1342 : i1 to vector<16xi1>
    %reduce_sum3A_1344 = tpu.scan <sum>, %convert_element_type3A_1332 masked %reduce_sum3A_1343 : vector<16xi32>, vector<16xi1> -> vector<16xi32>
    %reduce_sum3A_1345 = vector.extract %reduce_sum3A_1344[15] : i32 from vector<16xi32>
    %add3A_1346 = arith.addi %add3A_1194, %reduce_sum3A_1345 : i32
    %eq3A_1347 = arith.constant 2 : i32
    %eq3A_1348 = vector.broadcast %eq3A_1347 : i32 to vector<16xi32>
    %eq3A_1349 = arith.cmpi eq, %get3A_1310, %eq3A_1348 : vector<16xi32>
    %convert_element_type3A_1350 = arith.extui %eq3A_1349 : vector<16xi1> to vector<16xi32>
    %broadcast_in_dim3A_1351 = arith.constant true
    %broadcast_in_dim3A_1352 = vector.broadcast %broadcast_in_dim3A_1351 : i1 to vector<16xi1>
    %masked_cumsum3A_1353 = tpu.scan <sum>, %convert_element_type3A_1350 masked %broadcast_in_dim3A_1352 : vector<16xi32>, vector<16xi1> -> vector<16xi32>
    %add3A_1354 = vector.broadcast %add3A_1212 : i32 to vector<16xi32>
    %add3A_1355 = arith.addi %add3A_1354, %masked_cumsum3A_1353 : vector<16xi32>
    %sub3A_1356 = arith.constant 1 : i32
    %sub3A_1357 = vector.broadcast %sub3A_1356 : i32 to vector<16xi32>
    %sub3A_1358 = arith.subi %add3A_1355, %sub3A_1357 : vector<16xi32>
    %select_n3A_1359 = arith.select %eq3A_1349, %sub3A_1358, %select_n3A_1341 : vector<16xi1>, vector<16xi32>
    %reduce_sum3A_1360 = arith.constant true
    %reduce_sum3A_1361 = vector.broadcast %reduce_sum3A_1360 : i1 to vector<16xi1>
    %reduce_sum3A_1362 = tpu.scan <sum>, %convert_element_type3A_1350 masked %reduce_sum3A_1361 : vector<16xi32>, vector<16xi1> -> vector<16xi32>
    %reduce_sum3A_1363 = vector.extract %reduce_sum3A_1362[15] : i32 from vector<16xi32>
    %add3A_1364 = arith.addi %add3A_1212, %reduce_sum3A_1363 : i32
    %eq3A_1365 = arith.constant 3 : i32
    %eq3A_1366 = vector.broadcast %eq3A_1365 : i32 to vector<16xi32>
    %eq3A_1367 = arith.cmpi eq, %get3A_1310, %eq3A_1366 : vector<16xi32>
    %convert_element_type3A_1368 = arith.extui %eq3A_1367 : vector<16xi1> to vector<16xi32>
    %broadcast_in_dim3A_1369 = arith.constant true
    %broadcast_in_dim3A_1370 = vector.broadcast %broadcast_in_dim3A_1369 : i1 to vector<16xi1>
    %masked_cumsum3A_1371 = tpu.scan <sum>, %convert_element_type3A_1368 masked %broadcast_in_dim3A_1370 : vector<16xi32>, vector<16xi1> -> vector<16xi32>
    %add3A_1372 = vector.broadcast %add3A_1230 : i32 to vector<16xi32>
    %add3A_1373 = arith.addi %add3A_1372, %masked_cumsum3A_1371 : vector<16xi32>
    %sub3A_1374 = arith.constant 1 : i32
    %sub3A_1375 = vector.broadcast %sub3A_1374 : i32 to vector<16xi32>
    %sub3A_1376 = arith.subi %add3A_1373, %sub3A_1375 : vector<16xi32>
    %select_n3A_1377 = arith.select %eq3A_1367, %sub3A_1376, %select_n3A_1359 : vector<16xi1>, vector<16xi32>
    %reduce_sum3A_1378 = arith.constant true
    %reduce_sum3A_1379 = vector.broadcast %reduce_sum3A_1378 : i1 to vector<16xi1>
    %reduce_sum3A_1380 = tpu.scan <sum>, %convert_element_type3A_1368 masked %reduce_sum3A_1379 : vector<16xi32>, vector<16xi1> -> vector<16xi32>
    %reduce_sum3A_1381 = vector.extract %reduce_sum3A_1380[15] : i32 from vector<16xi32>
    %add3A_1382 = arith.addi %add3A_1230, %reduce_sum3A_1381 : i32
    %eq3A_1383 = arith.constant 4 : i32
    %eq3A_1384 = vector.broadcast %eq3A_1383 : i32 to vector<16xi32>
    %eq3A_1385 = arith.cmpi eq, %get3A_1310, %eq3A_1384 : vector<16xi32>
    %convert_element_type3A_1386 = arith.extui %eq3A_1385 : vector<16xi1> to vector<16xi32>
    %broadcast_in_dim3A_1387 = arith.constant true
    %broadcast_in_dim3A_1388 = vector.broadcast %broadcast_in_dim3A_1387 : i1 to vector<16xi1>
    %masked_cumsum3A_1389 = tpu.scan <sum>, %convert_element_type3A_1386 masked %broadcast_in_dim3A_1388 : vector<16xi32>, vector<16xi1> -> vector<16xi32>
    %add3A_1390 = vector.broadcast %add3A_1248 : i32 to vector<16xi32>
    %add3A_1391 = arith.addi %add3A_1390, %masked_cumsum3A_1389 : vector<16xi32>
    %sub3A_1392 = arith.constant 1 : i32
    %sub3A_1393 = vector.broadcast %sub3A_1392 : i32 to vector<16xi32>
    %sub3A_1394 = arith.subi %add3A_1391, %sub3A_1393 : vector<16xi32>
    %select_n3A_1395 = arith.select %eq3A_1385, %sub3A_1394, %select_n3A_1377 : vector<16xi1>, vector<16xi32>
    %reduce_sum3A_1396 = arith.constant true
    %reduce_sum3A_1397 = vector.broadcast %reduce_sum3A_1396 : i1 to vector<16xi1>
    %reduce_sum3A_1398 = tpu.scan <sum>, %convert_element_type3A_1386 masked %reduce_sum3A_1397 : vector<16xi32>, vector<16xi1> -> vector<16xi32>
    %reduce_sum3A_1399 = vector.extract %reduce_sum3A_1398[15] : i32 from vector<16xi32>
    %add3A_1400 = arith.addi %add3A_1248, %reduce_sum3A_1399 : i32
    %eq3A_1401 = arith.constant 5 : i32
    %eq3A_1402 = vector.broadcast %eq3A_1401 : i32 to vector<16xi32>
    %eq3A_1403 = arith.cmpi eq, %get3A_1310, %eq3A_1402 : vector<16xi32>
    %convert_element_type3A_1404 = arith.extui %eq3A_1403 : vector<16xi1> to vector<16xi32>
    %broadcast_in_dim3A_1405 = arith.constant true
    %broadcast_in_dim3A_1406 = vector.broadcast %broadcast_in_dim3A_1405 : i1 to vector<16xi1>
    %masked_cumsum3A_1407 = tpu.scan <sum>, %convert_element_type3A_1404 masked %broadcast_in_dim3A_1406 : vector<16xi32>, vector<16xi1> -> vector<16xi32>
    %add3A_1408 = vector.broadcast %add3A_1266 : i32 to vector<16xi32>
    %add3A_1409 = arith.addi %add3A_1408, %masked_cumsum3A_1407 : vector<16xi32>
    %sub3A_1410 = arith.constant 1 : i32
    %sub3A_1411 = vector.broadcast %sub3A_1410 : i32 to vector<16xi32>
    %sub3A_1412 = arith.subi %add3A_1409, %sub3A_1411 : vector<16xi32>
    %select_n3A_1413 = arith.select %eq3A_1403, %sub3A_1412, %select_n3A_1395 : vector<16xi1>, vector<16xi32>
    %reduce_sum3A_1414 = arith.constant true
    %reduce_sum3A_1415 = vector.broadcast %reduce_sum3A_1414 : i1 to vector<16xi1>
    %reduce_sum3A_1416 = tpu.scan <sum>, %convert_element_type3A_1404 masked %reduce_sum3A_1415 : vector<16xi32>, vector<16xi1> -> vector<16xi32>
    %reduce_sum3A_1417 = vector.extract %reduce_sum3A_1416[15] : i32 from vector<16xi32>
    %add3A_1418 = arith.addi %add3A_1266, %reduce_sum3A_1417 : i32
    %eq3A_1419 = arith.constant 6 : i32
    %eq3A_1420 = vector.broadcast %eq3A_1419 : i32 to vector<16xi32>
    %eq3A_1421 = arith.cmpi eq, %get3A_1310, %eq3A_1420 : vector<16xi32>
    %convert_element_type3A_1422 = arith.extui %eq3A_1421 : vector<16xi1> to vector<16xi32>
    %broadcast_in_dim3A_1423 = arith.constant true
    %broadcast_in_dim3A_1424 = vector.broadcast %broadcast_in_dim3A_1423 : i1 to vector<16xi1>
    %masked_cumsum3A_1425 = tpu.scan <sum>, %convert_element_type3A_1422 masked %broadcast_in_dim3A_1424 : vector<16xi32>, vector<16xi1> -> vector<16xi32>
    %add3A_1426 = vector.broadcast %add3A_1284 : i32 to vector<16xi32>
    %add3A_1427 = arith.addi %add3A_1426, %masked_cumsum3A_1425 : vector<16xi32>
    %sub3A_1428 = arith.constant 1 : i32
    %sub3A_1429 = vector.broadcast %sub3A_1428 : i32 to vector<16xi32>
    %sub3A_1430 = arith.subi %add3A_1427, %sub3A_1429 : vector<16xi32>
    %select_n3A_1431 = arith.select %eq3A_1421, %sub3A_1430, %select_n3A_1413 : vector<16xi1>, vector<16xi32>
    %reduce_sum3A_1432 = arith.constant true
    %reduce_sum3A_1433 = vector.broadcast %reduce_sum3A_1432 : i1 to vector<16xi1>
    %reduce_sum3A_1434 = tpu.scan <sum>, %convert_element_type3A_1422 masked %reduce_sum3A_1433 : vector<16xi32>, vector<16xi1> -> vector<16xi32>
    %reduce_sum3A_1435 = vector.extract %reduce_sum3A_1434[15] : i32 from vector<16xi32>
    %add3A_1436 = arith.addi %add3A_1284, %reduce_sum3A_1435 : i32
    %eq3A_1437 = arith.constant 7 : i32
    %eq3A_1438 = vector.broadcast %eq3A_1437 : i32 to vector<16xi32>
    %eq3A_1439 = arith.cmpi eq, %get3A_1310, %eq3A_1438 : vector<16xi32>
    %convert_element_type3A_1440 = arith.extui %eq3A_1439 : vector<16xi1> to vector<16xi32>
    %broadcast_in_dim3A_1441 = arith.constant true
    %broadcast_in_dim3A_1442 = vector.broadcast %broadcast_in_dim3A_1441 : i1 to vector<16xi1>
    %masked_cumsum3A_1443 = tpu.scan <sum>, %convert_element_type3A_1440 masked %broadcast_in_dim3A_1442 : vector<16xi32>, vector<16xi1> -> vector<16xi32>
    %add3A_1444 = vector.broadcast %add3A_1302 : i32 to vector<16xi32>
    %add3A_1445 = arith.addi %add3A_1444, %masked_cumsum3A_1443 : vector<16xi32>
    %sub3A_1446 = arith.constant 1 : i32
    %sub3A_1447 = vector.broadcast %sub3A_1446 : i32 to vector<16xi32>
    %sub3A_1448 = arith.subi %add3A_1445, %sub3A_1447 : vector<16xi32>
    %select_n3A_1449 = arith.select %eq3A_1439, %sub3A_1448, %select_n3A_1431 : vector<16xi1>, vector<16xi32>
    %reduce_sum3A_1450 = arith.constant true
    %reduce_sum3A_1451 = vector.broadcast %reduce_sum3A_1450 : i1 to vector<16xi1>
    %reduce_sum3A_1452 = tpu.scan <sum>, %convert_element_type3A_1440 masked %reduce_sum3A_1451 : vector<16xi32>, vector<16xi1> -> vector<16xi32>
    %reduce_sum3A_1453 = vector.extract %reduce_sum3A_1452[15] : i32 from vector<16xi32>
    %add3A_1454 = arith.addi %add3A_1302, %reduce_sum3A_1453 : i32
    %swap3A_1455 = arith.constant 1 : i32
    %swap3A_1456 = arith.index_cast %swap3A_1455 : i32 to index
    %swap3A_1457 = arith.constant 32 : index
    %swap3A_1458 = tpu.vector_load %arg10[%swap3A_1456, %swap3A_1457] {strides = array<i32>} : memref<2x64xi32, #tpu.memory_space<vmem>>, vector<16xi32>,
    tpu.vector_store %arg10[%swap3A_1456, %swap3A_1457], %select_n3A_1449 {strides = array<i32>} : memref<2x64xi32, #tpu.memory_space<vmem>>, vector<16xi32>,
    %get3A_1459 = arith.constant 1 : i32
    %get3A_1460 = arith.index_cast %get3A_1459 : i32 to index
    %get3A_1461 = arith.constant 48 : index
    %get3A_1462 = tpu.vector_load %arg9[%get3A_1460, %get3A_1461] {strides = array<i32>} : memref<2x64xi32, #tpu.memory_space<vmem>>, vector<16xi32>,
    %eq3A_1463 = arith.constant 0 : i32
    %eq3A_1464 = vector.broadcast %eq3A_1463 : i32 to vector<16xi32>
    %eq3A_1465 = arith.cmpi eq, %get3A_1462, %eq3A_1464 : vector<16xi32>
    %convert_element_type3A_1466 = arith.extui %eq3A_1465 : vector<16xi1> to vector<16xi32>
    %broadcast_in_dim3A_1467 = arith.constant true
    %broadcast_in_dim3A_1468 = vector.broadcast %broadcast_in_dim3A_1467 : i1 to vector<16xi1>
    %masked_cumsum3A_1469 = tpu.scan <sum>, %convert_element_type3A_1466 masked %broadcast_in_dim3A_1468 : vector<16xi32>, vector<16xi1> -> vector<16xi32>
    %add3A_1470 = vector.broadcast %add3A_1328 : i32 to vector<16xi32>
    %add3A_1471 = arith.addi %add3A_1470, %masked_cumsum3A_1469 : vector<16xi32>
    %sub3A_1472 = arith.constant 1 : i32
    %sub3A_1473 = vector.broadcast %sub3A_1472 : i32 to vector<16xi32>
    %sub3A_1474 = arith.subi %add3A_1471, %sub3A_1473 : vector<16xi32>
    %select_n3A_1475 = arith.select %eq3A_1465, %sub3A_1474, %broadcast_in_dim3A_3 : vector<16xi1>, vector<16xi32>
    %reduce_sum3A_1476 = arith.constant true
    %reduce_sum3A_1477 = vector.broadcast %reduce_sum3A_1476 : i1 to vector<16xi1>
    %reduce_sum3A_1478 = tpu.scan <sum>, %convert_element_type3A_1466 masked %reduce_sum3A_1477 : vector<16xi32>, vector<16xi1> -> vector<16xi32>
    %reduce_sum3A_1479 = vector.extract %reduce_sum3A_1478[15] : i32 from vector<16xi32>
    %add3A_1480 = arith.addi %add3A_1328, %reduce_sum3A_1479 : i32
    %eq3A_1481 = arith.constant 1 : i32
    %eq3A_1482 = vector.broadcast %eq3A_1481 : i32 to vector<16xi32>
    %eq3A_1483 = arith.cmpi eq, %get3A_1462, %eq3A_1482 : vector<16xi32>
    %convert_element_type3A_1484 = arith.extui %eq3A_1483 : vector<16xi1> to vector<16xi32>
    %broadcast_in_dim3A_1485 = arith.constant true
    %broadcast_in_dim3A_1486 = vector.broadcast %broadcast_in_dim3A_1485 : i1 to vector<16xi1>
    %masked_cumsum3A_1487 = tpu.scan <sum>, %convert_element_type3A_1484 masked %broadcast_in_dim3A_1486 : vector<16xi32>, vector<16xi1> -> vector<16xi32>
    %add3A_1488 = vector.broadcast %add3A_1346 : i32 to vector<16xi32>
    %add3A_1489 = arith.addi %add3A_1488, %masked_cumsum3A_1487 : vector<16xi32>
    %sub3A_1490 = arith.constant 1 : i32
    %sub3A_1491 = vector.broadcast %sub3A_1490 : i32 to vector<16xi32>
    %sub3A_1492 = arith.subi %add3A_1489, %sub3A_1491 : vector<16xi32>
    %select_n3A_1493 = arith.select %eq3A_1483, %sub3A_1492, %select_n3A_1475 : vector<16xi1>, vector<16xi32>
    %reduce_sum3A_1494 = arith.constant true
    %reduce_sum3A_1495 = vector.broadcast %reduce_sum3A_1494 : i1 to vector<16xi1>
    %reduce_sum3A_1496 = tpu.scan <sum>, %convert_element_type3A_1484 masked %reduce_sum3A_1495 : vector<16xi32>, vector<16xi1> -> vector<16xi32>
    %reduce_sum3A_1497 = vector.extract %reduce_sum3A_1496[15] : i32 from vector<16xi32>
    %add3A_1498 = arith.addi %add3A_1346, %reduce_sum3A_1497 : i32
    %eq3A_1499 = arith.constant 2 : i32
    %eq3A_1500 = vector.broadcast %eq3A_1499 : i32 to vector<16xi32>
    %eq3A_1501 = arith.cmpi eq, %get3A_1462, %eq3A_1500 : vector<16xi32>
    %convert_element_type3A_1502 = arith.extui %eq3A_1501 : vector<16xi1> to vector<16xi32>
    %broadcast_in_dim3A_1503 = arith.constant true
    %broadcast_in_dim3A_1504 = vector.broadcast %broadcast_in_dim3A_1503 : i1 to vector<16xi1>
    %masked_cumsum3A_1505 = tpu.scan <sum>, %convert_element_type3A_1502 masked %broadcast_in_dim3A_1504 : vector<16xi32>, vector<16xi1> -> vector<16xi32>
    %add3A_1506 = vector.broadcast %add3A_1364 : i32 to vector<16xi32>
    %add3A_1507 = arith.addi %add3A_1506, %masked_cumsum3A_1505 : vector<16xi32>
    %sub3A_1508 = arith.constant 1 : i32
    %sub3A_1509 = vector.broadcast %sub3A_1508 : i32 to vector<16xi32>
    %sub3A_1510 = arith.subi %add3A_1507, %sub3A_1509 : vector<16xi32>
    %select_n3A_1511 = arith.select %eq3A_1501, %sub3A_1510, %select_n3A_1493 : vector<16xi1>, vector<16xi32>
    %reduce_sum3A_1512 = arith.constant true
    %reduce_sum3A_1513 = vector.broadcast %reduce_sum3A_1512 : i1 to vector<16xi1>
    %reduce_sum3A_1514 = tpu.scan <sum>, %convert_element_type3A_1502 masked %reduce_sum3A_1513 : vector<16xi32>, vector<16xi1> -> vector<16xi32>
    %reduce_sum3A_1515 = vector.extract %reduce_sum3A_1514[15] : i32 from vector<16xi32>
    %add3A_1516 = arith.addi %add3A_1364, %reduce_sum3A_1515 : i32
    %eq3A_1517 = arith.constant 3 : i32
    %eq3A_1518 = vector.broadcast %eq3A_1517 : i32 to vector<16xi32>
    %eq3A_1519 = arith.cmpi eq, %get3A_1462, %eq3A_1518 : vector<16xi32>
    %convert_element_type3A_1520 = arith.extui %eq3A_1519 : vector<16xi1> to vector<16xi32>
    %broadcast_in_dim3A_1521 = arith.constant true
    %broadcast_in_dim3A_1522 = vector.broadcast %broadcast_in_dim3A_1521 : i1 to vector<16xi1>
    %masked_cumsum3A_1523 = tpu.scan <sum>, %convert_element_type3A_1520 masked %broadcast_in_dim3A_1522 : vector<16xi32>, vector<16xi1> -> vector<16xi32>
    %add3A_1524 = vector.broadcast %add3A_1382 : i32 to vector<16xi32>
    %add3A_1525 = arith.addi %add3A_1524, %masked_cumsum3A_1523 : vector<16xi32>
    %sub3A_1526 = arith.constant 1 : i32
    %sub3A_1527 = vector.broadcast %sub3A_1526 : i32 to vector<16xi32>
    %sub3A_1528 = arith.subi %add3A_1525, %sub3A_1527 : vector<16xi32>
    %select_n3A_1529 = arith.select %eq3A_1519, %sub3A_1528, %select_n3A_1511 : vector<16xi1>, vector<16xi32>
    %reduce_sum3A_1530 = arith.constant true
    %reduce_sum3A_1531 = vector.broadcast %reduce_sum3A_1530 : i1 to vector<16xi1>
    %reduce_sum3A_1532 = tpu.scan <sum>, %convert_element_type3A_1520 masked %reduce_sum3A_1531 : vector<16xi32>, vector<16xi1> -> vector<16xi32>
    %reduce_sum3A_1533 = vector.extract %reduce_sum3A_1532[15] : i32 from vector<16xi32>
    %add3A_1534 = arith.addi %add3A_1382, %reduce_sum3A_1533 : i32
    %eq3A_1535 = arith.constant 4 : i32
    %eq3A_1536 = vector.broadcast %eq3A_1535 : i32 to vector<16xi32>
    %eq3A_1537 = arith.cmpi eq, %get3A_1462, %eq3A_1536 : vector<16xi32>
    %convert_element_type3A_1538 = arith.extui %eq3A_1537 : vector<16xi1> to vector<16xi32>
    %broadcast_in_dim3A_1539 = arith.constant true
    %broadcast_in_dim3A_1540 = vector.broadcast %broadcast_in_dim3A_1539 : i1 to vector<16xi1>
    %masked_cumsum3A_1541 = tpu.scan <sum>, %convert_element_type3A_1538 masked %broadcast_in_dim3A_1540 : vector<16xi32>, vector<16xi1> -> vector<16xi32>
    %add3A_1542 = vector.broadcast %add3A_1400 : i32 to vector<16xi32>
    %add3A_1543 = arith.addi %add3A_1542, %masked_cumsum3A_1541 : vector<16xi32>
    %sub3A_1544 = arith.constant 1 : i32
    %sub3A_1545 = vector.broadcast %sub3A_1544 : i32 to vector<16xi32>
    %sub3A_1546 = arith.subi %add3A_1543, %sub3A_1545 : vector<16xi32>
    %select_n3A_1547 = arith.select %eq3A_1537, %sub3A_1546, %select_n3A_1529 : vector<16xi1>, vector<16xi32>
    %reduce_sum3A_1548 = arith.constant true
    %reduce_sum3A_1549 = vector.broadcast %reduce_sum3A_1548 : i1 to vector<16xi1>
    %reduce_sum3A_1550 = tpu.scan <sum>, %convert_element_type3A_1538 masked %reduce_sum3A_1549 : vector<16xi32>, vector<16xi1> -> vector<16xi32>
    %reduce_sum3A_1551 = vector.extract %reduce_sum3A_1550[15] : i32 from vector<16xi32>
    %add3A_1552 = arith.addi %add3A_1400, %reduce_sum3A_1551 : i32
    %eq3A_1553 = arith.constant 5 : i32
    %eq3A_1554 = vector.broadcast %eq3A_1553 : i32 to vector<16xi32>
    %eq3A_1555 = arith.cmpi eq, %get3A_1462, %eq3A_1554 : vector<16xi32>
    %convert_element_type3A_1556 = arith.extui %eq3A_1555 : vector<16xi1> to vector<16xi32>
    %broadcast_in_dim3A_1557 = arith.constant true
    %broadcast_in_dim3A_1558 = vector.broadcast %broadcast_in_dim3A_1557 : i1 to vector<16xi1>
    %masked_cumsum3A_1559 = tpu.scan <sum>, %convert_element_type3A_1556 masked %broadcast_in_dim3A_1558 : vector<16xi32>, vector<16xi1> -> vector<16xi32>
    %add3A_1560 = vector.broadcast %add3A_1418 : i32 to vector<16xi32>
    %add3A_1561 = arith.addi %add3A_1560, %masked_cumsum3A_1559 : vector<16xi32>
    %sub3A_1562 = arith.constant 1 : i32
    %sub3A_1563 = vector.broadcast %sub3A_1562 : i32 to vector<16xi32>
    %sub3A_1564 = arith.subi %add3A_1561, %sub3A_1563 : vector<16xi32>
    %select_n3A_1565 = arith.select %eq3A_1555, %sub3A_1564, %select_n3A_1547 : vector<16xi1>, vector<16xi32>
    %reduce_sum3A_1566 = arith.constant true
    %reduce_sum3A_1567 = vector.broadcast %reduce_sum3A_1566 : i1 to vector<16xi1>
    %reduce_sum3A_1568 = tpu.scan <sum>, %convert_element_type3A_1556 masked %reduce_sum3A_1567 : vector<16xi32>, vector<16xi1> -> vector<16xi32>
    %reduce_sum3A_1569 = vector.extract %reduce_sum3A_1568[15] : i32 from vector<16xi32>
    %add3A_1570 = arith.addi %add3A_1418, %reduce_sum3A_1569 : i32
    %eq3A_1571 = arith.constant 6 : i32
    %eq3A_1572 = vector.broadcast %eq3A_1571 : i32 to vector<16xi32>
    %eq3A_1573 = arith.cmpi eq, %get3A_1462, %eq3A_1572 : vector<16xi32>
    %convert_element_type3A_1574 = arith.extui %eq3A_1573 : vector<16xi1> to vector<16xi32>
    %broadcast_in_dim3A_1575 = arith.constant true
    %broadcast_in_dim3A_1576 = vector.broadcast %broadcast_in_dim3A_1575 : i1 to vector<16xi1>
    %masked_cumsum3A_1577 = tpu.scan <sum>, %convert_element_type3A_1574 masked %broadcast_in_dim3A_1576 : vector<16xi32>, vector<16xi1> -> vector<16xi32>
    %add3A_1578 = vector.broadcast %add3A_1436 : i32 to vector<16xi32>
    %add3A_1579 = arith.addi %add3A_1578, %masked_cumsum3A_1577 : vector<16xi32>
    %sub3A_1580 = arith.constant 1 : i32
    %sub3A_1581 = vector.broadcast %sub3A_1580 : i32 to vector<16xi32>
    %sub3A_1582 = arith.subi %add3A_1579, %sub3A_1581 : vector<16xi32>
    %select_n3A_1583 = arith.select %eq3A_1573, %sub3A_1582, %select_n3A_1565 : vector<16xi1>, vector<16xi32>
    %reduce_sum3A_1584 = arith.constant true
    %reduce_sum3A_1585 = vector.broadcast %reduce_sum3A_1584 : i1 to vector<16xi1>
    %reduce_sum3A_1586 = tpu.scan <sum>, %convert_element_type3A_1574 masked %reduce_sum3A_1585 : vector<16xi32>, vector<16xi1> -> vector<16xi32>
    %reduce_sum3A_1587 = vector.extract %reduce_sum3A_1586[15] : i32 from vector<16xi32>
    %add3A_1588 = arith.addi %add3A_1436, %reduce_sum3A_1587 : i32
    %eq3A_1589 = arith.constant 7 : i32
    %eq3A_1590 = vector.broadcast %eq3A_1589 : i32 to vector<16xi32>
    %eq3A_1591 = arith.cmpi eq, %get3A_1462, %eq3A_1590 : vector<16xi32>
    %convert_element_type3A_1592 = arith.extui %eq3A_1591 : vector<16xi1> to vector<16xi32>
    %broadcast_in_dim3A_1593 = arith.constant true
    %broadcast_in_dim3A_1594 = vector.broadcast %broadcast_in_dim3A_1593 : i1 to vector<16xi1>
    %masked_cumsum3A_1595 = tpu.scan <sum>, %convert_element_type3A_1592 masked %broadcast_in_dim3A_1594 : vector<16xi32>, vector<16xi1> -> vector<16xi32>
    %add3A_1596 = vector.broadcast %add3A_1454 : i32 to vector<16xi32>
    %add3A_1597 = arith.addi %add3A_1596, %masked_cumsum3A_1595 : vector<16xi32>
    %sub3A_1598 = arith.constant 1 : i32
    %sub3A_1599 = vector.broadcast %sub3A_1598 : i32 to vector<16xi32>
    %sub3A_1600 = arith.subi %add3A_1597, %sub3A_1599 : vector<16xi32>
    %select_n3A_1601 = arith.select %eq3A_1591, %sub3A_1600, %select_n3A_1583 : vector<16xi1>, vector<16xi32>
    %reduce_sum3A_1602 = arith.constant true
    %reduce_sum3A_1603 = vector.broadcast %reduce_sum3A_1602 : i1 to vector<16xi1>
    %reduce_sum3A_1604 = tpu.scan <sum>, %convert_element_type3A_1592 masked %reduce_sum3A_1603 : vector<16xi32>, vector<16xi1> -> vector<16xi32>
    %reduce_sum3A_1605 = vector.extract %reduce_sum3A_1604[15] : i32 from vector<16xi32>
    %add3A_1606 = arith.addi %add3A_1454, %reduce_sum3A_1605 : i32
    %swap3A_1607 = arith.constant 1 : i32
    %swap3A_1608 = arith.index_cast %swap3A_1607 : i32 to index
    %swap3A_1609 = arith.constant 48 : index
    %swap3A_1610 = tpu.vector_load %arg10[%swap3A_1608, %swap3A_1609] {strides = array<i32>} : memref<2x64xi32, #tpu.memory_space<vmem>>, vector<16xi32>,
    tpu.vector_store %arg10[%swap3A_1608, %swap3A_1609], %select_n3A_1601 {strides = array<i32>} : memref<2x64xi32, #tpu.memory_space<vmem>>, vector<16xi32>,
    %run_scoped3A_1611 = arith.constant 0 : i32
    %run_scoped3A_1612 = arith.constant 0 : i32
    "tpu.region"() ({
      %run_scoped3A_1645 = tpu.sem_alloc : memref<!tpu.dma_semaphore, #tpu.memory_space<semaphore_mem>>
      %dma_start3A_1646 = arith.constant 0 : i32
      %dma_start3A_1647 = tpu.memref_slice %arg10[%run_scoped3A_1611, %dma_start3A_1646] : memref<2x64xi32, #tpu.memory_space<vmem>> -> memref<1x64xi32, #tpu.memory_space<vmem>>
      %dma_start3A_1648 = tpu.memref_squeeze %dma_start3A_1647 : memref<1x64xi32, #tpu.memory_space<vmem>> -> memref<64xi32, #tpu.memory_space<vmem>>
      %dma_start3A_1649 = tpu.memref_slice %arg6[%run_scoped3A_1612, %mul3A_2] : memref<2x2048xi32, #tpu.memory_space<hbm>> -> memref<1x64xi32, #tpu.memory_space<hbm>>
      %dma_start3A_1650 = tpu.memref_squeeze %dma_start3A_1649 : memref<1x64xi32, #tpu.memory_space<hbm>> -> memref<64xi32, #tpu.memory_space<hbm>>
      %dma_start3A_1651 = tpu.memref_slice %arg6[%run_scoped3A_1612, %mul3A_2] : memref<2x2048xi32, #tpu.memory_space<hbm>> -> memref<1x64xi32, #tpu.memory_space<hbm>>
      %dma_start3A_1652 = tpu.memref_squeeze %dma_start3A_1651 : memref<1x64xi32, #tpu.memory_space<hbm>> -> memref<64xi32, #tpu.memory_space<hbm>>
      %dma_start3A_1653 = arith.constant 0 : i32
      %dma_start3A_1654 = tpu.memref_slice %arg10[%run_scoped3A_1611, %dma_start3A_1653] : memref<2x64xi32, #tpu.memory_space<vmem>> -> memref<1x64xi32, #tpu.memory_space<vmem>>
      %dma_start3A_1655 = tpu.memref_squeeze %dma_start3A_1654 : memref<1x64xi32, #tpu.memory_space<vmem>> -> memref<64xi32, #tpu.memory_space<vmem>>
      tpu.enqueue_dma source(%dma_start3A_1655 : memref<64xi32, #tpu.memory_space<vmem>>) target(%dma_start3A_1652 : memref<64xi32, #tpu.memory_space<hbm>>) target_semaphore(%run_scoped3A_1645 : memref<!tpu.dma_semaphore, #tpu.memory_space<semaphore_mem>>)
      %dma_wait3A_1656 = arith.constant 0 : i32
      %dma_wait3A_1657 = tpu.memref_slice %arg10[%run_scoped3A_1611, %dma_wait3A_1656] : memref<2x64xi32, #tpu.memory_space<vmem>> -> memref<1x64xi32, #tpu.memory_space<vmem>>
      %dma_wait3A_1658 = tpu.memref_squeeze %dma_wait3A_1657 : memref<1x64xi32, #tpu.memory_space<vmem>> -> memref<64xi32, #tpu.memory_space<vmem>>
      %dma_wait3A_1659 = tpu.memref_slice %arg6[%run_scoped3A_1612, %mul3A_2] : memref<2x2048xi32, #tpu.memory_space<hbm>> -> memref<1x64xi32, #tpu.memory_space<hbm>>
      %dma_wait3A_1660 = tpu.memref_squeeze %dma_wait3A_1659 : memref<1x64xi32, #tpu.memory_space<hbm>> -> memref<64xi32, #tpu.memory_space<hbm>>
      %dma_wait3A_1661 = tpu.memref_slice %arg6[%run_scoped3A_1612, %mul3A_2] : memref<2x2048xi32, #tpu.memory_space<hbm>> -> memref<1x64xi32, #tpu.memory_space<hbm>>
      %dma_wait3A_1662 = tpu.memref_squeeze %dma_wait3A_1661 : memref<1x64xi32, #tpu.memory_space<hbm>> -> memref<64xi32, #tpu.memory_space<hbm>>
      %dma_wait3A_1663 = arith.constant 0 : i32
      %dma_wait3A_1664 = tpu.memref_slice %arg10[%run_scoped3A_1611, %dma_wait3A_1663] : memref<2x64xi32, #tpu.memory_space<vmem>> -> memref<1x64xi32, #tpu.memory_space<vmem>>
      %dma_wait3A_1665 = tpu.memref_squeeze %dma_wait3A_1664 : memref<1x64xi32, #tpu.memory_space<vmem>> -> memref<64xi32, #tpu.memory_space<vmem>>
      tpu.wait_dma2 semaphore(%run_scoped3A_1645 : memref<!tpu.dma_semaphore, #tpu.memory_space<semaphore_mem>>) src(%dma_wait3A_1665 : memref<64xi32, #tpu.memory_space<vmem>>) dst(%dma_wait3A_1662 : memref<64xi32, #tpu.memory_space<hbm>>)
      tpu.yield
    }) : () -> ()
    %run_scoped3A_1613 = arith.constant 1 : i32
    %run_scoped3A_1614 = arith.constant 1 : i32
    "tpu.region"() ({
      %run_scoped3A_1645 = tpu.sem_alloc : memref<!tpu.dma_semaphore, #tpu.memory_space<semaphore_mem>>
      %dma_start3A_1646 = arith.constant 0 : i32
      %dma_start3A_1647 = tpu.memref_slice %arg10[%run_scoped3A_1613, %dma_start3A_1646] : memref<2x64xi32, #tpu.memory_space<vmem>> -> memref<1x64xi32, #tpu.memory_space<vmem>>
      %dma_start3A_1648 = tpu.memref_squeeze %dma_start3A_1647 : memref<1x64xi32, #tpu.memory_space<vmem>> -> memref<64xi32, #tpu.memory_space<vmem>>
      %dma_start3A_1649 = tpu.memref_slice %arg6[%run_scoped3A_1614, %mul3A_2] : memref<2x2048xi32, #tpu.memory_space<hbm>> -> memref<1x64xi32, #tpu.memory_space<hbm>>
      %dma_start3A_1650 = tpu.memref_squeeze %dma_start3A_1649 : memref<1x64xi32, #tpu.memory_space<hbm>> -> memref<64xi32, #tpu.memory_space<hbm>>
      %dma_start3A_1651 = tpu.memref_slice %arg6[%run_scoped3A_1614, %mul3A_2] : memref<2x2048xi32, #tpu.memory_space<hbm>> -> memref<1x64xi32, #tpu.memory_space<hbm>>
      %dma_start3A_1652 = tpu.memref_squeeze %dma_start3A_1651 : memref<1x64xi32, #tpu.memory_space<hbm>> -> memref<64xi32, #tpu.memory_space<hbm>>
      %dma_start3A_1653 = arith.constant 0 : i32
      %dma_start3A_1654 = tpu.memref_slice %arg10[%run_scoped3A_1613, %dma_start3A_1653] : memref<2x64xi32, #tpu.memory_space<vmem>> -> memref<1x64xi32, #tpu.memory_space<vmem>>
      %dma_start3A_1655 = tpu.memref_squeeze %dma_start3A_1654 : memref<1x64xi32, #tpu.memory_space<vmem>> -> memref<64xi32, #tpu.memory_space<vmem>>
      tpu.enqueue_dma source(%dma_start3A_1655 : memref<64xi32, #tpu.memory_space<vmem>>) target(%dma_start3A_1652 : memref<64xi32, #tpu.memory_space<hbm>>) target_semaphore(%run_scoped3A_1645 : memref<!tpu.dma_semaphore, #tpu.memory_space<semaphore_mem>>)
      %dma_wait3A_1656 = arith.constant 0 : i32
      %dma_wait3A_1657 = tpu.memref_slice %arg10[%run_scoped3A_1613, %dma_wait3A_1656] : memref<2x64xi32, #tpu.memory_space<vmem>> -> memref<1x64xi32, #tpu.memory_space<vmem>>
      %dma_wait3A_1658 = tpu.memref_squeeze %dma_wait3A_1657 : memref<1x64xi32, #tpu.memory_space<vmem>> -> memref<64xi32, #tpu.memory_space<vmem>>
      %dma_wait3A_1659 = tpu.memref_slice %arg6[%run_scoped3A_1614, %mul3A_2] : memref<2x2048xi32, #tpu.memory_space<hbm>> -> memref<1x64xi32, #tpu.memory_space<hbm>>
      %dma_wait3A_1660 = tpu.memref_squeeze %dma_wait3A_1659 : memref<1x64xi32, #tpu.memory_space<hbm>> -> memref<64xi32, #tpu.memory_space<hbm>>
      %dma_wait3A_1661 = tpu.memref_slice %arg6[%run_scoped3A_1614, %mul3A_2] : memref<2x2048xi32, #tpu.memory_space<hbm>> -> memref<1x64xi32, #tpu.memory_space<hbm>>
      %dma_wait3A_1662 = tpu.memref_squeeze %dma_wait3A_1661 : memref<1x64xi32, #tpu.memory_space<hbm>> -> memref<64xi32, #tpu.memory_space<hbm>>
      %dma_wait3A_1663 = arith.constant 0 : i32
      %dma_wait3A_1664 = tpu.memref_slice %arg10[%run_scoped3A_1613, %dma_wait3A_1663] : memref<2x64xi32, #tpu.memory_space<vmem>> -> memref<1x64xi32, #tpu.memory_space<vmem>>
      %dma_wait3A_1665 = tpu.memref_squeeze %dma_wait3A_1664 : memref<1x64xi32, #tpu.memory_space<vmem>> -> memref<64xi32, #tpu.memory_space<vmem>>
      tpu.wait_dma2 semaphore(%run_scoped3A_1645 : memref<!tpu.dma_semaphore, #tpu.memory_space<semaphore_mem>>) src(%dma_wait3A_1665 : memref<64xi32, #tpu.memory_space<vmem>>) dst(%dma_wait3A_1662 : memref<64xi32, #tpu.memory_space<hbm>>)
      tpu.yield
    }) : () -> ()
    "tpu.region"() ({
      %run_scoped3A_1645 = tpu.sem_alloc : memref<!tpu.dma_semaphore, #tpu.memory_space<semaphore_mem>>
      %dma_start3A_1646 = arith.constant 0 : i32
      %dma_start3A_1647 = tpu.memref_slice %arg2[%mul3A_2, %dma_start3A_1646] : memref<2048x1024xf32, #tpu.memory_space<hbm>> -> memref<64x1024xf32, #tpu.memory_space<hbm>>
      %dma_start3A_1648 = arith.constant 0 : i32
      %dma_start3A_1649 = tpu.memref_slice %arg2[%mul3A_2, %dma_start3A_1648] : memref<2048x1024xf32, #tpu.memory_space<hbm>> -> memref<64x1024xf32, #tpu.memory_space<hbm>>
      tpu.enqueue_dma source(%dma_start3A_1649 : memref<64x1024xf32, #tpu.memory_space<hbm>>) target(%arg11 : memref<64x1024xf32, #tpu.memory_space<vmem>>) target_semaphore(%run_scoped3A_1645 : memref<!tpu.dma_semaphore, #tpu.memory_space<semaphore_mem>>)
      %dma_wait3A_1650 = arith.constant 0 : i32
      %dma_wait3A_1651 = tpu.memref_slice %arg2[%mul3A_2, %dma_wait3A_1650] : memref<2048x1024xf32, #tpu.memory_space<hbm>> -> memref<64x1024xf32, #tpu.memory_space<hbm>>
      %dma_wait3A_1652 = arith.constant 0 : i32
      %dma_wait3A_1653 = tpu.memref_slice %arg2[%mul3A_2, %dma_wait3A_1652] : memref<2048x1024xf32, #tpu.memory_space<hbm>> -> memref<64x1024xf32, #tpu.memory_space<hbm>>
      tpu.wait_dma2 semaphore(%run_scoped3A_1645 : memref<!tpu.dma_semaphore, #tpu.memory_space<semaphore_mem>>) src(%dma_wait3A_1653 : memref<64x1024xf32, #tpu.memory_space<hbm>>) dst(%arg11 : memref<64x1024xf32, #tpu.memory_space<vmem>>)
      tpu.yield
    }) : () -> ()
    %dma_start3A = arith.constant 0 : i32
    %dma_start3A_1615 = arith.constant 0 : i32
    %dma_start3A_1616 = tpu.memref_slice %arg10[%dma_start3A, %dma_start3A_1615] : memref<2x64xi32, #tpu.memory_space<vmem>> -> memref<1x64xi32, #tpu.memory_space<vmem>>
    %dma_start3A_1617 = tpu.memref_squeeze %dma_start3A_1616 : memref<1x64xi32, #tpu.memory_space<vmem>> -> memref<64xi32, #tpu.memory_space<vmem>>
    %dma_start3A_1618 = arith.constant 0 : i32
    %dma_start3A_1619 = arith.constant 0 : i32
    %dma_start3A_1620 = tpu.memref_slice %arg5[%dma_start3A_1618, %dma_start3A_1619] : memref<6144x1024xf32, #tpu.memory_space<hbm>> -> memref<6144x1024xf32, #tpu.memory_space<hbm>>
    tpu.enqueue_indirect_dma source(%arg11 : memref<64x1024xf32, #tpu.memory_space<vmem>>) target(%dma_start3A_1620 : memref<6144x1024xf32, #tpu.memory_space<hbm>>) offsets(%dma_start3A_1617 : memref<64xi32, #tpu.memory_space<vmem>>) semaphore(%arg13 : memref<!tpu.dma_semaphore, #tpu.memory_space<semaphore_mem>>)
    %dma_wait3A = arith.constant 0 : i32
    %dma_wait3A_1621 = arith.constant 0 : i32
    %dma_wait3A_1622 = tpu.memref_slice %arg10[%dma_wait3A, %dma_wait3A_1621] : memref<2x64xi32, #tpu.memory_space<vmem>> -> memref<1x64xi32, #tpu.memory_space<vmem>>
    %dma_wait3A_1623 = tpu.memref_squeeze %dma_wait3A_1622 : memref<1x64xi32, #tpu.memory_space<vmem>> -> memref<64xi32, #tpu.memory_space<vmem>>
    %dma_wait3A_1624 = arith.constant 0 : i32
    %dma_wait3A_1625 = arith.constant 0 : i32
    %dma_wait3A_1626 = tpu.memref_slice %arg5[%dma_wait3A_1624, %dma_wait3A_1625] : memref<6144x1024xf32, #tpu.memory_space<hbm>> -> memref<6144x1024xf32, #tpu.memory_space<hbm>>
    tpu.wait_indirect_dma semaphore(%arg13 : memref<!tpu.dma_semaphore, #tpu.memory_space<semaphore_mem>>) src(%arg11 : memref<64x1024xf32, #tpu.memory_space<vmem>>) dst(%dma_wait3A_1626 : memref<6144x1024xf32, #tpu.memory_space<hbm>>)
    %dma_start3A_1627 = arith.constant 1 : i32
    %dma_start3A_1628 = arith.constant 0 : i32
    %dma_start3A_1629 = tpu.memref_slice %arg10[%dma_start3A_1627, %dma_start3A_1628] : memref<2x64xi32, #tpu.memory_space<vmem>> -> memref<1x64xi32, #tpu.memory_space<vmem>>
    %dma_start3A_1630 = tpu.memref_squeeze %dma_start3A_1629 : memref<1x64xi32, #tpu.memory_space<vmem>> -> memref<64xi32, #tpu.memory_space<vmem>>
    %dma_start3A_1631 = arith.constant 0 : i32
    %dma_start3A_1632 = arith.constant 0 : i32
    %dma_start3A_1633 = tpu.memref_slice %arg5[%dma_start3A_1631, %dma_start3A_1632] : memref<6144x1024xf32, #tpu.memory_space<hbm>> -> memref<6144x1024xf32, #tpu.memory_space<hbm>>
    tpu.enqueue_indirect_dma source(%arg11 : memref<64x1024xf32, #tpu.memory_space<vmem>>) target(%dma_start3A_1633 : memref<6144x1024xf32, #tpu.memory_space<hbm>>) offsets(%dma_start3A_1630 : memref<64xi32, #tpu.memory_space<vmem>>) semaphore(%arg13 : memref<!tpu.dma_semaphore, #tpu.memory_space<semaphore_mem>>)
    %dma_wait3A_1634 = arith.constant 1 : i32
    %dma_wait3A_1635 = arith.constant 0 : i32
    %dma_wait3A_1636 = tpu.memref_slice %arg10[%dma_wait3A_1634, %dma_wait3A_1635] : memref<2x64xi32, #tpu.memory_space<vmem>> -> memref<1x64xi32, #tpu.memory_space<vmem>>
    %dma_wait3A_1637 = tpu.memref_squeeze %dma_wait3A_1636 : memref<1x64xi32, #tpu.memory_space<vmem>> -> memref<64xi32, #tpu.memory_space<vmem>>
    %dma_wait3A_1638 = arith.constant 0 : i32
    %dma_wait3A_1639 = arith.constant 0 : i32
    %dma_wait3A_1640 = tpu.memref_slice %arg5[%dma_wait3A_1638, %dma_wait3A_1639] : memref<6144x1024xf32, #tpu.memory_space<hbm>> -> memref<6144x1024xf32, #tpu.memory_space<hbm>>
    tpu.wait_indirect_dma semaphore(%arg13 : memref<!tpu.dma_semaphore, #tpu.memory_space<semaphore_mem>>) src(%arg11 : memref<64x1024xf32, #tpu.memory_space<vmem>>) dst(%dma_wait3A_1640 : memref<6144x1024xf32, #tpu.memory_space<hbm>>)
    %eq3A_1641 = arith.constant 0 : i32
    %eq3A_1642 = arith.cmpi eq, %add3A, %eq3A_1641 : i32
    %convert_element_type3A_1643 = arith.extui %eq3A_1642 : i1 to i32
    %cond3A = arith.constant 0 : i32
    %cond3A_1644 = arith.cmpi ne, %convert_element_type3A_1643, %cond3A : i32
    scf.if %cond3A_1644 {
      %shift_right_logical3A_1645 = arith.constant 8 : i32
      %shift_right_logical3A_1646 = vector.broadcast %shift_right_logical3A_1645 : i32 to vector<16xi32>
      %shift_right_logical3A_1647 = arith.shrui %sub3A, %shift_right_logical3A_1646 : vector<16xi32>
      %shift_right_logical3A_1648 = arith.constant 8 : i32
      %shift_right_logical3A_1649 = vector.broadcast %shift_right_logical3A_1648 : i32 to vector<16xi32>
      %shift_right_logical3A_1650 = arith.shrui %shift_left3A_331, %shift_right_logical3A_1649 : vector<16xi32>
      %reduce_sum3A_1651 = arith.constant true
      %reduce_sum3A_1652 = vector.broadcast %reduce_sum3A_1651 : i1 to vector<16xi1>
      %reduce_sum3A_1653 = tpu.scan <sum>, %shift_right_logical3A_1650 masked %reduce_sum3A_1652 : vector<16xi32>, vector<16xi1> -> vector<16xi32>
      %reduce_sum3A_1654 = vector.extract %reduce_sum3A_1653[15] : i32 from vector<16xi32>
      %gt3A = arith.constant 0 : i32
      %gt3A_1655 = vector.broadcast %gt3A : i32 to vector<16xi32>
      %gt3A_1656 = arith.cmpi sgt, %add3A_319, %gt3A_1655 : vector<16xi32>
      %select_n3A_1657 = arith.select %gt3A_1656, %iota3A, %broadcast_in_dim3A_3 : vector<16xi1>, vector<16xi32>
      %reduce_max3A = arith.constant true
      %reduce_max3A_1658 = vector.broadcast %reduce_max3A : i1 to vector<16xi1>
      %reduce_max3A_1659 = arith.constant -2147483648 : i32
      %reduce_max3A_1660 = vector.broadcast %reduce_max3A_1659 : i32 to vector<16xi32>
      %reduce_max3A_1661 = arith.xori %select_n3A_1657, %reduce_max3A_1660 : vector<16xi32>
      %reduce_max3A_1662 = tpu.scan <max>, %reduce_max3A_1661 masked %reduce_max3A_1658 : vector<16xi32>, vector<16xi1> -> vector<16xi32>
      %reduce_max3A_1663 = arith.xori %reduce_max3A_1662, %reduce_max3A_1660 : vector<16xi32>
      %reduce_max3A_1664 = vector.extract %reduce_max3A_1663[15] : i32 from vector<16xi32>
      %eq3A_1665 = arith.constant 0 : i32
      %eq3A_1666 = vector.broadcast %eq3A_1665 : i32 to vector<16xi32>
      %eq3A_1667 = arith.cmpi eq, %iota3A, %eq3A_1666 : vector<16xi32>
      %select_n3A_1668 = arith.select %eq3A_1667, %shift_right_logical3A_1647, %broadcast_in_dim3A_3 : vector<16xi1>, vector<16xi32>
      %reduce_sum3A_1669 = arith.constant true
      %reduce_sum3A_1670 = vector.broadcast %reduce_sum3A_1669 : i1 to vector<16xi1>
      %reduce_sum3A_1671 = tpu.scan <sum>, %select_n3A_1668 masked %reduce_sum3A_1670 : vector<16xi32>, vector<16xi1> -> vector<16xi32>
      %reduce_sum3A_1672 = vector.extract %reduce_sum3A_1671[15] : i32 from vector<16xi32>
      %eq3A_1673 = arith.constant 1 : i32
      %eq3A_1674 = vector.broadcast %eq3A_1673 : i32 to vector<16xi32>
      %eq3A_1675 = arith.cmpi eq, %iota3A, %eq3A_1674 : vector<16xi32>
      %select_n3A_1676 = arith.select %eq3A_1675, %shift_right_logical3A_1647, %broadcast_in_dim3A_3 : vector<16xi1>, vector<16xi32>
      %reduce_sum3A_1677 = arith.constant true
      %reduce_sum3A_1678 = vector.broadcast %reduce_sum3A_1677 : i1 to vector<16xi1>
      %reduce_sum3A_1679 = tpu.scan <sum>, %select_n3A_1676 masked %reduce_sum3A_1678 : vector<16xi32>, vector<16xi1> -> vector<16xi32>
      %reduce_sum3A_1680 = vector.extract %reduce_sum3A_1679[15] : i32 from vector<16xi32>
      %eq3A_1681 = arith.constant 2 : i32
      %eq3A_1682 = vector.broadcast %eq3A_1681 : i32 to vector<16xi32>
      %eq3A_1683 = arith.cmpi eq, %iota3A, %eq3A_1682 : vector<16xi32>
      %select_n3A_1684 = arith.select %eq3A_1683, %shift_right_logical3A_1647, %broadcast_in_dim3A_3 : vector<16xi1>, vector<16xi32>
      %reduce_sum3A_1685 = arith.constant true
      %reduce_sum3A_1686 = vector.broadcast %reduce_sum3A_1685 : i1 to vector<16xi1>
      %reduce_sum3A_1687 = tpu.scan <sum>, %select_n3A_1684 masked %reduce_sum3A_1686 : vector<16xi32>, vector<16xi1> -> vector<16xi32>
      %reduce_sum3A_1688 = vector.extract %reduce_sum3A_1687[15] : i32 from vector<16xi32>
      %eq3A_1689 = arith.constant 3 : i32
      %eq3A_1690 = vector.broadcast %eq3A_1689 : i32 to vector<16xi32>
      %eq3A_1691 = arith.cmpi eq, %iota3A, %eq3A_1690 : vector<16xi32>
      %select_n3A_1692 = arith.select %eq3A_1691, %shift_right_logical3A_1647, %broadcast_in_dim3A_3 : vector<16xi1>, vector<16xi32>
      %reduce_sum3A_1693 = arith.constant true
      %reduce_sum3A_1694 = vector.broadcast %reduce_sum3A_1693 : i1 to vector<16xi1>
      %reduce_sum3A_1695 = tpu.scan <sum>, %select_n3A_1692 masked %reduce_sum3A_1694 : vector<16xi32>, vector<16xi1> -> vector<16xi32>
      %reduce_sum3A_1696 = vector.extract %reduce_sum3A_1695[15] : i32 from vector<16xi32>
      %eq3A_1697 = arith.constant 4 : i32
      %eq3A_1698 = vector.broadcast %eq3A_1697 : i32 to vector<16xi32>
      %eq3A_1699 = arith.cmpi eq, %iota3A, %eq3A_1698 : vector<16xi32>
      %select_n3A_1700 = arith.select %eq3A_1699, %shift_right_logical3A_1647, %broadcast_in_dim3A_3 : vector<16xi1>, vector<16xi32>
      %reduce_sum3A_1701 = arith.constant true
      %reduce_sum3A_1702 = vector.broadcast %reduce_sum3A_1701 : i1 to vector<16xi1>
      %reduce_sum3A_1703 = tpu.scan <sum>, %select_n3A_1700 masked %reduce_sum3A_1702 : vector<16xi32>, vector<16xi1> -> vector<16xi32>
      %reduce_sum3A_1704 = vector.extract %reduce_sum3A_1703[15] : i32 from vector<16xi32>
      %eq3A_1705 = arith.constant 5 : i32
      %eq3A_1706 = vector.broadcast %eq3A_1705 : i32 to vector<16xi32>
      %eq3A_1707 = arith.cmpi eq, %iota3A, %eq3A_1706 : vector<16xi32>
      %select_n3A_1708 = arith.select %eq3A_1707, %shift_right_logical3A_1647, %broadcast_in_dim3A_3 : vector<16xi1>, vector<16xi32>
      %reduce_sum3A_1709 = arith.constant true
      %reduce_sum3A_1710 = vector.broadcast %reduce_sum3A_1709 : i1 to vector<16xi1>
      %reduce_sum3A_1711 = tpu.scan <sum>, %select_n3A_1708 masked %reduce_sum3A_1710 : vector<16xi32>, vector<16xi1> -> vector<16xi32>
      %reduce_sum3A_1712 = vector.extract %reduce_sum3A_1711[15] : i32 from vector<16xi32>
      %eq3A_1713 = arith.constant 6 : i32
      %eq3A_1714 = vector.broadcast %eq3A_1713 : i32 to vector<16xi32>
      %eq3A_1715 = arith.cmpi eq, %iota3A, %eq3A_1714 : vector<16xi32>
      %select_n3A_1716 = arith.select %eq3A_1715, %shift_right_logical3A_1647, %broadcast_in_dim3A_3 : vector<16xi1>, vector<16xi32>
      %reduce_sum3A_1717 = arith.constant true
      %reduce_sum3A_1718 = vector.broadcast %reduce_sum3A_1717 : i1 to vector<16xi1>
      %reduce_sum3A_1719 = tpu.scan <sum>, %select_n3A_1716 masked %reduce_sum3A_1718 : vector<16xi32>, vector<16xi1> -> vector<16xi32>
      %reduce_sum3A_1720 = vector.extract %reduce_sum3A_1719[15] : i32 from vector<16xi32>
      %eq3A_1721 = arith.constant 7 : i32
      %eq3A_1722 = vector.broadcast %eq3A_1721 : i32 to vector<16xi32>
      %eq3A_1723 = arith.cmpi eq, %iota3A, %eq3A_1722 : vector<16xi32>
      %select_n3A_1724 = arith.select %eq3A_1723, %shift_right_logical3A_1647, %broadcast_in_dim3A_3 : vector<16xi1>, vector<16xi32>
      %reduce_sum3A_1725 = arith.constant true
      %reduce_sum3A_1726 = vector.broadcast %reduce_sum3A_1725 : i1 to vector<16xi1>
      %reduce_sum3A_1727 = tpu.scan <sum>, %select_n3A_1724 masked %reduce_sum3A_1726 : vector<16xi32>, vector<16xi1> -> vector<16xi32>
      %reduce_sum3A_1728 = vector.extract %reduce_sum3A_1727[15] : i32 from vector<16xi32>
      %eq3A_1729 = arith.constant 0 : i32
      %eq3A_1730 = vector.broadcast %eq3A_1729 : i32 to vector<16xi32>
      %eq3A_1731 = arith.cmpi eq, %iota3A, %eq3A_1730 : vector<16xi32>
      %select_n3A_1732 = arith.select %eq3A_1731, %shift_right_logical3A_1650, %broadcast_in_dim3A_3 : vector<16xi1>, vector<16xi32>
      %reduce_sum3A_1733 = arith.constant true
      %reduce_sum3A_1734 = vector.broadcast %reduce_sum3A_1733 : i1 to vector<16xi1>
      %reduce_sum3A_1735 = tpu.scan <sum>, %select_n3A_1732 masked %reduce_sum3A_1734 : vector<16xi32>, vector<16xi1> -> vector<16xi32>
      %reduce_sum3A_1736 = vector.extract %reduce_sum3A_1735[15] : i32 from vector<16xi32>
      %eq3A_1737 = arith.constant 1 : i32
      %eq3A_1738 = vector.broadcast %eq3A_1737 : i32 to vector<16xi32>
      %eq3A_1739 = arith.cmpi eq, %iota3A, %eq3A_1738 : vector<16xi32>
      %select_n3A_1740 = arith.select %eq3A_1739, %shift_right_logical3A_1650, %broadcast_in_dim3A_3 : vector<16xi1>, vector<16xi32>
      %reduce_sum3A_1741 = arith.constant true
      %reduce_sum3A_1742 = vector.broadcast %reduce_sum3A_1741 : i1 to vector<16xi1>
      %reduce_sum3A_1743 = tpu.scan <sum>, %select_n3A_1740 masked %reduce_sum3A_1742 : vector<16xi32>, vector<16xi1> -> vector<16xi32>
      %reduce_sum3A_1744 = vector.extract %reduce_sum3A_1743[15] : i32 from vector<16xi32>
      %eq3A_1745 = arith.constant 2 : i32
      %eq3A_1746 = vector.broadcast %eq3A_1745 : i32 to vector<16xi32>
      %eq3A_1747 = arith.cmpi eq, %iota3A, %eq3A_1746 : vector<16xi32>
      %select_n3A_1748 = arith.select %eq3A_1747, %shift_right_logical3A_1650, %broadcast_in_dim3A_3 : vector<16xi1>, vector<16xi32>
      %reduce_sum3A_1749 = arith.constant true
      %reduce_sum3A_1750 = vector.broadcast %reduce_sum3A_1749 : i1 to vector<16xi1>
      %reduce_sum3A_1751 = tpu.scan <sum>, %select_n3A_1748 masked %reduce_sum3A_1750 : vector<16xi32>, vector<16xi1> -> vector<16xi32>
      %reduce_sum3A_1752 = vector.extract %reduce_sum3A_1751[15] : i32 from vector<16xi32>
      %eq3A_1753 = arith.constant 3 : i32
      %eq3A_1754 = vector.broadcast %eq3A_1753 : i32 to vector<16xi32>
      %eq3A_1755 = arith.cmpi eq, %iota3A, %eq3A_1754 : vector<16xi32>
      %select_n3A_1756 = arith.select %eq3A_1755, %shift_right_logical3A_1650, %broadcast_in_dim3A_3 : vector<16xi1>, vector<16xi32>
      %reduce_sum3A_1757 = arith.constant true
      %reduce_sum3A_1758 = vector.broadcast %reduce_sum3A_1757 : i1 to vector<16xi1>
      %reduce_sum3A_1759 = tpu.scan <sum>, %select_n3A_1756 masked %reduce_sum3A_1758 : vector<16xi32>, vector<16xi1> -> vector<16xi32>
      %reduce_sum3A_1760 = vector.extract %reduce_sum3A_1759[15] : i32 from vector<16xi32>
      %eq3A_1761 = arith.constant 4 : i32
      %eq3A_1762 = vector.broadcast %eq3A_1761 : i32 to vector<16xi32>
      %eq3A_1763 = arith.cmpi eq, %iota3A, %eq3A_1762 : vector<16xi32>
      %select_n3A_1764 = arith.select %eq3A_1763, %shift_right_logical3A_1650, %broadcast_in_dim3A_3 : vector<16xi1>, vector<16xi32>
      %reduce_sum3A_1765 = arith.constant true
      %reduce_sum3A_1766 = vector.broadcast %reduce_sum3A_1765 : i1 to vector<16xi1>
      %reduce_sum3A_1767 = tpu.scan <sum>, %select_n3A_1764 masked %reduce_sum3A_1766 : vector<16xi32>, vector<16xi1> -> vector<16xi32>
      %reduce_sum3A_1768 = vector.extract %reduce_sum3A_1767[15] : i32 from vector<16xi32>
      %eq3A_1769 = arith.constant 5 : i32
      %eq3A_1770 = vector.broadcast %eq3A_1769 : i32 to vector<16xi32>
      %eq3A_1771 = arith.cmpi eq, %iota3A, %eq3A_1770 : vector<16xi32>
      %select_n3A_1772 = arith.select %eq3A_1771, %shift_right_logical3A_1650, %broadcast_in_dim3A_3 : vector<16xi1>, vector<16xi32>
      %reduce_sum3A_1773 = arith.constant true
      %reduce_sum3A_1774 = vector.broadcast %reduce_sum3A_1773 : i1 to vector<16xi1>
      %reduce_sum3A_1775 = tpu.scan <sum>, %select_n3A_1772 masked %reduce_sum3A_1774 : vector<16xi32>, vector<16xi1> -> vector<16xi32>
      %reduce_sum3A_1776 = vector.extract %reduce_sum3A_1775[15] : i32 from vector<16xi32>
      %eq3A_1777 = arith.constant 6 : i32
      %eq3A_1778 = vector.broadcast %eq3A_1777 : i32 to vector<16xi32>
      %eq3A_1779 = arith.cmpi eq, %iota3A, %eq3A_1778 : vector<16xi32>
      %select_n3A_1780 = arith.select %eq3A_1779, %shift_right_logical3A_1650, %broadcast_in_dim3A_3 : vector<16xi1>, vector<16xi32>
      %reduce_sum3A_1781 = arith.constant true
      %reduce_sum3A_1782 = vector.broadcast %reduce_sum3A_1781 : i1 to vector<16xi1>
      %reduce_sum3A_1783 = tpu.scan <sum>, %select_n3A_1780 masked %reduce_sum3A_1782 : vector<16xi32>, vector<16xi1> -> vector<16xi32>
      %reduce_sum3A_1784 = vector.extract %reduce_sum3A_1783[15] : i32 from vector<16xi32>
      %eq3A_1785 = arith.constant 7 : i32
      %eq3A_1786 = vector.broadcast %eq3A_1785 : i32 to vector<16xi32>
      %eq3A_1787 = arith.cmpi eq, %iota3A, %eq3A_1786 : vector<16xi32>
      %select_n3A_1788 = arith.select %eq3A_1787, %shift_right_logical3A_1650, %broadcast_in_dim3A_3 : vector<16xi1>, vector<16xi32>
      %reduce_sum3A_1789 = arith.constant true
      %reduce_sum3A_1790 = vector.broadcast %reduce_sum3A_1789 : i1 to vector<16xi1>
      %reduce_sum3A_1791 = tpu.scan <sum>, %select_n3A_1788 masked %reduce_sum3A_1790 : vector<16xi32>, vector<16xi1> -> vector<16xi32>
      %reduce_sum3A_1792 = vector.extract %reduce_sum3A_1791[15] : i32 from vector<16xi32>
      %add3A_1793 = arith.constant 0 : i32
      %add3A_1794 = vector.broadcast %add3A_1793 : i32 to vector<16xi32>
      %add3A_1795 = arith.addi %iota3A, %add3A_1794 : vector<16xi32>
      %broadcast_in_dim3A_1796 = arith.constant 0 : i32
      %broadcast_in_dim3A_1797 = vector.broadcast %broadcast_in_dim3A_1796 : i32 to vector<16xi32>
      %add3A_1798 = vector.broadcast %reduce_max3A_1664 : i32 to vector<16xi32>
      %add3A_1799 = arith.addi %broadcast_in_dim3A_1797, %add3A_1798 : vector<16xi32>
      %ge3A = vector.broadcast %reduce_sum3A_1672 : i32 to vector<16xi32>
      %ge3A_1800 = arith.cmpi sge, %add3A_1795, %ge3A : vector<16xi32>
      %add3A_1801 = arith.addi %reduce_sum3A_1672, %reduce_sum3A_1736 : i32
      %lt3A_1802 = vector.broadcast %add3A_1801 : i32 to vector<16xi32>
      %lt3A_1803 = arith.cmpi slt, %add3A_1795, %lt3A_1802 : vector<16xi32>
      %and3A = arith.andi %ge3A_1800, %lt3A_1803 : vector<16xi1>
      %jit3A = arith.constant 0 : i32
      %broadcast_in_dim3A_1804 = vector.broadcast %jit3A : i32 to vector<16xi32>
      %select_n3A_1805 = arith.select %and3A, %broadcast_in_dim3A_1804, %add3A_1799 : vector<16xi1>, vector<16xi32>
      %ge3A_1806 = vector.broadcast %reduce_sum3A_1680 : i32 to vector<16xi32>
      %ge3A_1807 = arith.cmpi sge, %add3A_1795, %ge3A_1806 : vector<16xi32>
      %add3A_1808 = arith.addi %reduce_sum3A_1680, %reduce_sum3A_1744 : i32
      %lt3A_1809 = vector.broadcast %add3A_1808 : i32 to vector<16xi32>
      %lt3A_1810 = arith.cmpi slt, %add3A_1795, %lt3A_1809 : vector<16xi32>
      %and3A_1811 = arith.andi %ge3A_1807, %lt3A_1810 : vector<16xi1>
      %jit3A_1812 = arith.constant 1 : i32
      %broadcast_in_dim3A_1813 = vector.broadcast %jit3A_1812 : i32 to vector<16xi32>
      %select_n3A_1814 = arith.select %and3A_1811, %broadcast_in_dim3A_1813, %select_n3A_1805 : vector<16xi1>, vector<16xi32>
      %ge3A_1815 = vector.broadcast %reduce_sum3A_1688 : i32 to vector<16xi32>
      %ge3A_1816 = arith.cmpi sge, %add3A_1795, %ge3A_1815 : vector<16xi32>
      %add3A_1817 = arith.addi %reduce_sum3A_1688, %reduce_sum3A_1752 : i32
      %lt3A_1818 = vector.broadcast %add3A_1817 : i32 to vector<16xi32>
      %lt3A_1819 = arith.cmpi slt, %add3A_1795, %lt3A_1818 : vector<16xi32>
      %and3A_1820 = arith.andi %ge3A_1816, %lt3A_1819 : vector<16xi1>
      %jit3A_1821 = arith.constant 2 : i32
      %broadcast_in_dim3A_1822 = vector.broadcast %jit3A_1821 : i32 to vector<16xi32>
      %select_n3A_1823 = arith.select %and3A_1820, %broadcast_in_dim3A_1822, %select_n3A_1814 : vector<16xi1>, vector<16xi32>
      %ge3A_1824 = vector.broadcast %reduce_sum3A_1696 : i32 to vector<16xi32>
      %ge3A_1825 = arith.cmpi sge, %add3A_1795, %ge3A_1824 : vector<16xi32>
      %add3A_1826 = arith.addi %reduce_sum3A_1696, %reduce_sum3A_1760 : i32
      %lt3A_1827 = vector.broadcast %add3A_1826 : i32 to vector<16xi32>
      %lt3A_1828 = arith.cmpi slt, %add3A_1795, %lt3A_1827 : vector<16xi32>
      %and3A_1829 = arith.andi %ge3A_1825, %lt3A_1828 : vector<16xi1>
      %jit3A_1830 = arith.constant 3 : i32
      %broadcast_in_dim3A_1831 = vector.broadcast %jit3A_1830 : i32 to vector<16xi32>
      %select_n3A_1832 = arith.select %and3A_1829, %broadcast_in_dim3A_1831, %select_n3A_1823 : vector<16xi1>, vector<16xi32>
      %ge3A_1833 = vector.broadcast %reduce_sum3A_1704 : i32 to vector<16xi32>
      %ge3A_1834 = arith.cmpi sge, %add3A_1795, %ge3A_1833 : vector<16xi32>
      %add3A_1835 = arith.addi %reduce_sum3A_1704, %reduce_sum3A_1768 : i32
      %lt3A_1836 = vector.broadcast %add3A_1835 : i32 to vector<16xi32>
      %lt3A_1837 = arith.cmpi slt, %add3A_1795, %lt3A_1836 : vector<16xi32>
      %and3A_1838 = arith.andi %ge3A_1834, %lt3A_1837 : vector<16xi1>
      %jit3A_1839 = arith.constant 4 : i32
      %broadcast_in_dim3A_1840 = vector.broadcast %jit3A_1839 : i32 to vector<16xi32>
      %select_n3A_1841 = arith.select %and3A_1838, %broadcast_in_dim3A_1840, %select_n3A_1832 : vector<16xi1>, vector<16xi32>
      %ge3A_1842 = vector.broadcast %reduce_sum3A_1712 : i32 to vector<16xi32>
      %ge3A_1843 = arith.cmpi sge, %add3A_1795, %ge3A_1842 : vector<16xi32>
      %add3A_1844 = arith.addi %reduce_sum3A_1712, %reduce_sum3A_1776 : i32
      %lt3A_1845 = vector.broadcast %add3A_1844 : i32 to vector<16xi32>
      %lt3A_1846 = arith.cmpi slt, %add3A_1795, %lt3A_1845 : vector<16xi32>
      %and3A_1847 = arith.andi %ge3A_1843, %lt3A_1846 : vector<16xi1>
      %jit3A_1848 = arith.constant 5 : i32
      %broadcast_in_dim3A_1849 = vector.broadcast %jit3A_1848 : i32 to vector<16xi32>
      %select_n3A_1850 = arith.select %and3A_1847, %broadcast_in_dim3A_1849, %select_n3A_1841 : vector<16xi1>, vector<16xi32>
      %ge3A_1851 = vector.broadcast %reduce_sum3A_1720 : i32 to vector<16xi32>
      %ge3A_1852 = arith.cmpi sge, %add3A_1795, %ge3A_1851 : vector<16xi32>
      %add3A_1853 = arith.addi %reduce_sum3A_1720, %reduce_sum3A_1784 : i32
      %lt3A_1854 = vector.broadcast %add3A_1853 : i32 to vector<16xi32>
      %lt3A_1855 = arith.cmpi slt, %add3A_1795, %lt3A_1854 : vector<16xi32>
      %and3A_1856 = arith.andi %ge3A_1852, %lt3A_1855 : vector<16xi1>
      %jit3A_1857 = arith.constant 6 : i32
      %broadcast_in_dim3A_1858 = vector.broadcast %jit3A_1857 : i32 to vector<16xi32>
      %select_n3A_1859 = arith.select %and3A_1856, %broadcast_in_dim3A_1858, %select_n3A_1850 : vector<16xi1>, vector<16xi32>
      %ge3A_1860 = vector.broadcast %reduce_sum3A_1728 : i32 to vector<16xi32>
      %ge3A_1861 = arith.cmpi sge, %add3A_1795, %ge3A_1860 : vector<16xi32>
      %add3A_1862 = arith.addi %reduce_sum3A_1728, %reduce_sum3A_1792 : i32
      %lt3A_1863 = vector.broadcast %add3A_1862 : i32 to vector<16xi32>
      %lt3A_1864 = arith.cmpi slt, %add3A_1795, %lt3A_1863 : vector<16xi32>
      %and3A_1865 = arith.andi %ge3A_1861, %lt3A_1864 : vector<16xi1>
      %jit3A_1866 = arith.constant 7 : i32
      %broadcast_in_dim3A_1867 = vector.broadcast %jit3A_1866 : i32 to vector<16xi32>
      %select_n3A_1868 = arith.select %and3A_1865, %broadcast_in_dim3A_1867, %select_n3A_1859 : vector<16xi1>, vector<16xi32>
      %eq3A_1869 = arith.constant 24 : i32
      %eq3A_1870 = vector.broadcast %eq3A_1869 : i32 to vector<16xi32>
      %eq3A_1871 = arith.cmpi eq, %add3A_1795, %eq3A_1870 : vector<16xi32>
      %broadcast_in_dim3A_1872 = vector.broadcast %reduce_sum3A_1654 : i32 to vector<16xi32>
      %select_n3A_1873 = arith.select %eq3A_1871, %broadcast_in_dim3A_1872, %select_n3A_1868 : vector<16xi1>, vector<16xi32>
      %swap3A_1874 = arith.constant 0 : index
      %swap3A_1875 = tpu.vector_load %arg12[%swap3A_1874] {strides = array<i32>} : memref<32xi32, #tpu.memory_space<vmem>>, vector<16xi32>,
      tpu.vector_store %arg12[%swap3A_1874], %select_n3A_1873 {strides = array<i32>} : memref<32xi32, #tpu.memory_space<vmem>>, vector<16xi32>,
      %add3A_1876 = arith.constant 16 : i32
      %add3A_1877 = vector.broadcast %add3A_1876 : i32 to vector<16xi32>
      %add3A_1878 = arith.addi %iota3A, %add3A_1877 : vector<16xi32>
      %broadcast_in_dim3A_1879 = arith.constant 0 : i32
      %broadcast_in_dim3A_1880 = vector.broadcast %broadcast_in_dim3A_1879 : i32 to vector<16xi32>
      %add3A_1881 = vector.broadcast %reduce_max3A_1664 : i32 to vector<16xi32>
      %add3A_1882 = arith.addi %broadcast_in_dim3A_1880, %add3A_1881 : vector<16xi32>
      %ge3A_1883 = vector.broadcast %reduce_sum3A_1672 : i32 to vector<16xi32>
      %ge3A_1884 = arith.cmpi sge, %add3A_1878, %ge3A_1883 : vector<16xi32>
      %add3A_1885 = arith.addi %reduce_sum3A_1672, %reduce_sum3A_1736 : i32
      %lt3A_1886 = vector.broadcast %add3A_1885 : i32 to vector<16xi32>
      %lt3A_1887 = arith.cmpi slt, %add3A_1878, %lt3A_1886 : vector<16xi32>
      %and3A_1888 = arith.andi %ge3A_1884, %lt3A_1887 : vector<16xi1>
      %jit3A_1889 = arith.constant 0 : i32
      %broadcast_in_dim3A_1890 = vector.broadcast %jit3A_1889 : i32 to vector<16xi32>
      %select_n3A_1891 = arith.select %and3A_1888, %broadcast_in_dim3A_1890, %add3A_1882 : vector<16xi1>, vector<16xi32>
      %ge3A_1892 = vector.broadcast %reduce_sum3A_1680 : i32 to vector<16xi32>
      %ge3A_1893 = arith.cmpi sge, %add3A_1878, %ge3A_1892 : vector<16xi32>
      %add3A_1894 = arith.addi %reduce_sum3A_1680, %reduce_sum3A_1744 : i32
      %lt3A_1895 = vector.broadcast %add3A_1894 : i32 to vector<16xi32>
      %lt3A_1896 = arith.cmpi slt, %add3A_1878, %lt3A_1895 : vector<16xi32>
      %and3A_1897 = arith.andi %ge3A_1893, %lt3A_1896 : vector<16xi1>
      %jit3A_1898 = arith.constant 1 : i32
      %broadcast_in_dim3A_1899 = vector.broadcast %jit3A_1898 : i32 to vector<16xi32>
      %select_n3A_1900 = arith.select %and3A_1897, %broadcast_in_dim3A_1899, %select_n3A_1891 : vector<16xi1>, vector<16xi32>
      %ge3A_1901 = vector.broadcast %reduce_sum3A_1688 : i32 to vector<16xi32>
      %ge3A_1902 = arith.cmpi sge, %add3A_1878, %ge3A_1901 : vector<16xi32>
      %add3A_1903 = arith.addi %reduce_sum3A_1688, %reduce_sum3A_1752 : i32
      %lt3A_1904 = vector.broadcast %add3A_1903 : i32 to vector<16xi32>
      %lt3A_1905 = arith.cmpi slt, %add3A_1878, %lt3A_1904 : vector<16xi32>
      %and3A_1906 = arith.andi %ge3A_1902, %lt3A_1905 : vector<16xi1>
      %jit3A_1907 = arith.constant 2 : i32
      %broadcast_in_dim3A_1908 = vector.broadcast %jit3A_1907 : i32 to vector<16xi32>
      %select_n3A_1909 = arith.select %and3A_1906, %broadcast_in_dim3A_1908, %select_n3A_1900 : vector<16xi1>, vector<16xi32>
      %ge3A_1910 = vector.broadcast %reduce_sum3A_1696 : i32 to vector<16xi32>
      %ge3A_1911 = arith.cmpi sge, %add3A_1878, %ge3A_1910 : vector<16xi32>
      %add3A_1912 = arith.addi %reduce_sum3A_1696, %reduce_sum3A_1760 : i32
      %lt3A_1913 = vector.broadcast %add3A_1912 : i32 to vector<16xi32>
      %lt3A_1914 = arith.cmpi slt, %add3A_1878, %lt3A_1913 : vector<16xi32>
      %and3A_1915 = arith.andi %ge3A_1911, %lt3A_1914 : vector<16xi1>
      %jit3A_1916 = arith.constant 3 : i32
      %broadcast_in_dim3A_1917 = vector.broadcast %jit3A_1916 : i32 to vector<16xi32>
      %select_n3A_1918 = arith.select %and3A_1915, %broadcast_in_dim3A_1917, %select_n3A_1909 : vector<16xi1>, vector<16xi32>
      %ge3A_1919 = vector.broadcast %reduce_sum3A_1704 : i32 to vector<16xi32>
      %ge3A_1920 = arith.cmpi sge, %add3A_1878, %ge3A_1919 : vector<16xi32>
      %add3A_1921 = arith.addi %reduce_sum3A_1704, %reduce_sum3A_1768 : i32
      %lt3A_1922 = vector.broadcast %add3A_1921 : i32 to vector<16xi32>
      %lt3A_1923 = arith.cmpi slt, %add3A_1878, %lt3A_1922 : vector<16xi32>
      %and3A_1924 = arith.andi %ge3A_1920, %lt3A_1923 : vector<16xi1>
      %jit3A_1925 = arith.constant 4 : i32
      %broadcast_in_dim3A_1926 = vector.broadcast %jit3A_1925 : i32 to vector<16xi32>
      %select_n3A_1927 = arith.select %and3A_1924, %broadcast_in_dim3A_1926, %select_n3A_1918 : vector<16xi1>, vector<16xi32>
      %ge3A_1928 = vector.broadcast %reduce_sum3A_1712 : i32 to vector<16xi32>
      %ge3A_1929 = arith.cmpi sge, %add3A_1878, %ge3A_1928 : vector<16xi32>
      %add3A_1930 = arith.addi %reduce_sum3A_1712, %reduce_sum3A_1776 : i32
      %lt3A_1931 = vector.broadcast %add3A_1930 : i32 to vector<16xi32>
      %lt3A_1932 = arith.cmpi slt, %add3A_1878, %lt3A_1931 : vector<16xi32>
      %and3A_1933 = arith.andi %ge3A_1929, %lt3A_1932 : vector<16xi1>
      %jit3A_1934 = arith.constant 5 : i32
      %broadcast_in_dim3A_1935 = vector.broadcast %jit3A_1934 : i32 to vector<16xi32>
      %select_n3A_1936 = arith.select %and3A_1933, %broadcast_in_dim3A_1935, %select_n3A_1927 : vector<16xi1>, vector<16xi32>
      %ge3A_1937 = vector.broadcast %reduce_sum3A_1720 : i32 to vector<16xi32>
      %ge3A_1938 = arith.cmpi sge, %add3A_1878, %ge3A_1937 : vector<16xi32>
      %add3A_1939 = arith.addi %reduce_sum3A_1720, %reduce_sum3A_1784 : i32
      %lt3A_1940 = vector.broadcast %add3A_1939 : i32 to vector<16xi32>
      %lt3A_1941 = arith.cmpi slt, %add3A_1878, %lt3A_1940 : vector<16xi32>
      %and3A_1942 = arith.andi %ge3A_1938, %lt3A_1941 : vector<16xi1>
      %jit3A_1943 = arith.constant 6 : i32
      %broadcast_in_dim3A_1944 = vector.broadcast %jit3A_1943 : i32 to vector<16xi32>
      %select_n3A_1945 = arith.select %and3A_1942, %broadcast_in_dim3A_1944, %select_n3A_1936 : vector<16xi1>, vector<16xi32>
      %ge3A_1946 = vector.broadcast %reduce_sum3A_1728 : i32 to vector<16xi32>
      %ge3A_1947 = arith.cmpi sge, %add3A_1878, %ge3A_1946 : vector<16xi32>
      %add3A_1948 = arith.addi %reduce_sum3A_1728, %reduce_sum3A_1792 : i32
      %lt3A_1949 = vector.broadcast %add3A_1948 : i32 to vector<16xi32>
      %lt3A_1950 = arith.cmpi slt, %add3A_1878, %lt3A_1949 : vector<16xi32>
      %and3A_1951 = arith.andi %ge3A_1947, %lt3A_1950 : vector<16xi1>
      %jit3A_1952 = arith.constant 7 : i32
      %broadcast_in_dim3A_1953 = vector.broadcast %jit3A_1952 : i32 to vector<16xi32>
      %select_n3A_1954 = arith.select %and3A_1951, %broadcast_in_dim3A_1953, %select_n3A_1945 : vector<16xi1>, vector<16xi32>
      %eq3A_1955 = arith.constant 24 : i32
      %eq3A_1956 = vector.broadcast %eq3A_1955 : i32 to vector<16xi32>
      %eq3A_1957 = arith.cmpi eq, %add3A_1878, %eq3A_1956 : vector<16xi32>
      %broadcast_in_dim3A_1958 = vector.broadcast %reduce_sum3A_1654 : i32 to vector<16xi32>
      %select_n3A_1959 = arith.select %eq3A_1957, %broadcast_in_dim3A_1958, %select_n3A_1954 : vector<16xi1>, vector<16xi32>
      %swap3A_1960 = arith.constant 16 : index
      %swap3A_1961 = tpu.vector_load %arg12[%swap3A_1960] {strides = array<i32>} : memref<32xi32, #tpu.memory_space<vmem>>, vector<16xi32>,
      tpu.vector_store %arg12[%swap3A_1960], %select_n3A_1959 {strides = array<i32>} : memref<32xi32, #tpu.memory_space<vmem>>, vector<16xi32>,
      "tpu.region"() ({
        %run_scoped3A_1962 = tpu.sem_alloc : memref<!tpu.dma_semaphore, #tpu.memory_space<semaphore_mem>>
        tpu.enqueue_dma source(%arg12 : memref<32xi32, #tpu.memory_space<vmem>>) target(%arg7 : memref<32xi32, #tpu.memory_space<hbm>>) target_semaphore(%run_scoped3A_1962 : memref<!tpu.dma_semaphore, #tpu.memory_space<semaphore_mem>>)
        tpu.wait_dma2 semaphore(%run_scoped3A_1962 : memref<!tpu.dma_semaphore, #tpu.memory_space<semaphore_mem>>) src(%arg12 : memref<32xi32, #tpu.memory_space<vmem>>) dst(%arg7 : memref<32xi32, #tpu.memory_space<hbm>>)
        tpu.yield
      }) : () -> ()
    } else {
    }
    return
  }
}

module attributes {stable_mosaic.version = 14 : i64} {
  func.func @_grouped_body(%arg0: i32, %arg1: memref<32xi32, #tpu.memory_space<smem>>, %arg2: memref<256x1024xf32, #tpu.memory_space<vmem>>, %arg3: memref<1x4096x1024xf32, #tpu.memory_space<vmem>>, %arg4: memref<8x4096xf32, #tpu.memory_space<vmem>>, %arg5: memref<1x1024x4096xf32, #tpu.memory_space<vmem>>, %arg6: memref<8x1024xf32, #tpu.memory_space<vmem>>, %arg7: memref<256x1024xf32, #tpu.memory_space<vmem>>) attributes {dimension_semantics = [#tpu.dimension_semantics<arbitrary>], iteration_bounds = array<i64: 24>, scalar_prefetch = 1 : i64, scratch_operands = 0 : i64, tpu.core_type = #tpu.core_type<tc>, window_params = [{transform_indices = @transform_0, window_bounds = array<i64: 256, 1024>}, {transform_indices = @transform_1, window_bounds = array<i64: 1, 4096, 1024>}, {pipeline_mode = #tpu.pipeline_mode<synchronous>, transform_indices = @transform_2, window_bounds = array<i64: 8, 4096>}, {pipeline_mode = #tpu.pipeline_mode<synchronous>, transform_indices = @transform_3, window_bounds = array<i64: 1, 1024, 4096>}, {pipeline_mode = #tpu.pipeline_mode<synchronous>, transform_indices = @transform_4, window_bounds = array<i64: 8, 1024>}, {transform_indices = @transform_5, window_bounds = array<i64: 256, 1024>}]} {
    %get3A = arith.index_cast %arg0 : i32 to index
    %get3A_0 = memref.load %arg1[%get3A] : memref<32xi32, #tpu.memory_space<smem>>
    %get3A_1 = arith.constant 24 : index
    %get3A_2 = memref.load %arg1[%get3A_1] : memref<32xi32, #tpu.memory_space<smem>>
    %lt3A = arith.cmpi slt, %arg0, %get3A_2 : i32
    %convert_element_type3A = arith.extui %lt3A : i1 to i32
    %cond3A = arith.constant 0 : i32
    %cond3A_3 = arith.cmpi ne, %convert_element_type3A, %cond3A : i32
    scf.if %cond3A_3 {
      %get3A_4 = arith.constant 0 : index
      %get3A_5 = arith.constant 0 : index
      %get3A_6 = vector.load %arg2[%get3A_4, %get3A_5] : memref<256x1024xf32, #tpu.memory_space<vmem>>, vector<256x1024xf32>
      %get3A_7 = arith.constant 0 : index
      %get3A_8 = arith.constant 0 : index
      %get3A_9 = arith.constant 0 : index
      %get3A_10 = vector.load %arg3[%get3A_7, %get3A_8, %get3A_9] : memref<1x4096x1024xf32, #tpu.memory_space<vmem>>, vector<1x4096x1024xf32>
      %get3A_11 = vector.shape_cast %get3A_10 : vector<1x4096x1024xf32> to vector<4096x1024xf32>
      %dot_general3A = arith.constant dense<0.000000e+00> : vector<256x4096xf32>
      %dot_general3A_12 = tpu.matmul %get3A_6, %get3A_11, %dot_general3A {dimension_numbers = #tpu.dot_dimension_numbers<[1], [1], [0], [0], [0, 0, 1, 0], [], []>, transpose_lhs_hint = false} : vector<256x1024xf32>, vector<4096x1024xf32>, vector<256x4096xf32> -> vector<256x4096xf32>
      %get3A_13 = arith.index_cast %get3A_0 : i32 to index
      %get3A_14 = arith.constant 0 : index
      %get3A_15 = vector.load %arg4[%get3A_13, %get3A_14] : memref<8x4096xf32, #tpu.memory_space<vmem>>, vector<1x4096xf32>
      %add3A = vector.broadcast %get3A_15 : vector<1x4096xf32> to vector<256x4096xf32>
      %add3A_16 = arith.addf %dot_general3A_12, %add3A : vector<256x4096xf32>
      %mul3A = arith.constant 5.000000e-01 : f32
      %mul3A_17 = vector.broadcast %mul3A : f32 to vector<256x4096xf32>
      %mul3A_18 = arith.mulf %mul3A_17, %add3A_16 : vector<256x4096xf32>
      %mul3A_19 = arith.constant 0.707106769 : f32
      %mul3A_20 = vector.broadcast %mul3A_19 : f32 to vector<256x4096xf32>
      %mul3A_21 = arith.mulf %add3A_16, %mul3A_20 : vector<256x4096xf32>
      %erf3A = math.erf %mul3A_21 : vector<256x4096xf32>
      %add3A_22 = arith.constant 1.000000e+00 : f32
      %add3A_23 = vector.broadcast %add3A_22 : f32 to vector<256x4096xf32>
      %add3A_24 = arith.addf %add3A_23, %erf3A : vector<256x4096xf32>
      %mul3A_25 = arith.mulf %mul3A_18, %add3A_24 : vector<256x4096xf32>
      %get3A_26 = arith.constant 0 : index
      %get3A_27 = arith.constant 0 : index
      %get3A_28 = arith.constant 0 : index
      %get3A_29 = vector.load %arg5[%get3A_26, %get3A_27, %get3A_28] : memref<1x1024x4096xf32, #tpu.memory_space<vmem>>, vector<1x1024x4096xf32>
      %get3A_30 = vector.shape_cast %get3A_29 : vector<1x1024x4096xf32> to vector<1024x4096xf32>
      %dot_general3A_31 = arith.constant dense<0.000000e+00> : vector<256x1024xf32>
      %dot_general3A_32 = tpu.matmul %mul3A_25, %get3A_30, %dot_general3A_31 {dimension_numbers = #tpu.dot_dimension_numbers<[1], [1], [0], [0], [0, 0, 1, 0], [], []>, transpose_lhs_hint = false} : vector<256x4096xf32>, vector<1024x4096xf32>, vector<256x1024xf32> -> vector<256x1024xf32>
      %get3A_33 = arith.index_cast %get3A_0 : i32 to index
      %get3A_34 = arith.constant 0 : index
      %get3A_35 = vector.load %arg6[%get3A_33, %get3A_34] : memref<8x1024xf32, #tpu.memory_space<vmem>>, vector<1x1024xf32>
      %add3A_36 = vector.broadcast %get3A_35 : vector<1x1024xf32> to vector<256x1024xf32>
      %add3A_37 = arith.addf %dot_general3A_32, %add3A_36 : vector<256x1024xf32>
      %swap3A = arith.constant 0 : index
      %swap3A_38 = arith.constant 0 : index
      %swap3A_39 = vector.load %arg7[%swap3A, %swap3A_38] : memref<256x1024xf32, #tpu.memory_space<vmem>>, vector<256x1024xf32>
      tpu.vector_store %arg7[%swap3A, %swap3A_38], %add3A_37 {strides = array<i32>} : memref<256x1024xf32, #tpu.memory_space<vmem>>, vector<256x1024xf32>,
    } else {
    }
    return
  }
  func.func @transform_0(%arg0: i32, %arg1: memref<32xi32, #tpu.memory_space<smem>>) -> (i32, i32) {
    %c0_i32 = arith.constant 0 : i32
    %c0_i32_0 = arith.constant 0 : i32
    return %arg0, %c0_i32 : i32, i32
  }
  func.func @transform_1(%arg0: i32, %arg1: memref<32xi32, #tpu.memory_space<smem>>) -> (i32, i32, i32) {
    %get3A = arith.index_cast %arg0 : i32 to index
    %get3A_0 = memref.load %arg1[%get3A] : memref<32xi32, #tpu.memory_space<smem>>
    %c0_i32 = arith.constant 0 : i32
    %c0_i32_1 = arith.constant 0 : i32
    %c0_i32_2 = arith.constant 0 : i32
    return %get3A_0, %c0_i32, %c0_i32_1 : i32, i32, i32
  }
  func.func @transform_2(%arg0: i32, %arg1: memref<32xi32, #tpu.memory_space<smem>>) -> (i32, i32) {
    %c0_i32 = arith.constant 0 : i32
    %c0_i32_0 = arith.constant 0 : i32
    %c0_i32_1 = arith.constant 0 : i32
    return %c0_i32, %c0_i32_0 : i32, i32
  }
  func.func @transform_3(%arg0: i32, %arg1: memref<32xi32, #tpu.memory_space<smem>>) -> (i32, i32, i32) {
    %get3A = arith.index_cast %arg0 : i32 to index
    %get3A_0 = memref.load %arg1[%get3A] : memref<32xi32, #tpu.memory_space<smem>>
    %c0_i32 = arith.constant 0 : i32
    %c0_i32_1 = arith.constant 0 : i32
    %c0_i32_2 = arith.constant 0 : i32
    return %get3A_0, %c0_i32, %c0_i32_1 : i32, i32, i32
  }
  func.func @transform_4(%arg0: i32, %arg1: memref<32xi32, #tpu.memory_space<smem>>) -> (i32, i32) {
    %c0_i32 = arith.constant 0 : i32
    %c0_i32_0 = arith.constant 0 : i32
    %c0_i32_1 = arith.constant 0 : i32
    return %c0_i32, %c0_i32_0 : i32, i32
  }
  func.func @transform_5(%arg0: i32, %arg1: memref<32xi32, #tpu.memory_space<smem>>) -> (i32, i32) {
    %c0_i32 = arith.constant 0 : i32
    %c0_i32_0 = arith.constant 0 : i32
    return %arg0, %c0_i32 : i32, i32
  }
}

module attributes {stable_mosaic.version = 14 : i64} {
  func.func @_router_body(%arg0: memref<2048x1024xf32, #tpu.memory_space<vmem>>, %arg1: memref<8x1024xf32, #tpu.memory_space<vmem>>, %arg2: memref<2x2048xi32, #tpu.memory_space<vmem>>, %arg3: memref<2x2048xf32, #tpu.memory_space<vmem>>, %arg4: memref<32x16xi32, #tpu.memory_space<vmem>>, %arg5: memref<1x1xf32, #tpu.memory_space<vmem>>) attributes {dimension_semantics = [], scalar_prefetch = 0 : i64, scratch_operands = 0 : i64, tpu.core_type = #tpu.core_type<tc>} {
    %get3A = arith.constant 0 : index
    %get3A_0 = arith.constant 0 : index
    %get3A_1 = vector.load %arg0[%get3A, %get3A_0] : memref<2048x1024xf32, #tpu.memory_space<vmem>>, vector<2048x1024xf32>
    %get3A_2 = arith.constant 0 : index
    %get3A_3 = arith.constant 0 : index
    %get3A_4 = vector.load %arg1[%get3A_2, %get3A_3] : memref<8x1024xf32, #tpu.memory_space<vmem>>, vector<8x1024xf32>
    %dot_general3A = arith.constant dense<0.000000e+00> : vector<8x2048xf32>
    %dot_general3A_5 = tpu.matmul %get3A_4, %get3A_1, %dot_general3A {dimension_numbers = #tpu.dot_dimension_numbers<[1], [1], [0], [0], [0, 0, 1, 0], [], []>, transpose_lhs_hint = false} : vector<8x1024xf32>, vector<2048x1024xf32>, vector<8x2048xf32> -> vector<8x2048xf32>
    %reduce_max3A = arith.constant dense<0xFF800000> : vector<2048xf32>
    %reduce_max3A_6 = vector.multi_reduction <maximumf>, %dot_general3A_5, %reduce_max3A [0] : vector<8x2048xf32> to vector<2048xf32>
    %broadcast_in_dim3A = vector.shape_cast %reduce_max3A_6 : vector<2048xf32> to vector<1x2048xf32>
    %sub3A = vector.broadcast %broadcast_in_dim3A : vector<1x2048xf32> to vector<8x2048xf32>
    %sub3A_7 = arith.subf %dot_general3A_5, %sub3A : vector<8x2048xf32>
    %exp3A = math.exp %sub3A_7 : vector<8x2048xf32>
    %reduce_sum3A = arith.constant dense<0.000000e+00> : vector<2048xf32>
    %reduce_sum3A_8 = vector.multi_reduction <add>, %exp3A, %reduce_sum3A [0] : vector<8x2048xf32> to vector<2048xf32>
    %broadcast_in_dim3A_9 = vector.shape_cast %reduce_sum3A_8 : vector<2048xf32> to vector<1x2048xf32>
    %div3A = vector.broadcast %broadcast_in_dim3A_9 : vector<1x2048xf32> to vector<8x2048xf32>
    %div3A_10 = arith.divf %exp3A, %div3A : vector<8x2048xf32>
    %iota3A = tpu.iota {dimensions = array<i32: 0>} : vector<8x2048xi32>
    %reduce_max3A_11 = arith.constant dense<0xFF800000> : vector<2048xf32>
    %reduce_max3A_12 = vector.multi_reduction <maximumf>, %div3A_10, %reduce_max3A_11 [0] : vector<8x2048xf32> to vector<2048xf32>
    %broadcast_in_dim3A_13 = vector.shape_cast %reduce_max3A_12 : vector<2048xf32> to vector<1x2048xf32>
    %eq3A = vector.broadcast %broadcast_in_dim3A_13 : vector<1x2048xf32> to vector<8x2048xf32>
    %eq3A_14 = arith.cmpf oeq, %div3A_10, %eq3A : vector<8x2048xf32>
    %jit3A = arith.constant 8 : i32
    %broadcast_in_dim3A_15 = vector.broadcast %jit3A : i32 to vector<8x2048xi32>
    %select_n3A = arith.select %eq3A_14, %iota3A, %broadcast_in_dim3A_15 : vector<8x2048xi1>, vector<8x2048xi32>
    %reduce_min3A = arith.constant dense<2147483647> : vector<2048xi32>
    %reduce_min3A_16 = vector.multi_reduction <minsi>, %select_n3A, %reduce_min3A [0] : vector<8x2048xi32> to vector<2048xi32>
    %broadcast_in_dim3A_17 = vector.shape_cast %reduce_min3A_16 : vector<2048xi32> to vector<1x2048xi32>
    %eq3A_18 = vector.broadcast %broadcast_in_dim3A_17 : vector<1x2048xi32> to vector<8x2048xi32>
    %eq3A_19 = arith.cmpi eq, %iota3A, %eq3A_18 : vector<8x2048xi32>
    %jit3A_20 = arith.constant -1.000000e+00 : f32
    %broadcast_in_dim3A_21 = vector.broadcast %jit3A_20 : f32 to vector<8x2048xf32>
    %select_n3A_22 = arith.select %eq3A_19, %broadcast_in_dim3A_21, %div3A_10 : vector<8x2048xi1>, vector<8x2048xf32>
    %reduce_max3A_23 = arith.constant dense<0xFF800000> : vector<2048xf32>
    %reduce_max3A_24 = vector.multi_reduction <maximumf>, %select_n3A_22, %reduce_max3A_23 [0] : vector<8x2048xf32> to vector<2048xf32>
    %broadcast_in_dim3A_25 = vector.shape_cast %reduce_max3A_24 : vector<2048xf32> to vector<1x2048xf32>
    %eq3A_26 = vector.broadcast %broadcast_in_dim3A_25 : vector<1x2048xf32> to vector<8x2048xf32>
    %eq3A_27 = arith.cmpf oeq, %select_n3A_22, %eq3A_26 : vector<8x2048xf32>
    %jit3A_28 = arith.constant 8 : i32
    %broadcast_in_dim3A_29 = vector.broadcast %jit3A_28 : i32 to vector<8x2048xi32>
    %select_n3A_30 = arith.select %eq3A_27, %iota3A, %broadcast_in_dim3A_29 : vector<8x2048xi1>, vector<8x2048xi32>
    %reduce_min3A_31 = arith.constant dense<2147483647> : vector<2048xi32>
    %reduce_min3A_32 = vector.multi_reduction <minsi>, %select_n3A_30, %reduce_min3A_31 [0] : vector<8x2048xi32> to vector<2048xi32>
    %broadcast_in_dim3A_33 = vector.shape_cast %reduce_min3A_32 : vector<2048xi32> to vector<1x2048xi32>
    %add3A = arith.addf %broadcast_in_dim3A_13, %broadcast_in_dim3A_25 : vector<1x2048xf32>
    %concatenate3A = tpu.concatenate %broadcast_in_dim3A_17, %broadcast_in_dim3A_33 in 0 : vector<1x2048xi32>, vector<1x2048xi32> -> vector<2x2048xi32>
    %swap3A = arith.constant 0 : index
    %swap3A_34 = arith.constant 0 : index
    %swap3A_35 = vector.load %arg2[%swap3A, %swap3A_34] : memref<2x2048xi32, #tpu.memory_space<vmem>>, vector<2x2048xi32>
    tpu.vector_store %arg2[%swap3A, %swap3A_34], %concatenate3A {strides = array<i32>} : memref<2x2048xi32, #tpu.memory_space<vmem>>, vector<2x2048xi32>,
    %div3A_36 = arith.divf %broadcast_in_dim3A_13, %add3A : vector<1x2048xf32>
    %div3A_37 = arith.divf %broadcast_in_dim3A_25, %add3A : vector<1x2048xf32>
    %concatenate3A_38 = tpu.concatenate %div3A_36, %div3A_37 in 0 : vector<1x2048xf32>, vector<1x2048xf32> -> vector<2x2048xf32>
    %swap3A_39 = arith.constant 0 : index
    %swap3A_40 = arith.constant 0 : index
    %swap3A_41 = vector.load %arg3[%swap3A_39, %swap3A_40] : memref<2x2048xf32, #tpu.memory_space<vmem>>, vector<2x2048xf32>
    tpu.vector_store %arg3[%swap3A_39, %swap3A_40], %concatenate3A_38 {strides = array<i32>} : memref<2x2048xf32, #tpu.memory_space<vmem>>, vector<2x2048xf32>,
    %eq3A_42 = vector.broadcast %broadcast_in_dim3A_17 : vector<1x2048xi32> to vector<8x2048xi32>
    %eq3A_43 = arith.cmpi eq, %iota3A, %eq3A_42 : vector<8x2048xi32>
    %convert_element_type3A = arith.extui %eq3A_43 : vector<8x2048xi1> to vector<8x2048xi32>
    %convert_element_type3A_44 = arith.sitofp %convert_element_type3A : vector<8x2048xi32> to vector<8x2048xf32>
    %eq3A_45 = vector.broadcast %broadcast_in_dim3A_33 : vector<1x2048xi32> to vector<8x2048xi32>
    %eq3A_46 = arith.cmpi eq, %iota3A, %eq3A_45 : vector<8x2048xi32>
    %convert_element_type3A_47 = arith.extui %eq3A_46 : vector<8x2048xi1> to vector<8x2048xi32>
    %convert_element_type3A_48 = arith.sitofp %convert_element_type3A_47 : vector<8x2048xi32> to vector<8x2048xf32>
    %iota3A_49 = tpu.iota {dimensions = array<i32: 0>} : vector<32x2048xi32>
    %iota3A_50 = tpu.iota {dimensions = array<i32: 1>} : vector<32x2048xi32>
    %jit3A_51 = arith.constant 64 : i32
    %div3A_52 = vector.broadcast %jit3A_51 : i32 to vector<32x2048xi32>
    %div3A_53 = arith.divsi %iota3A_50, %div3A_52 : vector<32x2048xi32>
    %sign3A = arith.constant 0 : i32
    %sign3A_54 = vector.broadcast %sign3A : i32 to vector<32x2048xi32>
    %sign3A_55 = arith.cmpi sgt, %iota3A_50, %sign3A_54 : vector<32x2048xi32>
    %sign3A_56 = arith.extui %sign3A_55 : vector<32x2048xi1> to vector<32x2048xi32>
    %sign3A_57 = arith.constant 0 : i32
    %sign3A_58 = vector.broadcast %sign3A_57 : i32 to vector<32x2048xi32>
    %sign3A_59 = arith.cmpi slt, %iota3A_50, %sign3A_58 : vector<32x2048xi32>
    %sign3A_60 = arith.extui %sign3A_59 : vector<32x2048xi1> to vector<32x2048xi32>
    %sign3A_61 = arith.subi %sign3A_56, %sign3A_60 : vector<32x2048xi32>
    %sign3A_62 = arith.constant 0 : i32
    %sign3A_63 = arith.cmpi sgt, %jit3A_51, %sign3A_62 : i32
    %sign3A_64 = arith.extui %sign3A_63 : i1 to i32
    %sign3A_65 = arith.constant 0 : i32
    %sign3A_66 = arith.cmpi slt, %jit3A_51, %sign3A_65 : i32
    %sign3A_67 = arith.extui %sign3A_66 : i1 to i32
    %sign3A_68 = arith.subi %sign3A_64, %sign3A_67 : i32
    %ne3A = vector.broadcast %sign3A_68 : i32 to vector<32x2048xi32>
    %ne3A_69 = arith.cmpi ne, %sign3A_61, %ne3A : vector<32x2048xi32>
    %rem3A = vector.broadcast %jit3A_51 : i32 to vector<32x2048xi32>
    %rem3A_70 = arith.remsi %iota3A_50, %rem3A : vector<32x2048xi32>
    %ne3A_71 = arith.constant 0 : i32
    %ne3A_72 = vector.broadcast %ne3A_71 : i32 to vector<32x2048xi32>
    %ne3A_73 = arith.cmpi ne, %rem3A_70, %ne3A_72 : vector<32x2048xi32>
    %and3A = arith.andi %ne3A_69, %ne3A_73 : vector<32x2048xi1>
    %sub3A_74 = arith.constant 1 : i32
    %sub3A_75 = vector.broadcast %sub3A_74 : i32 to vector<32x2048xi32>
    %sub3A_76 = arith.subi %div3A_53, %sub3A_75 : vector<32x2048xi32>
    %select_n3A_77 = arith.select %and3A, %sub3A_76, %div3A_53 : vector<32x2048xi1>, vector<32x2048xi32>
    %eq3A_78 = arith.cmpi eq, %iota3A_49, %select_n3A_77 : vector<32x2048xi32>
    %convert_element_type3A_79 = arith.extui %eq3A_78 : vector<32x2048xi1> to vector<32x2048xi32>
    %convert_element_type3A_80 = arith.sitofp %convert_element_type3A_79 : vector<32x2048xi32> to vector<32x2048xf32>
    %add3A_81 = arith.addf %convert_element_type3A_44, %convert_element_type3A_48 : vector<8x2048xf32>
    %dot_general3A_82 = arith.constant dense<0.000000e+00> : vector<32x8xf32>
    %dot_general3A_83 = tpu.matmul %convert_element_type3A_80, %add3A_81, %dot_general3A_82 {dimension_numbers = #tpu.dot_dimension_numbers<[1], [1], [0], [0], [0, 0, 1, 0], [], []>, transpose_lhs_hint = false} : vector<32x2048xf32>, vector<8x2048xf32>, vector<32x8xf32> -> vector<32x8xf32>
    %broadcast_in_dim3A_84 = arith.constant 0.000000e+00 : f32
    %broadcast_in_dim3A_85 = vector.broadcast %broadcast_in_dim3A_84 : f32 to vector<32x8xf32>
    %concatenate3A_86 = tpu.concatenate %dot_general3A_83, %broadcast_in_dim3A_85 in 1 : vector<32x8xf32>, vector<32x8xf32> -> vector<32x16xf32>
    %convert_element_type3A_87 = arith.fptosi %concatenate3A_86 : vector<32x16xf32> to vector<32x16xi32>
    %swap3A_88 = arith.constant 0 : index
    %swap3A_89 = arith.constant 0 : index
    %swap3A_90 = vector.load %arg4[%swap3A_88, %swap3A_89] : memref<32x16xi32, #tpu.memory_space<vmem>>, vector<32x16xi32>
    tpu.vector_store %arg4[%swap3A_88, %swap3A_89], %convert_element_type3A_87 {strides = array<i32>} : memref<32x16xi32, #tpu.memory_space<vmem>>, vector<32x16xi32>,
    %reduce_sum3A_91 = arith.constant dense<0.000000e+00> : vector<8xf32>
    %reduce_sum3A_92 = vector.multi_reduction <add>, %convert_element_type3A_44, %reduce_sum3A_91 [1] : vector<8x2048xf32> to vector<8xf32>
    %broadcast_in_dim3A_93 = vector.shape_cast %reduce_sum3A_92 : vector<8xf32> to vector<8x1xf32>
    %reduce_sum3A_94 = arith.constant dense<0.000000e+00> : vector<8xf32>
    %reduce_sum3A_95 = vector.multi_reduction <add>, %div3A_10, %reduce_sum3A_94 [1] : vector<8x2048xf32> to vector<8xf32>
    %broadcast_in_dim3A_96 = vector.shape_cast %reduce_sum3A_95 : vector<8xf32> to vector<8x1xf32>
    %mul3A = arith.mulf %broadcast_in_dim3A_93, %broadcast_in_dim3A_96 : vector<8x1xf32>
    %reduce_sum3A_97 = arith.constant dense<0.000000e+00> : vector<1xf32>
    %reduce_sum3A_98 = vector.multi_reduction <add>, %mul3A, %reduce_sum3A_97 [0] : vector<8x1xf32> to vector<1xf32>
    %broadcast_in_dim3A_99 = vector.shape_cast %reduce_sum3A_98 : vector<1xf32> to vector<1x1xf32>
    %mul3A_100 = arith.constant 2.38418574E-9 : f32
    %mul3A_101 = vector.broadcast %mul3A_100 : f32 to vector<1x1xf32>
    %mul3A_102 = arith.mulf %mul3A_101, %broadcast_in_dim3A_99 : vector<1x1xf32>
    %swap3A_103 = arith.constant 0 : index
    %swap3A_104 = arith.constant 0 : index
    %swap3A_105 = vector.load %arg5[%swap3A_103, %swap3A_104] : memref<1x1xf32, #tpu.memory_space<vmem>>, vector<1x1xf32>
    tpu.vector_store %arg5[%swap3A_103, %swap3A_104], %mul3A_102 {strides = array<i32>} : memref<1x1xf32, #tpu.memory_space<vmem>>, vector<1x1xf32>,
    return
  }
}

</mosaic_0001>

<sc_bundles>
// kernel: kernel.6.cloned.1.call-start
scs
__scs_entry_jumppad:
0x0: {  	(pc) =	sbr.rel $0x88, $3  }
0x1: {  	(tag) =	ssettag $0x0;
	lr =	simm.s32 $0x1  }
0x2: {  	[smem:$0x3F9B] =	sst lr;
	_ =	strace $0xD0000000  }
0x3: {  	_ = 	snop  }
0x4: {  	_ = 	snop  }
0x5: {  	_ = 	snop  }
0x6: {  	_ = 	snop  }
0x7: {  	_ = 	snop  }
__scs_overlays_trampoline_lowered:
0x8: {  	[smem:$0x3FAA] =	sst s0  }
0x9: {  	[smem:$0x3FAB] =	sst s1  }
0xa: {  	[smem:$0x3FAC] =	sst s2  }
0xb: {  	[smem:$0x3FAD] =	sst s3  }
0xc: {  	[smem:$0x3FAE] =	sst s4  }
0xd: {  	[smem:$0x3FAF] =	sst s5  }
0xe: {  	[smem:$0x3FB0] =	sst s6  }
0xf: {  	[smem:$0x3FB1] =	sst s7  }
0x10: {  	[smem:$0x3FB2] =	sst s8  }
0x11: {  	[smem:$0x3FB3] =	sst s9;
	s0 =	simm.s32 @!p0 $0x0  }
0x12: {  	s1 =	sld [smem:$0x3F99];
	s0 =	simm.s32 @p0 $0x1  }
0x13: {  	[smem:$0x3FB4] =	sst s0;
	s0 =	simm.s32 @!p1 $0x0  }
0x14: {  	s2 =	sld [smem:$0x3F98];
	s0 =	simm.s32 @p1 $0x1  }
0x15: {  	[smem:$0x3FB5] =	sst s0;
	s0 =	simm.s32 @!p2 $0x0  }
0x16: {  	s3 =	sld [smem:$0x3FDB];
	s0 =	simm.s32 @p2 $0x1  }
0x17: {  	s4 =	simm.s32 $0x1BF5;
	[smem:$0x3FB7] =	sst s0  }
0x18: {  	s0 =	sld [smem:$0x3F9A];
	_ =	swait.ge [sflag:s4], $0x0  }
0x19: {  	s7 =	sld [smem:$0x3F9B]  }
0x1a: {  	s8 =	sadd.s32 $0xFFFFE003, lr  }
0x1b: {  	s9 =	sadd.s32 $0xFFFFFEF7, lr;
	s5 =	simm.s32 $0xFFFFFFFF;
	p2 =	slt.u32 s8, $0xFFFFF086  }
0x1c: {  	p1 =	slt.u32 s9, $0xF7A;
	s5 =	simm.s32 @!p2 $0x0  }
0x1d: {  	s5 =	simm.s32 @p1 $0x1;
	p0 =	seq.s32 s7, s2  }
0x1e: {  	s7 =	smul.u32 @!p0 $0xF7A, s2;
	p2 =	seq.s32 @!p0 s5, $0x0  }
0x1f: {  	s9 =	smul.u32 $0xF7A, s1;
	s8 =	simm.s32 @!p0 $0x1BF5;
	p2 =	por !p2, p0  }
0x20: {  	[sflag:s8] =	ssyncset.s32 @!p0 $0xFFFFF086;
	s6 =	sadd.s32 @!p0 s3, s7;
	s7 =	simm.s32 @!p0 $0x108  }
0x21: {  	s3 =	sadd.s32 s3, s9;
	s6 =	sadd.s32 @!p0 $0x88, s6;
	s7 =	simm.s32 @p2 $0x1082  }
0x22: {  	[simem:s7], [sflag:s8] =	dma.local @!p0 [hbm:s6], $0xF7A  }
0x23: {  	s9 =	sor.u32 $0xD0000000, s2;
	s6 =	simm.s32 $0x108;
	_ =	swait.ge @!p0 [sflag:s8], $0x0  }
0x24: {  	s3 =	sadd.s32 $0x88, s3;
	s6 =	simm.s32 @!p1 $0x1082;
	[sflag:s4] =	ssyncset.s32 $0xFFFFF086  }
0x25: {  	[simem:s6], [sflag:s4] =	dma.local [hbm:s3], $0xF7A  }
0x26: {  	[smem:$0x3F9B] =	sst s1;
	(tag) =	ssettag s2;
	_ =	strace s9  }
0x27: {  	s1 =	sld [smem:$0x3FAB]  }
0x28: {  	s2 =	sld [smem:$0x3FAC]  }
0x29: {  	s4 =	sld [smem:$0x3FAE]  }
0x2a: {  	p0 =	seq.s32 s5, $0x0;
	s5 =	sld [smem:$0x3FAF]  }
0x2b: {  	s6 =	sld [smem:$0x3FB0]  }
0x2c: {  	s7 =	sld [smem:$0x3FB1]  }
0x2d: {  	s3 =	simm.s32 $0x108;
	s8 =	sld [smem:$0x3FB2]  }
0x2e: {  	s3 =	simm.s32 @!p0 $0x1082;
	s9 =	sld [smem:$0x3FB3]  }
0x2f: {  	lr =	sadd.s32 s0, s3;
	s0 =	sld [smem:$0x3FAA]  }
0x30: {  	s3 =	sld [smem:$0x3FAD]  }
0x31: {  	[smem:$0x3FB6] =	sst s10  }
0x32: {  	s10 =	sld [smem:$0x3FB4];
	_ =	sdelay $0x3  }
0x33: {  	p0 =	seq.s32 s10, $0x1;
	s10 =	sld [smem:$0x3FB6];
	_ =	sdelay $0x3  }
0x34: {  	[smem:$0x3FB6] =	sst s10  }
0x35: {  	s10 =	sld [smem:$0x3FB5];
	_ =	sdelay $0x3  }
0x36: {  	p1 =	seq.s32 s10, $0x1;
	s10 =	sld [smem:$0x3FB6];
	_ =	sdelay $0x3  }
0x37: {  	[smem:$0x3FB6] =	sst s10  }
0x38: {  	s10 =	sld [smem:$0x3FB7]  }
0x39: {  	_ = 	snop;
	(pc) =	sbr.ind lr, $3  }
0x3a: {  	_ = 	snop  }
0x3b: {  	_ = 	snop  }
0x3c: {  	p2 =	seq.s32 s10, $0x1;
	s10 =	sld [smem:$0x3FB6]  }
0x3d: {  	_ =	shalt  }
0x3e: {  	_ =	shalt  }
0x3f: {  	_ =	shalt  }
0x40: {  	_ =	shalt  }
0x41: {  	_ =	shalt  }
0x42: {  	_ =	shalt  }
0x43: {  	_ =	shalt  }
0x44: {  	_ =	shalt  }
0x45: {  	_ =	shalt  }
0x46: {  	_ =	shalt  }
0x47: {  	_ =	shalt  }
0x48: {  	_ =	shalt  }
0x49: {  	_ =	shalt  }
0x4a: {  	_ =	shalt  }
0x4b: {  	_ =	shalt  }
0x4c: {  	_ =	shalt  }
0x4d: {  	_ =	shalt  }
0x4e: {  	_ =	shalt  }
0x4f: {  	_ =	shalt  }
0x50: {  	_ =	shalt  }
0x51: {  	_ =	shalt  }
0x52: {  	_ =	shalt  }
0x53: {  	_ =	shalt  }
0x54: {  	_ =	shalt  }
0x55: {  	_ =	shalt  }
0x56: {  	_ =	shalt  }
0x57: {  	_ =	shalt  }
0x58: {  	_ =	shalt  }
0x59: {  	_ =	shalt  }
0x5a: {  	_ =	shalt  }
0x5b: {  	_ =	shalt  }
0x5c: {  	_ =	shalt  }
0x5d: {  	_ =	shalt  }
0x5e: {  	_ =	shalt  }
0x5f: {  	_ =	shalt  }
0x60: {  	_ =	shalt  }
0x61: {  	_ =	shalt  }
0x62: {  	_ =	shalt  }
0x63: {  	_ =	shalt  }
0x64: {  	_ =	shalt  }
0x65: {  	_ =	shalt  }
0x66: {  	_ =	shalt  }
0x67: {  	_ =	shalt  }
0x68: {  	_ =	shalt  }
0x69: {  	_ =	shalt  }
0x6a: {  	_ =	shalt  }
0x6b: {  	_ =	shalt  }
0x6c: {  	_ =	shalt  }
0x6d: {  	_ =	shalt  }
0x6e: {  	_ =	shalt  }
0x6f: {  	_ =	shalt  }
0x70: {  	_ =	shalt  }
0x71: {  	_ =	shalt  }
0x72: {  	_ =	shalt  }
0x73: {  	_ =	shalt  }
0x74: {  	_ =	shalt  }
0x75: {  	_ =	shalt  }
0x76: {  	_ =	shalt  }
0x77: {  	_ =	shalt  }
0x78: {  	_ =	shalt  }
0x79: {  	_ =	shalt  }
0x7a: {  	_ =	shalt  }
0x7b: {  	_ =	shalt  }
0x7c: {  	_ =	shalt  }
0x7d: {  	_ =	shalt  }
0x7e: {  	_ =	shalt  }
0x7f: {  	_ =	shalt  }
0x80: {  	_ =	shalt  }
0x81: {  	_ =	shalt  }
0x82: {  	_ =	shalt  }
0x83: {  	_ =	shalt  }
0x84: {  	_ =	shalt  }
0x85: {  	_ =	shalt  }
0x86: {  	_ =	shalt  }
0x87: {  	_ =	shalt  }
.Lfunc_end0:
.L_simem_size_0:
called_computation_lowered:
.L_overlay_start_0:
0x88: {  	s2 =	sld [smem:$0x3FD9]  }
0x89: {  	s3 =	sld [smem:$0x3FFE];
	_ =	sdelay $0x1  }
0x8a: {  	s1 =	srdreg.scid  }
0x8b: {  	s0 =	sand.u32 $0x1, s1  }
0x8c: {  	s14 =	sshll.u32 s0, $0xA;
	s2 =	sadd.s32 s3, s2  }
0x8d: {  	s2 =	sadd.s32 s2, s14  }
0x8e: {  	[smem:$0x3FC2] =	sst s2  }
0x8f: {  	_ = 	snop  }
0x90: {  	s2 =	sld [smem:$0x3FD0];
	_ =	sdelay $0x2  }
0x91: {  	s4 =	simm.s32 $0xA;
	s5 =	simm.s32 $0x10;
	s15 =	sld [smem:$0x3FC9]  }
0x92: {  	[smem:s5], [sflag:s4] =	dma.local [hbm:s2], $0x1  }
0x93: {  	_ =	swait.eq [sflag:s4], $0x1  }
0x94: {  	[sflag:s4] =	ssyncset.done $0x0  }
0x95: {  	[sflag:s4] =	ssyncadd.s32 $0xFFFFFFFF  }
0x96: {  	s16 =	sld [smem:$0x10];
	(tm) =	ssettm $0x1  }
0x97: {  	s17 =	sld [smem:$0x3FFB];
	_ =	sdelay $0x3  }
0x98: {  	_ =	strace s17  }
0x99: {  	s4 =	sld [smem:$0x3FFC];
	_ =	sdelay $0x3  }
0x9a: {  	_ =	strace s4  }
0x9b: {  	s4 =	sld [smem:$0x3FFD];
	_ =	sdelay $0x3  }
0x9c: {  	_ =	strace s4  }
0x9d: {  	_ =	strace $0x8FFFFFFF  }
0x9e: {  	s18 =	sld [smem:$0x3FDB];
	_ =	sdelay $0x1  }
0x9f: {  	s19 =	simm.s32 $_scs_section_size  }
0xa0: {  	s6 =	simm.s32 $_size__tile_overlayer_lowered;
	s7 =	simm.s32 $_tile_overlayer_lowered  }
0xa1: {  	s22 =	simm.s32 $0x1BFF;
	s21 =	sshll.u32 s7, $0x1;
	s4 =	sadd.s32 s19, s18  }
0xa2: {  	s8 =	simm.s32 $0x0;
	s20 =	sshll.u32 s6, $0x1;
	s6 =	sadd.s32 s21, s4  }
0xa3: {  	[timem:s8], [sflag:s22] =	dma.local [hbm:s6], s20  }
0xa4: {  	_ =	swait.ge [sflag:s22], s20  }
0xa5: {  	s5 =	ssub.s32 $0x0, s20;
	[sflag:s22] =	ssyncset.done $0x0  }
0xa6: {  	[sflag:s22] =	ssyncadd.s32 s5;
	_ =	sdelay $0x1  }
0xa7: {  	s23 =	simm.s32 $0x1B8B  }
0xa8: {  	_ =	swait.ge [sflag:s23], $0x1  }
0xa9: {  	[sflag:s23] =	ssyncset.done $0x0  }
0xaa: {  	s25 =	simm.s32 $0x1B8E;
	s24 =	sld [smem:$0x3FFE];
	[sflag:s23] =	ssyncadd.s32 $0xFFFFFFFF  }
0xab: {  	s26 =	simm.s32 $execute0_lowered;
	[smem:$0x3FD2] =	sst s25  }
0xac: {  	s6 =	sshll.u32 s26, $0x1;
	_ =	strace $0x80000046;
	[dreg:$0x1] =	wrdreg $0xFFFFFFFF  }
0xad: {  	s28 =	simm.s32 $_size_execute0_lowered;
	s4 =	sadd.s32 s4, s6;
	[dreg:$0x0] =	wrdreg $0x0  }
0xae: {  	s6 =	sshll.u32 s28, $0x1;
	[dreg:$0x2] =	wrdreg s4  }
0xaf: {  	[dreg:$0x3] =	wrdreg s6  }
0xb0: {  	[dreg:$0x4] =	wrdreg $0xC0  }
0xb1: {  	_ =	task [dreg:s8], $0x5FFFF  }
0xb2: {  	[dreg:$0x1] =	wrdreg $0xFFFFFFFF  }
0xb3: {  	[dreg:$0x0] =	wrdreg $0x60  }
0xb4: {  	[dreg:$0x2] =	wrdreg s15  }
0xb5: {  	[dreg:$0x3] =	wrdreg s16  }
0xb6: {  	[dreg:$0x4] =	wrdreg s24  }
0xb7: {  	[dreg:$0x5] =	wrdreg $0x9  }
0xb8: {  	_ =	task.clear_ibuf [dreg:s8], $0x6FFFF;
	_ =	strace $0x90000046  }
0xb9: {  	s29 =	simm.s32 $0x9;
	_ =	strace $0x80000048  }
0xba: {  	_ =	swait.ge [sflag:s29], $0x1  }
0xbb: {  	[sflag:s29] =	ssyncadd.s32 $0xFFFFFFFF  }
0xbc: {  	_ =	strace $0x90000048  }
0xbd: {  	_ =	sfence  }
0xbe: {  	s30 =	sld [smem:$0x0];
	_ =	sdelay $0x2  }
0xbf: {  	s31 =	sshll.u32 s1, $0xD;
	s1 =	sshrl.u32 s1, $0x2  }
0xc0: {  	s3 =	sand.u32 $0x4000, s31;
	s1 =	sadd.s32 s1, s30  }
0xc1: {  	s0 =	sor.u32 s3, s0;
	s1 =	sshll.u32 s1, $0x11  }
0xc2: {  	s0 =	sor.u32 s1, s0  }
0xc3: {  	s0 =	sadd.s32 $0x8F2B, s0  }
0xc4: {  	[sflag:s0] =	ssyncadd.remote.s32 $0x1  }
0xc5: {  	_ =	sfence.sel $0xFFFF  }
0xc6: {  	[dreg:$0x0] =	wrdreg $0xFFFFFFFF;
	(pc) =	sbr.abs _section_cstart, $3  }
0xc7: {  	[dreg:$0x1] =	wrdreg $0xFFFFFFFF  }
0xc8: {  	_ =	task.clear_ibuf [dreg:s8], $0x2FFFF;
	_ =	strace $0x9FFFFFFF  }
0xc9: {  	(tm) =	ssettm $0x7FFFFFFF  }
tec
execute0_lowered:
.L_overlay_start_1:
0x0: {  	(tag) =	ssettag $0x1  }
0x1: {  	s4 =	srdreg.scid;
	s6 =	stileid.u32  }
0x2: {  	s5 =	sand.u32 $0x1, s4;
	s6 =	sshll.u32 s6, $0x1  }
0x3: {  	s6 =	sor.u32 s5, s6  }
0x4: {  	s0 =	rddreg [dreg:$0x0];
	v5 =	vmov s6  }
0x5: {  	s1 =	rddreg [dreg:$0x1];
	s2 =	simm.s32 $0x0;
	v0 =	vimm.s32 $0x0;
	vm0 =	veq.s32 v5, $0x1F  }
0x6: {  	[smem:$0x7FF] =	sst s2;
	v0 =	vsel vm0, $0xFFFFFFFF, v0  }
0x7: {  	s3 =	rddreg [dreg:$0x2];
	_ =	strace $0x80000047;
	vm6 =	vgt.u32 v5, $0x1D;
	[tilespmem:$0x1FE10] =	vst v0;
	v0 =	vimm.s32 $0x0  }
0x8: {  	v0 =	vsel vm6, $0xFFFFFFFF, v0  }
0x9: {  	vm7 =	vgt.u32 v5, $0x1C;
	[tilespmem:$0x1FE20] =	vst v0;
	v0 =	vimm.s32 $0x0  }
0xa: {  	v0 =	vsel vm7, $0xFFFFFFFF, v0  }
0xb: {  	vm8 =	vgt.u32 v5, $0x1B;
	[tilespmem:$0x1FE30] =	vst v0;
	v0 =	vimm.s32 $0x0  }
0xc: {  	v0 =	vsel vm8, $0xFFFFFFFF, v0  }
0xd: {  	vm9 =	vgt.u32 v5, $0x1A;
	[tilespmem:$0x1FE40] =	vst v0;
	v0 =	vimm.s32 $0x0  }
0xe: {  	v0 =	vsel vm9, $0xFFFFFFFF, v0  }
0xf: {  	vm10 =	vgt.u32 v5, $0x19;
	[tilespmem:$0x1FE50] =	vst v0;
	v0 =	vimm.s32 $0x0  }
0x10: {  	v0 =	vsel vm10, $0xFFFFFFFF, v0  }
0x11: {  	vm11 =	vgt.u32 v5, $0x18;
	[tilespmem:$0x1FE60] =	vst v0;
	v0 =	vimm.s32 $0x0  }
0x12: {  	v0 =	vsel vm11, $0xFFFFFFFF, v0  }
0x13: {  	vm4 =	vgt.u32 v5, $0x17;
	[tilespmem:$0x1FE70] =	vst v0;
	v0 =	vimm.s32 $0x0  }
0x14: {  	v0 =	vsel vm4, $0xFFFFFFFF, v0  }
0x15: {  	vm5 =	vgt.u32 v5, $0x16;
	[tilespmem:$0x1FE80] =	vst v0;
	v0 =	vimm.s32 $0x0  }
0x16: {  	v6 =	vimm.s32 $0x0;
	v0 =	vsel vm5, $0xFFFFFFFF, v0;
	vm5 =	vgt.u32 v5, $0xE  }
0x17: {  	vm6 =	vgt.u32 v5, $0x15;
	[tilespmem:$0x1FE90] =	vst v0;
	v0 =	vimm.s32 $0x0;
	v6 =	vsel vm5, $0xFFFFFFFF, v6  }
0x18: {  	v0 =	vsel vm6, $0xFFFFFFFF, v0;
	[tilespmem:$0x1FF10] =	vst v6;
	vm6 =	vgt.u32 v5, $0xD;
	v6 =	vimm.s32 $0x0  }
0x19: {  	vm7 =	vgt.u32 v5, $0x14;
	[tilespmem:$0x1FEA0] =	vst v0;
	v0 =	vimm.s32 $0x0;
	v6 =	vsel vm6, $0xFFFFFFFF, v6  }
0x1a: {  	v0 =	vsel vm7, $0xFFFFFFFF, v0;
	[tilespmem:$0x1FF20] =	vst v6;
	vm7 =	vgt.u32 v5, $0xC;
	v6 =	vimm.s32 $0x0  }
0x1b: {  	vm8 =	vgt.u32 v5, $0x13;
	[tilespmem:$0x1FEB0] =	vst v0;
	v0 =	vimm.s32 $0x0;
	v6 =	vsel vm7, $0xFFFFFFFF, v6  }
0x1c: {  	v0 =	vsel vm8, $0xFFFFFFFF, v0;
	[tilespmem:$0x1FF30] =	vst v6;
	vm8 =	vgt.u32 v5, $0xB;
	v6 =	vimm.s32 $0x0  }
0x1d: {  	vm9 =	vgt.u32 v5, $0x12;
	[tilespmem:$0x1FEC0] =	vst v0;
	v0 =	vimm.s32 $0x0;
	v6 =	vsel vm8, $0xFFFFFFFF, v6  }
0x1e: {  	v0 =	vsel vm9, $0xFFFFFFFF, v0;
	[tilespmem:$0x1FF40] =	vst v6;
	vm9 =	vgt.u32 v5, $0xA;
	v6 =	vimm.s32 $0x0  }
0x1f: {  	vm10 =	vgt.u32 v5, $0x11;
	[tilespmem:$0x1FED0] =	vst v0;
	v0 =	vimm.s32 $0x0;
	v6 =	vsel vm9, $0xFFFFFFFF, v6  }
0x20: {  	v0 =	vsel vm10, $0xFFFFFFFF, v0;
	[tilespmem:$0x1FF50] =	vst v6;
	vm10 =	vgt.u32 v5, $0x9;
	v6 =	vimm.s32 $0x0  }
0x21: {  	vm11 =	vgt.u32 v5, $0x10;
	[tilespmem:$0x1FEE0] =	vst v0;
	v0 =	vimm.s32 $0x0;
	v6 =	vsel vm10, $0xFFFFFFFF, v6  }
0x22: {  	v0 =	vsel vm11, $0xFFFFFFFF, v0;
	[tilespmem:$0x1FF60] =	vst v6;
	vm11 =	vgt.u32 v5, $0x8;
	v6 =	vimm.s32 $0x0  }
0x23: {  	v1 =	vimm.s32 $0x0;
	vm4 =	vgt.u32 v5, $0xF;
	v6 =	vsel vm11, $0xFFFFFFFF, v6  }
0x24: {  	s28 =	simm.s32 $0xBA00;
	v1 =	vsel vm4, $0xFFFFFFFF, v1;
	vm4 =	vgt.u32 v5, $0x7;
	[tilespmem:$0x1FF70] =	vst v6;
	v6 =	vimm.s32 $0x0  }
0x25: {  	s29 =	simm.s32 $0xC200;
	s15 =	simm.s32 $0xDA00;
	s18 =	sadd.s32 $0x1A00, s3;
	v6 =	vsel vm4, $0xFFFFFFFF, v6  }
0x26: {  	s19 =	sadd.s32 $0x1C00, s3;
	s7 =	sadd.s32 $0xC1E00, s3;
	[dreg:$0x4] =	wrdreg s18;
	vm5 =	vgt.u32 v5, $0x6;
	[tilespmem:$0x1FF80] =	vst v6;
	v6 =	vimm.s32 $0x0  }
0x27: {  	s10 =	sadd.s32 $0xC1C00, s3;
	s26 =	sadd.s32 $0x1D00, s3;
	[dreg:$0xb] =	wrdreg s19;
	v6 =	vsel vm5, $0xFFFFFFFF, v6  }
0x28: {  	s30 =	sadd.s32 $0x1E00, s3;
	s31 =	sadd.s32 $0x1F00, s3;
	[dreg:$0x5] =	wrdreg s10;
	vm6 =	vgt.u32 v5, $0x5;
	[tilespmem:$0x1FF90] =	vst v6;
	v6 =	vimm.s32 $0x0  }
0x29: {  	s4 =	simm.s32 $0xE200;
	s9 =	sshll.u32 s5, $0x6;
	[dreg:$0xc] =	wrdreg s26;
	v6 =	vsel vm6, $0xFFFFFFFF, v6  }
0x2a: {  	s5 =	ssub.s32 $0x2, s5;
	[dreg:$0xd] =	wrdreg s30;
	s8 =	sshll.u32 s6, $0x7;
	vm7 =	vgt.u32 v5, $0x4;
	[tilespmem:$0x1FFA0] =	vst v6;
	v6 =	vimm.s32 $0x0  }
0x2b: {  	[dreg:$0xe] =	wrdreg s31;
	s25 =	sshll.u32 s6, $0xD;
	s20 =	sand.u32 $0xF00, s8;
	v6 =	vsel vm7, $0xFFFFFFFF, v6  }
0x2c: {  	s8 =	sor.u32 s9, s8;
	s0 =	sadd.s32 s0, s25;
	s9 =	sor.u32 s9, s20;
	vm8 =	vgt.u32 v5, $0x3;
	[tilespmem:$0x1FFB0] =	vst v6;
	v6 =	vimm.s32 $0x0  }
0x2d: {  	vm15 =	vmmov $0xffff;
	s8 =	sshrl.u32 s8, $0x3;
	[dreg:$0xa] =	wrdreg s0;
	s9 =	sshrl.u32 s9, $0x3;
	[tilespmem:$0x1FF00] =	vst v1;
	v6 =	vsel vm8, $0xFFFFFFFF, v6  }
.Ltmp0:
0x2e: {  	s8 =	sor.u32 $0x10, s8;
	s22 =	sadd.s32 s1, s9;
	vm9 =	vgt.u32 v5, $0x2;
	vm10 =	vgt.u32 v5, $0x1;
	[tilespmem:$0x1FFC0] =	vst v6;
	v6 =	vimm.s32 $0x0;
	(pc) =	sbr.rel .LBB2_1-.Ltmp0, $4  }
0x2f: {  	s21 =	sshrl.u32 s5, $0x1;
	s1 =	sadd.s32 s1, s8;
	[dreg:$0x6] =	wrdreg s22;
	[tilespmem:$0x1FEF0] =	vst v0;
	vm11 =	veq.s32 v5, $0x0;
	v5 =	vimm.s32 $0x0;
	v6 =	vsel vm9, $0xFFFFFFFF, v6  }
0x30: {  	p0 =	sne.s32 s6, $0x0;
	s23 =	sadd.s32 s7, s9;
	[dreg:$0x7] =	wrdreg s1;
	v0 =	vlaneseq.u32;
	v5 =	vsel vm11, $0xFFFFFFFF, v5;
	[tilespmem:$0x1FFD0] =	vst v6;
	v6 =	vimm.s32 $0x0  }
0x31: {  	s5 =	ssub.s32 s5, s21;
	s24 =	sadd.s32 s7, s8;
	[dreg:$0x8] =	wrdreg s23;
	v1 =	vimm.s32 $0x0;
	v3 =	vshrl.u32 v0, $0x3;
	[tilespmem:$0x1FFF0] =	vst v5;
	v6 =	vsel vm10, $0xFFFFFFFF, v6  }
0x32: {  	s0 =	smax.u32 s5, $0x1;
	s20 =	simm.s32 $0xCA00;
	[dreg:$0x9] =	wrdreg s24;
	v2 =	vand.u32 $0x7, v0;
	v4 =	vor.u32 $0x8, v0;
	v3 =	vmul.u32 $0x8, v3;
	[tilespmem:$0x1FFE0] =	vst v6  }
.LBB2_3:
0x33: {  	s0 =	rddreg [dreg:$0xf]  }
0x34: {  	s0 =	sadd.s32 $0xFFFFFFFF, s0  }
0x35: {  	p1 =	sne.s32 s0, $0x0  }
.Ltmp1:
0x36: {  	_ = 	snop;
	(pc) =	sbr.rel @!p1 .LBB2_4-.Ltmp1, $1  }
0x37: {  	_ =	sdelay $0x3  }
.LBB2_1:
0x38: {  	[dreg:$0xf] =	wrdreg s0  }
0x39: {  	s18 =	rddreg [dreg:$0x4];
	s14 =	simm.s32 $0x2  }
0x3a: {  	[tilespmem:s2], [sflag:$0x2] =	stream.linear.gather [hbm4b:s18+s2], $0x1000, $0x38;
	[tilespmem:$0x11280] =	vst v63  }
0x3b: {  	_ =	swait.ge [sflag:s14], $0x1000  }
0x3c: {  	[sflag:s14] =	ssyncset.done $0x0  }
0x3d: {  	s1 =	simm.s32 $0x1000;
	s19 =	rddreg [dreg:$0x6];
	[sflag:s14] =	ssyncadd.s32 $0xFFFFF000  }
0x3e: {  	[tilespmem:s1], [sflag:$0x2] =	stream.linear.gather [hbm4b:s19+s2], $0x40, $0x38;
	[tilespmem:$0x11280] =	vst v63  }
0x3f: {  	_ =	swait.ge [sflag:s14], $0x40  }
0x40: {  	[sflag:s14] =	ssyncset.done $0x0  }
0x41: {  	s22 =	simm.s32 $0x1080;
	s21 =	rddreg [dreg:$0x7];
	[sflag:s14] =	ssyncadd.s32 $0xFFFFFFC0  }
0x42: {  	[tilespmem:s22], [sflag:$0x2] =	stream.linear.gather [hbm4b:s21+s2], $0x40, $0x38;
	[tilespmem:$0x11280] =	vst v63  }
0x43: {  	_ =	swait.ge [sflag:s14], $0x40  }
0x44: {  	[sflag:s14] =	ssyncset.done $0x0;
	v22 =	vld [tilespmem:$0x1FFF0]  }
0x45: {  	v52 =	vld [tilespmem:$0x1FFE0];
	[sflag:s14] =	ssyncadd.s32 $0xFFFFFFC0  }
0x46: {  	v5 =	vld [tilespmem:$0x0]  }
0x47: {  	v6 =	vld [tilespmem:$0x80];
	_ =	sdelay $0x3  }
0x48: {  	vm0 =	vnez.u8 v22;
	vm11 =	vnez.u8 v52  }
0x49: {  	v11 =	vadd.s32 v5, v6;
	v5 =	vsel vm0, $0x0, v5;
	v6 =	vnsel vm11, $0x0, v6  }
0x4a: {  	v5 =	vadd.s32 v5, v6;
	v6 =	vld [tilespmem:$0x1FFD0]  }
0x4b: {  	v7 =	vld [tilespmem:$0x100];
	_ =	sdelay $0x3  }
0x4c: {  	vm4 =	vnez.u8 v6  }
0x4d: {  	v6 =	vnsel vm4, $0x0, v7  }
0x4e: {  	v5 =	vadd.s32 v6, v5;
	v6 =	vld [tilespmem:$0x1FFC0]  }
0x4f: {  	v8 =	vld [tilespmem:$0x180];
	_ =	sdelay $0x3  }
0x50: {  	vm5 =	vnez.u8 v6  }
0x51: {  	v6 =	vnsel vm5, $0x0, v8  }
0x52: {  	v5 =	vadd.s32 v6, v5;
	v6 =	vld [tilespmem:$0x1FFB0]  }
0x53: {  	v9 =	vld [tilespmem:$0x200];
	_ =	sdelay $0x3  }
0x54: {  	vm6 =	vnez.u8 v6  }
0x55: {  	v6 =	vnsel vm6, $0x0, v9  }
0x56: {  	v5 =	vadd.s32 v6, v5;
	v6 =	vld [tilespmem:$0x1FFA0]  }
0x57: {  	v10 =	vld [tilespmem:$0x280];
	_ =	sdelay $0x3  }
0x58: {  	vm7 =	vnez.u8 v6  }
0x59: {  	v6 =	vnsel vm7, $0x0, v10  }
0x5a: {  	v5 =	vadd.s32 v6, v5;
	v6 =	vld [tilespmem:$0x1FF90]  }
0x5b: {  	v12 =	vld [tilespmem:$0x300];
	_ =	sdelay $0x3  }
0x5c: {  	vm8 =	vnez.u8 v6  }
0x5d: {  	v6 =	vnsel vm8, $0x0, v12  }
0x5e: {  	v5 =	vadd.s32 v6, v5;
	v6 =	vld [tilespmem:$0x1FF80]  }
0x5f: {  	v13 =	vld [tilespmem:$0x380];
	_ =	sdelay $0x3  }
0x60: {  	vm9 =	vnez.u8 v6  }
0x61: {  	v6 =	vnsel vm9, $0x0, v13  }
0x62: {  	v5 =	vadd.s32 v6, v5;
	v6 =	vld [tilespmem:$0x1FF70]  }
0x63: {  	v14 =	vld [tilespmem:$0x400];
	_ =	sdelay $0x3  }
0x64: {  	vm10 =	vnez.u8 v6  }
0x65: {  	v6 =	vnsel vm10, $0x0, v14  }
0x66: {  	v5 =	vadd.s32 v6, v5;
	v6 =	vld [tilespmem:$0x1FF60]  }
0x67: {  	v15 =	vld [tilespmem:$0x480];
	_ =	sdelay $0x3  }
0x68: {  	vm11 =	vnez.u8 v6  }
0x69: {  	v6 =	vnsel vm11, $0x0, v15  }
0x6a: {  	v5 =	vadd.s32 v6, v5;
	v6 =	vld [tilespmem:$0x1FF50]  }
0x6b: {  	v16 =	vld [tilespmem:$0x500];
	_ =	sdelay $0x3  }
0x6c: {  	vm4 =	vnez.u8 v6  }
0x6d: {  	v6 =	vnsel vm4, $0x0, v16  }
0x6e: {  	v5 =	vadd.s32 v6, v5;
	v6 =	vld [tilespmem:$0x1FF40]  }
0x6f: {  	v17 =	vld [tilespmem:$0x580];
	_ =	sdelay $0x3  }
0x70: {  	vm5 =	vnez.u8 v6  }
0x71: {  	v6 =	vnsel vm5, $0x0, v17  }
0x72: {  	v5 =	vadd.s32 v6, v5;
	v6 =	vld [tilespmem:$0x1FF30]  }
0x73: {  	v18 =	vld [tilespmem:$0x600];
	_ =	sdelay $0x3  }
0x74: {  	vm6 =	vnez.u8 v6  }
0x75: {  	v6 =	vnsel vm6, $0x0, v18  }
0x76: {  	v5 =	vadd.s32 v6, v5;
	v6 =	vld [tilespmem:$0x1FF20]  }
0x77: {  	v19 =	vld [tilespmem:$0x680];
	_ =	sdelay $0x3  }
0x78: {  	vm7 =	vnez.u8 v6  }
0x79: {  	v6 =	vnsel vm7, $0x0, v19  }
0x7a: {  	v5 =	vadd.s32 v6, v5;
	v6 =	vld [tilespmem:$0x1FF10]  }
0x7b: {  	v20 =	vld [tilespmem:$0x700];
	_ =	sdelay $0x3  }
0x7c: {  	vm8 =	vnez.u8 v6  }
0x7d: {  	v6 =	vnsel vm8, $0x0, v20  }
0x7e: {  	v5 =	vadd.s32 v6, v5;
	v6 =	vld [tilespmem:$0x1FF00]  }
0x7f: {  	v21 =	vld [tilespmem:$0x780];
	_ =	sdelay $0x3  }
0x80: {  	vm9 =	vnez.u8 v6  }
0x81: {  	v6 =	vnsel vm9, $0x0, v21  }
0x82: {  	v5 =	vadd.s32 v6, v5;
	v6 =	vld [tilespmem:$0x1FEF0]  }
0x83: {  	v53 =	vld [tilespmem:$0x800];
	_ =	sdelay $0x3  }
0x84: {  	vm10 =	vnez.u8 v6  }
0x85: {  	v6 =	vnsel vm10, $0x0, v53  }
0x86: {  	v5 =	vadd.s32 v6, v5;
	v6 =	vld [tilespmem:$0x1FEE0]  }
0x87: {  	v54 =	vld [tilespmem:$0x880];
	_ =	sdelay $0x3  }
0x88: {  	vm11 =	vnez.u8 v6  }
0x89: {  	v11 =	vadd.s32 v7, v11;
	v6 =	vnsel vm11, $0x0, v54  }
0x8a: {  	v11 =	vadd.s32 v8, v11;
	v5 =	vadd.s32 v6, v5;
	v6 =	vld [tilespmem:$0x1FED0]  }
0x8b: {  	v11 =	vadd.s32 v9, v11;
	v8 =	vld [tilespmem:$0x900]  }
0x8c: {  	v11 =	vadd.s32 v10, v11  }
0x8d: {  	v11 =	vadd.s32 v12, v11  }
0x8e: {  	v11 =	vadd.s32 v13, v11  }
0x8f: {  	v11 =	vadd.s32 v14, v11;
	vm4 =	vnez.u8 v6  }
0x90: {  	v11 =	vadd.s32 v15, v11;
	v6 =	vnsel vm4, $0x0, v8  }
0x91: {  	v11 =	vadd.s32 v16, v11;
	v5 =	vadd.s32 v6, v5;
	v6 =	vld [tilespmem:$0x1FEC0]  }
0x92: {  	v55 =	vld [tilespmem:$0x980];
	v11 =	vadd.s32 v17, v11  }
0x93: {  	v7 =	vadd.s32 v18, v11  }
0x94: {  	v56 =	vld [tilespmem:$0xA00];
	v7 =	vadd.s32 v19, v7  }
0x95: {  	v57 =	vld [tilespmem:$0xA80];
	v7 =	vadd.s32 v20, v7  }
0x96: {  	v58 =	vld [tilespmem:$0xB00];
	v7 =	vadd.s32 v21, v7;
	vm5 =	vnez.u8 v6  }
0x97: {  	v59 =	vld [tilespmem:$0xB80];
	v7 =	vadd.s32 v53, v7;
	v6 =	vnsel vm5, $0x0, v55  }
0x98: {  	v7 =	vadd.s32 v54, v7;
	v5 =	vadd.s32 v6, v5;
	v6 =	vld [tilespmem:$0x1FEB0]  }
0x99: {  	v60 =	vld [tilespmem:$0xC00];
	v7 =	vadd.s32 v8, v7  }
0x9a: {  	v61 =	vld [tilespmem:$0xC80];
	v7 =	vadd.s32 v55, v7  }
0x9b: {  	v62 =	vld [tilespmem:$0xD00];
	v7 =	vadd.s32 v56, v7  }
0x9c: {  	v63 =	vld [tilespmem:$0xD80];
	v7 =	vadd.s32 v57, v7  }
0x9d: {  	v24 =	vld [tilespmem:$0xE00];
	v7 =	vadd.s32 v58, v7;
	vm6 =	vnez.u8 v6  }
0x9e: {  	v25 =	vld [tilespmem:$0xE80];
	v7 =	vadd.s32 v59, v7;
	v6 =	vnsel vm6, $0x0, v56  }
0x9f: {  	v7 =	vadd.s32 v60, v7;
	v6 =	vadd.s32 v6, v5;
	v5 =	vld [tilespmem:$0x1FEA0]  }
0xa0: {  	v26 =	vld [tilespmem:$0xF00];
	v7 =	vadd.s32 v61, v7  }
0xa1: {  	v27 =	vld [tilespmem:$0xF80];
	v7 =	vadd.s32 v62, v7  }
0xa2: {  	v7 =	vadd.s32 v63, v7  }
0xa3: {  	v7 =	vadd.s32 v24, v7  }
0xa4: {  	v7 =	vadd.s32 v25, v7;
	vm7 =	vnez.u8 v5  }
0xa5: {  	v7 =	vadd.s32 v26, v7;
	v8 =	vnsel vm7, $0x0, v57  }
0xa6: {  	v5 =	vadd.s32 v27, v7;
	v7 =	vadd.s32 v8, v6;
	v6 =	vld [tilespmem:$0x1FE90];
	_ =	sdelay $0x4  }
0xa7: {  	vm8 =	vnez.u8 v6  }
0xa8: {  	v8 =	vnsel vm8, $0x0, v58  }
0xa9: {  	v7 =	vadd.s32 v8, v7;
	v8 =	vld [tilespmem:$0x1FE80];
	_ =	sdelay $0x4  }
0xaa: {  	vm9 =	vnez.u8 v8  }
0xab: {  	v8 =	vnsel vm9, $0x0, v59  }
0xac: {  	v7 =	vadd.s32 v8, v7;
	v8 =	vld [tilespmem:$0x1FE70];
	_ =	sdelay $0x4  }
0xad: {  	vm10 =	vnez.u8 v8  }
0xae: {  	v8 =	vnsel vm10, $0x0, v60  }
0xaf: {  	v7 =	vadd.s32 v8, v7;
	v8 =	vld [tilespmem:$0x1FE60];
	_ =	sdelay $0x4  }
0xb0: {  	vm11 =	vnez.u8 v8  }
0xb1: {  	v8 =	vnsel vm11, $0x0, v61  }
0xb2: {  	v7 =	vadd.s32 v8, v7;
	v8 =	vld [tilespmem:$0x1FE50];
	_ =	sdelay $0x4  }
0xb3: {  	vm4 =	vnez.u8 v8  }
0xb4: {  	v8 =	vnsel vm4, $0x0, v62  }
0xb5: {  	v7 =	vadd.s32 v8, v7;
	v8 =	vld [tilespmem:$0x1FE40];
	_ =	sdelay $0x4  }
0xb6: {  	vm5 =	vnez.u8 v8  }
0xb7: {  	v8 =	vnsel vm5, $0x0, v63  }
0xb8: {  	v7 =	vadd.s32 v8, v7;
	v8 =	vld [tilespmem:$0x1FE30];
	_ =	sdelay $0x4  }
0xb9: {  	vm6 =	vnez.u8 v8  }
0xba: {  	v8 =	vnsel vm6, $0x0, v24  }
0xbb: {  	v7 =	vadd.s32 v8, v7;
	v8 =	vld [tilespmem:$0x1FE20];
	_ =	sdelay $0x4  }
0xbc: {  	v6 =	vadd.s32 $0xFF, v5;
	vm7 =	vnez.u8 v8  }
0xbd: {  	v28 =	vand.u32 $0xFFFFFF00, v6;
	v8 =	vnsel vm7, $0x0, v25  }
0xbe: {  	(xrf0) =	vadd.scan.msk.s32 $0xffff, v28;
	v7 =	vadd.s32 v8, v7;
	v8 =	vld [tilespmem:$0x1FE10];
	_ =	sdelay $0x4  }
0xbf: {  	vm8 =	vnez.u8 v8  }
0xc0: {  	v29, _, _ =	vpop (xrf0);
	v8 =	vnsel vm8, $0x0, v26  }
0xc1: {  	v8 =	vadd.s32 v8, v7;
	v7 =	vsub.s32 v29, v28  }
0xc2: {  	vm9 =	vmmov $0x1;
	v8 =	vadd.s32 v7, v8  }
0xc3: {  	vm10 =	vcmask $0x308;
	v31 =	vnsel vm9, $0x0, v8  }
0xc4: {  	vm11 =	vcmask $0x70C;
	v32 =	vsel vm10, $0x0, v8;
	(xrf0) =	vadd.scan.msk.s32 $0xffff, v31  }
0xc5: {  	v34 =	vld [tilespmem:$0x1000];
	vm4 =	vcmask $0xB10;
	v33 =	vsel vm11, $0x0, v8;
	(xrf0) =	vadd.scan.msk.s32 $0xffff, v32  }
0xc6: {  	vm5 =	vcmask $0xF14;
	v35 =	vsel vm4, $0x0, v8;
	(xrf0) =	vadd.scan.msk.s32 $0xffff, v33  }
0xc7: {  	vm6 =	vcmask $0x1318;
	v36 =	vsel vm5, $0x0, v8;
	(xrf0) =	vadd.scan.msk.s32 $0xffff, v35  }
0xc8: {  	vm7 =	vcmask $0x171C;
	v37 =	vsel vm6, $0x0, v8;
	(xrf0) =	vadd.scan.msk.s32 $0xffff, v36  }
0xc9: {  	v30 =	vimm.s32 $0x0;
	vm8 =	vcmask $0x1B20;
	v38 =	vsel vm7, $0x0, v8;
	(xrf0) =	vadd.scan.msk.s32 $0xffff, v37  }
0xca: {  	v9 =	vsel vm9, $0xFFFFFFFF, v30;
	v8 =	vsel vm8, $0x0, v8;
	vm9 =	veq.s32 v34, $0x0;
	(xrf0) =	vadd.scan.msk.s32 $0xffff, v38  }
0xcb: {  	v39, _, _ =	vpop (xrf0);
	(xrf0) =	vadd.scan.msk.s32 $0xffff, v8;
	v8 =	vsel vm9, $0x1, v1  }
0xcc: {  	v55 =	vld [tilespmem:$0x1010];
	(v2sf) =	vpush v39, $0xF;
	v40, _, _ =	vpop (xrf0)  }
0xcd: {  	(v2sf) =	vpush v40, $0xF;
	v41, _, _ =	vpop (xrf0);
	(xrf0) =	vadd.scan.msk.s32 $0xffff, v8  }
0xce: {  	vm1 =	veq.s32 v34, $0x2;
	vm3 =	veq.s32 v34, $0x4;
	(v2sf) =	vpush v41, $0xF;
	v8, _, _ =	vpop (xrf0)  }
0xcf: {  	vm2 =	veq.s32 v34, $0x5;
	vm4 =	veq.s32 v34, $0x1;
	(v2sf) =	vpush v8, $0xF;
	v42, _, _ =	vpop (xrf0)  }
0xd0: {  	v47 =	vsel vm1, $0x1, v1;
	v44 =	vsel vm4, $0x1, v1;
	(v2sf) =	vpush v42, $0xF;
	v43, _, _ =	vpop (xrf0)  }
0xd1: {  	v51 =	vsel vm3, $0x1, v1;
	vm0 =	veq.s32 v55, $0x1;
	(xrf0) =	vadd.scan.msk.s32 $0xffff, v44;
	(v2sf) =	vpush v43, $0xF;
	v45, _, _ =	vpop (xrf0)  }
0xd2: {  	v52 =	vsel vm2, $0x1, v1;
	v16 =	vsel vm0, $0x1, v1;
	(v2sf) =	vpush v45, $0xF;
	v46, _, _ =	vpop (xrf0)  }
0xd3: {  	vm5 =	veq.s32 v34, $0x3;
	vm10 =	veq.s32 v34, $0x6;
	(xrf0) =	vadd.scan.msk.s32 $0xffff, v47;
	(v2sf) =	vpush v46, $0xF;
	v48, _, _ =	vpop (xrf0)  }
0xd4: {  	vm6 =	veq.s32 v55, $0x0;
	v49 =	vsel vm5, $0x1, v1;
	(v2sf) =	vpush v48, $0xF  }
0xd5: {  	vm11 =	veq.s32 v55, $0x2;
	vm8 =	veq.s32 v55, $0x3;
	v56 =	vsel vm10, $0x1, v1;
	(xrf0) =	vadd.scan.msk.s32 $0xffff, v49  }
0xd6: {  	[tilespmem:$0x1FD50] =	vst v9;
	v62 =	vsel vm6, $0x1, v1;
	v11 =	vadd.s32 $0xFFFFFFFF, v39;
	v9 =	vadd.s32 $0xFFFFFFFF, v40  }
0xd7: {  	v23 =	vsel vm11, $0x1, v1;
	v11 =	vbroadcast v11, $0xF;
	v9 =	vbroadcast v9, $0xF;
	v50, _, _ =	vpop (xrf0)  }
0xd8: {  	v12 =	vadd.s32 $0xFFFFFFFF, v41;
	v8 =	vadd.s32 $0xFFFFFFFF, v8;
	(v2sf) =	vpush v50, $0xF  }
0xd9: {  	v26 =	vsel vm8, $0x1, v1;
	v12 =	vbroadcast v12, $0xF;
	v8 =	vbroadcast v8, $0xF;
	(xrf0) =	vadd.scan.msk.s32 $0xffff, v51;
	v53, _, _ =	vpop (xrf0)  }
0xda: {  	v57 =	vadd.s32 $0xFFFFFFFF, v42;
	v11 =	vadd.s32 v48, v11;
	(xrf0) =	vadd.scan.msk.s32 $0xffff, v52;
	(v2sf) =	vpush v53, $0xF  }
0xdb: {  	v59 =	vadd.s32 $0xFFFFFFFF, v43;
	v11 =	vnsel vm9, $0x0, v11;
	v9 =	vadd.s32 v50, v9;
	v54, _, _ =	vpop (xrf0);
	s23 =	spop (v2sf)  }
0xdc: {  	(xrf0) =	vadd.scan.msk.s32 $0xffff, v56;
	v9 =	vsel vm4, v9, v11;
	v12 =	vadd.s32 v53, v12;
	s3 =	spop (v2sf);
	(v2sf) =	vpush v54, $0xF  }
0xdd: {  	v61 =	vadd.s32 $0xFFFFFFFF, v45;
	v9 =	vsel vm1, v12, v9;
	vm1 =	veq.s32 v34, $0x7;
	s17 =	spop (v2sf)  }
0xde: {  	v63 =	vbroadcast v61, $0xF;
	vm9 =	veq.s32 v55, $0x4;
	v10 =	vsel vm1, $0x1, v1;
	s7 =	spop (v2sf)  }
0xdf: {  	v38 =	vld [tilespmem:$0x1020];
	v21 =	vadd.s32 $0xFFFFFFFF, v46;
	v31 =	vsel vm9, $0x1, v1;
	v11 =	vbroadcast v57, $0xF;
	v58, _, _ =	vpop (xrf0);
	(xrf0) =	vadd.scan.msk.s32 $0xffff, v10;
	s6 =	spop (v2sf)  }
0xe0: {  	v8 =	vadd.s32 v54, v8;
	v12 =	vbroadcast v59, $0xF;
	v60, _, _ =	vpop (xrf0);
	(xrf0) =	vadd.scan.msk.s32 $0xffff, v62;
	(v2sf) =	vpush v58, $0xF;
	s18 =	spop (v2sf)  }
0xe1: {  	v8 =	vsel vm5, v8, v9;
	v9 =	vadd.s32 v58, v11;
	(xrf0) =	vadd.scan.msk.s32 $0xffff, v16;
	(v2sf) =	vpush v60, $0xF;
	s5 =	spop (v2sf)  }
0xe2: {  	v8 =	vsel vm3, v9, v8;
	v17 =	vadd.s32 v60, v12;
	v19, _, _ =	vpop (xrf0);
	v10 =	vbroadcast v21, $0xF;
	(xrf0) =	vadd.scan.msk.s32 $0xffff, v23;
	s24 =	spop (v2sf)  }
0xe3: {  	vm3 =	veq.s32 v55, $0x6;
	v8 =	vsel vm2, v17, v8;
	v20 =	vadd.s32 v19, v63;
	(xrf0) =	vadd.scan.msk.s32 $0xffff, v26;
	v26 =	vld [tilespmem:$0x1030];
	s16 =	spop (v2sf)  }
0xe4: {  	v39 =	vsel vm3, $0x1, v1;
	vm2 =	veq.s32 v38, $0x7;
	(v2sf) =	vpush v19, $0xF;
	s1 =	sadd.s32 s16, s23  }
0xe5: {  	v8 =	vsel vm10, v20, v8;
	vm10 =	veq.s32 v55, $0x5;
	v24, _, _ =	vpop (xrf0);
	(xrf0) =	vadd.scan.msk.s32 $0xffff, v31;
	v22 =	vmov s1  }
0xe6: {  	v34 =	vsel vm10, $0x1, v1;
	v10 =	vadd.s32 v24, v10;
	v11 =	vadd.s32 $0xFFFFFFFF, v22  }
0xe7: {  	v25, _, _ =	vpop (xrf0);
	(xrf0) =	vadd.scan.msk.s32 $0xffff, v34;
	v8 =	vsel vm1, v10, v8;
	s25 =	spop (v2sf);
	(v2sf) =	vpush v24, $0xF;
	v11 =	vbroadcast v11, $0x0  }
0xe8: {  	v27, _, _ =	vpop (xrf0);
	(xrf0) =	vadd.scan.msk.s32 $0xffff, v39;
	vm1 =	veq.s32 v38, $0x6;
	vm5 =	veq.s32 v26, $0x4;
	s16 =	sadd.s32 s25, s3;
	(v2sf) =	vpush v25, $0xF  }
0xe9: {  	v32, _, _ =	vpop (xrf0);
	s26 =	spop (v2sf);
	v28 =	vmov s16;
	(v2sf) =	vpush v27, $0xF;
	v11 =	vadd.s32 v25, v11  }
0xea: {  	v37, _, _ =	vpop (xrf0);
	s3 =	sadd.s32 s26, s17;
	v29 =	vadd.s32 $0xFFFFFFFF, v28;
	(v2sf) =	vpush v32, $0xF;
	v28 =	vsel vm1, $0x1, v1  }
0xeb: {  	v43, _, _ =	vpop (xrf0);
	s30 =	spop (v2sf);
	v12 =	vbroadcast v29, $0x0;
	v30 =	vmov s3;
	(v2sf) =	vpush v37, $0xF  }
0xec: {  	v11 =	vnsel vm6, $0x0, v11;
	s17 =	sadd.s32 s30, s7;
	v13 =	vadd.s32 $0xFFFFFFFF, v30;
	(v2sf) =	vpush v43, $0xF  }
0xed: {  	v45, _, _ =	vpop (xrf0);
	v13 =	vbroadcast v13, $0x0;
	v33 =	vmov s17;
	v9 =	vadd.s32 v27, v12  }
0xee: {  	v51, _, _ =	vpop (xrf0);
	(v2sf) =	vpush v45, $0xF;
	v35 =	vadd.s32 $0xFFFFFFFF, v33;
	v9 =	vsel vm0, v9, v11  }
0xef: {  	vm0 =	veq.s32 v55, $0x7;
	(v2sf) =	vpush v51, $0xF;
	v33 =	vsel vm2, $0x1, v1;
	s31 =	spop (v2sf)  }
0xf0: {  	v36 =	vadd.s32 v32, v13;
	v12 =	vbroadcast v35, $0x0;
	v42 =	vsel vm0, $0x1, v1;
	s19 =	spop (v2sf);
	s6 =	sadd.s32 s31, s6  }
0xf1: {  	v9 =	vsel vm11, v36, v9;
	(xrf0) =	vadd.scan.msk.s32 $0xffff, v42;
	vm11 =	veq.s32 v38, $0x0;
	s18 =	sadd.s32 s19, s18;
	v40 =	vmov s6  }
0xf2: {  	v47 =	vsel vm11, $0x1, v1;
	v41 =	vmov s18;
	v14 =	vadd.s32 $0xFFFFFFFF, v40  }
0xf3: {  	v12 =	vadd.s32 v37, v12;
	(xrf0) =	vadd.scan.msk.s32 $0xffff, v47;
	s8 =	spop (v2sf);
	v15 =	vadd.s32 $0xFFFFFFFF, v41;
	v44 =	vbroadcast v14, $0x0  }
0xf4: {  	v9 =	vsel vm8, v12, v9;
	vm8 =	veq.s32 v38, $0x1;
	s5 =	sadd.s32 s8, s5;
	v15 =	vbroadcast v15, $0x0  }
0xf5: {  	v49 =	vsel vm8, $0x1, v1;
	v46 =	vmov s5;
	v12 =	vadd.s32 v43, v44  }
0xf6: {  	v16 =	vadd.s32 $0xFFFFFFFF, v46;
	v9 =	vsel vm9, v12, v9;
	v50 =	vadd.s32 v45, v15  }
0xf7: {  	(xrf0) =	vadd.scan.msk.s32 $0xffff, v49;
	s9 =	spop (v2sf);
	v53, _, _ =	vpop (xrf0);
	vm9 =	veq.s32 v38, $0x2;
	v48 =	vbroadcast v16, $0x0;
	v9 =	vsel vm10, v50, v9  }
0xf8: {  	s10 =	spop (v2sf);
	(v2sf) =	vpush v53, $0xF;
	v56 =	vsel vm9, $0x1, v1;
	vm10 =	veq.s32 v38, $0x3;
	s7 =	sadd.s32 s9, s24  }
0xf9: {  	s19 =	sadd.s32 s10, s1;
	s11 =	spop (v2sf);
	v57, _, _ =	vpop (xrf0);
	v58 =	vsel vm10, $0x1, v1;
	v59 =	vmov s7;
	v52 =	vadd.s32 v51, v48  }
0xfa: {  	s1 =	sadd.s32 s11, s16;
	v54 =	vmov s19;
	(v2sf) =	vpush v57, $0xF;
	v16 =	vadd.s32 $0xFFFFFFFF, v59  }
0xfb: {  	s12 =	spop (v2sf);
	v13 =	vadd.s32 $0xFFFFFFFF, v54;
	v55 =	vmov s1;
	v9 =	vsel vm3, v52, v9  }
0xfc: {  	s13 =	sadd.s32 s12, s3;
	v35 =	vbroadcast v16, $0x0;
	v54 =	vsel vm5, $0x1, v1;
	vm3 =	veq.s32 v26, $0x5  }
0xfd: {  	v60, _, _ =	vpop (xrf0);
	s21 =	spop (v2sf);
	v13 =	vbroadcast v13, $0x0;
	v14 =	vadd.s32 $0xFFFFFFFF, v55;
	v61 =	vmov s13  }
0xfe: {  	(xrf0) =	vadd.scan.msk.s32 $0xffff, v56;
	s17 =	sadd.s32 s21, s17;
	(v2sf) =	vpush v60, $0xF;
	s22 =	spop (v2sf);
	v59 =	vsel vm3, $0x1, v1;
	v14 =	vbroadcast v14, $0x0  }
0xff: {  	v62 =	vadd.s32 $0xFFFFFFFF, v61;
	v63 =	vmov s17;
	s31 =	sadd.s32 s22, s6;
	v12 =	vadd.s32 v53, v35  }
0x100: {  	(xrf0) =	vadd.scan.msk.s32 $0xffff, v58;
	v13 =	vadd.s32 v57, v13;
	v15 =	vadd.s32 $0xFFFFFFFF, v63;
	v25 =	vmov s31  }
0x101: {  	s23 =	spop (v2sf);
	v9 =	vsel vm0, v12, v9;
	vm0 =	veq.s32 v26, $0x6;
	v13 =	vnsel vm11, $0x0, v13  }
0x102: {  	s0 =	sadd.s32 s23, s18;
	v14 =	vadd.s32 v60, v14;
	vm11 =	veq.s32 v38, $0x4;
	v15 =	vbroadcast v15, $0x0  }
0x103: {  	v27 =	vadd.s32 $0xFFFFFFFF, v25;
	v29 =	vmov s0;
	v20 =	vsel vm11, $0x1, v1  }
0x104: {  	s24 =	spop (v2sf);
	v21, _, _ =	vpop (xrf0);
	v61 =	vsel vm0, $0x1, v1;
	v13 =	vsel vm8, v14, v13;
	vm8 =	veq.s32 v38, $0x5;
	(xrf0) =	vadd.scan.msk.s32 $0xffff, v20  }
0x105: {  	s3 =	sadd.s32 s24, s5;
	v14 =	vbroadcast v62, $0x0;
	(v2sf) =	vpush v21, $0xF;
	v62 =	vld [tilespmem:$0x1080];
	v22 =	vsel vm8, $0x1, v1  }
0x106: {  	v23, _, _ =	vpop (xrf0);
	v10 =	vbroadcast v27, $0x0;
	v32 =	vadd.s32 $0xFFFFFFFF, v29;
	v37 =	vmov s3;
	(xrf0) =	vadd.scan.msk.s32 $0xffff, v22  }
0x107: {  	v24 =	vadd.s32 v23, v15;
	(v2sf) =	vpush v23, $0xF;
	v14 =	vadd.s32 v21, v14  }
0x108: {  	v34 =	vbroadcast v32, $0x0;
	v39 =	vadd.s32 $0xFFFFFFFF, v37;
	v13 =	vsel vm9, v14, v13;
	(xrf0) =	vadd.scan.msk.s32 $0xffff, v28  }
0x109: {  	vm9 =	veq.s32 v26, $0x0;
	v30 =	vsel vm10, v24, v13;
	vm10 =	veq.s32 v26, $0x1  }
0x10a: {  	(xrf0) =	vadd.scan.msk.s32 $0xffff, v33;
	v38 =	vsel vm9, $0x1, v1;
	v44 =	vsel vm10, $0x1, v1;
	vm4 =	veq.s32 v62, $0x0;
	v31, _, _ =	vpop (xrf0)  }
0x10b: {  	(xrf0) =	vadd.scan.msk.s32 $0xffff, v38;
	vm6 =	veq.s32 v62, $0x6;
	vm7 =	veq.s32 v62, $0x7;
	s25 =	spop (v2sf);
	v10 =	vadd.s32 v31, v10  }
0x10c: {  	v29 =	vsel vm4, $0x1, v1;
	(v2sf) =	vpush v31, $0xF;
	v36, _, _ =	vpop (xrf0);
	s26 =	sadd.s32 s25, s7;
	v10 =	vsel vm11, v10, v30  }
0x10d: {  	v13 =	vadd.s32 v36, v34;
	(v2sf) =	vpush v36, $0xF;
	v41 =	vmov s26  }
0x10e: {  	v40, _, _ =	vpop (xrf0);
	vm11 =	veq.s32 v26, $0x2;
	v10 =	vsel vm8, v13, v10;
	v13 =	vbroadcast v39, $0x0  }
0x10f: {  	(xrf0) =	vadd.scan.msk.s32 $0xffff, v44;
	s30 =	spop (v2sf);
	(v2sf) =	vpush v40, $0xF;
	v14 =	vadd.s32 $0xFFFFFFFF, v41;
	v46 =	vsel vm11, $0x1, v1  }
0x110: {  	s7 =	sadd.s32 s30, s19;
	v42, _, _ =	vpop (xrf0);
	vm8 =	veq.s32 v26, $0x7;
	v41 =	vimm.s32 $0x0;
	v14 =	vbroadcast v14, $0x0  }
0x111: {  	v43 =	vmov s7;
	(v2sf) =	vpush v42, $0xF;
	v48, _, _ =	vpop (xrf0);
	v20 =	vsel vm8, $0x1, v1  }
0x112: {  	s8 =	spop (v2sf);
	v16 =	vadd.s32 $0xFFFFFFFF, v43;
	v11 =	vadd.s32 v40, v13;
	(v2sf) =	vpush v48, $0xF  }
0x113: {  	s9 =	sadd.s32 s8, s1;
	v43 =	vimm.s32 $0x0;
	v45 =	vbroadcast v16, $0x0;
	v10 =	vsel vm1, v11, v10  }
0x114: {  	v47 =	vadd.s32 v42, v14;
	v49 =	vmov s9;
	vm1 =	veq.s32 v26, $0x3  }
0x115: {  	(xrf0) =	vadd.scan.msk.s32 $0xffff, v46;
	v53, _, _ =	vpop (xrf0);
	v42 =	vsel vm6, $0x1, v1;
	v50 =	vadd.s32 $0xFFFFFFFF, v49;
	v51 =	vsel vm1, $0x1, v1  }
0x116: {  	(v2sf) =	vpush v53, $0xF;
	v10 =	vsel vm2, v47, v10;
	vm2 =	veq.s32 v62, $0x2  }
0x117: {  	s10 =	spop (v2sf);
	v13 =	vadd.s32 v48, v45;
	v12 =	vbroadcast v50, $0x0;
	v35 =	vsel vm2, $0x1, v1  }
0x118: {  	(xrf0) =	vadd.scan.msk.s32 $0xffff, v51;
	v45 =	vsel vm7, $0x1, v1;
	v50 =	vimm.s32 $0x0;
	s16 =	sadd.s32 s10, s13;
	v13 =	vnsel vm9, $0x0, v13  }
0x119: {  	s11 =	spop (v2sf);
	(xrf0) =	vadd.scan.msk.s32 $0xffff, v54;
	vm9 =	veq.s32 v62, $0x4;
	v54 =	vimm.s32 $0x0;
	v52 =	vmov s16  }
0x11a: {  	v36 =	vld [tilespmem:$0x1090];
	s1 =	sadd.s32 s11, s17;
	v12 =	vadd.s32 v53, v12;
	v39 =	vsel vm9, $0x1, v1;
	v15 =	vadd.s32 $0xFFFFFFFF, v52  }
0x11b: {  	v56, _, _ =	vpop (xrf0);
	(xrf0) =	vadd.scan.msk.s32 $0xffff, v59;
	v55 =	vmov s1;
	v12 =	vsel vm10, v12, v13;
	v15 =	vbroadcast v15, $0x0  }
0x11c: {  	(v2sf) =	vpush v56, $0xF;
	vm10 =	veq.s32 v62, $0x5;
	v57 =	vadd.s32 $0xFFFFFFFF, v55  }
0x11d: {  	(xrf0) =	vadd.scan.msk.s32 $0xffff, v61;
	v52 =	vimm.s32 $0x0;
	v14 =	vbroadcast v57, $0x0;
	v15 =	vadd.s32 v56, v15  }
0x11e: {  	(xrf0) =	vadd.scan.msk.s32 $0xffff, v20;
	v40 =	vsel vm10, $0x1, v1;
	v60, _, _ =	vpop (xrf0);
	v56 =	vimm.s32 $0x0;
	v12 =	vsel vm11, v15, v12  }
0x11f: {  	v14 =	vadd.s32 v60, v14;
	v63, _, _ =	vpop (xrf0);
	(v2sf) =	vpush v60, $0xF;
	vm11 =	veq.s32 v36, $0x3;
	s12 =	spop (v2sf)  }
0x120: {  	(xrf0) =	vadd.scan.msk.s32 $0xffff, v29;
	v12 =	vsel vm1, v14, v12;
	(v2sf) =	vpush v63, $0xF;
	vm1 =	veq.s32 v62, $0x1;
	s13 =	sadd.s32 s12, s31;
	s22 =	spop (v2sf)  }
0x121: {  	v27, _, _ =	vpop (xrf0);
	v51 =	vsel vm11, $0x1, v1;
	v34 =	vsel vm1, $0x1, v1;
	v58 =	vmov s13;
	s5 =	sadd.s32 s22, s0;
	s23 =	spop (v2sf)  }
0x122: {  	v16 =	vadd.s32 $0xFFFFFFFF, v58;
	v22 =	vmov s5;
	s24 =	spop (v2sf);
	(v2sf) =	vpush v27, $0xF  }
0x123: {  	v18, _, _ =	vpop (xrf0);
	s31 =	sadd.s32 s23, s3;
	v58 =	vimm.s32 $0x0;
	v16 =	vbroadcast v16, $0x0;
	v23 =	vadd.s32 $0xFFFFFFFF, v22  }
0x124: {  	v32, _, _ =	vpop (xrf0);
	v24 =	vmov s31;
	s0 =	sadd.s32 s24, s26;
	s25 =	spop (v2sf);
	(v2sf) =	vpush v18, $0xF;
	v25 =	vbroadcast v23, $0x0  }
0x125: {  	v26 =	vadd.s32 $0xFFFFFFFF, v24;
	v28 =	vmov s0;
	(v2sf) =	vpush v32, $0xF  }
0x126: {  	(xrf0) =	vadd.scan.msk.s32 $0xffff, v34;
	v38, _, _ =	vpop (xrf0);
	s18 =	sadd.s32 s25, s7;
	v21 =	vadd.s32 v63, v16;
	v14 =	vbroadcast v26, $0x0;
	v16 =	vadd.s32 $0xFFFFFFFF, v28  }
0x127: {  	(xrf0) =	vadd.scan.msk.s32 $0xffff, v35;
	v33 =	vmov s18;
	(v2sf) =	vpush v38, $0xF;
	v12 =	vsel vm5, v21, v12  }
0x128: {  	s26 =	spop (v2sf);
	v13 =	vadd.s32 v27, v25;
	v31 =	vbroadcast v16, $0x0;
	vm5 =	veq.s32 v36, $0x1  }
0x129: {  	v24 =	vld [tilespmem:$0x10A0];
	s19 =	sadd.s32 s26, s9;
	v12 =	vsel vm3, v13, v12;
	v30 =	vadd.s32 v18, v14;
	v13 =	vadd.s32 $0xFFFFFFFF, v33  }
0x12a: {  	vm3 =	veq.s32 v62, $0x3;
	v14 =	vsel vm6, $0xFFFFFFFF, v41;
	v44 =	vmov s19  }
0x12b: {  	vm6 =	veq.s32 v36, $0x0;
	v48 =	vsel vm5, $0x1, v1;
	v62 =	vimm.s32 $0x0  }
0x12c: {  	v46, _, _ =	vpop (xrf0);
	v11 =	vsel vm0, v30, v12;
	v20 =	vadd.s32 v32, v31;
	v13 =	vbroadcast v13, $0x0  }
0x12d: {  	v37 =	vsel vm3, $0x1, v1;
	v23 =	vadd.s32 $0xFFFFFFFF, v44;
	(v2sf) =	vpush v46, $0xF;
	v28, _, _ =	vpop (xrf0)  }
0x12e: {  	v47 =	vsel vm6, $0x1, v1;
	(v2sf) =	vpush v28, $0xF;
	vm12 =	veq.s32 v24, $0x0  }
0x12f: {  	[tilespmem:$0x1FD60] =	vst v14;
	vm14 =	veq.s32 v24, $0x1;
	vm13 =	veq.s32 v24, $0x3;
	vm0 =	veq.s32 v24, $0x5  }
0x130: {  	(xrf0) =	vadd.scan.msk.s32 $0xffff, v37;
	v25 =	vbroadcast v23, $0x0;
	v11 =	vsel vm8, v20, v11;
	v21 =	vadd.s32 v38, v13  }
0x131: {  	(xrf0) =	vadd.scan.msk.s32 $0xffff, v39;
	v13 =	vsel vm7, $0xFFFFFFFF, v43;
	vm7 =	veq.s32 v36, $0x2;
	v60 =	vsel vm12, $0x1, v1  }
0x132: {  	v61 =	vsel vm14, $0x1, v1;
	v38 =	vimm.s32 $0x0;
	v39 =	vsel vm0, $0x1, v1;
	(xrf0) =	vadd.scan.msk.s32 $0xffff, v40  }
0x133: {  	[tilespmem:$0x1FDA0] =	vst v13;
	v49 =	vsel vm7, $0x1, v1;
	v13 =	vsel vm11, $0xFFFFFFFF, v50;
	vm11 =	veq.s32 v36, $0x4  }
0x134: {  	v40 =	vimm.s32 $0x0;
	v21 =	vnsel vm4, $0x0, v21;
	v44 =	vadd.s32 v46, v25;
	(xrf0) =	vadd.scan.msk.s32 $0xffff, v42  }
0x135: {  	s8 =	spop (v2sf);
	[tilespmem:$0x1FD70] =	vst v13;
	v13 =	vsel vm11, $0xFFFFFFFF, v52;
	v53 =	vsel vm11, $0x1, v1;
	vm11 =	veq.s32 v36, $0x5  }
0x136: {  	s8 =	sadd.s32 s8, s16;
	v42 =	vimm.s32 $0x0;
	v34 =	vsel vm1, v44, v21;
	[tilespmem:$0x1FD80] =	vst v13;
	v13 =	vsel vm11, $0xFFFFFFFF, v54  }
0x137: {  	(xrf0) =	vadd.scan.msk.s32 $0xffff, v45;
	v55 =	vsel vm11, $0x1, v1;
	vm11 =	veq.s32 v36, $0x6;
	v45 =	vmov s8  }
0x138: {  	(xrf0) =	vadd.scan.msk.s32 $0xffff, v47;
	[tilespmem:$0x1FD90] =	vst v13;
	v13 =	vsel vm11, $0xFFFFFFFF, v56;
	v57 =	vsel vm11, $0x1, v1  }
0x139: {  	s9 =	spop (v2sf);
	vm11 =	veq.s32 v36, $0x7;
	v36 =	vsel vm13, $0x1, v1;
	v46 =	vadd.s32 $0xFFFFFFFF, v45;
	v29, _, _ =	vpop (xrf0);
	(xrf0) =	vadd.scan.msk.s32 $0xffff, v48  }
0x13a: {  	s9 =	sadd.s32 s9, s1;
	[tilespmem:$0x1FDB0] =	vst v13;
	v15 =	vsel vm11, $0xFFFFFFFF, v58;
	v59 =	vsel vm11, $0x1, v1;
	vm11 =	veq.s32 v24, $0x2  }
0x13b: {  	v12 =	vbroadcast v46, $0x0;
	v47 =	vmov s9;
	(v2sf) =	vpush v29, $0xF;
	v30, _, _ =	vpop (xrf0);
	(xrf0) =	vadd.scan.msk.s32 $0xffff, v49  }
0x13c: {  	[tilespmem:$0x1FDD0] =	vst v15;
	v15 =	vsel vm11, $0xFFFFFFFF, v62;
	v35 =	vsel vm11, $0x1, v1;
	vm11 =	veq.s32 v24, $0x4  }
0x13d: {  	v22 =	vadd.s32 $0xFFFFFFFF, v47;
	(v2sf) =	vpush v30, $0xF;
	v27, _, _ =	vpop (xrf0);
	(xrf0) =	vadd.scan.msk.s32 $0xffff, v51;
	v37 =	vsel vm11, $0x1, v1  }
0x13e: {  	s10 =	spop (v2sf);
	[tilespmem:$0x1FDC0] =	vst v15;
	v15 =	vsel vm0, $0xFFFFFFFF, v38;
	vm0 =	veq.s32 v24, $0x6;
	v28 =	vadd.s32 v28, v12  }
0x13f: {  	s30 =	spop (v2sf);
	(v2sf) =	vpush v27, $0xF;
	v14, _, _ =	vpop (xrf0);
	(xrf0) =	vadd.scan.msk.s32 $0xffff, v53;
	[tilespmem:$0x1FDE0] =	vst v15;
	v15 =	vsel vm0, $0xFFFFFFFF, v40  }
0x140: {  	s3 =	spop (v2sf);
	v41 =	vsel vm0, $0x1, v1;
	vm0 =	veq.s32 v24, $0x7;
	s5 =	sadd.s32 s30, s5;
	(v2sf) =	vpush v14, $0xF;
	v13, _, _ =	vpop (xrf0);
	(xrf0) =	vadd.scan.msk.s32 $0xffff, v55  }
0x141: {  	v28 =	vsel vm2, v28, v34;
	s6 =	spop (v2sf);
	v50 =	vmov s5;
	(v2sf) =	vpush v13, $0xF;
	v31, _, _ =	vpop (xrf0);
	(xrf0) =	vadd.scan.msk.s32 $0xffff, v57  }
0x142: {  	v24 =	vsel vm0, $0xFFFFFFFF, v42;
	s21 =	spop (v2sf);
	v34 =	vadd.s32 $0xFFFFFFFF, v50;
	(v2sf) =	vpush v31, $0xF;
	v32, _, _ =	vpop (xrf0);
	(xrf0) =	vadd.scan.msk.s32 $0xffff, v59  }
0x143: {  	v43 =	vsel vm0, $0x1, v1;
	s3 =	sadd.s32 s3, s31;
	s18 =	sadd.s32 s21, s18;
	v34 =	vbroadcast v34, $0x0;
	(v2sf) =	vpush v32, $0xF;
	v33, _, _ =	vpop (xrf0);
	(xrf0) =	vadd.scan.msk.s32 $0xffff, v60  }
0x144: {  	s0 =	sadd.s32 s6, s0;
	v58 =	vmov s3;
	v49 =	vmov s18;
	(v2sf) =	vpush v33, $0xF;
	v63, _, _ =	vpop (xrf0);
	(xrf0) =	vadd.scan.msk.s32 $0xffff, v61  }
0x145: {  	s10 =	sadd.s32 s10, s13;
	s11 =	spop (v2sf);
	v27 =	vadd.s32 v27, v34;
	v61 =	vmov s0;
	(v2sf) =	vpush v63, $0xF;
	v17, _, _ =	vpop (xrf0);
	(xrf0) =	vadd.scan.msk.s32 $0xffff, v35  }
0x146: {  	s22 =	spop (v2sf);
	v35 =	vmov s10;
	s16 =	sadd.s32 s11, s19;
	(v2sf) =	vpush v17, $0xF;
	v18, _, _ =	vpop (xrf0);
	(xrf0) =	vadd.scan.msk.s32 $0xffff, v36;
	v36 =	vbroadcast v22, $0x0  }
0x147: {  	v35 =	vadd.s32 $0xFFFFFFFF, v35;
	s8 =	sadd.s32 s22, s8;
	v51 =	vmov s16;
	(v2sf) =	vpush v18, $0xF;
	v19, _, _ =	vpop (xrf0)  }
0x148: {  	[tilespmem:$0x1FDF0] =	vst v15;
	v35 =	vbroadcast v35, $0x0;
	v52 =	vmov s8;
	(v2sf) =	vpush v19, $0xF  }
0x149: {  	(xrf0) =	vadd.scan.msk.s32 $0xffff, v37;
	v15, _, _ =	vpop (xrf0);
	v29 =	vadd.s32 v29, v36;
	v36 =	vadd.s32 $0xFFFFFFFF, v52;
	v52 =	vadd.s32 $0xFFFFFFFF, v61  }
0x14a: {  	(xrf0) =	vadd.scan.msk.s32 $0xffff, v39;
	(v2sf) =	vpush v15, $0xF;
	v28 =	vsel vm3, v29, v28;
	v48 =	vadd.s32 v30, v35  }
0x14b: {  	[tilespmem:$0x1FE00] =	vst v24;
	v23, _, _ =	vpop (xrf0);
	v30 =	vadd.s32 $0xFFFFFFFF, v49;
	v35 =	vadd.s32 $0xFFFFFFFF, v51;
	v53 =	vbroadcast v36, $0x0  }
0x14c: {  	(xrf0) =	vadd.scan.msk.s32 $0xffff, v41;
	(v2sf) =	vpush v23, $0xF;
	v24, _, _ =	vpop (xrf0);
	v30 =	vbroadcast v30, $0x0;
	v35 =	vbroadcast v35, $0x0  }
0x14d: {  	v28 =	vsel vm9, v48, v28;
	v20, _, _ =	vpop (xrf0);
	(v2sf) =	vpush v24, $0xF;
	v56 =	vadd.s32 v33, v53  }
0x14e: {  	(xrf0) =	vadd.scan.msk.s32 $0xffff, v43;
	v27 =	vsel vm10, v27, v28;
	v21, _, _ =	vpop (xrf0);
	s23 =	spop (v2sf);
	(v2sf) =	vpush v20, $0xF;
	v30 =	vadd.s32 v31, v30  }
0x14f: {  	v53 =	vld [tilespmem:$0x1FD80];
	v55 =	vadd.s32 v32, v35;
	s12 =	spop (v2sf);
	(v2sf) =	vpush v21, $0xF;
	v25, _, _ =	vpop (xrf0);
	v54 =	vnsel vm6, $0x0, v30;
	s9 =	sadd.s32 s23, s9  }
0x150: {  	v28 =	vld [tilespmem:$0x10B0];
	s24 =	spop (v2sf);
	(v2sf) =	vpush v25, $0xF;
	v26, _, _ =	vpop (xrf0);
	v29 =	vsel vm5, v55, v54;
	v60 =	vmov s9  }
0x151: {  	s10 =	sadd.s32 s12, s10;
	v54 =	vbroadcast v52, $0x0;
	s25 =	spop (v2sf);
	(v2sf) =	vpush v26, $0xF;
	v57 =	vsel vm7, v56, v29  }
0x152: {  	v22, _, _ =	vpop (xrf0);
	s5 =	sadd.s32 s24, s5;
	v37 =	vmov s10;
	v29 =	vadd.s32 $0xFFFFFFFF, v58;
	v31 =	vadd.s32 $0xFFFFFFFF, v60  }
0x153: {  	v30 =	vld [tilespmem:$0x1FDA0];
	s1 =	spop (v2sf);
	(v2sf) =	vpush v22, $0xF;
	v40 =	vmov s5;
	v29 =	vbroadcast v29, $0x0  }
0x154: {  	v12, _, _ =	vpop (xrf0);
	v31 =	vbroadcast v31, $0x0;
	v37 =	vadd.s32 $0xFFFFFFFF, v37;
	vm4 =	vnez.u8 v53  }
0x155: {  	v58 =	vld [tilespmem:$0x1FD90];
	s11 =	sadd.s32 s25, s3;
	v13 =	vadd.s32 v13, v54;
	vm0 =	veq.s32 v28, $0x0;
	(v2sf) =	vpush v12, $0xF  }
0x156: {  	s0 =	sadd.s32 s1, s0;
	v41 =	vmov s11;
	v62 =	vbroadcast v37, $0x0;
	v40 =	vadd.s32 $0xFFFFFFFF, v40  }
0x157: {  	s13 =	spop (v2sf);
	v37 =	vld [tilespmem:$0x1FD70];
	v43 =	vmov s0;
	v14 =	vadd.s32 v14, v29;
	v16 =	vadd.s32 v63, v31  }
0x158: {  	s26 =	spop (v2sf);
	s12 =	sadd.s32 s13, s18;
	v63 =	vld [tilespmem:$0x1FD60];
	v55 =	vadd.s32 $0xFFFFFFFF, v41;
	vm6 =	vnez.u8 v30;
	v41 =	vsel vm0, $0x1, v1  }
0x159: {  	s19 =	spop (v2sf);
	s7 =	sadd.s32 s26, s16;
	v59 =	vmov s12;
	v17 =	vadd.s32 v17, v62;
	v56 =	vbroadcast v55, $0x0  }
0x15a: {  	v31 =	vld [tilespmem:$0x1FDB0];
	v61 =	vadd.s32 $0xFFFFFFFF, v43;
	s30 =	spop (v2sf);
	s8 =	sadd.s32 s19, s8;
	v32 =	vmov s7;
	vm5 =	vnez.u8 v58  }
0x15b: {  	s22 =	spop (v2sf);
	s9 =	sadd.s32 s30, s9;
	v35 =	vmov s8;
	v60 =	vadd.s32 v19, v56;
	v62 =	vadd.s32 $0xFFFFFFFF, v32  }
0x15c: {  	v54 =	vld [tilespmem:$0x1FDD0];
	v19 =	vbroadcast v61, $0x0;
	v38 =	vmov s9;
	s31 =	sadd.s32 s22, s10;
	vm10 =	vnez.u8 v37  }
0x15d: {  	v43 =	vld [tilespmem:$0x1FDC0];
	v35 =	vadd.s32 $0xFFFFFFFF, v35;
	v44 =	vmov s31;
	vm9 =	vnez.u8 v63  }
0x15e: {  	s6 =	spop (v2sf);
	v16 =	vsel vm10, v16, v57;
	v57 =	vadd.s32 $0xFFFFFFFF, v59;
	v63 =	vbroadcast v62, $0x0  }
0x15f: {  	s5 =	sadd.s32 s6, s5;
	vm7 =	vnez.u8 v31;
	v15 =	vadd.s32 v15, v19;
	v37 =	vbroadcast v35, $0x0  }
0x160: {  	v38 =	vadd.s32 $0xFFFFFFFF, v38;
	v45 =	vmov s5;
	v14 =	vsel vm9, v14, v27  }
0x161: {  	v61 =	vld [tilespmem:$0x1FDE0];
	v27 =	vbroadcast v40, $0x0;
	v16 =	vsel vm4, v17, v16;
	v59 =	vbroadcast v57, $0x0  }
0x162: {  	s17 =	spop (v2sf);
	v40 =	vadd.s32 $0xFFFFFFFF, v44;
	vm8 =	vnez.u8 v43;
	vm9 =	vnez.u8 v54  }
0x163: {  	s23 =	spop (v2sf);
	vm4 =	veq.s32 v28, $0x2;
	v13 =	vsel vm6, v13, v14;
	v34 =	vadd.s32 v24, v63  }
0x164: {  	s13 =	spop (v2sf);
	s0 =	sadd.s32 s23, s0;
	v19 =	vbroadcast v40, $0x0;
	v52 =	vadd.s32 $0xFFFFFFFF, v45;
	vm6 =	veq.s32 v28, $0x1  }
0x165: {  	s3 =	sadd.s32 s12, s13;
	v47 =	vmov s0;
	v18 =	vadd.s32 v18, v27;
	v17 =	vadd.s32 v23, v59  }
0x166: {  	v59 =	vsel vm6, $0x1, v1;
	vm10 =	vnez.u8 v61;
	v33 =	vmov s3  }
0x167: {  	s21 =	spop (v2sf);
	v16 =	vsel vm5, v18, v16;
	v32 =	vnsel vm12, $0x0, v17;
	v18 =	vbroadcast v38, $0x0  }
0x168: {  	s7 =	sadd.s32 s7, s21;
	v17 =	vadd.s32 v20, v37;
	v53 =	vadd.s32 v25, v19;
	vm5 =	veq.s32 v28, $0x3  }
0x169: {  	[tilespmem:$0x1100] =	vst v8;
	v8 =	vadd.s32 $0xFFFFFFFF, v47;
	v36 =	vmov s7;
	v14 =	vsel vm7, v60, v16  }
0x16a: {  	s25 =	spop (v2sf);
	v16 =	vsel vm14, v34, v32;
	v58 =	vadd.s32 $0xFFFFFFFF, v33;
	v60 =	vsel vm4, $0x1, v1  }
0x16b: {  	s26 =	sadd.s32 s8, s25;
	v63 =	vsel vm5, $0x1, v1;
	vm7 =	veq.s32 v28, $0x4;
	v8 =	vbroadcast v8, $0x0  }
0x16c: {  	s30 =	spop (v2sf);
	v39 =	vmov s26;
	v16 =	vsel vm8, v17, v16;
	v44 =	vadd.s32 v21, v18  }
0x16d: {  	v24 =	vld [tilespmem:$0x1FDF0];
	s3 =	sadd.s32 s9, s30;
	v18 =	vbroadcast v52, $0x0;
	v14 =	vsel vm9, v15, v14;
	v27 =	vsel vm7, $0x1, v1  }
0x16e: {  	s9 =	sadd.s32 s17, s11;
	vm8 =	veq.s32 v28, $0x5;
	vm9 =	veq.s32 v28, $0x6;
	v42 =	vmov s3  }
0x16f: {  	(xrf0) =	vadd.scan.msk.s32 $0xffff, v41;
	s8 =	spop (v2sf);
	v46 =	vmov s9;
	v16 =	vsel vm13, v44, v16;
	v29 =	vadd.s32 $0xFFFFFFFF, v39  }
0x170: {  	(xrf0) =	vadd.scan.msk.s32 $0xffff, v59;
	s1 =	sadd.s32 s31, s8;
	v31 =	vsel vm8, $0x1, v1;
	v34 =	vsel vm9, $0x1, v1;
	v8 =	vadd.s32 v12, v8  }
0x171: {  	(xrf0) =	vadd.scan.msk.s32 $0xffff, v60;
	v48 =	vmov s1;
	v55 =	vsel vm11, v53, v16;
	v56 =	vadd.s32 $0xFFFFFFFF, v46  }
0x172: {  	s10 =	spop (v2sf);
	(xrf0) =	vadd.scan.msk.s32 $0xffff, v63;
	v57 =	vadd.s32 v26, v18;
	v18 =	vbroadcast v58, $0x0;
	vm11 =	vnez.u8 v24  }
0x173: {  	s3 =	sadd.s32 s5, s10;
	v26 =	vadd.s32 $0xFFFFFFFF, v36;
	v30 =	vbroadcast v29, $0x0;
	v33 =	vadd.s32 $0xFFFFFFFF, v42  }
0x174: {  	s11 =	spop (v2sf);
	v49 =	vmov s3;
	v16 =	vbroadcast v56, $0x0;
	v15 =	vsel vm10, v57, v55  }
0x175: {  	v62, _, _ =	vpop (xrf0);
	(xrf0) =	vadd.scan.msk.s32 $0xffff, v27;
	s13 =	sadd.s32 s9, s11;
	v17 =	vbroadcast v26, $0x0;
	vm10 =	veq.s32 v28, $0x7;
	v19 =	vbroadcast v33, $0x0  }
0x176: {  	s12 =	spop (v2sf);
	v39 =	vadd.s32 $0xFFFFFFFF, v48;
	v50 =	vmov s13;
	v25 =	vadd.s32 v62, v18;
	v32, _, _ =	vpop (xrf0);
	(xrf0) =	vadd.scan.msk.s32 $0xffff, v31  }
0x177: {  	s0 =	sadd.s32 s0, s12;
	v36 =	vsel vm10, $0x1, v1;
	v41 =	vbroadcast v39, $0x0;
	v43 =	vadd.s32 $0xFFFFFFFF, v49;
	v35, _, _ =	vpop (xrf0);
	(xrf0) =	vadd.scan.msk.s32 $0xffff, v34  }
0x178: {  	v51 =	vmov s0;
	v16 =	vadd.s32 v22, v16;
	v17 =	vadd.s32 v32, v17;
	v38, _, _ =	vpop (xrf0);
	(xrf0) =	vadd.scan.msk.s32 $0xffff, v36  }
0x179: {  	v54 =	vld [tilespmem:$0x1FE00];
	v45 =	vbroadcast v43, $0x0;
	v15 =	vsel vm11, v16, v15;
	v16 =	vnsel vm0, $0x0, v25  }
0x17a: {  	v46 =	vadd.s32 $0xFFFFFFFF, v50;
	v16 =	vsel vm6, v17, v16;
	v37 =	vadd.s32 v35, v30  }
0x17b: {  	[tilespmem:$0x1110] =	vst v9;
	v48 =	vbroadcast v46, $0x0;
	v16 =	vsel vm4, v37, v16;
	v40 =	vadd.s32 v38, v19;
	v42, _, _ =	vpop (xrf0)  }
0x17c: {  	[tilespmem:$0x1120] =	vst v10;
	v49 =	vadd.s32 $0xFFFFFFFF, v51;
	v16 =	vsel vm5, v40, v16;
	v44 =	vadd.s32 v42, v41;
	v47, _, _ =	vpop (xrf0)  }
0x17d: {  	[tilespmem:$0x1130] =	vst v11;
	v52 =	vbroadcast v49, $0x0;
	v9 =	vsel vm7, v44, v16;
	v51 =	vadd.s32 v47, v45;
	v50, _, _ =	vpop (xrf0)  }
0x17e: {  	[tilespmem:$0x1180] =	vst v13;
	vm11 =	vnez.u8 v54;
	v9 =	vsel vm8, v51, v9;
	v10 =	vadd.s32 v50, v48;
	v53, _, _ =	vpop (xrf0)  }
0x17f: {  	[tilespmem:$0x1190] =	vst v14;
	v8 =	vsel vm11, v8, v15;
	v9 =	vsel vm9, v10, v9;
	v55 =	vadd.s32 v53, v52  }
0x180: {  	[tilespmem:$0x11A0] =	vst v8;
	v9 =	vsel vm10, v55, v9  }
0x181: {  	s16 =	rddreg [dreg:$0x8];
	s17 =	simm.s32 $0x1100;
	[tilespmem:$0x11B0] =	vst v9  }
0x182: {  	[hbm4b:s16+s2] =	stream.linear.scatter [tilespmem:s17], [sflag:$0x2], $0x40, $0x38;
	[tilespmem:$0x11280] =	vst v63  }
0x183: {  	_ =	swait.ge [sflag:s14], $0x40  }
0x184: {  	[sflag:s14] =	ssyncset.done $0x0  }
0x185: {  	s19 =	simm.s32 $0x1180;
	s18 =	rddreg [dreg:$0x9];
	[sflag:s14] =	ssyncadd.s32 $0xFFFFFFC0  }
0x186: {  	[hbm4b:s18+s2] =	stream.linear.scatter [tilespmem:s19], [sflag:$0x2], $0x40, $0x38;
	[tilespmem:$0x11280] =	vst v63  }
0x187: {  	_ =	swait.ge [sflag:s14], $0x40  }
0x188: {  	[sflag:s14] =	ssyncset.done $0x0  }
0x189: {  	s30 =	simm.s32 $0x1200;
	s21 =	rddreg [dreg:$0xa];
	[sflag:s14] =	ssyncadd.s32 $0xFFFFFFC0  }
0x18a: {  	[tilespmem:s30], [sflag:$0x2] =	stream.linear.gather [hbm4b:s21+s2], $0x10000, $0x38;
	[tilespmem:$0x11280] =	vst v63  }
0x18b: {  	_ =	swait.ge [sflag:s14], $0x10000  }
0x18c: {  	[sflag:s14] =	ssyncset.done $0x0  }
0x18d: {  	[sflag:s14] =	ssyncadd.s32 $0xFFFF0000  }
0x18e: {  	v8 =	vld [tilespmem:$0x1100];
	_ =	sdelay $0x4  }
0x18f: {  	v56 =	vshll.u32 v8, $0x3  }
0x190: {  	v8 =	vand.u32 $0x7, v8;
	v9 =	vand.u32 $0xFFFFFFC0, v56  }
0x191: {  	v8 =	vor.u32 v8, v9  }
0x192: {  	v9 =	vperm.xlane v8, v2;
	_ =	sdelay $0x1  }
0x193: {  	v9 =	vadd.s32 v3, v9;
	_ =	sdelay $0x3  }
0x194: {  	s11 =	rddreg [dreg:$0xb]  }
0x195: {  	[hbm4b:s11+s2] =	stream.indirect_vreg.scatter [tilespmem:s30], [sflag:$0x1], $0x80, v9, vm15, $0xb8;
	[tilespmem:$0x11280] =	vst v63  }
0x196: {  	s22 =	simm.s32 $0x1A00;
	s12 =	rddreg [dreg:$0xc];
	v8 =	vperm.xlane v8, v4  }
0x197: {  	[hbm4b:s12+s2] =	stream.indirect_vreg.scatter [tilespmem:s22], [sflag:$0x1], $0x80, v9, vm15, $0xb8;
	[tilespmem:$0x11280] =	vst v63  }
0x198: {  	s23 =	simm.s32 $0x2200;
	s13 =	rddreg [dreg:$0xd];
	v8 =	vadd.s32 v3, v8  }
0x199: {  	[hbm4b:s13+s2] =	stream.indirect_vreg.scatter [tilespmem:s23], [sflag:$0x1], $0x80, v9, vm15, $0xb8;
	[tilespmem:$0x11280] =	vst v63  }
0x19a: {  	s3 =	simm.s32 $0x2A00;
	s0 =	rddreg [dreg:$0xe]  }
0x19b: {  	[hbm4b:s0+s2] =	stream.indirect_vreg.scatter [tilespmem:s3], [sflag:$0x1], $0x80, v9, vm15, $0xb8;
	[tilespmem:$0x11280] =	vst v63  }
0x19c: {  	s5 =	simm.s32 $0x3200  }
0x19d: {  	[hbm4b:s11+s2] =	stream.indirect_vreg.scatter [tilespmem:s5], [sflag:$0x1], $0x80, v8, vm15, $0xb8;
	[tilespmem:$0x11280] =	vst v63  }
0x19e: {  	s6 =	simm.s32 $0x3A00  }
0x19f: {  	[hbm4b:s12+s2] =	stream.indirect_vreg.scatter [tilespmem:s6], [sflag:$0x1], $0x80, v8, vm15, $0xb8;
	[tilespmem:$0x11280] =	vst v63  }
0x1a0: {  	s7 =	simm.s32 $0x4200  }
0x1a1: {  	[hbm4b:s13+s2] =	stream.indirect_vreg.scatter [tilespmem:s7], [sflag:$0x1], $0x80, v8, vm15, $0xb8;
	[tilespmem:$0x11280] =	vst v63  }
0x1a2: {  	s8 =	simm.s32 $0x4A00  }
0x1a3: {  	[hbm4b:s0+s2] =	stream.indirect_vreg.scatter [tilespmem:s8], [sflag:$0x1], $0x80, v8, vm15, $0xb8;
	[tilespmem:$0x11280] =	vst v63  }
0x1a4: {  	v8 =	vld [tilespmem:$0x1110];
	_ =	sdelay $0x4  }
0x1a5: {  	v57 =	vshll.u32 v8, $0x3  }
0x1a6: {  	v8 =	vand.u32 $0x7, v8;
	v9 =	vand.u32 $0xFFFFFFC0, v57  }
0x1a7: {  	v8 =	vor.u32 v8, v9  }
0x1a8: {  	v9 =	vperm.xlane v8, v2;
	_ =	sdelay $0x1  }
0x1a9: {  	v9 =	vadd.s32 v3, v9;
	_ =	sdelay $0x3  }
0x1aa: {  	s9 =	simm.s32 $0x5200  }
0x1ab: {  	[hbm4b:s11+s2] =	stream.indirect_vreg.scatter [tilespmem:s9], [sflag:$0x1], $0x80, v9, vm15, $0xb8;
	[tilespmem:$0x11280] =	vst v63  }
0x1ac: {  	s10 =	simm.s32 $0x5A00;
	v8 =	vperm.xlane v8, v4  }
0x1ad: {  	[hbm4b:s12+s2] =	stream.indirect_vreg.scatter [tilespmem:s10], [sflag:$0x1], $0x80, v9, vm15, $0xb8;
	[tilespmem:$0x11280] =	vst v63  }
0x1ae: {  	s16 =	simm.s32 $0x6200;
	v8 =	vadd.s32 v3, v8  }
0x1af: {  	[hbm4b:s13+s2] =	stream.indirect_vreg.scatter [tilespmem:s16], [sflag:$0x1], $0x80, v9, vm15, $0xb8;
	[tilespmem:$0x11280] =	vst v63  }
0x1b0: {  	s17 =	simm.s32 $0x6A00  }
0x1b1: {  	[hbm4b:s0+s2] =	stream.indirect_vreg.scatter [tilespmem:s17], [sflag:$0x1], $0x80, v9, vm15, $0xb8;
	[tilespmem:$0x11280] =	vst v63  }
0x1b2: {  	s18 =	simm.s32 $0x7200  }
0x1b3: {  	[hbm4b:s11+s2] =	stream.indirect_vreg.scatter [tilespmem:s18], [sflag:$0x1], $0x80, v8, vm15, $0xb8;
	[tilespmem:$0x11280] =	vst v63  }
0x1b4: {  	s19 =	simm.s32 $0x7A00  }
0x1b5: {  	[hbm4b:s12+s2] =	stream.indirect_vreg.scatter [tilespmem:s19], [sflag:$0x1], $0x80, v8, vm15, $0xb8;
	[tilespmem:$0x11280] =	vst v63  }
0x1b6: {  	s21 =	simm.s32 $0x8200  }
0x1b7: {  	[hbm4b:s13+s2] =	stream.indirect_vreg.scatter [tilespmem:s21], [sflag:$0x1], $0x80, v8, vm15, $0xb8;
	[tilespmem:$0x11280] =	vst v63  }
0x1b8: {  	s22 =	simm.s32 $0x8A00  }
0x1b9: {  	[hbm4b:s0+s2] =	stream.indirect_vreg.scatter [tilespmem:s22], [sflag:$0x1], $0x80, v8, vm15, $0xb8;
	[tilespmem:$0x11280] =	vst v63  }
0x1ba: {  	v8 =	vld [tilespmem:$0x1120];
	_ =	sdelay $0x4  }
0x1bb: {  	v58 =	vshll.u32 v8, $0x3  }
0x1bc: {  	v8 =	vand.u32 $0x7, v8;
	v9 =	vand.u32 $0xFFFFFFC0, v58  }
0x1bd: {  	v8 =	vor.u32 v8, v9  }
0x1be: {  	v9 =	vperm.xlane v8, v2;
	_ =	sdelay $0x1  }
0x1bf: {  	v9 =	vadd.s32 v3, v9;
	_ =	sdelay $0x3  }
0x1c0: {  	s23 =	simm.s32 $0x9200  }
0x1c1: {  	[hbm4b:s11+s2] =	stream.indirect_vreg.scatter [tilespmem:s23], [sflag:$0x1], $0x80, v9, vm15, $0xb8;
	[tilespmem:$0x11280] =	vst v63  }
0x1c2: {  	s24 =	simm.s32 $0x9A00;
	v8 =	vperm.xlane v8, v4  }
0x1c3: {  	[hbm4b:s12+s2] =	stream.indirect_vreg.scatter [tilespmem:s24], [sflag:$0x1], $0x80, v9, vm15, $0xb8;
	[tilespmem:$0x11280] =	vst v63  }
0x1c4: {  	s25 =	simm.s32 $0xA200;
	v8 =	vadd.s32 v3, v8  }
0x1c5: {  	[hbm4b:s13+s2] =	stream.indirect_vreg.scatter [tilespmem:s25], [sflag:$0x1], $0x80, v9, vm15, $0xb8;
	[tilespmem:$0x11280] =	vst v63  }
0x1c6: {  	s26 =	simm.s32 $0xAA00  }
0x1c7: {  	[hbm4b:s0+s2] =	stream.indirect_vreg.scatter [tilespmem:s26], [sflag:$0x1], $0x80, v9, vm15, $0xb8;
	[tilespmem:$0x11280] =	vst v63  }
0x1c8: {  	s31 =	simm.s32 $0xB200  }
0x1c9: {  	[hbm4b:s11+s2] =	stream.indirect_vreg.scatter [tilespmem:s31], [sflag:$0x1], $0x80, v8, vm15, $0xb8;
	[tilespmem:$0x11280] =	vst v63  }
0x1ca: {  	_ = 	snop  }
0x1cb: {  	[hbm4b:s12+s2] =	stream.indirect_vreg.scatter [tilespmem:s28], [sflag:$0x1], $0x80, v8, vm15, $0xb8;
	[tilespmem:$0x11280] =	vst v63  }
0x1cc: {  	_ = 	snop  }
0x1cd: {  	[hbm4b:s13+s2] =	stream.indirect_vreg.scatter [tilespmem:s29], [sflag:$0x1], $0x80, v8, vm15, $0xb8;
	[tilespmem:$0x11280] =	vst v63  }
0x1ce: {  	_ = 	snop  }
0x1cf: {  	[hbm4b:s0+s2] =	stream.indirect_vreg.scatter [tilespmem:s20], [sflag:$0x1], $0x80, v8, vm15, $0xb8;
	[tilespmem:$0x11280] =	vst v63  }
0x1d0: {  	v8 =	vld [tilespmem:$0x1130];
	_ =	sdelay $0x4  }
0x1d1: {  	v59 =	vshll.u32 v8, $0x3  }
0x1d2: {  	v8 =	vand.u32 $0x7, v8;
	v9 =	vand.u32 $0xFFFFFFC0, v59  }
0x1d3: {  	v8 =	vor.u32 v8, v9  }
0x1d4: {  	v9 =	vperm.xlane v8, v2;
	_ =	sdelay $0x1  }
0x1d5: {  	v9 =	vadd.s32 v3, v9;
	_ =	sdelay $0x3  }
0x1d6: {  	s14 =	simm.s32 $0xD200  }
0x1d7: {  	[hbm4b:s11+s2] =	stream.indirect_vreg.scatter [tilespmem:s14], [sflag:$0x1], $0x80, v9, vm15, $0xb8;
	[tilespmem:$0x11280] =	vst v63  }
0x1d8: {  	v8 =	vperm.xlane v8, v4  }
0x1d9: {  	[hbm4b:s12+s2] =	stream.indirect_vreg.scatter [tilespmem:s15], [sflag:$0x1], $0x80, v9, vm15, $0xb8;
	[tilespmem:$0x11280] =	vst v63  }
0x1da: {  	v8 =	vadd.s32 v3, v8  }
0x1db: {  	[hbm4b:s13+s2] =	stream.indirect_vreg.scatter [tilespmem:s4], [sflag:$0x1], $0x80, v9, vm15, $0xb8;
	[tilespmem:$0x11280] =	vst v63  }
0x1dc: {  	s1 =	simm.s32 $0xEA00  }
0x1dd: {  	[hbm4b:s0+s2] =	stream.indirect_vreg.scatter [tilespmem:s1], [sflag:$0x1], $0x80, v9, vm15, $0xb8;
	[tilespmem:$0x11280] =	vst v63  }
0x1de: {  	s1 =	simm.s32 $0xF200  }
0x1df: {  	[hbm4b:s11+s2] =	stream.indirect_vreg.scatter [tilespmem:s1], [sflag:$0x1], $0x80, v8, vm15, $0xb8;
	[tilespmem:$0x11280] =	vst v63  }
0x1e0: {  	s1 =	simm.s32 $0xFA00  }
0x1e1: {  	[hbm4b:s12+s2] =	stream.indirect_vreg.scatter [tilespmem:s1], [sflag:$0x1], $0x80, v8, vm15, $0xb8;
	[tilespmem:$0x11280] =	vst v63  }
0x1e2: {  	s1 =	simm.s32 $0x10200  }
0x1e3: {  	[hbm4b:s13+s2] =	stream.indirect_vreg.scatter [tilespmem:s1], [sflag:$0x1], $0x80, v8, vm15, $0xb8;
	[tilespmem:$0x11280] =	vst v63  }
0x1e4: {  	s1 =	simm.s32 $0x10A00  }
0x1e5: {  	[hbm4b:s0+s2] =	stream.indirect_vreg.scatter [tilespmem:s1], [sflag:$0x1], $0x80, v8, vm15, $0xb8;
	[tilespmem:$0x11280] =	vst v63  }
0x1e6: {  	s1 =	simm.s32 $0x1  }
0x1e7: {  	_ =	swait.ge [sflag:s1], $0x10000  }
0x1e8: {  	[sflag:s1] =	ssyncset.done $0x0  }
0x1e9: {  	[sflag:s1] =	ssyncadd.s32 $0xFFFF0000  }
0x1ea: {  	v8 =	vld [tilespmem:$0x1180];
	_ =	sdelay $0x4  }
0x1eb: {  	v60 =	vshll.u32 v8, $0x3  }
0x1ec: {  	v8 =	vand.u32 $0x7, v8;
	v9 =	vand.u32 $0xFFFFFFC0, v60  }
0x1ed: {  	v8 =	vor.u32 v8, v9  }
0x1ee: {  	v9 =	vperm.xlane v8, v2;
	_ =	sdelay $0x1  }
0x1ef: {  	v9 =	vadd.s32 v3, v9;
	_ =	sdelay $0x4  }
0x1f0: {  	[hbm4b:s11+s2] =	stream.indirect_vreg.scatter [tilespmem:s30], [sflag:$0x1], $0x80, v9, vm15, $0xb8;
	[tilespmem:$0x11280] =	vst v63  }
0x1f1: {  	v8 =	vperm.xlane v8, v4;
	s30 =	simm.s32 $0x1A00  }
0x1f2: {  	[hbm4b:s12+s2] =	stream.indirect_vreg.scatter [tilespmem:s30], [sflag:$0x1], $0x80, v9, vm15, $0xb8;
	[tilespmem:$0x11280] =	vst v63  }
0x1f3: {  	v8 =	vadd.s32 v3, v8;
	s30 =	simm.s32 $0x2200  }
0x1f4: {  	[hbm4b:s13+s2] =	stream.indirect_vreg.scatter [tilespmem:s30], [sflag:$0x1], $0x80, v9, vm15, $0xb8;
	[tilespmem:$0x11280] =	vst v63  }
0x1f5: {  	_ = 	snop  }
0x1f6: {  	[hbm4b:s0+s2] =	stream.indirect_vreg.scatter [tilespmem:s3], [sflag:$0x1], $0x80, v9, vm15, $0xb8;
	[tilespmem:$0x11280] =	vst v63  }
0x1f7: {  	_ = 	snop  }
0x1f8: {  	[hbm4b:s11+s2] =	stream.indirect_vreg.scatter [tilespmem:s5], [sflag:$0x1], $0x80, v8, vm15, $0xb8;
	[tilespmem:$0x11280] =	vst v63  }
0x1f9: {  	_ = 	snop  }
0x1fa: {  	[hbm4b:s12+s2] =	stream.indirect_vreg.scatter [tilespmem:s6], [sflag:$0x1], $0x80, v8, vm15, $0xb8;
	[tilespmem:$0x11280] =	vst v63  }
0x1fb: {  	_ = 	snop  }
0x1fc: {  	[hbm4b:s13+s2] =	stream.indirect_vreg.scatter [tilespmem:s7], [sflag:$0x1], $0x80, v8, vm15, $0xb8;
	[tilespmem:$0x11280] =	vst v63  }
0x1fd: {  	_ = 	snop  }
0x1fe: {  	[hbm4b:s0+s2] =	stream.indirect_vreg.scatter [tilespmem:s8], [sflag:$0x1], $0x80, v8, vm15, $0xb8;
	[tilespmem:$0x11280] =	vst v63  }
0x1ff: {  	v8 =	vld [tilespmem:$0x1190];
	_ =	sdelay $0x4  }
0x200: {  	v61 =	vshll.u32 v8, $0x3  }
0x201: {  	v8 =	vand.u32 $0x7, v8;
	v9 =	vand.u32 $0xFFFFFFC0, v61  }
0x202: {  	v8 =	vor.u32 v8, v9  }
0x203: {  	v9 =	vperm.xlane v8, v2;
	_ =	sdelay $0x1  }
0x204: {  	v9 =	vadd.s32 v3, v9;
	_ =	sdelay $0x4  }
0x205: {  	[hbm4b:s11+s2] =	stream.indirect_vreg.scatter [tilespmem:s9], [sflag:$0x1], $0x80, v9, vm15, $0xb8;
	[tilespmem:$0x11280] =	vst v63  }
0x206: {  	v8 =	vperm.xlane v8, v4  }
0x207: {  	[hbm4b:s12+s2] =	stream.indirect_vreg.scatter [tilespmem:s10], [sflag:$0x1], $0x80, v9, vm15, $0xb8;
	[tilespmem:$0x11280] =	vst v63  }
0x208: {  	v8 =	vadd.s32 v3, v8  }
0x209: {  	[hbm4b:s13+s2] =	stream.indirect_vreg.scatter [tilespmem:s16], [sflag:$0x1], $0x80, v9, vm15, $0xb8;
	[tilespmem:$0x11280] =	vst v63  }
0x20a: {  	_ = 	snop  }
0x20b: {  	[hbm4b:s0+s2] =	stream.indirect_vreg.scatter [tilespmem:s17], [sflag:$0x1], $0x80, v9, vm15, $0xb8;
	[tilespmem:$0x11280] =	vst v63  }
0x20c: {  	_ = 	snop  }
0x20d: {  	[hbm4b:s11+s2] =	stream.indirect_vreg.scatter [tilespmem:s18], [sflag:$0x1], $0x80, v8, vm15, $0xb8;
	[tilespmem:$0x11280] =	vst v63  }
0x20e: {  	_ = 	snop  }
0x20f: {  	[hbm4b:s12+s2] =	stream.indirect_vreg.scatter [tilespmem:s19], [sflag:$0x1], $0x80, v8, vm15, $0xb8;
	[tilespmem:$0x11280] =	vst v63  }
0x210: {  	_ = 	snop  }
0x211: {  	[hbm4b:s13+s2] =	stream.indirect_vreg.scatter [tilespmem:s21], [sflag:$0x1], $0x80, v8, vm15, $0xb8;
	[tilespmem:$0x11280] =	vst v63  }
0x212: {  	_ = 	snop  }
0x213: {  	[hbm4b:s0+s2] =	stream.indirect_vreg.scatter [tilespmem:s22], [sflag:$0x1], $0x80, v8, vm15, $0xb8;
	[tilespmem:$0x11280] =	vst v63  }
0x214: {  	v8 =	vld [tilespmem:$0x11A0];
	_ =	sdelay $0x4  }
0x215: {  	v62 =	vshll.u32 v8, $0x3  }
0x216: {  	v8 =	vand.u32 $0x7, v8;
	v9 =	vand.u32 $0xFFFFFFC0, v62  }
0x217: {  	v8 =	vor.u32 v8, v9  }
0x218: {  	v9 =	vperm.xlane v8, v2;
	_ =	sdelay $0x1  }
0x219: {  	v9 =	vadd.s32 v3, v9;
	_ =	sdelay $0x4  }
0x21a: {  	[hbm4b:s11+s2] =	stream.indirect_vreg.scatter [tilespmem:s23], [sflag:$0x1], $0x80, v9, vm15, $0xb8;
	[tilespmem:$0x11280] =	vst v63  }
0x21b: {  	v8 =	vperm.xlane v8, v4  }
0x21c: {  	[hbm4b:s12+s2] =	stream.indirect_vreg.scatter [tilespmem:s24], [sflag:$0x1], $0x80, v9, vm15, $0xb8;
	[tilespmem:$0x11280] =	vst v63  }
0x21d: {  	v8 =	vadd.s32 v3, v8  }
0x21e: {  	[hbm4b:s13+s2] =	stream.indirect_vreg.scatter [tilespmem:s25], [sflag:$0x1], $0x80, v9, vm15, $0xb8;
	[tilespmem:$0x11280] =	vst v63  }
0x21f: {  	_ = 	snop  }
0x220: {  	[hbm4b:s0+s2] =	stream.indirect_vreg.scatter [tilespmem:s26], [sflag:$0x1], $0x80, v9, vm15, $0xb8;
	[tilespmem:$0x11280] =	vst v63  }
0x221: {  	_ = 	snop  }
0x222: {  	[hbm4b:s11+s2] =	stream.indirect_vreg.scatter [tilespmem:s31], [sflag:$0x1], $0x80, v8, vm15, $0xb8;
	[tilespmem:$0x11280] =	vst v63  }
0x223: {  	_ = 	snop  }
0x224: {  	[hbm4b:s12+s2] =	stream.indirect_vreg.scatter [tilespmem:s28], [sflag:$0x1], $0x80, v8, vm15, $0xb8;
	[tilespmem:$0x11280] =	vst v63  }
0x225: {  	_ = 	snop  }
0x226: {  	[hbm4b:s13+s2] =	stream.indirect_vreg.scatter [tilespmem:s29], [sflag:$0x1], $0x80, v8, vm15, $0xb8;
	[tilespmem:$0x11280] =	vst v63  }
0x227: {  	_ = 	snop  }
0x228: {  	[hbm4b:s0+s2] =	stream.indirect_vreg.scatter [tilespmem:s20], [sflag:$0x1], $0x80, v8, vm15, $0xb8;
	[tilespmem:$0x11280] =	vst v63  }
0x229: {  	v8 =	vld [tilespmem:$0x11B0];
	_ =	sdelay $0x4  }
0x22a: {  	v63 =	vshll.u32 v8, $0x3  }
0x22b: {  	v8 =	vand.u32 $0x7, v8;
	v9 =	vand.u32 $0xFFFFFFC0, v63  }
0x22c: {  	v8 =	vor.u32 v8, v9  }
0x22d: {  	v9 =	vperm.xlane v8, v2;
	_ =	sdelay $0x1  }
0x22e: {  	v9 =	vadd.s32 v3, v9;
	_ =	sdelay $0x4  }
0x22f: {  	[hbm4b:s11+s2] =	stream.indirect_vreg.scatter [tilespmem:s14], [sflag:$0x1], $0x80, v9, vm15, $0xb8;
	[tilespmem:$0x11280] =	vst v63  }
0x230: {  	v8 =	vperm.xlane v8, v4  }
0x231: {  	[hbm4b:s12+s2] =	stream.indirect_vreg.scatter [tilespmem:s15], [sflag:$0x1], $0x80, v9, vm15, $0xb8;
	[tilespmem:$0x11280] =	vst v63  }
0x232: {  	v8 =	vadd.s32 v3, v8  }
0x233: {  	[hbm4b:s13+s2] =	stream.indirect_vreg.scatter [tilespmem:s4], [sflag:$0x1], $0x80, v9, vm15, $0xb8;
	[tilespmem:$0x11280] =	vst v63  }
0x234: {  	s24 =	simm.s32 $0xEA00  }
0x235: {  	[hbm4b:s0+s2] =	stream.indirect_vreg.scatter [tilespmem:s24], [sflag:$0x1], $0x80, v9, vm15, $0xb8;
	[tilespmem:$0x11280] =	vst v63  }
0x236: {  	s25 =	simm.s32 $0xF200  }
0x237: {  	[hbm4b:s11+s2] =	stream.indirect_vreg.scatter [tilespmem:s25], [sflag:$0x1], $0x80, v8, vm15, $0xb8;
	[tilespmem:$0x11280] =	vst v63  }
0x238: {  	s26 =	simm.s32 $0xFA00  }
0x239: {  	[hbm4b:s12+s2] =	stream.indirect_vreg.scatter [tilespmem:s26], [sflag:$0x1], $0x80, v8, vm15, $0xb8;
	[tilespmem:$0x11280] =	vst v63  }
0x23a: {  	s30 =	simm.s32 $0x10200  }
0x23b: {  	[hbm4b:s13+s2] =	stream.indirect_vreg.scatter [tilespmem:s30], [sflag:$0x1], $0x80, v8, vm15, $0xb8;
	[tilespmem:$0x11280] =	vst v63  }
.Ltmp2:
0x23c: {  	s31 =	simm.s32 $0x10A00;
	(pc) =	sbr.rel @p0 .LBB2_3-.Ltmp2, $4  }
0x23d: {  	[hbm4b:s0+s2] =	stream.indirect_vreg.scatter [tilespmem:s31], [sflag:$0x1], $0x80, v8, vm15, $0xb8;
	[tilespmem:$0x11280] =	vst v63  }
0x23e: {  	_ =	swait.ge [sflag:s1], $0x10000  }
0x23f: {  	[sflag:s1] =	ssyncset.done $0x0  }
0x240: {  	[sflag:s1] =	ssyncadd.s32 $0xFFFF0000  }
0x241: {  	v6 =	vshrl.u32 v6, $0x8;
	vm0 =	vgt.s32 v5, $0x0;
	v5 =	vor.u32 $0x80000000, v0  }
0x242: {  	(xrf0) =	vadd.scan.msk.s32 $0xffff, v6;
	v5 =	vnsel vm0, $0x80000000, v5  }
0x243: {  	(xrf0) =	vmax.scan.msk.u32 $0xffff, v5;
	v5 =	vld [tilespmem:$0x1FD50];
	_ =	sdelay $0x4  }
0x244: {  	v7 =	vshrl.u32 v7, $0x8;
	vm7 =	vnez.u8 v5  }
0x245: {  	vm11 =	vcmask $0x308;
	v5 =	vnsel vm7, $0x0, v7  }
0x246: {  	vm1 =	vcmask $0x70C;
	(xrf0) =	vadd.scan.msk.s32 $0xffff, v5;
	v5 =	vsel vm11, $0x0, v7  }
0x247: {  	vm2 =	vcmask $0xB10;
	(xrf0) =	vadd.scan.msk.s32 $0xffff, v5;
	v5 =	vsel vm1, $0x0, v7  }
0x248: {  	(xrf0) =	vadd.scan.msk.s32 $0xffff, v5;
	v5 =	vsel vm2, $0x0, v7  }
0x249: {  	vm3 =	vcmask $0xF14  }
0x24a: {  	vm4 =	vcmask $0x1318;
	v8 =	vsel vm3, $0x0, v7;
	(xrf0) =	vadd.scan.msk.s32 $0xffff, v5  }
0x24b: {  	vm5 =	vcmask $0x171C;
	v45 =	vsel vm4, $0x0, v7;
	v5, _, _ =	vpop (xrf0);
	(xrf0) =	vadd.scan.msk.s32 $0xffff, v8  }
0x24c: {  	vm6 =	vcmask $0x1B20;
	v46 =	vsel vm5, $0x0, v7;
	v9, _, _ =	vpop (xrf0);
	(xrf0) =	vadd.scan.msk.s32 $0xffff, v45  }
0x24d: {  	v7 =	vsel vm6, $0x0, v7;
	v47, _, _ =	vpop (xrf0);
	(xrf0) =	vadd.scan.msk.s32 $0xffff, v46  }
0x24e: {  	(v2sf) =	vpush v9, $0xF;
	v48, _, _ =	vpop (xrf0);
	(xrf0) =	vadd.scan.msk.s32 $0xffff, v7;
	v7 =	vnsel vm7, $0x0, v6;
	_ =	sdelay $0x1  }
0x24f: {  	(v2sf) =	vpush v47, $0xF;
	v10, _, _ =	vpop (xrf0)  }
0x250: {  	v11 =	vsel vm11, $0x0, v6;
	(v2sf) =	vpush v48, $0xF;
	(xrf0) =	vadd.scan.msk.s32 $0xffff, v7;
	v7, _, _ =	vpop (xrf0)  }
0x251: {  	(v2sf) =	vpush v10, $0xF;
	v12, _, _ =	vpop (xrf0);
	(xrf0) =	vadd.scan.msk.s32 $0xffff, v11  }
0x252: {  	v13 =	vsel vm1, $0x0, v6;
	(v2sf) =	vpush v7, $0xF  }
0x253: {  	v15 =	vsel vm2, $0x0, v6;
	v49, _, _ =	vpop (xrf0);
	(v2sf) =	vpush v12, $0xF;
	(xrf0) =	vadd.scan.msk.s32 $0xffff, v13  }
0x254: {  	(v2sf) =	vpush v49, $0xF;
	v14, _, _ =	vpop (xrf0);
	(xrf0) =	vadd.scan.msk.s32 $0xffff, v15  }
0x255: {  	v50, _, _ =	vpop (xrf0);
	(v2sf) =	vpush v14, $0xF  }
0x256: {  	v51 =	vsel vm3, $0x0, v6;
	(v2sf) =	vpush v50, $0xF;
	v16, _, _ =	vpop (xrf0)  }
0x257: {  	(v2sf) =	vpush v16, $0xF;
	v52, _, _ =	vpop (xrf0);
	(xrf0) =	vadd.scan.msk.s32 $0xffff, v51  }
0x258: {  	v53 =	vsel vm4, $0x0, v6  }
0x259: {  	v55 =	vsel vm5, $0x0, v6;
	(v2sf) =	vpush v52, $0xF;
	v54, _, _ =	vpop (xrf0);
	(xrf0) =	vadd.scan.msk.s32 $0xffff, v53  }
0x25a: {  	(v2sf) =	vpush v54, $0xF;
	v56, _, _ =	vpop (xrf0);
	(xrf0) =	vadd.scan.msk.s32 $0xffff, v55;
	_ =	sdelay $0x1  }
0x25b: {  	s1 =	spop (v2sf);
	(v2sf) =	vpush v56, $0xF  }
0x25c: {  	v6 =	vsel vm6, $0x0, v6;
	v57, _, _ =	vpop (xrf0)  }
0x25d: {  	s3 =	spop (v2sf);
	(v2sf) =	vpush v57, $0xF  }
0x25e: {  	s5 =	spop (v2sf);
	v58, _, _ =	vpop (xrf0)  }
0x25f: {  	(xrf0) =	vadd.scan.msk.s32 $0xffff, v6;
	s6 =	spop (v2sf);
	(v2sf) =	vpush v58, $0xF;
	v6, _, _ =	vpop (xrf0)  }
0x260: {  	s7 =	spop (v2sf);
	(v2sf) =	vpush v6, $0xF  }
0x261: {  	s8 =	spop (v2sf)  }
0x262: {  	v5 =	vbroadcast v5, $0xF;
	v9 =	vbroadcast v47, $0xF;
	s9 =	spop (v2sf)  }
0x263: {  	v8 =	vbroadcast v48, $0xF;
	v10 =	vbroadcast v10, $0xF;
	s10 =	spop (v2sf)  }
0x264: {  	v7 =	vbroadcast v7, $0xF;
	v12 =	vbroadcast v12, $0xF;
	s0 =	spop (v2sf)  }
0x265: {  	v24 =	vor.u32 $0x10, v0;
	v11 =	vbroadcast v49, $0xF;
	v14 =	vbroadcast v14, $0xF;
	v6, _, _ =	vpop (xrf0);
	s16 =	spop (v2sf)  }
0x266: {  	v13 =	vbroadcast v50, $0xF;
	s1 =	sxor.u32 $0x80000000, s1;
	(v2sf) =	vpush v6, $0xF;
	v6 =	vadd.s32 $0x1, v0;
	s3 =	sadd.s32 s16, s3  }
0x267: {  	v60 =	vmov s1;
	vm5 =	vlt.s32 v9, v6;
	s11 =	spop (v2sf);
	v59 =	vmov s3  }
0x268: {  	vm7 =	vlt.s32 v8, v6;
	vm10 =	vlt.s32 v10, v6;
	vm6 =	vgt.s32 v59, v0;
	s12 =	sadd.s32 s11, s5;
	s13 =	spop (v2sf)  }
0x269: {  	vm1 =	vlt.s32 v13, v6;
	vm0 =	vmand vm5, vm6;
	v17 =	vmov s12;
	s14 =	sadd.s32 s13, s6  }
0x26a: {  	vm5 =	vlt.s32 v7, v6;
	vm8 =	vgt.s32 v17, v0;
	s16 =	spop (v2sf);
	v19 =	vmov s14  }
0x26b: {  	v18 =	vsel vm0, $0x0, v60;
	vm9 =	vmand vm7, vm8;
	vm11 =	vgt.s32 v19, v0;
	s17 =	sadd.s32 s16, s7  }
0x26c: {  	vm8 =	vlt.s32 v12, v6;
	v18 =	vsel vm9, $0x1, v18;
	v20 =	vmov s17;
	s18 =	spop (v2sf)  }
0x26d: {  	vm4 =	vmand vm10, vm11;
	vm11 =	vlt.s32 v11, v6;
	vm6 =	vgt.s32 v20, v0;
	s19 =	sadd.s32 s18, s8  }
0x26e: {  	v18 =	vsel vm4, $0x2, v18;
	s21 =	spop (v2sf);
	vm7 =	vmand vm5, vm6;
	v21 =	vmov s19  }
0x26f: {  	vm6 =	vlt.s32 v14, v6;
	v6 =	vadd.s32 $0x11, v0;
	s22 =	sadd.s32 s21, s9;
	s23 =	spop (v2sf);
	vm9 =	vgt.s32 v21, v0  }
0x270: {  	v18 =	vsel vm7, $0x3, v18;
	v22 =	vmov s22;
	s24 =	sadd.s32 s23, s10;
	vm10 =	vmand vm8, vm9  }
0x271: {  	vm4 =	vgt.s32 v22, v0;
	v23 =	vmov s24;
	vm9 =	vlt.s32 v9, v6  }
0x272: {  	v18 =	vsel vm10, $0x4, v18;
	vm5 =	vmand vm11, vm4;
	vm7 =	vgt.s32 v23, v0  }
0x273: {  	vm10 =	vgt.s32 v59, v24;
	vm11 =	vlt.s32 v8, v6;
	v18 =	vsel vm5, $0x5, v18  }
0x274: {  	vm8 =	vmand vm6, vm7;
	vm0 =	vmand vm9, vm10;
	vm6 =	vgt.s32 v17, v24  }
0x275: {  	s25 =	spop (v2sf);
	vm9 =	vgt.s32 v19, v24;
	vm10 =	vlt.s32 v7, v6;
	v61 =	vsel vm8, $0x6, v18  }
0x276: {  	s0 =	sadd.s32 s25, s0;
	v63 =	vsel vm0, $0x0, v60;
	vm7 =	vmand vm11, vm6;
	vm8 =	vlt.s32 v10, v6  }
0x277: {  	vm11 =	vgt.s32 v20, v24;
	vm6 =	vlt.s32 v14, v6;
	v62 =	vmov s0  }
0x278: {  	v15 =	vsel vm7, $0x1, v63;
	vm0 =	vmand vm8, vm9;
	vm7 =	vmand vm10, vm11  }
0x279: {  	vm8 =	vlt.s32 v12, v6;
	vm9 =	vgt.s32 v21, v24;
	vm10 =	vlt.s32 v11, v6  }
0x27a: {  	vm11 =	vgt.s32 v22, v24;
	vm4 =	vgt.s32 v62, v0;
	v7 =	vsel vm0, $0x2, v15  }
0x27b: {  	vm0 =	vmand vm8, vm9;
	vm5 =	vmand vm10, vm11;
	v7 =	vsel vm7, $0x3, v7  }
0x27c: {  	vm8 =	vlt.s32 v13, v6;
	vm7 =	vgt.s32 v23, v24;
	v7 =	vsel vm0, $0x4, v7  }
0x27d: {  	vm9 =	vgt.s32 v62, v24;
	vm0 =	vmand vm6, vm7;
	v7 =	vsel vm5, $0x5, v7  }
0x27e: {  	vm1 =	vmand vm1, vm4;
	vm10 =	vmand vm8, vm9;
	v6 =	vsel vm0, $0x6, v7  }
0x27f: {  	vm11 =	vcmask $0x2320;
	v7 =	vsel vm1, $0x7, v61;
	v6 =	vsel vm10, $0x7, v6  }
0x280: {  	s26 =	rddreg [dreg:$0x5];
	[tilespmem:$0x11200] =	vst v7;
	v5 =	vsel vm11, v5, v6  }
.Ltmp3:
0x281: {  	s30 =	simm.s32 $0x11200;
	s31 =	simm.s32 $0x2;
	[tilespmem:$0x11210] =	vst v5;
	(pc) =	sbr.rel .LBB2_3-.Ltmp3, $4  }
0x282: {  	[hbm4b:s26+s2] =	stream.linear.scatter [tilespmem:s30], [sflag:$0x2], $0x80, $0x38;
	[tilespmem:$0x11280] =	vst v63  }
0x283: {  	_ =	swait.ge [sflag:s31], $0x80  }
0x284: {  	[sflag:s31] =	ssyncset.done $0x0  }
0x285: {  	[sflag:s31] =	ssyncadd.s32 $0xFFFFFF80  }
.LBB2_4:
0x286: {  	_ =	sfence.sel $0x180000  }
0x287: {  	[bflag:$0x0] =	sbarrier.arrive $0xFFFF  }
0x288: {  	_ =	strace $0x90000047  }
0x289: {  	s0 =	stileid.u32;
	[bflag:$0x2] =	sbarrier.arrive $0xFFFF  }
0x28a: {  	p0 =	sne.s32 s0, $0x0;
	s0 =	rddreg [dreg:$0x3]  }
0x28b: {  	s0 =	sadd.s32 @!p0 $0x100000, s0  }
0x28c: {  	[sflag:s0] =	ssyncadd.tile.s32 @!p0 $0x1;
	_ =	shalt  }
.Lfunc_end2:
_tile_overlayer_lowered:
.L_overlay_start_2:
0x28d: {  	(tag) =	ssettag $0x2  }
0x28e: {  	s0 =	rddreg [dreg:$0x0];
	s2 =	stileid.u32  }
0x28f: {  	s1 =	rddreg [dreg:$0x1];
	p0 =	sne.s32 s2, $0x0  }
0x290: {  	s3 =	rddreg [dreg:$0x2];
	[bflag:$0x3] =	sbarrier.arrive $0xFFFF;
	s2 =	simm.s32 @!p0 $0x1C02  }
0x291: {  	[timem:s3], [sflag:s2] =	dma.local @!p0 [hbm:s0], s1  }
0x292: {  	s0 =	simm.s32 @!p0 $0x2  }
0x293: {  	_ =	swait.ge @!p0 [sflag:s0], s1  }
0x294: {  	s1 =	ssub.s32 @!p0 $0x0, s1;
	[sflag:s0] =	ssyncset.done @!p0 $0x0  }
0x295: {  	[sflag:s0] =	ssyncadd.s32 @!p0 s1  }
0x296: {  	[bflag:$0x3] =	sbarrier.arrive $0xFFFF  }
0x297: {  	_ =	shalt  }

// kernel: kernel.9.cloned.1.call-start
scs
__scs_entry_jumppad:
0x0: {  	(pc) =	sbr.rel $0x88, $3  }
0x1: {  	(tag) =	ssettag $0x0;
	lr =	simm.s32 $0x1  }
0x2: {  	[smem:$0x3F9B] =	sst lr;
	_ =	strace $0xD0000000  }
0x3: {  	_ = 	snop  }
0x4: {  	_ = 	snop  }
0x5: {  	_ = 	snop  }
0x6: {  	_ = 	snop  }
0x7: {  	_ = 	snop  }
__scs_overlays_trampoline_lowered:
0x8: {  	[smem:$0x3FAA] =	sst s0  }
0x9: {  	[smem:$0x3FAB] =	sst s1  }
0xa: {  	[smem:$0x3FAC] =	sst s2  }
0xb: {  	[smem:$0x3FAD] =	sst s3  }
0xc: {  	[smem:$0x3FAE] =	sst s4  }
0xd: {  	[smem:$0x3FAF] =	sst s5  }
0xe: {  	[smem:$0x3FB0] =	sst s6  }
0xf: {  	[smem:$0x3FB1] =	sst s7  }
0x10: {  	[smem:$0x3FB2] =	sst s8  }
0x11: {  	[smem:$0x3FB3] =	sst s9;
	s0 =	simm.s32 @!p0 $0x0  }
0x12: {  	s1 =	sld [smem:$0x3F99];
	s0 =	simm.s32 @p0 $0x1  }
0x13: {  	[smem:$0x3FB4] =	sst s0;
	s0 =	simm.s32 @!p1 $0x0  }
0x14: {  	s2 =	sld [smem:$0x3F98];
	s0 =	simm.s32 @p1 $0x1  }
0x15: {  	[smem:$0x3FB5] =	sst s0;
	s0 =	simm.s32 @!p2 $0x0  }
0x16: {  	s3 =	sld [smem:$0x3FDB];
	s0 =	simm.s32 @p2 $0x1  }
0x17: {  	s4 =	simm.s32 $0x1BF5;
	[smem:$0x3FB7] =	sst s0  }
0x18: {  	s0 =	sld [smem:$0x3F9A];
	_ =	swait.ge [sflag:s4], $0x0  }
0x19: {  	s7 =	sld [smem:$0x3F9B]  }
0x1a: {  	s8 =	sadd.s32 $0xFFFFE003, lr  }
0x1b: {  	s9 =	sadd.s32 $0xFFFFFEF7, lr;
	s5 =	simm.s32 $0xFFFFFFFF;
	p2 =	slt.u32 s8, $0xFFFFF086  }
0x1c: {  	p1 =	slt.u32 s9, $0xF7A;
	s5 =	simm.s32 @!p2 $0x0  }
0x1d: {  	s5 =	simm.s32 @p1 $0x1;
	p0 =	seq.s32 s7, s2  }
0x1e: {  	s7 =	smul.u32 @!p0 $0xF7A, s2;
	p2 =	seq.s32 @!p0 s5, $0x0  }
0x1f: {  	s9 =	smul.u32 $0xF7A, s1;
	s8 =	simm.s32 @!p0 $0x1BF5;
	p2 =	por !p2, p0  }
0x20: {  	[sflag:s8] =	ssyncset.s32 @!p0 $0xFFFFF086;
	s6 =	sadd.s32 @!p0 s3, s7;
	s7 =	simm.s32 @!p0 $0x108  }
0x21: {  	s3 =	sadd.s32 s3, s9;
	s6 =	sadd.s32 @!p0 $0x88, s6;
	s7 =	simm.s32 @p2 $0x1082  }
0x22: {  	[simem:s7], [sflag:s8] =	dma.local @!p0 [hbm:s6], $0xF7A  }
0x23: {  	s9 =	sor.u32 $0xD0000000, s2;
	s6 =	simm.s32 $0x108;
	_ =	swait.ge @!p0 [sflag:s8], $0x0  }
0x24: {  	s3 =	sadd.s32 $0x88, s3;
	s6 =	simm.s32 @!p1 $0x1082;
	[sflag:s4] =	ssyncset.s32 $0xFFFFF086  }
0x25: {  	[simem:s6], [sflag:s4] =	dma.local [hbm:s3], $0xF7A  }
0x26: {  	[smem:$0x3F9B] =	sst s1;
	(tag) =	ssettag s2;
	_ =	strace s9  }
0x27: {  	s1 =	sld [smem:$0x3FAB]  }
0x28: {  	s2 =	sld [smem:$0x3FAC]  }
0x29: {  	s4 =	sld [smem:$0x3FAE]  }
0x2a: {  	p0 =	seq.s32 s5, $0x0;
	s5 =	sld [smem:$0x3FAF]  }
0x2b: {  	s6 =	sld [smem:$0x3FB0]  }
0x2c: {  	s7 =	sld [smem:$0x3FB1]  }
0x2d: {  	s3 =	simm.s32 $0x108;
	s8 =	sld [smem:$0x3FB2]  }
0x2e: {  	s3 =	simm.s32 @!p0 $0x1082;
	s9 =	sld [smem:$0x3FB3]  }
0x2f: {  	lr =	sadd.s32 s0, s3;
	s0 =	sld [smem:$0x3FAA]  }
0x30: {  	s3 =	sld [smem:$0x3FAD]  }
0x31: {  	[smem:$0x3FB6] =	sst s10  }
0x32: {  	s10 =	sld [smem:$0x3FB4];
	_ =	sdelay $0x3  }
0x33: {  	p0 =	seq.s32 s10, $0x1;
	s10 =	sld [smem:$0x3FB6];
	_ =	sdelay $0x3  }
0x34: {  	[smem:$0x3FB6] =	sst s10  }
0x35: {  	s10 =	sld [smem:$0x3FB5];
	_ =	sdelay $0x3  }
0x36: {  	p1 =	seq.s32 s10, $0x1;
	s10 =	sld [smem:$0x3FB6];
	_ =	sdelay $0x3  }
0x37: {  	[smem:$0x3FB6] =	sst s10  }
0x38: {  	s10 =	sld [smem:$0x3FB7]  }
0x39: {  	_ = 	snop;
	(pc) =	sbr.ind lr, $3  }
0x3a: {  	_ = 	snop  }
0x3b: {  	_ = 	snop  }
0x3c: {  	p2 =	seq.s32 s10, $0x1;
	s10 =	sld [smem:$0x3FB6]  }
0x3d: {  	_ =	shalt  }
0x3e: {  	_ =	shalt  }
0x3f: {  	_ =	shalt  }
0x40: {  	_ =	shalt  }
0x41: {  	_ =	shalt  }
0x42: {  	_ =	shalt  }
0x43: {  	_ =	shalt  }
0x44: {  	_ =	shalt  }
0x45: {  	_ =	shalt  }
0x46: {  	_ =	shalt  }
0x47: {  	_ =	shalt  }
0x48: {  	_ =	shalt  }
0x49: {  	_ =	shalt  }
0x4a: {  	_ =	shalt  }
0x4b: {  	_ =	shalt  }
0x4c: {  	_ =	shalt  }
0x4d: {  	_ =	shalt  }
0x4e: {  	_ =	shalt  }
0x4f: {  	_ =	shalt  }
0x50: {  	_ =	shalt  }
0x51: {  	_ =	shalt  }
0x52: {  	_ =	shalt  }
0x53: {  	_ =	shalt  }
0x54: {  	_ =	shalt  }
0x55: {  	_ =	shalt  }
0x56: {  	_ =	shalt  }
0x57: {  	_ =	shalt  }
0x58: {  	_ =	shalt  }
0x59: {  	_ =	shalt  }
0x5a: {  	_ =	shalt  }
0x5b: {  	_ =	shalt  }
0x5c: {  	_ =	shalt  }
0x5d: {  	_ =	shalt  }
0x5e: {  	_ =	shalt  }
0x5f: {  	_ =	shalt  }
0x60: {  	_ =	shalt  }
0x61: {  	_ =	shalt  }
0x62: {  	_ =	shalt  }
0x63: {  	_ =	shalt  }
0x64: {  	_ =	shalt  }
0x65: {  	_ =	shalt  }
0x66: {  	_ =	shalt  }
0x67: {  	_ =	shalt  }
0x68: {  	_ =	shalt  }
0x69: {  	_ =	shalt  }
0x6a: {  	_ =	shalt  }
0x6b: {  	_ =	shalt  }
0x6c: {  	_ =	shalt  }
0x6d: {  	_ =	shalt  }
0x6e: {  	_ =	shalt  }
0x6f: {  	_ =	shalt  }
0x70: {  	_ =	shalt  }
0x71: {  	_ =	shalt  }
0x72: {  	_ =	shalt  }
0x73: {  	_ =	shalt  }
0x74: {  	_ =	shalt  }
0x75: {  	_ =	shalt  }
0x76: {  	_ =	shalt  }
0x77: {  	_ =	shalt  }
0x78: {  	_ =	shalt  }
0x79: {  	_ =	shalt  }
0x7a: {  	_ =	shalt  }
0x7b: {  	_ =	shalt  }
0x7c: {  	_ =	shalt  }
0x7d: {  	_ =	shalt  }
0x7e: {  	_ =	shalt  }
0x7f: {  	_ =	shalt  }
0x80: {  	_ =	shalt  }
0x81: {  	_ =	shalt  }
0x82: {  	_ =	shalt  }
0x83: {  	_ =	shalt  }
0x84: {  	_ =	shalt  }
0x85: {  	_ =	shalt  }
0x86: {  	_ =	shalt  }
0x87: {  	_ =	shalt  }
.Lfunc_end0:
.L_simem_size_0:
called_computation.1_lowered:
.L_overlay_start_0:
0x88: {  	s2 =	sld [smem:$0x3FD9]  }
0x89: {  	s3 =	sld [smem:$0x3FFE];
	_ =	sdelay $0x1  }
0x8a: {  	s1 =	srdreg.scid  }
0x8b: {  	s0 =	sand.u32 $0x1, s1  }
0x8c: {  	s14 =	sshll.u32 s0, $0xA;
	s2 =	sadd.s32 s3, s2  }
0x8d: {  	s2 =	sadd.s32 s2, s14  }
0x8e: {  	[smem:$0x3FC2] =	sst s2  }
0x8f: {  	_ = 	snop  }
0x90: {  	s2 =	sld [smem:$0x3FD0];
	_ =	sdelay $0x2  }
0x91: {  	s15 =	simm.s32 $0xA;
	s4 =	simm.s32 $0x10  }
0x92: {  	[smem:s4], [sflag:s15] =	dma.local [hbm:s2], $0x1  }
0x93: {  	_ =	swait.eq [sflag:s15], $0x1  }
0x94: {  	[sflag:s15] =	ssyncset.done $0x0  }
0x95: {  	[sflag:s15] =	ssyncadd.s32 $0xFFFFFFFF  }
0x96: {  	s16 =	sld [smem:$0x10];
	(tm) =	ssettm $0x1  }
0x97: {  	s17 =	sld [smem:$0x3FFB];
	_ =	sdelay $0x3  }
0x98: {  	_ =	strace s17  }
0x99: {  	s3 =	sld [smem:$0x3FFC];
	_ =	sdelay $0x3  }
0x9a: {  	_ =	strace s3  }
0x9b: {  	s3 =	sld [smem:$0x3FFD];
	_ =	sdelay $0x3  }
0x9c: {  	_ =	strace s3  }
0x9d: {  	_ =	strace $0x8FFFFFFF  }
0x9e: {  	s18 =	sld [smem:$0x3FDB];
	_ =	sdelay $0x1  }
0x9f: {  	s19 =	simm.s32 $_scs_section_size  }
0xa0: {  	s5 =	simm.s32 $_size__tile_overlayer_lowered;
	s6 =	simm.s32 $_tile_overlayer_lowered  }
0xa1: {  	s22 =	simm.s32 $0x1BFF;
	s21 =	sshll.u32 s6, $0x1;
	s3 =	sadd.s32 s19, s18  }
0xa2: {  	s7 =	simm.s32 $0x0;
	s20 =	sshll.u32 s5, $0x1;
	s5 =	sadd.s32 s21, s3  }
0xa3: {  	[timem:s7], [sflag:s22] =	dma.local [hbm:s5], s20  }
0xa4: {  	_ =	swait.ge [sflag:s22], s20  }
0xa5: {  	s4 =	ssub.s32 $0x0, s20;
	[sflag:s22] =	ssyncset.done $0x0  }
0xa6: {  	[sflag:s22] =	ssyncadd.s32 s4;
	_ =	sdelay $0x1  }
0xa7: {  	s23 =	simm.s32 $0x1B8B  }
0xa8: {  	_ =	swait.ge [sflag:s23], $0x1  }
0xa9: {  	[sflag:s23] =	ssyncset.done $0x0  }
0xaa: {  	s25 =	simm.s32 $0x1B8E;
	s24 =	sld [smem:$0x3FFE];
	[sflag:s23] =	ssyncadd.s32 $0xFFFFFFFF  }
0xab: {  	s26 =	simm.s32 $execute0_lowered;
	[smem:$0x3FD2] =	sst s25  }
0xac: {  	s5 =	sshll.u32 s26, $0x1;
	_ =	strace $0x80000049;
	[dreg:$0x1] =	wrdreg $0xFFFFFFFF  }
0xad: {  	s28 =	simm.s32 $_size_execute0_lowered;
	s3 =	sadd.s32 s3, s5;
	[dreg:$0x0] =	wrdreg $0x0  }
0xae: {  	s5 =	sshll.u32 s28, $0x1;
	[dreg:$0x2] =	wrdreg s3  }
0xaf: {  	[dreg:$0x3] =	wrdreg s5  }
0xb0: {  	[dreg:$0x4] =	wrdreg $0xC0  }
0xb1: {  	_ =	task [dreg:s7], $0x5FFFF  }
0xb2: {  	[dreg:$0x1] =	wrdreg $0xFFFFFFFF  }
0xb3: {  	[dreg:$0x0] =	wrdreg $0x60  }
0xb4: {  	[dreg:$0x2] =	wrdreg s24  }
0xb5: {  	[dreg:$0x3] =	wrdreg s16  }
0xb6: {  	[dreg:$0x4] =	wrdreg $0x9  }
0xb7: {  	_ =	task.clear_ibuf [dreg:s7], $0x5FFFF;
	_ =	strace $0x90000049  }
0xb8: {  	s29 =	simm.s32 $0x9;
	_ =	strace $0x8000004B  }
0xb9: {  	_ =	swait.ge [sflag:s29], $0x1  }
0xba: {  	[sflag:s29] =	ssyncadd.s32 $0xFFFFFFFF  }
0xbb: {  	_ =	strace $0x9000004B  }
0xbc: {  	_ =	sfence  }
0xbd: {  	s30 =	sld [smem:$0x0];
	_ =	sdelay $0x2  }
0xbe: {  	s31 =	sshll.u32 s1, $0xD;
	s1 =	sshrl.u32 s1, $0x2  }
0xbf: {  	s3 =	sand.u32 $0x4000, s31;
	s1 =	sadd.s32 s1, s30  }
0xc0: {  	s0 =	sor.u32 s3, s0;
	s1 =	sshll.u32 s1, $0x11  }
0xc1: {  	s0 =	sor.u32 s1, s0  }
0xc2: {  	s0 =	sadd.s32 $0x8F2B, s0  }
0xc3: {  	[sflag:s0] =	ssyncadd.remote.s32 $0x1  }
0xc4: {  	_ =	sfence.sel $0xFFFF  }
0xc5: {  	[dreg:$0x0] =	wrdreg $0xFFFFFFFF;
	(pc) =	sbr.abs _section_cstart, $3  }
0xc6: {  	[dreg:$0x1] =	wrdreg $0xFFFFFFFF  }
0xc7: {  	_ =	task.clear_ibuf [dreg:s7], $0x2FFFF;
	_ =	strace $0x9FFFFFFF  }
0xc8: {  	(tm) =	ssettm $0x7FFFFFFF  }
0xc9: {  	_ =	shalt  }
tec
execute0_lowered:
.L_overlay_start_1:
0x0: {  	(tag) =	ssettag $0x1  }
0x1: {  	s0 =	rddreg [dreg:$0x0]  }
0x2: {  	s1 =	rddreg [dreg:$0x1];
	s3 =	srdreg.scid  }
0x3: {  	s2 =	simm.s32 $0x0;
	s5 =	stileid.u32;
	s14 =	simm.s32 $0x300  }
0x4: {  	s15 =	simm.s32 $0xB300;
	s28 =	simm.s32 $0xEB00;
	s29 =	simm.s32 $0xF300  }
0x5: {  	s30 =	simm.s32 $0xFB00;
	s31 =	simm.s32 $0x10300;
	s4 =	sand.u32 $0x1, s3  }
0x6: {  	[smem:$0x7FF] =	sst s2;
	s16 =	sshll.u32 s5, $0x7;
	s3 =	sadd.s32 $0xC2000, s0  }
0x7: {  	s7 =	sadd.s32 $0xC1E00, s0;
	s8 =	sadd.s32 $0x1800, s0;
	s17 =	sshll.u32 s4, $0x6  }
0x8: {  	_ =	strace $0x8000004A;
	s4 =	ssub.s32 $0x2, s4;
	s6 =	sor.u32 s17, s16  }
0x9: {  	s10 =	sshrl.u32 s4, $0x1;
	s16 =	simm.s32 $0x200;
	s11 =	sshll.u32 s6, $0x1  }
0xa: {  	s4 =	ssub.s32 s4, s10;
	s20 =	sor.u32 $0x20, s6;
	s10 =	sadd.s32 $0xC2300, s0  }
0xb: {  	s21 =	sshll.u32 s6, $0x7;
	s12 =	sand.u32 $0xF00, s11;
	s9 =	sor.u32 s17, s11  }
0xc: {  	s13 =	sand.u32 $0x60, s20;
	s26 =	smax.u32 s4, $0x1;
	s5 =	sor.u32 s17, s12  }
0xd: {  	s9 =	sshrl.u32 s9, $0x3;
	s22 =	sor.u32 s11, s13;
	s23 =	sor.u32 s13, s12  }
0xe: {  	[dreg:$0xb] =	wrdreg s26;
	s17 =	simm.s32 $0x2;
	s5 =	sshrl.u32 s5, $0x3  }
0xf: {  	s26 =	simm.s32 $0xE300;
	s9 =	sor.u32 $0x10, s9;
	s18 =	sadd.s32 s8, s5  }
0x10: {  	s6 =	sshrl.u32 s22, $0x3;
	s8 =	sadd.s32 s8, s9;
	[dreg:$0x3] =	wrdreg s18  }
0x11: {  	s22 =	simm.s32 $0xC300;
	s5 =	sadd.s32 s7, s5;
	[dreg:$0x4] =	wrdreg s8  }
0x12: {  	s19 =	sadd.s32 s7, s9;
	s9 =	sadd.s32 $0xC2200, s0;
	[dreg:$0x5] =	wrdreg s5  }
0x13: {  	s6 =	sor.u32 $0x10, s6;
	[dreg:$0x6] =	wrdreg s19;
	s8 =	sadd.s32 $0xC2100, s0  }
0x14: {  	s0 =	sadd.s32 s1, s21;
	s5 =	sshll.u32 s20, $0x7;
	s24 =	sadd.s32 s7, s6  }
0x15: {  	s18 =	simm.s32 $0x280;
	s6 =	simm.s32 $0x1;
	s20 =	simm.s32 $0xAB00  }
0x16: {  	s21 =	simm.s32 $0xBB00;
	[dreg:$0x7] =	wrdreg s0;
	s0 =	sshrl.u32 s23, $0x3  }
0x17: {  	v2 =	vlaneseq.u32;
	[dreg:$0x9] =	wrdreg s24;
	s25 =	sadd.s32 s1, s5;
	s23 =	simm.s32 $0xCB00  }
0x18: {  	vm0 =	vmmov $0xffff;
	v1 =	vshrl.u32 v2, $0x3;
	s24 =	simm.s32 $0xD300;
	s0 =	sadd.s32 s7, s0;
	[dreg:$0xa] =	wrdreg s25  }
0x19: {  	v0 =	vand.u32 $0x7, v2;
	v2 =	vor.u32 $0x8, v2;
	v1 =	vmul.u32 $0x8, v1;
	s25 =	simm.s32 $0xDB00;
	[dreg:$0x8] =	wrdreg s0;
	s0 =	simm.s32 $0x0  }
.LBB2_1:
0x1a: {  	s1 =	rddreg [dreg:$0x3]  }
0x1b: {  	[tilespmem:s16], [sflag:$0x2] =	stream.linear.gather [hbm4b:s1+s2], $0x40, $0x38;
	[tilespmem:$0x18300] =	vst v63  }
0x1c: {  	_ =	swait.ge [sflag:s17], $0x40  }
0x1d: {  	[sflag:s17] =	ssyncset.done $0x0  }
0x1e: {  	s12 =	rddreg [dreg:$0x4];
	[sflag:s17] =	ssyncadd.s32 $0xFFFFFFC0  }
0x1f: {  	[tilespmem:s18], [sflag:$0x2] =	stream.linear.gather [hbm4b:s12+s2], $0x40, $0x38;
	[tilespmem:$0x18300] =	vst v63  }
0x20: {  	_ =	swait.ge [sflag:s17], $0x40  }
0x21: {  	[sflag:s17] =	ssyncset.done $0x0  }
0x22: {  	s13 =	rddreg [dreg:$0x5];
	[sflag:s17] =	ssyncadd.s32 $0xFFFFFFC0  }
0x23: {  	[tilespmem:s2], [sflag:$0x2] =	stream.linear.gather [hbm4b:s13+s2], $0x20, $0x38;
	[tilespmem:$0x18300] =	vst v63  }
0x24: {  	_ =	swait.ge [sflag:s17], $0x20  }
0x25: {  	[sflag:s17] =	ssyncset.done $0x0  }
0x26: {  	s4 =	simm.s32 $0x100;
	s19 =	rddreg [dreg:$0x6];
	[sflag:s17] =	ssyncadd.s32 $0xFFFFFFE0  }
0x27: {  	[tilespmem:s4], [sflag:$0x2] =	stream.linear.gather [hbm4b:s19+s2], $0x20, $0x38;
	[tilespmem:$0x18300] =	vst v63  }
0x28: {  	_ =	swait.ge [sflag:s17], $0x20  }
0x29: {  	[sflag:s17] =	ssyncset.done $0x0  }
0x2a: {  	[sflag:s17] =	ssyncadd.s32 $0xFFFFFFE0  }
0x2b: {  	v3 =	vld [tilespmem:$0x0];
	_ =	sdelay $0x4  }
0x2c: {  	v4 =	vshll.u32 v3, $0x3  }
0x2d: {  	v3 =	vand.u32 $0x7, v3;
	v4 =	vand.u32 $0xFFFFFFC0, v4  }
0x2e: {  	v3 =	vor.u32 v3, v4  }
0x2f: {  	v4 =	vperm.xlane v3, v0;
	_ =	sdelay $0x1  }
0x30: {  	v4 =	vadd.s32 v1, v4;
	_ =	sdelay $0x4  }
0x31: {  	[tilespmem:s14], [sflag:$0x1] =	stream.indirect_vreg.gather [hbm4b:s3+s2], $0x80, v4, vm0, $0xb8;
	[tilespmem:$0x18300] =	vst v63  }
0x32: {  	s5 =	simm.s32 $0xB00;
	v3 =	vperm.xlane v3, v2  }
0x33: {  	[tilespmem:s5], [sflag:$0x1] =	stream.indirect_vreg.gather [hbm4b:s8+s2], $0x80, v4, vm0, $0xb8;
	[tilespmem:$0x18300] =	vst v63  }
0x34: {  	s7 =	simm.s32 $0x1300;
	v3 =	vadd.s32 v1, v3  }
0x35: {  	[tilespmem:s7], [sflag:$0x1] =	stream.indirect_vreg.gather [hbm4b:s9+s2], $0x80, v4, vm0, $0xb8;
	[tilespmem:$0x18300] =	vst v63  }
0x36: {  	s11 =	simm.s32 $0x1B00  }
0x37: {  	[tilespmem:s11], [sflag:$0x1] =	stream.indirect_vreg.gather [hbm4b:s10+s2], $0x80, v4, vm0, $0xb8;
	[tilespmem:$0x18300] =	vst v63  }
0x38: {  	s12 =	simm.s32 $0x2300  }
0x39: {  	[tilespmem:s12], [sflag:$0x1] =	stream.indirect_vreg.gather [hbm4b:s3+s2], $0x80, v3, vm0, $0xb8;
	[tilespmem:$0x18300] =	vst v63  }
0x3a: {  	s13 =	simm.s32 $0x2B00  }
0x3b: {  	[tilespmem:s13], [sflag:$0x1] =	stream.indirect_vreg.gather [hbm4b:s8+s2], $0x80, v3, vm0, $0xb8;
	[tilespmem:$0x18300] =	vst v63  }
0x3c: {  	s19 =	simm.s32 $0x3300  }
0x3d: {  	[tilespmem:s19], [sflag:$0x1] =	stream.indirect_vreg.gather [hbm4b:s9+s2], $0x80, v3, vm0, $0xb8;
	[tilespmem:$0x18300] =	vst v63  }
0x3e: {  	s4 =	simm.s32 $0x3B00  }
0x3f: {  	[tilespmem:s4], [sflag:$0x1] =	stream.indirect_vreg.gather [hbm4b:s10+s2], $0x80, v3, vm0, $0xb8;
	[tilespmem:$0x18300] =	vst v63  }
0x40: {  	v3 =	vld [tilespmem:$0x10];
	_ =	sdelay $0x4  }
0x41: {  	v61 =	vshll.u32 v3, $0x3  }
0x42: {  	v3 =	vand.u32 $0x7, v3;
	v4 =	vand.u32 $0xFFFFFFC0, v61  }
0x43: {  	v3 =	vor.u32 v3, v4  }
0x44: {  	v4 =	vperm.xlane v3, v0;
	_ =	sdelay $0x1  }
0x45: {  	v4 =	vadd.s32 v1, v4;
	_ =	sdelay $0x3  }
0x46: {  	s5 =	simm.s32 $0x4300  }
0x47: {  	[tilespmem:s5], [sflag:$0x1] =	stream.indirect_vreg.gather [hbm4b:s3+s2], $0x80, v4, vm0, $0xb8;
	[tilespmem:$0x18300] =	vst v63  }
0x48: {  	s7 =	simm.s32 $0x4B00;
	v3 =	vperm.xlane v3, v2  }
0x49: {  	[tilespmem:s7], [sflag:$0x1] =	stream.indirect_vreg.gather [hbm4b:s8+s2], $0x80, v4, vm0, $0xb8;
	[tilespmem:$0x18300] =	vst v63  }
0x4a: {  	s11 =	simm.s32 $0x5300;
	v3 =	vadd.s32 v1, v3  }
0x4b: {  	[tilespmem:s11], [sflag:$0x1] =	stream.indirect_vreg.gather [hbm4b:s9+s2], $0x80, v4, vm0, $0xb8;
	[tilespmem:$0x18300] =	vst v63  }
0x4c: {  	s12 =	simm.s32 $0x5B00  }
0x4d: {  	[tilespmem:s12], [sflag:$0x1] =	stream.indirect_vreg.gather [hbm4b:s10+s2], $0x80, v4, vm0, $0xb8;
	[tilespmem:$0x18300] =	vst v63  }
0x4e: {  	s13 =	simm.s32 $0x6300  }
0x4f: {  	[tilespmem:s13], [sflag:$0x1] =	stream.indirect_vreg.gather [hbm4b:s3+s2], $0x80, v3, vm0, $0xb8;
	[tilespmem:$0x18300] =	vst v63  }
0x50: {  	s19 =	simm.s32 $0x6B00  }
0x51: {  	[tilespmem:s19], [sflag:$0x1] =	stream.indirect_vreg.gather [hbm4b:s8+s2], $0x80, v3, vm0, $0xb8;
	[tilespmem:$0x18300] =	vst v63  }
0x52: {  	s4 =	simm.s32 $0x7300  }
0x53: {  	[tilespmem:s4], [sflag:$0x1] =	stream.indirect_vreg.gather [hbm4b:s9+s2], $0x80, v3, vm0, $0xb8;
	[tilespmem:$0x18300] =	vst v63  }
0x54: {  	s5 =	simm.s32 $0x7B00  }
0x55: {  	[tilespmem:s5], [sflag:$0x1] =	stream.indirect_vreg.gather [hbm4b:s10+s2], $0x80, v3, vm0, $0xb8;
	[tilespmem:$0x18300] =	vst v63  }
0x56: {  	_ =	swait.ge [sflag:s6], $0x8000  }
0x57: {  	[sflag:s6] =	ssyncset.done $0x0  }
0x58: {  	[sflag:s6] =	ssyncadd.s32 $0xFFFF8000  }
0x59: {  	v3 =	vld [tilespmem:$0x100];
	_ =	sdelay $0x4  }
0x5a: {  	v62 =	vshll.u32 v3, $0x3  }
0x5b: {  	v3 =	vand.u32 $0x7, v3;
	v4 =	vand.u32 $0xFFFFFFC0, v62  }
0x5c: {  	v3 =	vor.u32 v3, v4  }
0x5d: {  	v4 =	vperm.xlane v3, v0;
	_ =	sdelay $0x1  }
0x5e: {  	v4 =	vadd.s32 v1, v4;
	_ =	sdelay $0x3  }
0x5f: {  	s7 =	simm.s32 $0x8300  }
0x60: {  	[tilespmem:s7], [sflag:$0x1] =	stream.indirect_vreg.gather [hbm4b:s3+s2], $0x80, v4, vm0, $0xb8;
	[tilespmem:$0x18300] =	vst v63  }
0x61: {  	s11 =	simm.s32 $0x8B00;
	v3 =	vperm.xlane v3, v2  }
0x62: {  	[tilespmem:s11], [sflag:$0x1] =	stream.indirect_vreg.gather [hbm4b:s8+s2], $0x80, v4, vm0, $0xb8;
	[tilespmem:$0x18300] =	vst v63  }
0x63: {  	s12 =	simm.s32 $0x9300;
	v3 =	vadd.s32 v1, v3  }
0x64: {  	[tilespmem:s12], [sflag:$0x1] =	stream.indirect_vreg.gather [hbm4b:s9+s2], $0x80, v4, vm0, $0xb8;
	[tilespmem:$0x18300] =	vst v63  }
0x65: {  	s13 =	simm.s32 $0x9B00  }
0x66: {  	[tilespmem:s13], [sflag:$0x1] =	stream.indirect_vreg.gather [hbm4b:s10+s2], $0x80, v4, vm0, $0xb8;
	[tilespmem:$0x18300] =	vst v63  }
0x67: {  	s19 =	simm.s32 $0xA300  }
0x68: {  	[tilespmem:s19], [sflag:$0x1] =	stream.indirect_vreg.gather [hbm4b:s3+s2], $0x80, v3, vm0, $0xb8;
	[tilespmem:$0x18300] =	vst v63  }
0x69: {  	_ = 	snop  }
0x6a: {  	[tilespmem:s20], [sflag:$0x1] =	stream.indirect_vreg.gather [hbm4b:s8+s2], $0x80, v3, vm0, $0xb8;
	[tilespmem:$0x18300] =	vst v63  }
0x6b: {  	_ = 	snop  }
0x6c: {  	[tilespmem:s15], [sflag:$0x1] =	stream.indirect_vreg.gather [hbm4b:s9+s2], $0x80, v3, vm0, $0xb8;
	[tilespmem:$0x18300] =	vst v63  }
0x6d: {  	_ = 	snop  }
0x6e: {  	[tilespmem:s21], [sflag:$0x1] =	stream.indirect_vreg.gather [hbm4b:s10+s2], $0x80, v3, vm0, $0xb8;
	[tilespmem:$0x18300] =	vst v63  }
0x6f: {  	v3 =	vld [tilespmem:$0x110];
	_ =	sdelay $0x4  }
0x70: {  	v63 =	vshll.u32 v3, $0x3  }
0x71: {  	v3 =	vand.u32 $0x7, v3;
	v4 =	vand.u32 $0xFFFFFFC0, v63  }
0x72: {  	v3 =	vor.u32 v3, v4  }
0x73: {  	v4 =	vperm.xlane v3, v0;
	_ =	sdelay $0x1  }
0x74: {  	v4 =	vadd.s32 v1, v4;
	_ =	sdelay $0x4  }
0x75: {  	[tilespmem:s22], [sflag:$0x1] =	stream.indirect_vreg.gather [hbm4b:s3+s2], $0x80, v4, vm0, $0xb8;
	[tilespmem:$0x18300] =	vst v63  }
0x76: {  	v3 =	vperm.xlane v3, v2  }
0x77: {  	[tilespmem:s23], [sflag:$0x1] =	stream.indirect_vreg.gather [hbm4b:s8+s2], $0x80, v4, vm0, $0xb8;
	[tilespmem:$0x18300] =	vst v63  }
0x78: {  	v3 =	vadd.s32 v1, v3  }
0x79: {  	[tilespmem:s24], [sflag:$0x1] =	stream.indirect_vreg.gather [hbm4b:s9+s2], $0x80, v4, vm0, $0xb8;
	[tilespmem:$0x18300] =	vst v63  }
0x7a: {  	_ = 	snop  }
0x7b: {  	[tilespmem:s25], [sflag:$0x1] =	stream.indirect_vreg.gather [hbm4b:s10+s2], $0x80, v4, vm0, $0xb8;
	[tilespmem:$0x18300] =	vst v63  }
0x7c: {  	_ = 	snop  }
0x7d: {  	[tilespmem:s26], [sflag:$0x1] =	stream.indirect_vreg.gather [hbm4b:s3+s2], $0x80, v3, vm0, $0xb8;
	[tilespmem:$0x18300] =	vst v63  }
0x7e: {  	_ = 	snop  }
0x7f: {  	[tilespmem:s28], [sflag:$0x1] =	stream.indirect_vreg.gather [hbm4b:s8+s2], $0x80, v3, vm0, $0xb8;
	[tilespmem:$0x18300] =	vst v63  }
0x80: {  	_ = 	snop  }
0x81: {  	[tilespmem:s29], [sflag:$0x1] =	stream.indirect_vreg.gather [hbm4b:s9+s2], $0x80, v3, vm0, $0xb8;
	[tilespmem:$0x18300] =	vst v63  }
0x82: {  	_ = 	snop  }
0x83: {  	[tilespmem:s30], [sflag:$0x1] =	stream.indirect_vreg.gather [hbm4b:s10+s2], $0x80, v3, vm0, $0xb8;
	[tilespmem:$0x18300] =	vst v63  }
0x84: {  	_ =	swait.ge [sflag:s6], $0x8000  }
0x85: {  	[sflag:s6] =	ssyncset.done $0x0  }
0x86: {  	s1 =	simm.s32 $0x0;
	[sflag:s6] =	ssyncadd.s32 $0xFFFF8000  }
.LBB2_2:
0x87: {  	v4 =	vmov s1;
	_ =	sdelay $0x1  }
0x88: {  	s4 =	sshll.u32 s1, $0xA;
	s5 =	sshll.u32 s1, $0x7  }
0x89: {  	s7 =	simm.s32 $0x0;
	s4 =	sand.u32 $0x6000, s4;
	s5 =	sand.u32 $0x380, s5  }
0x8a: {  	s19 =	sor.u32 s4, s5;
	s5 =	sand.u32 $0x1C00, s7  }
0x8b: {  	s11 =	sand.u32 $0x70, s7;
	s4 =	sor.u32 s5, s19;
	v3 =	vld.idx.msk [tilespmem:v4+s16+$0x0], $0xffff  }
0x8c: {  	s4 =	sor.u32 s11, s4;
	v4 =	vld.idx.msk [tilespmem:v4+s18+$0x0], $0xffff  }
0x8d: {  	v5 =	vld [tilespmem:s4+$0x300]  }
0x8e: {  	v6 =	vld [tilespmem:s4+$0x8300]  }
0x8f: {  	s12 =	simm.s32 $0x80  }
0x90: {  	s13 =	simm.s32 $0x10;
	s5 =	sand.u32 $0x1C00, s12  }
0x91: {  	s7 =	sand.u32 $0x70, s13;
	s5 =	sor.u32 s5, s19  }
0x92: {  	s5 =	sor.u32 s7, s5  }
0x93: {  	v7 =	vmul.f32 v5, v3;
	v8 =	vmul.f32 v6, v4;
	v5 =	vld [tilespmem:s5+$0x300]  }
0x94: {  	v6 =	vld [tilespmem:s5+$0x8300]  }
0x95: {  	s11 =	simm.s32 $0x100;
	s7 =	simm.s32 $0x20;
	v7 =	vadd.f32 v8, v7  }
.LBB2_3:
0x96: {  	s12 =	sand.u32 $0x70, s7;
	s13 =	sand.u32 $0x1C00, s11;
	p0 =	sne.s32 s7, $0x3F0  }
.Ltmp0:
0x97: {  	s7 =	sadd.s32 $0x10, s7;
	s13 =	sor.u32 s13, s19;
	[tilespmem:s4+$0x10300] =	vst v7;
	(pc) =	sbr.rel @p0 .LBB2_3-.Ltmp0, $4  }
0x98: {  	s4 =	smov.u32 s5;
	s5 =	sor.u32 s12, s13  }
0x99: {  	v7 =	vmul.f32 v5, v3;
	v5 =	vld [tilespmem:s5+$0x300];
	v8 =	vmul.f32 v6, v4  }
0x9a: {  	v6 =	vld [tilespmem:s5+$0x8300]  }
0x9b: {  	s11 =	sadd.s32 $0x80, s11;
	v7 =	vadd.f32 v8, v7  }
0x9c: {  	_ = 	snop  }
0x9d: {  	s1 =	sadd.s32 $0x1, s1  }
0x9e: {  	p0 =	sne.s32 s1, $0x20  }
.Ltmp1:
0x9f: {  	v3 =	vmul.f32 v5, v3;
	v4 =	vmul.f32 v6, v4;
	(pc) =	sbr.rel @p0 .LBB2_2-.Ltmp1, $4  }
0xa0: {  	_ = 	snop  }
0xa1: {  	v3 =	vadd.f32 v4, v3  }
0xa2: {  	[tilespmem:s4+$0x10300] =	vst v7  }
0xa3: {  	[tilespmem:s5+$0x10300] =	vst v3  }
0xa4: {  	s1 =	simm.s32 $0x0;
	s4 =	rddreg [dreg:$0x7]  }
0xa5: {  	[hbm4b:s4+s1] =	stream.linear.scatter [tilespmem:s31], [sflag:$0x2], $0x8000, $0x38;
	[tilespmem:$0x18300] =	vst v63  }
0xa6: {  	_ =	swait.ge [sflag:s17], $0x8000  }
0xa7: {  	[sflag:s17] =	ssyncset.done $0x0  }
0xa8: {  	s5 =	simm.s32 $0x80;
	s12 =	rddreg [dreg:$0x8];
	[sflag:s17] =	ssyncadd.s32 $0xFFFF8000  }
0xa9: {  	[tilespmem:s5], [sflag:$0x2] =	stream.linear.gather [hbm4b:s12+s1], $0x20, $0x38;
	[tilespmem:$0x18300] =	vst v63  }
0xaa: {  	_ =	swait.ge [sflag:s17], $0x20  }
0xab: {  	[sflag:s17] =	ssyncset.done $0x0  }
0xac: {  	s19 =	simm.s32 $0x180;
	s13 =	rddreg [dreg:$0x9];
	[sflag:s17] =	ssyncadd.s32 $0xFFFFFFE0  }
0xad: {  	[tilespmem:s19], [sflag:$0x2] =	stream.linear.gather [hbm4b:s13+s1], $0x20, $0x38;
	[tilespmem:$0x18300] =	vst v63  }
0xae: {  	_ =	swait.ge [sflag:s17], $0x20  }
0xaf: {  	[sflag:s17] =	ssyncset.done $0x0  }
0xb0: {  	[sflag:s17] =	ssyncadd.s32 $0xFFFFFFE0  }
0xb1: {  	v3 =	vld [tilespmem:$0x80];
	_ =	sdelay $0x4  }
0xb2: {  	v4 =	vshll.u32 v3, $0x3  }
0xb3: {  	v3 =	vand.u32 $0x7, v3;
	v4 =	vand.u32 $0xFFFFFFC0, v4  }
0xb4: {  	v3 =	vor.u32 v3, v4  }
0xb5: {  	v4 =	vperm.xlane v3, v0;
	_ =	sdelay $0x1  }
0xb6: {  	v4 =	vadd.s32 v1, v4;
	_ =	sdelay $0x4  }
0xb7: {  	[tilespmem:s14], [sflag:$0x1] =	stream.indirect_vreg.gather [hbm4b:s3+s1], $0x80, v4, vm0, $0xb8;
	[tilespmem:$0x18300] =	vst v63  }
0xb8: {  	s7 =	simm.s32 $0xB00;
	v3 =	vperm.xlane v3, v2  }
0xb9: {  	[tilespmem:s7], [sflag:$0x1] =	stream.indirect_vreg.gather [hbm4b:s8+s1], $0x80, v4, vm0, $0xb8;
	[tilespmem:$0x18300] =	vst v63  }
0xba: {  	s11 =	simm.s32 $0x1300;
	v3 =	vadd.s32 v1, v3  }
0xbb: {  	[tilespmem:s11], [sflag:$0x1] =	stream.indirect_vreg.gather [hbm4b:s9+s1], $0x80, v4, vm0, $0xb8;
	[tilespmem:$0x18300] =	vst v63  }
0xbc: {  	s12 =	simm.s32 $0x1B00  }
0xbd: {  	[tilespmem:s12], [sflag:$0x1] =	stream.indirect_vreg.gather [hbm4b:s10+s1], $0x80, v4, vm0, $0xb8;
	[tilespmem:$0x18300] =	vst v63  }
0xbe: {  	s13 =	simm.s32 $0x2300  }
0xbf: {  	[tilespmem:s13], [sflag:$0x1] =	stream.indirect_vreg.gather [hbm4b:s3+s1], $0x80, v3, vm0, $0xb8;
	[tilespmem:$0x18300] =	vst v63  }
0xc0: {  	s14 =	simm.s32 $0x2B00  }
0xc1: {  	[tilespmem:s14], [sflag:$0x1] =	stream.indirect_vreg.gather [hbm4b:s8+s1], $0x80, v3, vm0, $0xb8;
	[tilespmem:$0x18300] =	vst v63  }
0xc2: {  	s19 =	simm.s32 $0x3300  }
0xc3: {  	[tilespmem:s19], [sflag:$0x1] =	stream.indirect_vreg.gather [hbm4b:s9+s1], $0x80, v3, vm0, $0xb8;
	[tilespmem:$0x18300] =	vst v63  }
0xc4: {  	s5 =	simm.s32 $0x3B00  }
0xc5: {  	[tilespmem:s5], [sflag:$0x1] =	stream.indirect_vreg.gather [hbm4b:s10+s1], $0x80, v3, vm0, $0xb8;
	[tilespmem:$0x18300] =	vst v63  }
0xc6: {  	v3 =	vld [tilespmem:$0x90];
	_ =	sdelay $0x4  }
0xc7: {  	v61 =	vshll.u32 v3, $0x3  }
0xc8: {  	v3 =	vand.u32 $0x7, v3;
	v4 =	vand.u32 $0xFFFFFFC0, v61  }
0xc9: {  	v3 =	vor.u32 v3, v4  }
0xca: {  	v4 =	vperm.xlane v3, v0;
	_ =	sdelay $0x1  }
0xcb: {  	v4 =	vadd.s32 v1, v4;
	_ =	sdelay $0x3  }
0xcc: {  	s7 =	simm.s32 $0x4300  }
0xcd: {  	[tilespmem:s7], [sflag:$0x1] =	stream.indirect_vreg.gather [hbm4b:s3+s1], $0x80, v4, vm0, $0xb8;
	[tilespmem:$0x18300] =	vst v63  }
0xce: {  	s11 =	simm.s32 $0x4B00;
	v3 =	vperm.xlane v3, v2  }
0xcf: {  	[tilespmem:s11], [sflag:$0x1] =	stream.indirect_vreg.gather [hbm4b:s8+s1], $0x80, v4, vm0, $0xb8;
	[tilespmem:$0x18300] =	vst v63  }
0xd0: {  	s12 =	simm.s32 $0x5300;
	v3 =	vadd.s32 v1, v3  }
0xd1: {  	[tilespmem:s12], [sflag:$0x1] =	stream.indirect_vreg.gather [hbm4b:s9+s1], $0x80, v4, vm0, $0xb8;
	[tilespmem:$0x18300] =	vst v63  }
0xd2: {  	s13 =	simm.s32 $0x5B00  }
0xd3: {  	[tilespmem:s13], [sflag:$0x1] =	stream.indirect_vreg.gather [hbm4b:s10+s1], $0x80, v4, vm0, $0xb8;
	[tilespmem:$0x18300] =	vst v63  }
0xd4: {  	s14 =	simm.s32 $0x6300  }
0xd5: {  	[tilespmem:s14], [sflag:$0x1] =	stream.indirect_vreg.gather [hbm4b:s3+s1], $0x80, v3, vm0, $0xb8;
	[tilespmem:$0x18300] =	vst v63  }
0xd6: {  	s19 =	simm.s32 $0x6B00  }
0xd7: {  	[tilespmem:s19], [sflag:$0x1] =	stream.indirect_vreg.gather [hbm4b:s8+s1], $0x80, v3, vm0, $0xb8;
	[tilespmem:$0x18300] =	vst v63  }
0xd8: {  	s5 =	simm.s32 $0x7300  }
0xd9: {  	[tilespmem:s5], [sflag:$0x1] =	stream.indirect_vreg.gather [hbm4b:s9+s1], $0x80, v3, vm0, $0xb8;
	[tilespmem:$0x18300] =	vst v63  }
0xda: {  	s7 =	simm.s32 $0x7B00  }
0xdb: {  	[tilespmem:s7], [sflag:$0x1] =	stream.indirect_vreg.gather [hbm4b:s10+s1], $0x80, v3, vm0, $0xb8;
	[tilespmem:$0x18300] =	vst v63  }
0xdc: {  	_ =	swait.ge [sflag:s6], $0x8000  }
0xdd: {  	[sflag:s6] =	ssyncset.done $0x0  }
0xde: {  	[sflag:s6] =	ssyncadd.s32 $0xFFFF8000  }
0xdf: {  	v3 =	vld [tilespmem:$0x180];
	_ =	sdelay $0x4  }
0xe0: {  	v62 =	vshll.u32 v3, $0x3  }
0xe1: {  	v3 =	vand.u32 $0x7, v3;
	v4 =	vand.u32 $0xFFFFFFC0, v62  }
0xe2: {  	v3 =	vor.u32 v3, v4  }
0xe3: {  	v4 =	vperm.xlane v3, v0;
	_ =	sdelay $0x1  }
0xe4: {  	v4 =	vadd.s32 v1, v4;
	_ =	sdelay $0x3  }
0xe5: {  	s11 =	simm.s32 $0x8300  }
0xe6: {  	[tilespmem:s11], [sflag:$0x1] =	stream.indirect_vreg.gather [hbm4b:s3+s1], $0x80, v4, vm0, $0xb8;
	[tilespmem:$0x18300] =	vst v63  }
0xe7: {  	s12 =	simm.s32 $0x8B00;
	v3 =	vperm.xlane v3, v2  }
0xe8: {  	[tilespmem:s12], [sflag:$0x1] =	stream.indirect_vreg.gather [hbm4b:s8+s1], $0x80, v4, vm0, $0xb8;
	[tilespmem:$0x18300] =	vst v63  }
0xe9: {  	s13 =	simm.s32 $0x9300;
	v3 =	vadd.s32 v1, v3  }
0xea: {  	[tilespmem:s13], [sflag:$0x1] =	stream.indirect_vreg.gather [hbm4b:s9+s1], $0x80, v4, vm0, $0xb8;
	[tilespmem:$0x18300] =	vst v63  }
0xeb: {  	s14 =	simm.s32 $0x9B00  }
0xec: {  	[tilespmem:s14], [sflag:$0x1] =	stream.indirect_vreg.gather [hbm4b:s10+s1], $0x80, v4, vm0, $0xb8;
	[tilespmem:$0x18300] =	vst v63  }
0xed: {  	s19 =	simm.s32 $0xA300  }
0xee: {  	[tilespmem:s19], [sflag:$0x1] =	stream.indirect_vreg.gather [hbm4b:s3+s1], $0x80, v3, vm0, $0xb8;
	[tilespmem:$0x18300] =	vst v63  }
0xef: {  	_ = 	snop  }
0xf0: {  	[tilespmem:s20], [sflag:$0x1] =	stream.indirect_vreg.gather [hbm4b:s8+s1], $0x80, v3, vm0, $0xb8;
	[tilespmem:$0x18300] =	vst v63  }
0xf1: {  	_ = 	snop  }
0xf2: {  	[tilespmem:s15], [sflag:$0x1] =	stream.indirect_vreg.gather [hbm4b:s9+s1], $0x80, v3, vm0, $0xb8;
	[tilespmem:$0x18300] =	vst v63  }
0xf3: {  	_ = 	snop  }
0xf4: {  	[tilespmem:s21], [sflag:$0x1] =	stream.indirect_vreg.gather [hbm4b:s10+s1], $0x80, v3, vm0, $0xb8;
	[tilespmem:$0x18300] =	vst v63  }
0xf5: {  	v3 =	vld [tilespmem:$0x190];
	_ =	sdelay $0x4  }
0xf6: {  	v63 =	vshll.u32 v3, $0x3  }
0xf7: {  	v3 =	vand.u32 $0x7, v3;
	v4 =	vand.u32 $0xFFFFFFC0, v63  }
0xf8: {  	v3 =	vor.u32 v3, v4  }
0xf9: {  	v4 =	vperm.xlane v3, v0;
	_ =	sdelay $0x1  }
0xfa: {  	v4 =	vadd.s32 v1, v4;
	_ =	sdelay $0x4  }
0xfb: {  	[tilespmem:s22], [sflag:$0x1] =	stream.indirect_vreg.gather [hbm4b:s3+s1], $0x80, v4, vm0, $0xb8;
	[tilespmem:$0x18300] =	vst v63  }
0xfc: {  	v3 =	vperm.xlane v3, v2  }
0xfd: {  	[tilespmem:s23], [sflag:$0x1] =	stream.indirect_vreg.gather [hbm4b:s8+s1], $0x80, v4, vm0, $0xb8;
	[tilespmem:$0x18300] =	vst v63  }
0xfe: {  	v3 =	vadd.s32 v1, v3  }
0xff: {  	[tilespmem:s24], [sflag:$0x1] =	stream.indirect_vreg.gather [hbm4b:s9+s1], $0x80, v4, vm0, $0xb8;
	[tilespmem:$0x18300] =	vst v63  }
0x100: {  	_ = 	snop  }
0x101: {  	[tilespmem:s25], [sflag:$0x1] =	stream.indirect_vreg.gather [hbm4b:s10+s1], $0x80, v4, vm0, $0xb8;
	[tilespmem:$0x18300] =	vst v63  }
0x102: {  	_ = 	snop  }
0x103: {  	[tilespmem:s26], [sflag:$0x1] =	stream.indirect_vreg.gather [hbm4b:s3+s1], $0x80, v3, vm0, $0xb8;
	[tilespmem:$0x18300] =	vst v63  }
0x104: {  	_ = 	snop  }
0x105: {  	[tilespmem:s28], [sflag:$0x1] =	stream.indirect_vreg.gather [hbm4b:s8+s1], $0x80, v3, vm0, $0xb8;
	[tilespmem:$0x18300] =	vst v63  }
0x106: {  	_ = 	snop  }
0x107: {  	[tilespmem:s29], [sflag:$0x1] =	stream.indirect_vreg.gather [hbm4b:s9+s1], $0x80, v3, vm0, $0xb8;
	[tilespmem:$0x18300] =	vst v63  }
0x108: {  	_ = 	snop  }
0x109: {  	[tilespmem:s30], [sflag:$0x1] =	stream.indirect_vreg.gather [hbm4b:s10+s1], $0x80, v3, vm0, $0xb8;
	[tilespmem:$0x18300] =	vst v63  }
0x10a: {  	_ =	swait.ge [sflag:s6], $0x8000  }
0x10b: {  	[sflag:s6] =	ssyncset.done $0x0  }
0x10c: {  	s19 =	simm.s32 $0x0;
	[sflag:s6] =	ssyncadd.s32 $0xFFFF8000  }
.LBB2_6:
0x10d: {  	s4 =	sor.u32 $0x20, s19;
	s12 =	sshll.u32 s19, $0xA;
	s5 =	sshll.u32 s19, $0x7  }
0x10e: {  	v4 =	vmov s4;
	s4 =	sand.u32 $0x6000, s12;
	s5 =	sand.u32 $0x380, s5  }
0x10f: {  	s13 =	sand.u32 $0x1C00, s1;
	s4 =	sor.u32 s4, s5  }
0x110: {  	s7 =	sand.u32 $0x70, s1;
	s5 =	sor.u32 s13, s4  }
0x111: {  	s5 =	sor.u32 s7, s5  }
0x112: {  	v5 =	vld [tilespmem:s5+$0x300]  }
0x113: {  	v6 =	vld [tilespmem:s5+$0x8300]  }
0x114: {  	v3 =	vld.idx.msk [tilespmem:v4+s16+$0x0], $0xffff  }
0x115: {  	v4 =	vld.idx.msk [tilespmem:v4+s18+$0x0], $0xffff  }
0x116: {  	s14 =	simm.s32 $0x80  }
0x117: {  	s11 =	simm.s32 $0x10;
	s7 =	sand.u32 $0x1C00, s14  }
0x118: {  	s11 =	sand.u32 $0x70, s11;
	s7 =	sor.u32 s7, s4  }
0x119: {  	s7 =	sor.u32 s11, s7  }
0x11a: {  	v7 =	vmul.f32 v5, v3;
	v8 =	vmul.f32 v6, v4;
	v5 =	vld [tilespmem:s7+$0x300]  }
0x11b: {  	v6 =	vld [tilespmem:s7+$0x8300]  }
0x11c: {  	s12 =	simm.s32 $0x100;
	s11 =	simm.s32 $0x20;
	v7 =	vadd.f32 v8, v7  }
.LBB2_7:
0x11d: {  	s13 =	sand.u32 $0x70, s11;
	s14 =	sand.u32 $0x1C00, s12;
	p0 =	sne.s32 s11, $0x3F0  }
.Ltmp2:
0x11e: {  	s11 =	sadd.s32 $0x10, s11;
	s14 =	sor.u32 s14, s4;
	[tilespmem:s5+$0x10300] =	vst v7;
	(pc) =	sbr.rel @p0 .LBB2_7-.Ltmp2, $4  }
0x11f: {  	s5 =	smov.u32 s7;
	s7 =	sor.u32 s13, s14  }
0x120: {  	v7 =	vmul.f32 v5, v3;
	v5 =	vld [tilespmem:s7+$0x300];
	v8 =	vmul.f32 v6, v4  }
0x121: {  	v6 =	vld [tilespmem:s7+$0x8300]  }
0x122: {  	s12 =	sadd.s32 $0x80, s12;
	v7 =	vadd.f32 v8, v7  }
0x123: {  	_ = 	snop  }
0x124: {  	s19 =	sadd.s32 $0x1, s19  }
0x125: {  	p0 =	sne.s32 s19, $0x20  }
.Ltmp3:
0x126: {  	v3 =	vmul.f32 v5, v3;
	v4 =	vmul.f32 v6, v4;
	(pc) =	sbr.rel @p0 .LBB2_6-.Ltmp3, $4  }
0x127: {  	_ = 	snop  }
0x128: {  	v3 =	vadd.f32 v4, v3  }
0x129: {  	[tilespmem:s5+$0x10300] =	vst v7  }
0x12a: {  	[tilespmem:s7+$0x10300] =	vst v3  }
0x12b: {  	s1 =	rddreg [dreg:$0xa]  }
0x12c: {  	[hbm4b:s1+s2] =	stream.linear.scatter [tilespmem:s31], [sflag:$0x2], $0x8000, $0x38;
	[tilespmem:$0x18300] =	vst v63  }
0x12d: {  	_ =	swait.ge [sflag:s17], $0x8000  }
0x12e: {  	s0 =	sadd.s32 $0x1, s0;
	s19 =	rddreg [dreg:$0xb]  }
0x12f: {  	p0 =	sne.s32 s0, s19  }
.Ltmp4:
0x130: {  	_ = 	snop;
	(pc) =	sbr.rel @p0 .LBB2_1-.Ltmp4, $3  }
0x131: {  	_ =	sdelay $0x1  }
0x132: {  	[sflag:s17] =	ssyncset.done $0x0  }
0x133: {  	s14 =	simm.s32 $0x300;
	[sflag:s17] =	ssyncadd.s32 $0xFFFF8000  }
0x134: {  	_ =	sfence.sel $0x180000  }
0x135: {  	[bflag:$0x0] =	sbarrier.arrive $0xFFFF  }
0x136: {  	_ =	strace $0x9000004A  }
0x137: {  	s0 =	stileid.u32;
	[bflag:$0x2] =	sbarrier.arrive $0xFFFF  }
0x138: {  	p0 =	sne.s32 s0, $0x0;
	s0 =	rddreg [dreg:$0x2]  }
0x139: {  	s0 =	sadd.s32 @!p0 $0x100000, s0  }
0x13a: {  	[sflag:s0] =	ssyncadd.tile.s32 @!p0 $0x1;
	_ =	shalt  }
.Lfunc_end2:
_tile_overlayer_lowered:
.L_overlay_start_2:
0x13b: {  	(tag) =	ssettag $0x2  }
0x13c: {  	s0 =	rddreg [dreg:$0x0];
	s2 =	stileid.u32  }
0x13d: {  	s1 =	rddreg [dreg:$0x1];
	p0 =	sne.s32 s2, $0x0  }
0x13e: {  	s3 =	rddreg [dreg:$0x2];
	[bflag:$0x3] =	sbarrier.arrive $0xFFFF;
	s2 =	simm.s32 @!p0 $0x1C02  }
0x13f: {  	[timem:s3], [sflag:s2] =	dma.local @!p0 [hbm:s0], s1  }
0x140: {  	s0 =	simm.s32 @!p0 $0x2  }
0x141: {  	_ =	swait.ge @!p0 [sflag:s0], s1  }
0x142: {  	s1 =	ssub.s32 @!p0 $0x0, s1;
	[sflag:s0] =	ssyncset.done @!p0 $0x0  }
0x143: {  	[sflag:s0] =	ssyncadd.s32 @!p0 s1  }
0x144: {  	[bflag:$0x3] =	sbarrier.arrive $0xFFFF  }
0x145: {  	_ =	shalt  }

</sc_bundles>
